<compile_context>
chip_gen: v7x
topology: tpu7x:2x2x1
jax: 0.10.2.dev20260603
libtpu: 0.0.44.dev20260713+nightly
codegen_flags: <defaults>
</compile_context>

<pallas_src>
import functools

import jax
import jax.numpy as jnp
from jax import lax
from jax.experimental import pallas as pl
from jax.experimental.pallas import tpu as pltpu
from jax.experimental.pallas import tpu_sc as plsc

_N = 10000
_E = 320000
_D = 128
_NC = 2
_NS = 16
_NW = _NC * _NS
_C = 128
_ROWS = 2560
_EPAD = _ROWS * _C
_RPW = _ROWS // _NW
_GC = 64
_GROWS = _EPAD // _GC
_GD = 5
_ICH = 16
_R0 = 288
_R1 = (_GROWS - _NS * _R0) // _NS
_NP = 10112
_SPT = _NP // _NS


def _mesh():
    return plsc.VectorSubcoreMesh(
        core_axis_name="c", subcore_axis_name="s",
        num_cores=_NC, num_subcores=_NS,
    )


def _segsum_body(z_hbm, srcr, dstr, zeros_hbm, out_hbm,
                 sidx, didx, buf, acc, gsem, ssem, isem):
    c = lax.axis_index("c")
    s = lax.axis_index("s")
    rpw = jnp.where(c == 0, _R0, _R1)
    base = jnp.where(c == 0, s * _R0, _NS * _R0 + s * _R1)
    nch = rpw // _ICH
    pltpu.sync_copy(zeros_hbm.at[pl.ds(s * _SPT, _SPT)],
                    acc.at[pl.ds(s * _SPT, _SPT)])
    pltpu.sync_copy(srcr.at[pl.ds(base, _ICH)], sidx.at[pl.ds(0, _ICH)])
    pltpu.sync_copy(dstr.at[pl.ds(base, _ICH)], didx.at[pl.ds(0, _ICH)])
    pltpu.async_copy(srcr.at[pl.ds(base + _ICH, _ICH)],
                     sidx.at[pl.ds(_ICH, _ICH)], isem.at[1])
    pltpu.async_copy(dstr.at[pl.ds(base + _ICH, _ICH)],
                     didx.at[pl.ds(_ICH, _ICH)], isem.at[1])
    plsc.subcore_barrier()

    def body(r, carry):
        ch = r // _ICH
        rr = lax.rem(r, _ICH)
        slot = lax.rem(ch, 2)

        @pl.when(jnp.logical_and(rr == 0, jnp.logical_and(r > 0, r < rpw)))
        def _():
            for _k in range(2):
                pltpu.make_async_copy(srcr.at[pl.ds(base, _ICH)],
                                      sidx.at[pl.ds(0, _ICH)],
                                      isem.at[slot]).wait()

        @pl.when(jnp.logical_and(rr == _GD,
                                 jnp.logical_and(ch >= 1, ch + 1 < nch)))
        def _():
            nxt = ch + 1
            nslot = lax.rem(nxt, 2)
            pltpu.async_copy(srcr.at[pl.ds(base + nxt * _ICH, _ICH)],
                             sidx.at[pl.ds(nslot * _ICH, _ICH)],
                             isem.at[nslot])
            pltpu.async_copy(dstr.at[pl.ds(base + nxt * _ICH, _ICH)],
                             didx.at[pl.ds(nslot * _ICH, _ICH)],
                             isem.at[nslot])

        pa = lax.rem(r, _GD)
        sla = buf.at[pl.ds(pa * _GC, _GC)]

        @pl.when(r >= _GD)
        def _():
            pltpu.make_async_copy(sla, acc.at[didx.at[0]],
                                  ssem.at[pa]).wait()

        @pl.when(r < rpw)
        def _():
            pltpu.async_copy(z_hbm.at[sidx.at[slot * _ICH + rr]], sla,
                             gsem.at[pa])

        rb = r - _GD + 1
        pb = lax.rem(rb + _GD, _GD)
        slb = buf.at[pl.ds(pb * _GC, _GC)]

        @pl.when(jnp.logical_and(rb >= 0, rb < rpw))
        def _():
            chb = rb // _ICH
            rowb = lax.rem(chb, 2) * _ICH + lax.rem(rb, _ICH)
            pltpu.make_async_copy(z_hbm.at[sidx.at[0]], slb,
                                  gsem.at[pb]).wait()
            pltpu.async_copy(slb, acc.at[didx.at[rowb]], ssem.at[pb],
                             add=True)

        return carry

    lax.fori_loop(0, rpw + _GD - 1, body, 0, unroll=False)
    pl_last = lax.rem(rpw - 1, _GD)
    pltpu.make_async_copy(buf.at[pl.ds(pl_last * _GC, _GC)],
                          acc.at[didx.at[0]], ssem.at[pl_last]).wait()
    plsc.subcore_barrier()
    pltpu.sync_copy(acc.at[pl.ds(s * _SPT, _SPT)],
                    out_hbm.at[c].at[pl.ds(s * _SPT, _SPT)])


@functools.lru_cache(maxsize=None)
def _segsum():
    return pl.kernel(
        _segsum_body,
        out_type=jax.ShapeDtypeStruct((_NC, _NP, _D), jnp.float32),
        mesh=_mesh(),
        scratch_types=[
            pltpu.VMEM((2 * _ICH, _GC), jnp.int32),
            pltpu.VMEM((2 * _ICH, _GC), jnp.int32),
            pltpu.VMEM((_GD * _GC, _D), jnp.float32),
            pltpu.VMEM_SHARED((_NP, _D), jnp.float32),
            pltpu.SemaphoreType.DMA((_GD,)),
            pltpu.SemaphoreType.DMA((_GD,)),
            pltpu.SemaphoreType.DMA((2,)),
        ],
    )


def _degree_body(dstr, ones_hbm, zeros_hbm, out_hbm, didx, ones_v, acc):
    c = lax.axis_index("c")
    s = lax.axis_index("s")
    w = c * _NS + s
    pltpu.sync_copy(zeros_hbm.at[pl.ds(s * _SPT, _SPT)],
                    acc.at[pl.ds(s * _SPT, _SPT)])
    pltpu.sync_copy(dstr.at[pl.ds(w * _RPW, _RPW)], didx)
    pltpu.sync_copy(ones_hbm, ones_v)
    plsc.subcore_barrier()

    def body(j, carry):
        pltpu.sync_copy(ones_v, acc.at[didx.at[j]], add=True)
        return carry

    lax.fori_loop(0, _RPW, body, 0, unroll=False)
    plsc.subcore_barrier()
    pltpu.sync_copy(acc.at[pl.ds(s * _SPT, _SPT)],
                    out_hbm.at[c].at[pl.ds(s * _SPT, _SPT)])


@functools.lru_cache(maxsize=None)
def _degree():
    return pl.kernel(
        _degree_body,
        out_type=jax.ShapeDtypeStruct((_NC, _NP, _D), jnp.float32),
        mesh=_mesh(),
        scratch_types=[
            pltpu.VMEM((_RPW, _C), jnp.int32),
            pltpu.VMEM((_C, _D), jnp.float32),
            pltpu.VMEM_SHARED((_NP, _D), jnp.float32),
        ],
    )



def _enc_kernel(x_ref, w1_ref, b1_ref, w2_ref, b2_ref, o_ref):
    h = lax.dot_general(x_ref[...], w1_ref[...], (((1,), (1,)), ((), ())),
                        preferred_element_type=jnp.float32) + b1_ref[...]
    h = jnp.maximum(h, 0.0)
    o_ref[...] = lax.dot_general(h, w2_ref[...], (((1,), (1,)), ((), ())),
                                 preferred_element_type=jnp.float32) + b2_ref[...]


def _encode(x, w1, b1, w2, b2):
    return pl.pallas_call(
        _enc_kernel,
        out_shape=jax.ShapeDtypeStruct((_N, _D), jnp.float32),
    )(x, w1, b1.reshape(1, -1), w2, b2.reshape(1, -1))


def _layer_kernel(p_ref, cp_ref, z_ref, wl_ref, bl_ref, wr_ref, g_ref, b_ref,
                  o_ref, *, bn):
    psum = p_ref[0, : _N, :] + p_ref[1, : _N, :]
    cnt = cp_ref[0, : _N, 0:1] + cp_ref[1, : _N, 0:1]
    agg = psum / jnp.maximum(cnt, 1.0)
    h = (lax.dot_general(agg, wl_ref[...], (((1,), (1,)), ((), ())),
                         preferred_element_type=jnp.float32)
         + lax.dot_general(z_ref[...], wr_ref[...], (((1,), (1,)), ((), ())),
                           preferred_element_type=jnp.float32)
         + bl_ref[...])
    if bn:
        m = jnp.mean(h, axis=0, keepdims=True)
        v = jnp.mean((h - m) * (h - m), axis=0, keepdims=True)
        h = (h - m) * lax.rsqrt(v + 1e-5) * g_ref[...] + b_ref[...]
        h = jnp.maximum(h, 0.0)
    o_ref[...] = h


def _layer(p, cp, z, wl, bl, wr, g, b, bn):
    return pl.pallas_call(
        functools.partial(_layer_kernel, bn=bn),
        out_shape=jax.ShapeDtypeStruct((_N, _D), jnp.float32),
    )(p, cp, z, wl, bl.reshape(1, -1), wr, g.reshape(1, -1), b.reshape(1, -1))


def _final_kernel(p_ref, cp_ref, z_ref, wl_ref, bl_ref, wr_ref,
                  dw1_ref, db1_ref, dw2_ref, db2_ref, o_ref):
    psum = p_ref[0, : _N, :] + p_ref[1, : _N, :]
    cnt = cp_ref[0, : _N, 0:1] + cp_ref[1, : _N, 0:1]
    agg = psum / jnp.maximum(cnt, 1.0)
    h = (lax.dot_general(agg, wl_ref[...], (((1,), (1,)), ((), ())),
                         preferred_element_type=jnp.float32)
         + lax.dot_general(z_ref[...], wr_ref[...], (((1,), (1,)), ((), ())),
                           preferred_element_type=jnp.float32)
         + bl_ref[...])
    d1 = jnp.maximum(
        lax.dot_general(h, dw1_ref[...], (((1,), (1,)), ((), ())),
                        preferred_element_type=jnp.float32) + db1_ref[...], 0.0)
    o_ref[...] = lax.dot_general(d1, dw2_ref[...], (((1,), (1,)), ((), ())),
                                 preferred_element_type=jnp.float32) + db2_ref[...]


def _final(p, cp, z, wl, bl, wr, dw1, db1, dw2, db2):
    return pl.pallas_call(
        _final_kernel,
        out_shape=jax.ShapeDtypeStruct((_N, 4), jnp.float32),
    )(p, cp, z, wl, bl.reshape(1, -1), wr,
      dw1, db1.reshape(1, -1), dw2, db2.reshape(1, -1))


def kernel(x, edge_index, params):
    src = edge_index[0]
    dst = edge_index[1]
    pad = _EPAD - _E
    sink = _N + (jnp.arange(pad, dtype=jnp.int32) % (_NP - _N))
    src_p = jnp.concatenate([src, jnp.zeros((pad,), jnp.int32)])
    dst_p = jnp.concatenate([dst, sink])
    dstr_d = dst_p.reshape(_ROWS, _C)
    srcr_g = src_p.reshape(_GROWS, _GC)
    dstr_g = dst_p.reshape(_GROWS, _GC)
    zeros_d = jnp.zeros((_NP, _D), jnp.float32)
    ones_c = jnp.ones((_C, _D), jnp.float32)

    p = params
    cp = _degree()(dstr_d, ones_c, zeros_d)
    z = _encode(x, p["enc_W1"], p["enc_b1"], p["enc_W2"], p["enc_b2"])
    for i in range(3):
        ps = _segsum()(z, srcr_g, dstr_g, zeros_d)
        z = _layer(ps, cp, z, p[f"sage{i}_Wl"], p[f"sage{i}_bl"],
                   p[f"sage{i}_Wr"], p[f"bn{i}_g"], p[f"bn{i}_b"], bn=True)
    ps = _segsum()(z, srcr_g, dstr_g, zeros_d)
    return _final(ps, cp, z, p["sage3_Wl"], p["sage3_bl"], p["sage3_Wr"],
                  p["dec_W1"], p["dec_b1"], p["dec_W2"], p["dec_b2"])

# --- scband reference (transcript-rebuilt; emitter-appended) ---
"""Pipeline reference for scband-model-13391708029610 (READ-ONLY COPY).

The authoritative reference and input builder live on the scoring server;
editing this copy changes nothing except your own understanding.
"""

import jax, jax.numpy as jnp
import numpy as np

N = 10000
E = 320000
D_IN = 128
WIDTH = 128
D_OUT = 4
N_LAYERS = 3  # in_layer + (N_LAYERS-1) hidden + out_layer = 4 SAGE convs, 3 BN layers


def _init_linear(key, out_f, in_f):
    kw, kb = jax.random.split(key)
    s = 1.0 / np.sqrt(in_f)
    W = jax.random.uniform(kw, (out_f, in_f), jnp.float32, -s, s)
    b = jax.random.uniform(kb, (out_f,), jnp.float32, -s, s)
    return W, b


def setup_inputs(seed: int = 0) -> dict:
    key = jax.random.key(seed)
    ks = jax.random.split(key, 32)
    x = jax.random.normal(ks[0], (N, D_IN), dtype=jnp.float32)
    edge_index = jax.random.randint(ks[1], (2, E), 0, N, dtype=jnp.int32)
    params = {}
    # encoder MLP: in -> 2*width -> width
    params['enc_W1'], params['enc_b1'] = _init_linear(ks[2], 2 * WIDTH, D_IN)
    params['enc_W2'], params['enc_b2'] = _init_linear(ks[3], WIDTH, 2 * WIDTH)
    # 4 SAGE convs: lin_l (applied to aggregated neighbors, has bias) + lin_r (root, no bias)
    for i in range(4):
        params[f'sage{i}_Wl'], params[f'sage{i}_bl'] = _init_linear(ks[4 + 2 * i], WIDTH, WIDTH)
        Wr, _ = _init_linear(ks[5 + 2 * i], WIDTH, WIDTH)
        params[f'sage{i}_Wr'] = Wr
    # 3 batchnorms (no running stats -> always batch stats)
    for i in range(3):
        params[f'bn{i}_g'] = jnp.ones((WIDTH,), jnp.float32)
        params[f'bn{i}_b'] = jnp.zeros((WIDTH,), jnp.float32)
    # decoder MLP: width -> 2*width -> out
    params['dec_W1'], params['dec_b1'] = _init_linear(ks[12], 2 * WIDTH, WIDTH)
    params['dec_W2'], params['dec_b2'] = _init_linear(ks[13], D_OUT, 2 * WIDTH)
    return {'x': x, 'edge_index': edge_index, 'params': params}


def _mlp(z, W1, b1, W2, b2):
    h = jnp.maximum(z @ W1.T + b1, 0.0)
    return h @ W2.T + b2


def _sage_conv(x, src, dst, Wl, bl, Wr):
    # PyG SAGEConv (mean aggr): out = lin_l(mean_{j in N(i)} x_j) + lin_r(x_i)
    msgs = jnp.take(x, src, axis=0)
    agg_sum = jax.ops.segment_sum(msgs, dst, num_segments=N)
    cnt = jax.ops.segment_sum(jnp.ones((src.shape[0],), jnp.float32), dst, num_segments=N)
    agg = agg_sum / jnp.maximum(cnt, 1.0)[:, None]
    return agg @ Wl.T + bl + x @ Wr.T


def _bn(z, g, b):
    m = jnp.mean(z, axis=0)
    v = jnp.var(z, axis=0)
    return (z - m) / jnp.sqrt(v + 1e-5) * g + b


def reference(x, edge_index, params):
    src, dst = edge_index[0], edge_index[1]
    z = _mlp(x, params['enc_W1'], params['enc_b1'], params['enc_W2'], params['enc_b2'])
    # in_layer
    z = _sage_conv(z, src, dst, params['sage0_Wl'], params['sage0_bl'], params['sage0_Wr'])
    z = _bn(z, params['bn0_g'], params['bn0_b'])
    z = jnp.maximum(z, 0.0)
    # hidden layers (n_layers - 1 = 2)
    for n in range(N_LAYERS - 1):
        i = n + 1
        z = _sage_conv(z, src, dst, params[f'sage{i}_Wl'], params[f'sage{i}_bl'], params[f'sage{i}_Wr'])
        z = _bn(z, params[f'bn{i}_g'], params[f'bn{i}_b'])
        z = jnp.maximum(z, 0.0)
    # out_layer (no bn / activation)
    z = _sage_conv(z, src, dst, params['sage3_Wl'], params['sage3_bl'], params['sage3_Wr'])
    z = _mlp(z, params['dec_W1'], params['dec_b1'], params['dec_W2'], params['dec_b2'])
    return z

if __name__ == "__main__":
    import jax
    _d = setup_inputs()
    print(jax.jit(kernel)(*tuple(_d.values())))

</pallas_src>

<mosaic_0001>
#map = affine_map<(d0, d1) -> (0, 0)>
#map1 = affine_map<(d0, d1) -> (0, 0, 0)>
module attributes {stable_mosaic.version = 14 : i64} {
  func.func @_degree_body(%arg0: i32, %arg1: i32, %arg2: memref<2560x128xi32, #tpu.memory_space<hbm>>, %arg3: memref<128x128xf32, #tpu.memory_space<hbm>>, %arg4: memref<10112x128xf32, #tpu.memory_space<hbm>>, %arg5: memref<2x10112x128xf32, #tpu.memory_space<hbm>>, %arg6: memref<80x128xi32, #tpu.memory_space<vmem>>, %arg7: memref<128x128xf32, #tpu.memory_space<vmem>>, %arg8: memref<10112x128xf32, #tpu.memory_space<vmem_shared>>) attributes {dimension_semantics = [#tpu.dimension_semantics<core_parallel>, #tpu.dimension_semantics<subcore_parallel>], iteration_bounds = array<i64: 2, 16>, scalar_prefetch = 0 : i64, scratch_operands = 3 : i64, tpu.core_type = #tpu.core_type<sc_vector_subcore>, window_params = [{transform_indices = #map}, {transform_indices = #map}, {transform_indices = #map}, {transform_indices = #map1}]} {
    %mul3A = arith.constant 16 : i32
    %mul3A_0 = arith.muli %arg0, %mul3A : i32
    %add3A = arith.addi %mul3A_0, %arg1 : i32
    %mul3A_1 = arith.constant 632 : i32
    %mul3A_2 = arith.muli %arg1, %mul3A_1 : i32
    %mul3A_3 = arith.constant 632 : i32
    %mul3A_4 = arith.muli %arg1, %mul3A_3 : i32
    "tpu.region"() ({
      %run_scoped3A = tpu.sem_alloc : memref<!tpu.dma_semaphore, #tpu.memory_space<semaphore_mem>>
      %dma_start3A = arith.constant 0 : i32
      %dma_start3A_17 = tpu.memref_slice %arg8[%mul3A_4, %dma_start3A] : memref<10112x128xf32, #tpu.memory_space<vmem_shared>> -> memref<632x128xf32, #tpu.memory_space<vmem_shared>>
      %dma_start3A_18 = arith.constant 0 : i32
      %dma_start3A_19 = tpu.memref_slice %arg4[%mul3A_2, %dma_start3A_18] : memref<10112x128xf32, #tpu.memory_space<hbm>> -> memref<632x128xf32, #tpu.memory_space<hbm>>
      tpu.enqueue_dma source(%dma_start3A_19 : memref<632x128xf32, #tpu.memory_space<hbm>>) target(%dma_start3A_17 : memref<632x128xf32, #tpu.memory_space<vmem_shared>>) target_semaphore(%run_scoped3A : memref<!tpu.dma_semaphore, #tpu.memory_space<semaphore_mem>>)
      %dma_wait3A = arith.constant 0 : i32
      %dma_wait3A_20 = tpu.memref_slice %arg8[%mul3A_4, %dma_wait3A] : memref<10112x128xf32, #tpu.memory_space<vmem_shared>> -> memref<632x128xf32, #tpu.memory_space<vmem_shared>>
      %dma_wait3A_21 = arith.constant 0 : i32
      %dma_wait3A_22 = tpu.memref_slice %arg4[%mul3A_2, %dma_wait3A_21] : memref<10112x128xf32, #tpu.memory_space<hbm>> -> memref<632x128xf32, #tpu.memory_space<hbm>>
      tpu.wait_dma2 semaphore(%run_scoped3A : memref<!tpu.dma_semaphore, #tpu.memory_space<semaphore_mem>>) src(%dma_wait3A_22 : memref<632x128xf32, #tpu.memory_space<hbm>>) dst(%dma_wait3A_20 : memref<632x128xf32, #tpu.memory_space<vmem_shared>>)
      tpu.yield
    }) : () -> ()
    %mul3A_5 = arith.constant 80 : i32
    %mul3A_6 = arith.muli %add3A, %mul3A_5 : i32
    "tpu.region"() ({
      %run_scoped3A = tpu.sem_alloc : memref<!tpu.dma_semaphore, #tpu.memory_space<semaphore_mem>>
      %dma_start3A = arith.constant 0 : i32
      %dma_start3A_17 = tpu.memref_slice %arg2[%mul3A_6, %dma_start3A] : memref<2560x128xi32, #tpu.memory_space<hbm>> -> memref<80x128xi32, #tpu.memory_space<hbm>>
      %dma_start3A_18 = arith.constant 0 : i32
      %dma_start3A_19 = tpu.memref_slice %arg2[%mul3A_6, %dma_start3A_18] : memref<2560x128xi32, #tpu.memory_space<hbm>> -> memref<80x128xi32, #tpu.memory_space<hbm>>
      tpu.enqueue_dma source(%dma_start3A_19 : memref<80x128xi32, #tpu.memory_space<hbm>>) target(%arg6 : memref<80x128xi32, #tpu.memory_space<vmem>>) target_semaphore(%run_scoped3A : memref<!tpu.dma_semaphore, #tpu.memory_space<semaphore_mem>>)
      %dma_wait3A = arith.constant 0 : i32
      %dma_wait3A_20 = tpu.memref_slice %arg2[%mul3A_6, %dma_wait3A] : memref<2560x128xi32, #tpu.memory_space<hbm>> -> memref<80x128xi32, #tpu.memory_space<hbm>>
      %dma_wait3A_21 = arith.constant 0 : i32
      %dma_wait3A_22 = tpu.memref_slice %arg2[%mul3A_6, %dma_wait3A_21] : memref<2560x128xi32, #tpu.memory_space<hbm>> -> memref<80x128xi32, #tpu.memory_space<hbm>>
      tpu.wait_dma2 semaphore(%run_scoped3A : memref<!tpu.dma_semaphore, #tpu.memory_space<semaphore_mem>>) src(%dma_wait3A_22 : memref<80x128xi32, #tpu.memory_space<hbm>>) dst(%arg6 : memref<80x128xi32, #tpu.memory_space<vmem>>)
      tpu.yield
    }) : () -> ()
    "tpu.region"() ({
      %run_scoped3A = tpu.sem_alloc : memref<!tpu.dma_semaphore, #tpu.memory_space<semaphore_mem>>
      tpu.enqueue_dma source(%arg3 : memref<128x128xf32, #tpu.memory_space<hbm>>) target(%arg7 : memref<128x128xf32, #tpu.memory_space<vmem>>) target_semaphore(%run_scoped3A : memref<!tpu.dma_semaphore, #tpu.memory_space<semaphore_mem>>)
      tpu.wait_dma2 semaphore(%run_scoped3A : memref<!tpu.dma_semaphore, #tpu.memory_space<semaphore_mem>>) src(%arg3 : memref<128x128xf32, #tpu.memory_space<hbm>>) dst(%arg7 : memref<128x128xf32, #tpu.memory_space<vmem>>)
      tpu.yield
    }) : () -> ()
    %barrier3A = arith.constant 0 : index
    tpu.barrier barrier_id(%barrier3A)
    %scan3A = arith.constant 0 : i32
    %scan3A_7 = arith.constant 0 : i32
    %scan3A_8 = arith.constant 80 : i32
    %scan3A_9 = arith.addi %scan3A_7, %scan3A_8 : i32
    %scan3A_10 = arith.constant 1 : i32
    scf.for %scan3A_17 = %scan3A_7 to %scan3A_9 step %scan3A_10  : i32 {
      "tpu.region"() ({
        %run_scoped3A = tpu.sem_alloc : memref<!tpu.dma_semaphore, #tpu.memory_space<semaphore_mem>>
        %dma_start3A = arith.constant 0 : i32
        %dma_start3A_18 = tpu.memref_slice %arg6[%scan3A_17, %dma_start3A] : memref<80x128xi32, #tpu.memory_space<vmem>> -> memref<1x128xi32, #tpu.memory_space<vmem>>
        %dma_start3A_19 = tpu.memref_squeeze %dma_start3A_18 : memref<1x128xi32, #tpu.memory_space<vmem>> -> memref<128xi32, #tpu.memory_space<vmem>>
        %dma_start3A_20 = arith.constant 0 : i32
        %dma_start3A_21 = arith.constant 0 : i32
        %dma_start3A_22 = tpu.memref_slice %arg8[%dma_start3A_20, %dma_start3A_21] : memref<10112x128xf32, #tpu.memory_space<vmem_shared>> -> memref<10112x128xf32, #tpu.memory_space<vmem_shared>>
        tpu.enqueue_indirect_dma source(%arg7 : memref<128x128xf32, #tpu.memory_space<vmem>>) target(%dma_start3A_22 : memref<10112x128xf32, #tpu.memory_space<vmem_shared>>) offsets(%dma_start3A_19 : memref<128xi32, #tpu.memory_space<vmem>>) semaphore(%run_scoped3A : memref<!tpu.dma_semaphore, #tpu.memory_space<semaphore_mem>>) {add = true}
        %dma_wait3A = arith.constant 0 : i32
        %dma_wait3A_23 = tpu.memref_slice %arg6[%scan3A_17, %dma_wait3A] : memref<80x128xi32, #tpu.memory_space<vmem>> -> memref<1x128xi32, #tpu.memory_space<vmem>>
        %dma_wait3A_24 = tpu.memref_squeeze %dma_wait3A_23 : memref<1x128xi32, #tpu.memory_space<vmem>> -> memref<128xi32, #tpu.memory_space<vmem>>
        %dma_wait3A_25 = arith.constant 0 : i32
        %dma_wait3A_26 = arith.constant 0 : i32
        %dma_wait3A_27 = tpu.memref_slice %arg8[%dma_wait3A_25, %dma_wait3A_26] : memref<10112x128xf32, #tpu.memory_space<vmem_shared>> -> memref<10112x128xf32, #tpu.memory_space<vmem_shared>>
        tpu.wait_indirect_dma semaphore(%run_scoped3A : memref<!tpu.dma_semaphore, #tpu.memory_space<semaphore_mem>>) src(%arg7 : memref<128x128xf32, #tpu.memory_space<vmem>>) dst(%dma_wait3A_27 : memref<10112x128xf32, #tpu.memory_space<vmem_shared>>)
        tpu.yield
      }) : () -> ()
    }
    %scan3A_11 = arith.constant 80 : i32
    %barrier3A_12 = arith.constant 0 : index
    tpu.barrier barrier_id(%barrier3A_12)
    %mul3A_13 = arith.constant 632 : i32
    %mul3A_14 = arith.muli %arg1, %mul3A_13 : i32
    %mul3A_15 = arith.constant 632 : i32
    %mul3A_16 = arith.muli %arg1, %mul3A_15 : i32
    "tpu.region"() ({
      %run_scoped3A = tpu.sem_alloc : memref<!tpu.dma_semaphore, #tpu.memory_space<semaphore_mem>>
      %dma_start3A = arith.constant 0 : i32
      %dma_start3A_17 = arith.constant 0 : i32
      %dma_start3A_18 = tpu.memref_slice %arg5[%arg0, %dma_start3A, %dma_start3A_17] : memref<2x10112x128xf32, #tpu.memory_space<hbm>> -> memref<1x10112x128xf32, #tpu.memory_space<hbm>>
      %dma_start3A_19 = tpu.memref_squeeze %dma_start3A_18 : memref<1x10112x128xf32, #tpu.memory_space<hbm>> -> memref<10112x128xf32, #tpu.memory_space<hbm>>
      %dma_start3A_20 = arith.constant 0 : i32
      %dma_start3A_21 = tpu.memref_slice %dma_start3A_19[%mul3A_16, %dma_start3A_20] : memref<10112x128xf32, #tpu.memory_space<hbm>> -> memref<632x128xf32, #tpu.memory_space<hbm>>
      %dma_start3A_22 = arith.constant 0 : i32
      %dma_start3A_23 = tpu.memref_slice %arg8[%mul3A_14, %dma_start3A_22] : memref<10112x128xf32, #tpu.memory_space<vmem_shared>> -> memref<632x128xf32, #tpu.memory_space<vmem_shared>>
      tpu.enqueue_dma source(%dma_start3A_23 : memref<632x128xf32, #tpu.memory_space<vmem_shared>>) target(%dma_start3A_21 : memref<632x128xf32, #tpu.memory_space<hbm>>) target_semaphore(%run_scoped3A : memref<!tpu.dma_semaphore, #tpu.memory_space<semaphore_mem>>)
      %dma_wait3A = arith.constant 0 : i32
      %dma_wait3A_24 = arith.constant 0 : i32
      %dma_wait3A_25 = tpu.memref_slice %arg5[%arg0, %dma_wait3A, %dma_wait3A_24] : memref<2x10112x128xf32, #tpu.memory_space<hbm>> -> memref<1x10112x128xf32, #tpu.memory_space<hbm>>
      %dma_wait3A_26 = tpu.memref_squeeze %dma_wait3A_25 : memref<1x10112x128xf32, #tpu.memory_space<hbm>> -> memref<10112x128xf32, #tpu.memory_space<hbm>>
      %dma_wait3A_27 = arith.constant 0 : i32
      %dma_wait3A_28 = tpu.memref_slice %dma_wait3A_26[%mul3A_16, %dma_wait3A_27] : memref<10112x128xf32, #tpu.memory_space<hbm>> -> memref<632x128xf32, #tpu.memory_space<hbm>>
      %dma_wait3A_29 = arith.constant 0 : i32
      %dma_wait3A_30 = tpu.memref_slice %arg8[%mul3A_14, %dma_wait3A_29] : memref<10112x128xf32, #tpu.memory_space<vmem_shared>> -> memref<632x128xf32, #tpu.memory_space<vmem_shared>>
      tpu.wait_dma2 semaphore(%run_scoped3A : memref<!tpu.dma_semaphore, #tpu.memory_space<semaphore_mem>>) src(%dma_wait3A_30 : memref<632x128xf32, #tpu.memory_space<vmem_shared>>) dst(%dma_wait3A_28 : memref<632x128xf32, #tpu.memory_space<hbm>>)
      tpu.yield
    }) : () -> ()
    return
  }
}

#map = affine_map<(d0, d1) -> (0, 0)>
#map1 = affine_map<(d0, d1) -> (0, 0, 0)>
module attributes {stable_mosaic.version = 14 : i64} {
  func.func @_segsum_body(%arg0: i32, %arg1: i32, %arg2: memref<10000x128xf32, #tpu.memory_space<hbm>>, %arg3: memref<5120x64xi32, #tpu.memory_space<hbm>>, %arg4: memref<5120x64xi32, #tpu.memory_space<hbm>>, %arg5: memref<10112x128xf32, #tpu.memory_space<hbm>>, %arg6: memref<2x10112x128xf32, #tpu.memory_space<hbm>>, %arg7: memref<32x64xi32, #tpu.memory_space<vmem>>, %arg8: memref<32x64xi32, #tpu.memory_space<vmem>>, %arg9: memref<320x128xf32, #tpu.memory_space<vmem>>, %arg10: memref<10112x128xf32, #tpu.memory_space<vmem_shared>>, %arg11: memref<5x!tpu.dma_semaphore, #tpu.memory_space<semaphore_mem>>, %arg12: memref<5x!tpu.dma_semaphore, #tpu.memory_space<semaphore_mem>>, %arg13: memref<2x!tpu.dma_semaphore, #tpu.memory_space<semaphore_mem>>) attributes {dimension_semantics = [#tpu.dimension_semantics<core_parallel>, #tpu.dimension_semantics<subcore_parallel>], iteration_bounds = array<i64: 2, 16>, scalar_prefetch = 0 : i64, scratch_operands = 7 : i64, tpu.core_type = #tpu.core_type<sc_vector_subcore>, window_params = [{transform_indices = #map}, {transform_indices = #map}, {transform_indices = #map}, {transform_indices = #map}, {transform_indices = #map1}]} {
    %eq3A = arith.constant 0 : i32
    %eq3A_0 = arith.cmpi eq, %arg0, %eq3A : i32
    %jit3A = arith.constant 288 : i32
    %jit3A_1 = arith.constant 32 : i32
    %select_n3A = arith.select %eq3A_0, %jit3A, %jit3A_1 : i32
    %eq3A_2 = arith.constant 0 : i32
    %eq3A_3 = arith.cmpi eq, %arg0, %eq3A_2 : i32
    %mul3A = arith.constant 288 : i32
    %mul3A_4 = arith.muli %arg1, %mul3A : i32
    %mul3A_5 = arith.constant 32 : i32
    %mul3A_6 = arith.muli %arg1, %mul3A_5 : i32
    %add3A = arith.constant 4608 : i32
    %add3A_7 = arith.addi %add3A, %mul3A_6 : i32
    %select_n3A_8 = arith.select %eq3A_3, %mul3A_4, %add3A_7 : i32
    %jit3A_9 = arith.constant 16 : i32
    %div3A = arith.divsi %select_n3A, %jit3A_9 : i32
    %sign3A = arith.constant 0 : i32
    %sign3A_10 = arith.cmpi sgt, %select_n3A, %sign3A : i32
    %sign3A_11 = arith.extui %sign3A_10 : i1 to i32
    %sign3A_12 = arith.constant 0 : i32
    %sign3A_13 = arith.cmpi slt, %select_n3A, %sign3A_12 : i32
    %sign3A_14 = arith.extui %sign3A_13 : i1 to i32
    %sign3A_15 = arith.subi %sign3A_11, %sign3A_14 : i32
    %sign3A_16 = arith.constant 0 : i32
    %sign3A_17 = arith.cmpi sgt, %jit3A_9, %sign3A_16 : i32
    %sign3A_18 = arith.extui %sign3A_17 : i1 to i32
    %sign3A_19 = arith.constant 0 : i32
    %sign3A_20 = arith.cmpi slt, %jit3A_9, %sign3A_19 : i32
    %sign3A_21 = arith.extui %sign3A_20 : i1 to i32
    %sign3A_22 = arith.subi %sign3A_18, %sign3A_21 : i32
    %ne3A = arith.cmpi ne, %sign3A_15, %sign3A_22 : i32
    %rem3A = arith.remsi %select_n3A, %jit3A_9 : i32
    %ne3A_23 = arith.constant 0 : i32
    %ne3A_24 = arith.cmpi ne, %rem3A, %ne3A_23 : i32
    %and3A = arith.andi %ne3A, %ne3A_24 : i1
    %sub3A = arith.constant 1 : i32
    %sub3A_25 = arith.subi %div3A, %sub3A : i32
    %select_n3A_26 = arith.select %and3A, %sub3A_25, %div3A : i32
    %mul3A_27 = arith.constant 632 : i32
    %mul3A_28 = arith.muli %arg1, %mul3A_27 : i32
    %mul3A_29 = arith.constant 632 : i32
    %mul3A_30 = arith.muli %arg1, %mul3A_29 : i32
    "tpu.region"() ({
      %run_scoped3A = tpu.sem_alloc : memref<!tpu.dma_semaphore, #tpu.memory_space<semaphore_mem>>
      %dma_start3A_94 = arith.constant 0 : i32
      %dma_start3A_95 = tpu.memref_slice %arg10[%mul3A_30, %dma_start3A_94] : memref<10112x128xf32, #tpu.memory_space<vmem_shared>> -> memref<632x128xf32, #tpu.memory_space<vmem_shared>>
      %dma_start3A_96 = arith.constant 0 : i32
      %dma_start3A_97 = tpu.memref_slice %arg5[%mul3A_28, %dma_start3A_96] : memref<10112x128xf32, #tpu.memory_space<hbm>> -> memref<632x128xf32, #tpu.memory_space<hbm>>
      tpu.enqueue_dma source(%dma_start3A_97 : memref<632x128xf32, #tpu.memory_space<hbm>>) target(%dma_start3A_95 : memref<632x128xf32, #tpu.memory_space<vmem_shared>>) target_semaphore(%run_scoped3A : memref<!tpu.dma_semaphore, #tpu.memory_space<semaphore_mem>>)
      %dma_wait3A_98 = arith.constant 0 : i32
      %dma_wait3A_99 = tpu.memref_slice %arg10[%mul3A_30, %dma_wait3A_98] : memref<10112x128xf32, #tpu.memory_space<vmem_shared>> -> memref<632x128xf32, #tpu.memory_space<vmem_shared>>
      %dma_wait3A_100 = arith.constant 0 : i32
      %dma_wait3A_101 = tpu.memref_slice %arg5[%mul3A_28, %dma_wait3A_100] : memref<10112x128xf32, #tpu.memory_space<hbm>> -> memref<632x128xf32, #tpu.memory_space<hbm>>
      tpu.wait_dma2 semaphore(%run_scoped3A : memref<!tpu.dma_semaphore, #tpu.memory_space<semaphore_mem>>) src(%dma_wait3A_101 : memref<632x128xf32, #tpu.memory_space<hbm>>) dst(%dma_wait3A_99 : memref<632x128xf32, #tpu.memory_space<vmem_shared>>)
      tpu.yield
    }) : () -> ()
    "tpu.region"() ({
      %run_scoped3A = tpu.sem_alloc : memref<!tpu.dma_semaphore, #tpu.memory_space<semaphore_mem>>
      %dma_start3A_94 = arith.constant 0 : i32
      %dma_start3A_95 = arith.constant 0 : i32
      %dma_start3A_96 = tpu.memref_slice %arg7[%dma_start3A_94, %dma_start3A_95] : memref<32x64xi32, #tpu.memory_space<vmem>> -> memref<16x64xi32, #tpu.memory_space<vmem>>
      %dma_start3A_97 = arith.constant 0 : i32
      %dma_start3A_98 = tpu.memref_slice %arg3[%select_n3A_8, %dma_start3A_97] : memref<5120x64xi32, #tpu.memory_space<hbm>> -> memref<16x64xi32, #tpu.memory_space<hbm>>
      %dma_start3A_99 = arith.constant 0 : i32
      %dma_start3A_100 = arith.constant 0 : i32
      %dma_start3A_101 = tpu.memref_slice %arg7[%dma_start3A_99, %dma_start3A_100] : memref<32x64xi32, #tpu.memory_space<vmem>> -> memref<16x64xi32, #tpu.memory_space<vmem>>
      %dma_start3A_102 = arith.constant 0 : i32
      %dma_start3A_103 = tpu.memref_slice %arg3[%select_n3A_8, %dma_start3A_102] : memref<5120x64xi32, #tpu.memory_space<hbm>> -> memref<16x64xi32, #tpu.memory_space<hbm>>
      tpu.enqueue_dma source(%dma_start3A_103 : memref<16x64xi32, #tpu.memory_space<hbm>>) target(%dma_start3A_101 : memref<16x64xi32, #tpu.memory_space<vmem>>) target_semaphore(%run_scoped3A : memref<!tpu.dma_semaphore, #tpu.memory_space<semaphore_mem>>)
      %dma_wait3A_104 = arith.constant 0 : i32
      %dma_wait3A_105 = arith.constant 0 : i32
      %dma_wait3A_106 = tpu.memref_slice %arg7[%dma_wait3A_104, %dma_wait3A_105] : memref<32x64xi32, #tpu.memory_space<vmem>> -> memref<16x64xi32, #tpu.memory_space<vmem>>
      %dma_wait3A_107 = arith.constant 0 : i32
      %dma_wait3A_108 = tpu.memref_slice %arg3[%select_n3A_8, %dma_wait3A_107] : memref<5120x64xi32, #tpu.memory_space<hbm>> -> memref<16x64xi32, #tpu.memory_space<hbm>>
      %dma_wait3A_109 = arith.constant 0 : i32
      %dma_wait3A_110 = arith.constant 0 : i32
      %dma_wait3A_111 = tpu.memref_slice %arg7[%dma_wait3A_109, %dma_wait3A_110] : memref<32x64xi32, #tpu.memory_space<vmem>> -> memref<16x64xi32, #tpu.memory_space<vmem>>
      %dma_wait3A_112 = arith.constant 0 : i32
      %dma_wait3A_113 = tpu.memref_slice %arg3[%select_n3A_8, %dma_wait3A_112] : memref<5120x64xi32, #tpu.memory_space<hbm>> -> memref<16x64xi32, #tpu.memory_space<hbm>>
      tpu.wait_dma2 semaphore(%run_scoped3A : memref<!tpu.dma_semaphore, #tpu.memory_space<semaphore_mem>>) src(%dma_wait3A_113 : memref<16x64xi32, #tpu.memory_space<hbm>>) dst(%dma_wait3A_111 : memref<16x64xi32, #tpu.memory_space<vmem>>)
      tpu.yield
    }) : () -> ()
    "tpu.region"() ({
      %run_scoped3A = tpu.sem_alloc : memref<!tpu.dma_semaphore, #tpu.memory_space<semaphore_mem>>
      %dma_start3A_94 = arith.constant 0 : i32
      %dma_start3A_95 = arith.constant 0 : i32
      %dma_start3A_96 = tpu.memref_slice %arg8[%dma_start3A_94, %dma_start3A_95] : memref<32x64xi32, #tpu.memory_space<vmem>> -> memref<16x64xi32, #tpu.memory_space<vmem>>
      %dma_start3A_97 = arith.constant 0 : i32
      %dma_start3A_98 = tpu.memref_slice %arg4[%select_n3A_8, %dma_start3A_97] : memref<5120x64xi32, #tpu.memory_space<hbm>> -> memref<16x64xi32, #tpu.memory_space<hbm>>
      %dma_start3A_99 = arith.constant 0 : i32
      %dma_start3A_100 = arith.constant 0 : i32
      %dma_start3A_101 = tpu.memref_slice %arg8[%dma_start3A_99, %dma_start3A_100] : memref<32x64xi32, #tpu.memory_space<vmem>> -> memref<16x64xi32, #tpu.memory_space<vmem>>
      %dma_start3A_102 = arith.constant 0 : i32
      %dma_start3A_103 = tpu.memref_slice %arg4[%select_n3A_8, %dma_start3A_102] : memref<5120x64xi32, #tpu.memory_space<hbm>> -> memref<16x64xi32, #tpu.memory_space<hbm>>
      tpu.enqueue_dma source(%dma_start3A_103 : memref<16x64xi32, #tpu.memory_space<hbm>>) target(%dma_start3A_101 : memref<16x64xi32, #tpu.memory_space<vmem>>) target_semaphore(%run_scoped3A : memref<!tpu.dma_semaphore, #tpu.memory_space<semaphore_mem>>)
      %dma_wait3A_104 = arith.constant 0 : i32
      %dma_wait3A_105 = arith.constant 0 : i32
      %dma_wait3A_106 = tpu.memref_slice %arg8[%dma_wait3A_104, %dma_wait3A_105] : memref<32x64xi32, #tpu.memory_space<vmem>> -> memref<16x64xi32, #tpu.memory_space<vmem>>
      %dma_wait3A_107 = arith.constant 0 : i32
      %dma_wait3A_108 = tpu.memref_slice %arg4[%select_n3A_8, %dma_wait3A_107] : memref<5120x64xi32, #tpu.memory_space<hbm>> -> memref<16x64xi32, #tpu.memory_space<hbm>>
      %dma_wait3A_109 = arith.constant 0 : i32
      %dma_wait3A_110 = arith.constant 0 : i32
      %dma_wait3A_111 = tpu.memref_slice %arg8[%dma_wait3A_109, %dma_wait3A_110] : memref<32x64xi32, #tpu.memory_space<vmem>> -> memref<16x64xi32, #tpu.memory_space<vmem>>
      %dma_wait3A_112 = arith.constant 0 : i32
      %dma_wait3A_113 = tpu.memref_slice %arg4[%select_n3A_8, %dma_wait3A_112] : memref<5120x64xi32, #tpu.memory_space<hbm>> -> memref<16x64xi32, #tpu.memory_space<hbm>>
      tpu.wait_dma2 semaphore(%run_scoped3A : memref<!tpu.dma_semaphore, #tpu.memory_space<semaphore_mem>>) src(%dma_wait3A_113 : memref<16x64xi32, #tpu.memory_space<hbm>>) dst(%dma_wait3A_111 : memref<16x64xi32, #tpu.memory_space<vmem>>)
      tpu.yield
    }) : () -> ()
    %add3A_31 = arith.constant 16 : i32
    %add3A_32 = arith.addi %select_n3A_8, %add3A_31 : i32
    %dma_start3A = arith.constant 1 : i32
    %dma_start3A_33 = arith.constant 16 : i32
    %dma_start3A_34 = arith.constant 0 : i32
    %dma_start3A_35 = tpu.memref_slice %arg7[%dma_start3A_33, %dma_start3A_34] : memref<32x64xi32, #tpu.memory_space<vmem>> -> memref<16x64xi32, #tpu.memory_space<vmem>>
    %dma_start3A_36 = arith.constant 0 : i32
    %dma_start3A_37 = tpu.memref_slice %arg3[%add3A_32, %dma_start3A_36] : memref<5120x64xi32, #tpu.memory_space<hbm>> -> memref<16x64xi32, #tpu.memory_space<hbm>>
    %dma_start3A_38 = tpu.memref_slice %arg13[%dma_start3A] : memref<2x!tpu.dma_semaphore, #tpu.memory_space<semaphore_mem>> -> memref<1x!tpu.dma_semaphore, #tpu.memory_space<semaphore_mem>>
    %dma_start3A_39 = tpu.memref_squeeze %dma_start3A_38 : memref<1x!tpu.dma_semaphore, #tpu.memory_space<semaphore_mem>> -> memref<!tpu.dma_semaphore, #tpu.memory_space<semaphore_mem>>
    %dma_start3A_40 = arith.constant 16 : i32
    %dma_start3A_41 = arith.constant 0 : i32
    %dma_start3A_42 = tpu.memref_slice %arg7[%dma_start3A_40, %dma_start3A_41] : memref<32x64xi32, #tpu.memory_space<vmem>> -> memref<16x64xi32, #tpu.memory_space<vmem>>
    %dma_start3A_43 = arith.constant 0 : i32
    %dma_start3A_44 = tpu.memref_slice %arg3[%add3A_32, %dma_start3A_43] : memref<5120x64xi32, #tpu.memory_space<hbm>> -> memref<16x64xi32, #tpu.memory_space<hbm>>
    tpu.enqueue_dma source(%dma_start3A_44 : memref<16x64xi32, #tpu.memory_space<hbm>>) target(%dma_start3A_42 : memref<16x64xi32, #tpu.memory_space<vmem>>) target_semaphore(%dma_start3A_39 : memref<!tpu.dma_semaphore, #tpu.memory_space<semaphore_mem>>)
    %add3A_45 = arith.constant 16 : i32
    %add3A_46 = arith.addi %select_n3A_8, %add3A_45 : i32
    %dma_start3A_47 = arith.constant 1 : i32
    %dma_start3A_48 = arith.constant 16 : i32
    %dma_start3A_49 = arith.constant 0 : i32
    %dma_start3A_50 = tpu.memref_slice %arg8[%dma_start3A_48, %dma_start3A_49] : memref<32x64xi32, #tpu.memory_space<vmem>> -> memref<16x64xi32, #tpu.memory_space<vmem>>
    %dma_start3A_51 = arith.constant 0 : i32
    %dma_start3A_52 = tpu.memref_slice %arg4[%add3A_46, %dma_start3A_51] : memref<5120x64xi32, #tpu.memory_space<hbm>> -> memref<16x64xi32, #tpu.memory_space<hbm>>
    %dma_start3A_53 = tpu.memref_slice %arg13[%dma_start3A_47] : memref<2x!tpu.dma_semaphore, #tpu.memory_space<semaphore_mem>> -> memref<1x!tpu.dma_semaphore, #tpu.memory_space<semaphore_mem>>
    %dma_start3A_54 = tpu.memref_squeeze %dma_start3A_53 : memref<1x!tpu.dma_semaphore, #tpu.memory_space<semaphore_mem>> -> memref<!tpu.dma_semaphore, #tpu.memory_space<semaphore_mem>>
    %dma_start3A_55 = arith.constant 16 : i32
    %dma_start3A_56 = arith.constant 0 : i32
    %dma_start3A_57 = tpu.memref_slice %arg8[%dma_start3A_55, %dma_start3A_56] : memref<32x64xi32, #tpu.memory_space<vmem>> -> memref<16x64xi32, #tpu.memory_space<vmem>>
    %dma_start3A_58 = arith.constant 0 : i32
    %dma_start3A_59 = tpu.memref_slice %arg4[%add3A_46, %dma_start3A_58] : memref<5120x64xi32, #tpu.memory_space<hbm>> -> memref<16x64xi32, #tpu.memory_space<hbm>>
    tpu.enqueue_dma source(%dma_start3A_59 : memref<16x64xi32, #tpu.memory_space<hbm>>) target(%dma_start3A_57 : memref<16x64xi32, #tpu.memory_space<vmem>>) target_semaphore(%dma_start3A_54 : memref<!tpu.dma_semaphore, #tpu.memory_space<semaphore_mem>>)
    %barrier3A = arith.constant 0 : index
    tpu.barrier barrier_id(%barrier3A)
    %add3A_60 = arith.constant 5 : i32
    %add3A_61 = arith.addi %select_n3A, %add3A_60 : i32
    %sub3A_62 = arith.constant 1 : i32
    %sub3A_63 = arith.subi %add3A_61, %sub3A_62 : i32
    %while3A = arith.constant 0 : i32
    %while3A_64 = arith.constant 0 : i32
    %while3A_65 = arith.subi %sub3A_63, %while3A_64 : i32
    %while3A_66 = arith.addi %while3A_64, %while3A_65 : i32
    %while3A_67 = arith.constant 1 : i32
    %while3A_68 = arith.divsi %while3A_65, %while3A_67 : i32
    %while3A_69 = arith.muli %while3A_68, %while3A_67 : i32
    %while3A_70 = arith.addi %while3A_64, %while3A_69 : i32
    %while3A_71 = arith.constant 1 : i32
    scf.for %while3A_94 = %while3A_64 to %while3A_70 step %while3A_71  : i32 {
      %jit3A_95 = arith.constant 16 : i32
      %div3A_96 = arith.divsi %while3A_94, %jit3A_95 : i32
      %sign3A_97 = arith.constant 0 : i32
      %sign3A_98 = arith.cmpi sgt, %while3A_94, %sign3A_97 : i32
      %sign3A_99 = arith.extui %sign3A_98 : i1 to i32
      %sign3A_100 = arith.constant 0 : i32
      %sign3A_101 = arith.cmpi slt, %while3A_94, %sign3A_100 : i32
      %sign3A_102 = arith.extui %sign3A_101 : i1 to i32
      %sign3A_103 = arith.subi %sign3A_99, %sign3A_102 : i32
      %sign3A_104 = arith.constant 0 : i32
      %sign3A_105 = arith.cmpi sgt, %jit3A_95, %sign3A_104 : i32
      %sign3A_106 = arith.extui %sign3A_105 : i1 to i32
      %sign3A_107 = arith.constant 0 : i32
      %sign3A_108 = arith.cmpi slt, %jit3A_95, %sign3A_107 : i32
      %sign3A_109 = arith.extui %sign3A_108 : i1 to i32
      %sign3A_110 = arith.subi %sign3A_106, %sign3A_109 : i32
      %ne3A_111 = arith.cmpi ne, %sign3A_103, %sign3A_110 : i32
      %rem3A_112 = arith.remsi %while3A_94, %jit3A_95 : i32
      %ne3A_113 = arith.constant 0 : i32
      %ne3A_114 = arith.cmpi ne, %rem3A_112, %ne3A_113 : i32
      %and3A_115 = arith.andi %ne3A_111, %ne3A_114 : i1
      %sub3A_116 = arith.constant 1 : i32
      %sub3A_117 = arith.subi %div3A_96, %sub3A_116 : i32
      %select_n3A_118 = arith.select %and3A_115, %sub3A_117, %div3A_96 : i32
      %rem3A_119 = arith.constant 16 : i32
      %rem3A_120 = arith.remsi %while3A_94, %rem3A_119 : i32
      %rem3A_121 = arith.constant 2 : i32
      %rem3A_122 = arith.remsi %select_n3A_118, %rem3A_121 : i32
      %eq3A_123 = arith.constant 0 : i32
      %eq3A_124 = arith.cmpi eq, %rem3A_120, %eq3A_123 : i32
      %gt3A = arith.constant 0 : i32
      %gt3A_125 = arith.cmpi sgt, %while3A_94, %gt3A : i32
      %lt3A = arith.cmpi slt, %while3A_94, %select_n3A : i32
      %and3A_126 = arith.andi %gt3A_125, %lt3A : i1
      %and3A_127 = arith.andi %eq3A_124, %and3A_126 : i1
      %convert_element_type3A = arith.extui %and3A_127 : i1 to i32
      %cond3A = arith.constant 0 : i32
      %cond3A_128 = arith.cmpi ne, %convert_element_type3A, %cond3A : i32
      scf.if %cond3A_128 {
        %dma_wait3A_170 = arith.constant 0 : i32
        %dma_wait3A_171 = arith.constant 0 : i32
        %dma_wait3A_172 = tpu.memref_slice %arg7[%dma_wait3A_170, %dma_wait3A_171] : memref<32x64xi32, #tpu.memory_space<vmem>> -> memref<16x64xi32, #tpu.memory_space<vmem>>
        %dma_wait3A_173 = arith.constant 0 : i32
        %dma_wait3A_174 = tpu.memref_slice %arg3[%select_n3A_8, %dma_wait3A_173] : memref<5120x64xi32, #tpu.memory_space<hbm>> -> memref<16x64xi32, #tpu.memory_space<hbm>>
        %dma_wait3A_175 = tpu.memref_slice %arg13[%rem3A_122] : memref<2x!tpu.dma_semaphore, #tpu.memory_space<semaphore_mem>> -> memref<1x!tpu.dma_semaphore, #tpu.memory_space<semaphore_mem>>
        %dma_wait3A_176 = tpu.memref_squeeze %dma_wait3A_175 : memref<1x!tpu.dma_semaphore, #tpu.memory_space<semaphore_mem>> -> memref<!tpu.dma_semaphore, #tpu.memory_space<semaphore_mem>>
        %dma_wait3A_177 = arith.constant 0 : i32
        %dma_wait3A_178 = arith.constant 0 : i32
        %dma_wait3A_179 = tpu.memref_slice %arg7[%dma_wait3A_177, %dma_wait3A_178] : memref<32x64xi32, #tpu.memory_space<vmem>> -> memref<16x64xi32, #tpu.memory_space<vmem>>
        %dma_wait3A_180 = arith.constant 0 : i32
        %dma_wait3A_181 = tpu.memref_slice %arg3[%select_n3A_8, %dma_wait3A_180] : memref<5120x64xi32, #tpu.memory_space<hbm>> -> memref<16x64xi32, #tpu.memory_space<hbm>>
        tpu.wait_dma2 semaphore(%dma_wait3A_176 : memref<!tpu.dma_semaphore, #tpu.memory_space<semaphore_mem>>) src(%dma_wait3A_181 : memref<16x64xi32, #tpu.memory_space<hbm>>) dst(%dma_wait3A_179 : memref<16x64xi32, #tpu.memory_space<vmem>>)
        %dma_wait3A_182 = arith.constant 0 : i32
        %dma_wait3A_183 = arith.constant 0 : i32
        %dma_wait3A_184 = tpu.memref_slice %arg7[%dma_wait3A_182, %dma_wait3A_183] : memref<32x64xi32, #tpu.memory_space<vmem>> -> memref<16x64xi32, #tpu.memory_space<vmem>>
        %dma_wait3A_185 = arith.constant 0 : i32
        %dma_wait3A_186 = tpu.memref_slice %arg3[%select_n3A_8, %dma_wait3A_185] : memref<5120x64xi32, #tpu.memory_space<hbm>> -> memref<16x64xi32, #tpu.memory_space<hbm>>
        %dma_wait3A_187 = tpu.memref_slice %arg13[%rem3A_122] : memref<2x!tpu.dma_semaphore, #tpu.memory_space<semaphore_mem>> -> memref<1x!tpu.dma_semaphore, #tpu.memory_space<semaphore_mem>>
        %dma_wait3A_188 = tpu.memref_squeeze %dma_wait3A_187 : memref<1x!tpu.dma_semaphore, #tpu.memory_space<semaphore_mem>> -> memref<!tpu.dma_semaphore, #tpu.memory_space<semaphore_mem>>
        %dma_wait3A_189 = arith.constant 0 : i32
        %dma_wait3A_190 = arith.constant 0 : i32
        %dma_wait3A_191 = tpu.memref_slice %arg7[%dma_wait3A_189, %dma_wait3A_190] : memref<32x64xi32, #tpu.memory_space<vmem>> -> memref<16x64xi32, #tpu.memory_space<vmem>>
        %dma_wait3A_192 = arith.constant 0 : i32
        %dma_wait3A_193 = tpu.memref_slice %arg3[%select_n3A_8, %dma_wait3A_192] : memref<5120x64xi32, #tpu.memory_space<hbm>> -> memref<16x64xi32, #tpu.memory_space<hbm>>
        tpu.wait_dma2 semaphore(%dma_wait3A_188 : memref<!tpu.dma_semaphore, #tpu.memory_space<semaphore_mem>>) src(%dma_wait3A_193 : memref<16x64xi32, #tpu.memory_space<hbm>>) dst(%dma_wait3A_191 : memref<16x64xi32, #tpu.memory_space<vmem>>)
      } else {
      }
      %eq3A_129 = arith.constant 5 : i32
      %eq3A_130 = arith.cmpi eq, %rem3A_120, %eq3A_129 : i32
      %ge3A = arith.constant 1 : i32
      %ge3A_131 = arith.cmpi sge, %select_n3A_118, %ge3A : i32
      %add3A_132 = arith.constant 1 : i32
      %add3A_133 = arith.addi %select_n3A_118, %add3A_132 : i32
      %lt3A_134 = arith.cmpi slt, %add3A_133, %select_n3A_26 : i32
      %and3A_135 = arith.andi %ge3A_131, %lt3A_134 : i1
      %and3A_136 = arith.andi %eq3A_130, %and3A_135 : i1
      %convert_element_type3A_137 = arith.extui %and3A_136 : i1 to i32
      %cond3A_138 = arith.constant 0 : i32
      %cond3A_139 = arith.cmpi ne, %convert_element_type3A_137, %cond3A_138 : i32
      scf.if %cond3A_139 {
        %add3A_170 = arith.constant 1 : i32
        %add3A_171 = arith.addi %select_n3A_118, %add3A_170 : i32
        %rem3A_172 = arith.constant 2 : i32
        %rem3A_173 = arith.remsi %add3A_171, %rem3A_172 : i32
        %mul3A_174 = arith.constant 16 : i32
        %mul3A_175 = arith.muli %add3A_171, %mul3A_174 : i32
        %add3A_176 = arith.addi %select_n3A_8, %mul3A_175 : i32
        %mul3A_177 = arith.constant 16 : i32
        %mul3A_178 = arith.muli %rem3A_173, %mul3A_177 : i32
        %dma_start3A_179 = arith.constant 0 : i32
        %dma_start3A_180 = tpu.memref_slice %arg7[%mul3A_178, %dma_start3A_179] : memref<32x64xi32, #tpu.memory_space<vmem>> -> memref<16x64xi32, #tpu.memory_space<vmem>>
        %dma_start3A_181 = arith.constant 0 : i32
        %dma_start3A_182 = tpu.memref_slice %arg3[%add3A_176, %dma_start3A_181] : memref<5120x64xi32, #tpu.memory_space<hbm>> -> memref<16x64xi32, #tpu.memory_space<hbm>>
        %dma_start3A_183 = tpu.memref_slice %arg13[%rem3A_173] : memref<2x!tpu.dma_semaphore, #tpu.memory_space<semaphore_mem>> -> memref<1x!tpu.dma_semaphore, #tpu.memory_space<semaphore_mem>>
        %dma_start3A_184 = tpu.memref_squeeze %dma_start3A_183 : memref<1x!tpu.dma_semaphore, #tpu.memory_space<semaphore_mem>> -> memref<!tpu.dma_semaphore, #tpu.memory_space<semaphore_mem>>
        %dma_start3A_185 = arith.constant 0 : i32
        %dma_start3A_186 = tpu.memref_slice %arg7[%mul3A_178, %dma_start3A_185] : memref<32x64xi32, #tpu.memory_space<vmem>> -> memref<16x64xi32, #tpu.memory_space<vmem>>
        %dma_start3A_187 = arith.constant 0 : i32
        %dma_start3A_188 = tpu.memref_slice %arg3[%add3A_176, %dma_start3A_187] : memref<5120x64xi32, #tpu.memory_space<hbm>> -> memref<16x64xi32, #tpu.memory_space<hbm>>
        tpu.enqueue_dma source(%dma_start3A_188 : memref<16x64xi32, #tpu.memory_space<hbm>>) target(%dma_start3A_186 : memref<16x64xi32, #tpu.memory_space<vmem>>) target_semaphore(%dma_start3A_184 : memref<!tpu.dma_semaphore, #tpu.memory_space<semaphore_mem>>)
        %mul3A_189 = arith.constant 16 : i32
        %mul3A_190 = arith.muli %add3A_171, %mul3A_189 : i32
        %add3A_191 = arith.addi %select_n3A_8, %mul3A_190 : i32
        %mul3A_192 = arith.constant 16 : i32
        %mul3A_193 = arith.muli %rem3A_173, %mul3A_192 : i32
        %dma_start3A_194 = arith.constant 0 : i32
        %dma_start3A_195 = tpu.memref_slice %arg8[%mul3A_193, %dma_start3A_194] : memref<32x64xi32, #tpu.memory_space<vmem>> -> memref<16x64xi32, #tpu.memory_space<vmem>>
        %dma_start3A_196 = arith.constant 0 : i32
        %dma_start3A_197 = tpu.memref_slice %arg4[%add3A_191, %dma_start3A_196] : memref<5120x64xi32, #tpu.memory_space<hbm>> -> memref<16x64xi32, #tpu.memory_space<hbm>>
        %dma_start3A_198 = tpu.memref_slice %arg13[%rem3A_173] : memref<2x!tpu.dma_semaphore, #tpu.memory_space<semaphore_mem>> -> memref<1x!tpu.dma_semaphore, #tpu.memory_space<semaphore_mem>>
        %dma_start3A_199 = tpu.memref_squeeze %dma_start3A_198 : memref<1x!tpu.dma_semaphore, #tpu.memory_space<semaphore_mem>> -> memref<!tpu.dma_semaphore, #tpu.memory_space<semaphore_mem>>
        %dma_start3A_200 = arith.constant 0 : i32
        %dma_start3A_201 = tpu.memref_slice %arg8[%mul3A_193, %dma_start3A_200] : memref<32x64xi32, #tpu.memory_space<vmem>> -> memref<16x64xi32, #tpu.memory_space<vmem>>
        %dma_start3A_202 = arith.constant 0 : i32
        %dma_start3A_203 = tpu.memref_slice %arg4[%add3A_191, %dma_start3A_202] : memref<5120x64xi32, #tpu.memory_space<hbm>> -> memref<16x64xi32, #tpu.memory_space<hbm>>
        tpu.enqueue_dma source(%dma_start3A_203 : memref<16x64xi32, #tpu.memory_space<hbm>>) target(%dma_start3A_201 : memref<16x64xi32, #tpu.memory_space<vmem>>) target_semaphore(%dma_start3A_199 : memref<!tpu.dma_semaphore, #tpu.memory_space<semaphore_mem>>)
      } else {
      }
      %rem3A_140 = arith.constant 5 : i32
      %rem3A_141 = arith.remsi %while3A_94, %rem3A_140 : i32
      %mul3A_142 = arith.constant 64 : i32
      %mul3A_143 = arith.muli %rem3A_141, %mul3A_142 : i32
      %ge3A_144 = arith.constant 5 : i32
      %ge3A_145 = arith.cmpi sge, %while3A_94, %ge3A_144 : i32
      %convert_element_type3A_146 = arith.extui %ge3A_145 : i1 to i32
      %cond3A_147 = arith.constant 0 : i32
      %cond3A_148 = arith.cmpi ne, %convert_element_type3A_146, %cond3A_147 : i32
      scf.if %cond3A_148 {
        %dma_wait3A_170 = arith.constant 0 : i32
        %dma_wait3A_171 = arith.constant 0 : i32
        %dma_wait3A_172 = tpu.memref_slice %arg9[%mul3A_143, %dma_wait3A_171] : memref<320x128xf32, #tpu.memory_space<vmem>> -> memref<64x128xf32, #tpu.memory_space<vmem>>
        %dma_wait3A_173 = arith.constant 0 : i32
        %dma_wait3A_174 = tpu.memref_slice %arg8[%dma_wait3A_170, %dma_wait3A_173] : memref<32x64xi32, #tpu.memory_space<vmem>> -> memref<1x64xi32, #tpu.memory_space<vmem>>
        %dma_wait3A_175 = tpu.memref_squeeze %dma_wait3A_174 : memref<1x64xi32, #tpu.memory_space<vmem>> -> memref<64xi32, #tpu.memory_space<vmem>>
        %dma_wait3A_176 = arith.constant 0 : i32
        %dma_wait3A_177 = arith.constant 0 : i32
        %dma_wait3A_178 = tpu.memref_slice %arg10[%dma_wait3A_176, %dma_wait3A_177] : memref<10112x128xf32, #tpu.memory_space<vmem_shared>> -> memref<10112x128xf32, #tpu.memory_space<vmem_shared>>
        %dma_wait3A_179 = tpu.memref_slice %arg12[%rem3A_141] : memref<5x!tpu.dma_semaphore, #tpu.memory_space<semaphore_mem>> -> memref<1x!tpu.dma_semaphore, #tpu.memory_space<semaphore_mem>>
        %dma_wait3A_180 = tpu.memref_squeeze %dma_wait3A_179 : memref<1x!tpu.dma_semaphore, #tpu.memory_space<semaphore_mem>> -> memref<!tpu.dma_semaphore, #tpu.memory_space<semaphore_mem>>
        tpu.wait_indirect_dma semaphore(%dma_wait3A_180 : memref<!tpu.dma_semaphore, #tpu.memory_space<semaphore_mem>>) src(%dma_wait3A_172 : memref<64x128xf32, #tpu.memory_space<vmem>>) dst(%dma_wait3A_178 : memref<10112x128xf32, #tpu.memory_space<vmem_shared>>)
      } else {
      }
      %lt3A_149 = arith.cmpi slt, %while3A_94, %select_n3A : i32
      %convert_element_type3A_150 = arith.extui %lt3A_149 : i1 to i32
      %cond3A_151 = arith.constant 0 : i32
      %cond3A_152 = arith.cmpi ne, %convert_element_type3A_150, %cond3A_151 : i32
      scf.if %cond3A_152 {
        %mul3A_170 = arith.constant 16 : i32
        %mul3A_171 = arith.muli %rem3A_122, %mul3A_170 : i32
        %add3A_172 = arith.addi %mul3A_171, %rem3A_120 : i32
        %dma_start3A_173 = arith.constant 0 : i32
        %dma_start3A_174 = tpu.memref_slice %arg9[%mul3A_143, %dma_start3A_173] : memref<320x128xf32, #tpu.memory_space<vmem>> -> memref<64x128xf32, #tpu.memory_space<vmem>>
        %dma_start3A_175 = arith.constant 0 : i32
        %dma_start3A_176 = tpu.memref_slice %arg7[%add3A_172, %dma_start3A_175] : memref<32x64xi32, #tpu.memory_space<vmem>> -> memref<1x64xi32, #tpu.memory_space<vmem>>
        %dma_start3A_177 = tpu.memref_squeeze %dma_start3A_176 : memref<1x64xi32, #tpu.memory_space<vmem>> -> memref<64xi32, #tpu.memory_space<vmem>>
        %dma_start3A_178 = arith.constant 0 : i32
        %dma_start3A_179 = arith.constant 0 : i32
        %dma_start3A_180 = tpu.memref_slice %arg2[%dma_start3A_178, %dma_start3A_179] : memref<10000x128xf32, #tpu.memory_space<hbm>> -> memref<10000x128xf32, #tpu.memory_space<hbm>>
        %dma_start3A_181 = tpu.memref_slice %arg11[%rem3A_141] : memref<5x!tpu.dma_semaphore, #tpu.memory_space<semaphore_mem>> -> memref<1x!tpu.dma_semaphore, #tpu.memory_space<semaphore_mem>>
        %dma_start3A_182 = tpu.memref_squeeze %dma_start3A_181 : memref<1x!tpu.dma_semaphore, #tpu.memory_space<semaphore_mem>> -> memref<!tpu.dma_semaphore, #tpu.memory_space<semaphore_mem>>
        tpu.enqueue_indirect_dma source(%dma_start3A_180 : memref<10000x128xf32, #tpu.memory_space<hbm>>) target(%dma_start3A_174 : memref<64x128xf32, #tpu.memory_space<vmem>>) offsets(%dma_start3A_177 : memref<64xi32, #tpu.memory_space<vmem>>) semaphore(%dma_start3A_182 : memref<!tpu.dma_semaphore, #tpu.memory_space<semaphore_mem>>)
      } else {
      }
      %sub3A_153 = arith.constant 5 : i32
      %sub3A_154 = arith.subi %while3A_94, %sub3A_153 : i32
      %add3A_155 = arith.constant 1 : i32
      %add3A_156 = arith.addi %sub3A_154, %add3A_155 : i32
      %add3A_157 = arith.constant 5 : i32
      %add3A_158 = arith.addi %add3A_156, %add3A_157 : i32
      %rem3A_159 = arith.constant 5 : i32
      %rem3A_160 = arith.remsi %add3A_158, %rem3A_159 : i32
      %mul3A_161 = arith.constant 64 : i32
      %mul3A_162 = arith.muli %rem3A_160, %mul3A_161 : i32
      %ge3A_163 = arith.constant 0 : i32
      %ge3A_164 = arith.cmpi sge, %add3A_156, %ge3A_163 : i32
      %lt3A_165 = arith.cmpi slt, %add3A_156, %select_n3A : i32
      %and3A_166 = arith.andi %ge3A_164, %lt3A_165 : i1
      %convert_element_type3A_167 = arith.extui %and3A_166 : i1 to i32
      %cond3A_168 = arith.constant 0 : i32
      %cond3A_169 = arith.cmpi ne, %convert_element_type3A_167, %cond3A_168 : i32
      scf.if %cond3A_169 {
        %jit3A_170 = arith.constant 16 : i32
        %div3A_171 = arith.divsi %add3A_156, %jit3A_170 : i32
        %sign3A_172 = arith.constant 0 : i32
        %sign3A_173 = arith.cmpi sgt, %add3A_156, %sign3A_172 : i32
        %sign3A_174 = arith.extui %sign3A_173 : i1 to i32
        %sign3A_175 = arith.constant 0 : i32
        %sign3A_176 = arith.cmpi slt, %add3A_156, %sign3A_175 : i32
        %sign3A_177 = arith.extui %sign3A_176 : i1 to i32
        %sign3A_178 = arith.subi %sign3A_174, %sign3A_177 : i32
        %sign3A_179 = arith.constant 0 : i32
        %sign3A_180 = arith.cmpi sgt, %jit3A_170, %sign3A_179 : i32
        %sign3A_181 = arith.extui %sign3A_180 : i1 to i32
        %sign3A_182 = arith.constant 0 : i32
        %sign3A_183 = arith.cmpi slt, %jit3A_170, %sign3A_182 : i32
        %sign3A_184 = arith.extui %sign3A_183 : i1 to i32
        %sign3A_185 = arith.subi %sign3A_181, %sign3A_184 : i32
        %ne3A_186 = arith.cmpi ne, %sign3A_178, %sign3A_185 : i32
        %rem3A_187 = arith.remsi %add3A_156, %jit3A_170 : i32
        %ne3A_188 = arith.constant 0 : i32
        %ne3A_189 = arith.cmpi ne, %rem3A_187, %ne3A_188 : i32
        %and3A_190 = arith.andi %ne3A_186, %ne3A_189 : i1
        %sub3A_191 = arith.constant 1 : i32
        %sub3A_192 = arith.subi %div3A_171, %sub3A_191 : i32
        %select_n3A_193 = arith.select %and3A_190, %sub3A_192, %div3A_171 : i32
        %rem3A_194 = arith.constant 2 : i32
        %rem3A_195 = arith.remsi %select_n3A_193, %rem3A_194 : i32
        %mul3A_196 = arith.constant 16 : i32
        %mul3A_197 = arith.muli %rem3A_195, %mul3A_196 : i32
        %rem3A_198 = arith.constant 16 : i32
        %rem3A_199 = arith.remsi %add3A_156, %rem3A_198 : i32
        %add3A_200 = arith.addi %mul3A_197, %rem3A_199 : i32
        %dma_wait3A_201 = arith.constant 0 : i32
        %dma_wait3A_202 = arith.constant 0 : i32
        %dma_wait3A_203 = tpu.memref_slice %arg9[%mul3A_162, %dma_wait3A_202] : memref<320x128xf32, #tpu.memory_space<vmem>> -> memref<64x128xf32, #tpu.memory_space<vmem>>
        %dma_wait3A_204 = arith.constant 0 : i32
        %dma_wait3A_205 = tpu.memref_slice %arg7[%dma_wait3A_201, %dma_wait3A_204] : memref<32x64xi32, #tpu.memory_space<vmem>> -> memref<1x64xi32, #tpu.memory_space<vmem>>
        %dma_wait3A_206 = tpu.memref_squeeze %dma_wait3A_205 : memref<1x64xi32, #tpu.memory_space<vmem>> -> memref<64xi32, #tpu.memory_space<vmem>>
        %dma_wait3A_207 = arith.constant 0 : i32
        %dma_wait3A_208 = arith.constant 0 : i32
        %dma_wait3A_209 = tpu.memref_slice %arg2[%dma_wait3A_207, %dma_wait3A_208] : memref<10000x128xf32, #tpu.memory_space<hbm>> -> memref<10000x128xf32, #tpu.memory_space<hbm>>
        %dma_wait3A_210 = tpu.memref_slice %arg11[%rem3A_160] : memref<5x!tpu.dma_semaphore, #tpu.memory_space<semaphore_mem>> -> memref<1x!tpu.dma_semaphore, #tpu.memory_space<semaphore_mem>>
        %dma_wait3A_211 = tpu.memref_squeeze %dma_wait3A_210 : memref<1x!tpu.dma_semaphore, #tpu.memory_space<semaphore_mem>> -> memref<!tpu.dma_semaphore, #tpu.memory_space<semaphore_mem>>
        tpu.wait_indirect_dma semaphore(%dma_wait3A_211 : memref<!tpu.dma_semaphore, #tpu.memory_space<semaphore_mem>>) src(%dma_wait3A_209 : memref<10000x128xf32, #tpu.memory_space<hbm>>) dst(%dma_wait3A_203 : memref<64x128xf32, #tpu.memory_space<vmem>>)
        %dma_start3A_212 = arith.constant 0 : i32
        %dma_start3A_213 = tpu.memref_slice %arg9[%mul3A_162, %dma_start3A_212] : memref<320x128xf32, #tpu.memory_space<vmem>> -> memref<64x128xf32, #tpu.memory_space<vmem>>
        %dma_start3A_214 = arith.constant 0 : i32
        %dma_start3A_215 = tpu.memref_slice %arg8[%add3A_200, %dma_start3A_214] : memref<32x64xi32, #tpu.memory_space<vmem>> -> memref<1x64xi32, #tpu.memory_space<vmem>>
        %dma_start3A_216 = tpu.memref_squeeze %dma_start3A_215 : memref<1x64xi32, #tpu.memory_space<vmem>> -> memref<64xi32, #tpu.memory_space<vmem>>
        %dma_start3A_217 = arith.constant 0 : i32
        %dma_start3A_218 = arith.constant 0 : i32
        %dma_start3A_219 = tpu.memref_slice %arg10[%dma_start3A_217, %dma_start3A_218] : memref<10112x128xf32, #tpu.memory_space<vmem_shared>> -> memref<10112x128xf32, #tpu.memory_space<vmem_shared>>
        %dma_start3A_220 = tpu.memref_slice %arg12[%rem3A_160] : memref<5x!tpu.dma_semaphore, #tpu.memory_space<semaphore_mem>> -> memref<1x!tpu.dma_semaphore, #tpu.memory_space<semaphore_mem>>
        %dma_start3A_221 = tpu.memref_squeeze %dma_start3A_220 : memref<1x!tpu.dma_semaphore, #tpu.memory_space<semaphore_mem>> -> memref<!tpu.dma_semaphore, #tpu.memory_space<semaphore_mem>>
        tpu.enqueue_indirect_dma source(%dma_start3A_213 : memref<64x128xf32, #tpu.memory_space<vmem>>) target(%dma_start3A_219 : memref<10112x128xf32, #tpu.memory_space<vmem_shared>>) offsets(%dma_start3A_216 : memref<64xi32, #tpu.memory_space<vmem>>) semaphore(%dma_start3A_221 : memref<!tpu.dma_semaphore, #tpu.memory_space<semaphore_mem>>) {add = true}
      } else {
      }
    }
    %while3A_72 = arith.constant 1 : i32
    scf.for %while3A_94 = %while3A_70 to %while3A_66 step %while3A_72  : i32 {
      %jit3A_95 = arith.constant 16 : i32
      %div3A_96 = arith.divsi %while3A_94, %jit3A_95 : i32
      %sign3A_97 = arith.constant 0 : i32
      %sign3A_98 = arith.cmpi sgt, %while3A_94, %sign3A_97 : i32
      %sign3A_99 = arith.extui %sign3A_98 : i1 to i32
      %sign3A_100 = arith.constant 0 : i32
      %sign3A_101 = arith.cmpi slt, %while3A_94, %sign3A_100 : i32
      %sign3A_102 = arith.extui %sign3A_101 : i1 to i32
      %sign3A_103 = arith.subi %sign3A_99, %sign3A_102 : i32
      %sign3A_104 = arith.constant 0 : i32
      %sign3A_105 = arith.cmpi sgt, %jit3A_95, %sign3A_104 : i32
      %sign3A_106 = arith.extui %sign3A_105 : i1 to i32
      %sign3A_107 = arith.constant 0 : i32
      %sign3A_108 = arith.cmpi slt, %jit3A_95, %sign3A_107 : i32
      %sign3A_109 = arith.extui %sign3A_108 : i1 to i32
      %sign3A_110 = arith.subi %sign3A_106, %sign3A_109 : i32
      %ne3A_111 = arith.cmpi ne, %sign3A_103, %sign3A_110 : i32
      %rem3A_112 = arith.remsi %while3A_94, %jit3A_95 : i32
      %ne3A_113 = arith.constant 0 : i32
      %ne3A_114 = arith.cmpi ne, %rem3A_112, %ne3A_113 : i32
      %and3A_115 = arith.andi %ne3A_111, %ne3A_114 : i1
      %sub3A_116 = arith.constant 1 : i32
      %sub3A_117 = arith.subi %div3A_96, %sub3A_116 : i32
      %select_n3A_118 = arith.select %and3A_115, %sub3A_117, %div3A_96 : i32
      %rem3A_119 = arith.constant 16 : i32
      %rem3A_120 = arith.remsi %while3A_94, %rem3A_119 : i32
      %rem3A_121 = arith.constant 2 : i32
      %rem3A_122 = arith.remsi %select_n3A_118, %rem3A_121 : i32
      %eq3A_123 = arith.constant 0 : i32
      %eq3A_124 = arith.cmpi eq, %rem3A_120, %eq3A_123 : i32
      %gt3A = arith.constant 0 : i32
      %gt3A_125 = arith.cmpi sgt, %while3A_94, %gt3A : i32
      %lt3A = arith.cmpi slt, %while3A_94, %select_n3A : i32
      %and3A_126 = arith.andi %gt3A_125, %lt3A : i1
      %and3A_127 = arith.andi %eq3A_124, %and3A_126 : i1
      %convert_element_type3A = arith.extui %and3A_127 : i1 to i32
      %cond3A = arith.constant 0 : i32
      %cond3A_128 = arith.cmpi ne, %convert_element_type3A, %cond3A : i32
      scf.if %cond3A_128 {
        %dma_wait3A_170 = arith.constant 0 : i32
        %dma_wait3A_171 = arith.constant 0 : i32
        %dma_wait3A_172 = tpu.memref_slice %arg7[%dma_wait3A_170, %dma_wait3A_171] : memref<32x64xi32, #tpu.memory_space<vmem>> -> memref<16x64xi32, #tpu.memory_space<vmem>>
        %dma_wait3A_173 = arith.constant 0 : i32
        %dma_wait3A_174 = tpu.memref_slice %arg3[%select_n3A_8, %dma_wait3A_173] : memref<5120x64xi32, #tpu.memory_space<hbm>> -> memref<16x64xi32, #tpu.memory_space<hbm>>
        %dma_wait3A_175 = tpu.memref_slice %arg13[%rem3A_122] : memref<2x!tpu.dma_semaphore, #tpu.memory_space<semaphore_mem>> -> memref<1x!tpu.dma_semaphore, #tpu.memory_space<semaphore_mem>>
        %dma_wait3A_176 = tpu.memref_squeeze %dma_wait3A_175 : memref<1x!tpu.dma_semaphore, #tpu.memory_space<semaphore_mem>> -> memref<!tpu.dma_semaphore, #tpu.memory_space<semaphore_mem>>
        %dma_wait3A_177 = arith.constant 0 : i32
        %dma_wait3A_178 = arith.constant 0 : i32
        %dma_wait3A_179 = tpu.memref_slice %arg7[%dma_wait3A_177, %dma_wait3A_178] : memref<32x64xi32, #tpu.memory_space<vmem>> -> memref<16x64xi32, #tpu.memory_space<vmem>>
        %dma_wait3A_180 = arith.constant 0 : i32
        %dma_wait3A_181 = tpu.memref_slice %arg3[%select_n3A_8, %dma_wait3A_180] : memref<5120x64xi32, #tpu.memory_space<hbm>> -> memref<16x64xi32, #tpu.memory_space<hbm>>
        tpu.wait_dma2 semaphore(%dma_wait3A_176 : memref<!tpu.dma_semaphore, #tpu.memory_space<semaphore_mem>>) src(%dma_wait3A_181 : memref<16x64xi32, #tpu.memory_space<hbm>>) dst(%dma_wait3A_179 : memref<16x64xi32, #tpu.memory_space<vmem>>)
        %dma_wait3A_182 = arith.constant 0 : i32
        %dma_wait3A_183 = arith.constant 0 : i32
        %dma_wait3A_184 = tpu.memref_slice %arg7[%dma_wait3A_182, %dma_wait3A_183] : memref<32x64xi32, #tpu.memory_space<vmem>> -> memref<16x64xi32, #tpu.memory_space<vmem>>
        %dma_wait3A_185 = arith.constant 0 : i32
        %dma_wait3A_186 = tpu.memref_slice %arg3[%select_n3A_8, %dma_wait3A_185] : memref<5120x64xi32, #tpu.memory_space<hbm>> -> memref<16x64xi32, #tpu.memory_space<hbm>>
        %dma_wait3A_187 = tpu.memref_slice %arg13[%rem3A_122] : memref<2x!tpu.dma_semaphore, #tpu.memory_space<semaphore_mem>> -> memref<1x!tpu.dma_semaphore, #tpu.memory_space<semaphore_mem>>
        %dma_wait3A_188 = tpu.memref_squeeze %dma_wait3A_187 : memref<1x!tpu.dma_semaphore, #tpu.memory_space<semaphore_mem>> -> memref<!tpu.dma_semaphore, #tpu.memory_space<semaphore_mem>>
        %dma_wait3A_189 = arith.constant 0 : i32
        %dma_wait3A_190 = arith.constant 0 : i32
        %dma_wait3A_191 = tpu.memref_slice %arg7[%dma_wait3A_189, %dma_wait3A_190] : memref<32x64xi32, #tpu.memory_space<vmem>> -> memref<16x64xi32, #tpu.memory_space<vmem>>
        %dma_wait3A_192 = arith.constant 0 : i32
        %dma_wait3A_193 = tpu.memref_slice %arg3[%select_n3A_8, %dma_wait3A_192] : memref<5120x64xi32, #tpu.memory_space<hbm>> -> memref<16x64xi32, #tpu.memory_space<hbm>>
        tpu.wait_dma2 semaphore(%dma_wait3A_188 : memref<!tpu.dma_semaphore, #tpu.memory_space<semaphore_mem>>) src(%dma_wait3A_193 : memref<16x64xi32, #tpu.memory_space<hbm>>) dst(%dma_wait3A_191 : memref<16x64xi32, #tpu.memory_space<vmem>>)
      } else {
      }
      %eq3A_129 = arith.constant 5 : i32
      %eq3A_130 = arith.cmpi eq, %rem3A_120, %eq3A_129 : i32
      %ge3A = arith.constant 1 : i32
      %ge3A_131 = arith.cmpi sge, %select_n3A_118, %ge3A : i32
      %add3A_132 = arith.constant 1 : i32
      %add3A_133 = arith.addi %select_n3A_118, %add3A_132 : i32
      %lt3A_134 = arith.cmpi slt, %add3A_133, %select_n3A_26 : i32
      %and3A_135 = arith.andi %ge3A_131, %lt3A_134 : i1
      %and3A_136 = arith.andi %eq3A_130, %and3A_135 : i1
      %convert_element_type3A_137 = arith.extui %and3A_136 : i1 to i32
      %cond3A_138 = arith.constant 0 : i32
      %cond3A_139 = arith.cmpi ne, %convert_element_type3A_137, %cond3A_138 : i32
      scf.if %cond3A_139 {
        %add3A_170 = arith.constant 1 : i32
        %add3A_171 = arith.addi %select_n3A_118, %add3A_170 : i32
        %rem3A_172 = arith.constant 2 : i32
        %rem3A_173 = arith.remsi %add3A_171, %rem3A_172 : i32
        %mul3A_174 = arith.constant 16 : i32
        %mul3A_175 = arith.muli %add3A_171, %mul3A_174 : i32
        %add3A_176 = arith.addi %select_n3A_8, %mul3A_175 : i32
        %mul3A_177 = arith.constant 16 : i32
        %mul3A_178 = arith.muli %rem3A_173, %mul3A_177 : i32
        %dma_start3A_179 = arith.constant 0 : i32
        %dma_start3A_180 = tpu.memref_slice %arg7[%mul3A_178, %dma_start3A_179] : memref<32x64xi32, #tpu.memory_space<vmem>> -> memref<16x64xi32, #tpu.memory_space<vmem>>
        %dma_start3A_181 = arith.constant 0 : i32
        %dma_start3A_182 = tpu.memref_slice %arg3[%add3A_176, %dma_start3A_181] : memref<5120x64xi32, #tpu.memory_space<hbm>> -> memref<16x64xi32, #tpu.memory_space<hbm>>
        %dma_start3A_183 = tpu.memref_slice %arg13[%rem3A_173] : memref<2x!tpu.dma_semaphore, #tpu.memory_space<semaphore_mem>> -> memref<1x!tpu.dma_semaphore, #tpu.memory_space<semaphore_mem>>
        %dma_start3A_184 = tpu.memref_squeeze %dma_start3A_183 : memref<1x!tpu.dma_semaphore, #tpu.memory_space<semaphore_mem>> -> memref<!tpu.dma_semaphore, #tpu.memory_space<semaphore_mem>>
        %dma_start3A_185 = arith.constant 0 : i32
        %dma_start3A_186 = tpu.memref_slice %arg7[%mul3A_178, %dma_start3A_185] : memref<32x64xi32, #tpu.memory_space<vmem>> -> memref<16x64xi32, #tpu.memory_space<vmem>>
        %dma_start3A_187 = arith.constant 0 : i32
        %dma_start3A_188 = tpu.memref_slice %arg3[%add3A_176, %dma_start3A_187] : memref<5120x64xi32, #tpu.memory_space<hbm>> -> memref<16x64xi32, #tpu.memory_space<hbm>>
        tpu.enqueue_dma source(%dma_start3A_188 : memref<16x64xi32, #tpu.memory_space<hbm>>) target(%dma_start3A_186 : memref<16x64xi32, #tpu.memory_space<vmem>>) target_semaphore(%dma_start3A_184 : memref<!tpu.dma_semaphore, #tpu.memory_space<semaphore_mem>>)
        %mul3A_189 = arith.constant 16 : i32
        %mul3A_190 = arith.muli %add3A_171, %mul3A_189 : i32
        %add3A_191 = arith.addi %select_n3A_8, %mul3A_190 : i32
        %mul3A_192 = arith.constant 16 : i32
        %mul3A_193 = arith.muli %rem3A_173, %mul3A_192 : i32
        %dma_start3A_194 = arith.constant 0 : i32
        %dma_start3A_195 = tpu.memref_slice %arg8[%mul3A_193, %dma_start3A_194] : memref<32x64xi32, #tpu.memory_space<vmem>> -> memref<16x64xi32, #tpu.memory_space<vmem>>
        %dma_start3A_196 = arith.constant 0 : i32
        %dma_start3A_197 = tpu.memref_slice %arg4[%add3A_191, %dma_start3A_196] : memref<5120x64xi32, #tpu.memory_space<hbm>> -> memref<16x64xi32, #tpu.memory_space<hbm>>
        %dma_start3A_198 = tpu.memref_slice %arg13[%rem3A_173] : memref<2x!tpu.dma_semaphore, #tpu.memory_space<semaphore_mem>> -> memref<1x!tpu.dma_semaphore, #tpu.memory_space<semaphore_mem>>
        %dma_start3A_199 = tpu.memref_squeeze %dma_start3A_198 : memref<1x!tpu.dma_semaphore, #tpu.memory_space<semaphore_mem>> -> memref<!tpu.dma_semaphore, #tpu.memory_space<semaphore_mem>>
        %dma_start3A_200 = arith.constant 0 : i32
        %dma_start3A_201 = tpu.memref_slice %arg8[%mul3A_193, %dma_start3A_200] : memref<32x64xi32, #tpu.memory_space<vmem>> -> memref<16x64xi32, #tpu.memory_space<vmem>>
        %dma_start3A_202 = arith.constant 0 : i32
        %dma_start3A_203 = tpu.memref_slice %arg4[%add3A_191, %dma_start3A_202] : memref<5120x64xi32, #tpu.memory_space<hbm>> -> memref<16x64xi32, #tpu.memory_space<hbm>>
        tpu.enqueue_dma source(%dma_start3A_203 : memref<16x64xi32, #tpu.memory_space<hbm>>) target(%dma_start3A_201 : memref<16x64xi32, #tpu.memory_space<vmem>>) target_semaphore(%dma_start3A_199 : memref<!tpu.dma_semaphore, #tpu.memory_space<semaphore_mem>>)
      } else {
      }
      %rem3A_140 = arith.constant 5 : i32
      %rem3A_141 = arith.remsi %while3A_94, %rem3A_140 : i32
      %mul3A_142 = arith.constant 64 : i32
      %mul3A_143 = arith.muli %rem3A_141, %mul3A_142 : i32
      %ge3A_144 = arith.constant 5 : i32
      %ge3A_145 = arith.cmpi sge, %while3A_94, %ge3A_144 : i32
      %convert_element_type3A_146 = arith.extui %ge3A_145 : i1 to i32
      %cond3A_147 = arith.constant 0 : i32
      %cond3A_148 = arith.cmpi ne, %convert_element_type3A_146, %cond3A_147 : i32
      scf.if %cond3A_148 {
        %dma_wait3A_170 = arith.constant 0 : i32
        %dma_wait3A_171 = arith.constant 0 : i32
        %dma_wait3A_172 = tpu.memref_slice %arg9[%mul3A_143, %dma_wait3A_171] : memref<320x128xf32, #tpu.memory_space<vmem>> -> memref<64x128xf32, #tpu.memory_space<vmem>>
        %dma_wait3A_173 = arith.constant 0 : i32
        %dma_wait3A_174 = tpu.memref_slice %arg8[%dma_wait3A_170, %dma_wait3A_173] : memref<32x64xi32, #tpu.memory_space<vmem>> -> memref<1x64xi32, #tpu.memory_space<vmem>>
        %dma_wait3A_175 = tpu.memref_squeeze %dma_wait3A_174 : memref<1x64xi32, #tpu.memory_space<vmem>> -> memref<64xi32, #tpu.memory_space<vmem>>
        %dma_wait3A_176 = arith.constant 0 : i32
        %dma_wait3A_177 = arith.constant 0 : i32
        %dma_wait3A_178 = tpu.memref_slice %arg10[%dma_wait3A_176, %dma_wait3A_177] : memref<10112x128xf32, #tpu.memory_space<vmem_shared>> -> memref<10112x128xf32, #tpu.memory_space<vmem_shared>>
        %dma_wait3A_179 = tpu.memref_slice %arg12[%rem3A_141] : memref<5x!tpu.dma_semaphore, #tpu.memory_space<semaphore_mem>> -> memref<1x!tpu.dma_semaphore, #tpu.memory_space<semaphore_mem>>
        %dma_wait3A_180 = tpu.memref_squeeze %dma_wait3A_179 : memref<1x!tpu.dma_semaphore, #tpu.memory_space<semaphore_mem>> -> memref<!tpu.dma_semaphore, #tpu.memory_space<semaphore_mem>>
        tpu.wait_indirect_dma semaphore(%dma_wait3A_180 : memref<!tpu.dma_semaphore, #tpu.memory_space<semaphore_mem>>) src(%dma_wait3A_172 : memref<64x128xf32, #tpu.memory_space<vmem>>) dst(%dma_wait3A_178 : memref<10112x128xf32, #tpu.memory_space<vmem_shared>>)
      } else {
      }
      %lt3A_149 = arith.cmpi slt, %while3A_94, %select_n3A : i32
      %convert_element_type3A_150 = arith.extui %lt3A_149 : i1 to i32
      %cond3A_151 = arith.constant 0 : i32
      %cond3A_152 = arith.cmpi ne, %convert_element_type3A_150, %cond3A_151 : i32
      scf.if %cond3A_152 {
        %mul3A_170 = arith.constant 16 : i32
        %mul3A_171 = arith.muli %rem3A_122, %mul3A_170 : i32
        %add3A_172 = arith.addi %mul3A_171, %rem3A_120 : i32
        %dma_start3A_173 = arith.constant 0 : i32
        %dma_start3A_174 = tpu.memref_slice %arg9[%mul3A_143, %dma_start3A_173] : memref<320x128xf32, #tpu.memory_space<vmem>> -> memref<64x128xf32, #tpu.memory_space<vmem>>
        %dma_start3A_175 = arith.constant 0 : i32
        %dma_start3A_176 = tpu.memref_slice %arg7[%add3A_172, %dma_start3A_175] : memref<32x64xi32, #tpu.memory_space<vmem>> -> memref<1x64xi32, #tpu.memory_space<vmem>>
        %dma_start3A_177 = tpu.memref_squeeze %dma_start3A_176 : memref<1x64xi32, #tpu.memory_space<vmem>> -> memref<64xi32, #tpu.memory_space<vmem>>
        %dma_start3A_178 = arith.constant 0 : i32
        %dma_start3A_179 = arith.constant 0 : i32
        %dma_start3A_180 = tpu.memref_slice %arg2[%dma_start3A_178, %dma_start3A_179] : memref<10000x128xf32, #tpu.memory_space<hbm>> -> memref<10000x128xf32, #tpu.memory_space<hbm>>
        %dma_start3A_181 = tpu.memref_slice %arg11[%rem3A_141] : memref<5x!tpu.dma_semaphore, #tpu.memory_space<semaphore_mem>> -> memref<1x!tpu.dma_semaphore, #tpu.memory_space<semaphore_mem>>
        %dma_start3A_182 = tpu.memref_squeeze %dma_start3A_181 : memref<1x!tpu.dma_semaphore, #tpu.memory_space<semaphore_mem>> -> memref<!tpu.dma_semaphore, #tpu.memory_space<semaphore_mem>>
        tpu.enqueue_indirect_dma source(%dma_start3A_180 : memref<10000x128xf32, #tpu.memory_space<hbm>>) target(%dma_start3A_174 : memref<64x128xf32, #tpu.memory_space<vmem>>) offsets(%dma_start3A_177 : memref<64xi32, #tpu.memory_space<vmem>>) semaphore(%dma_start3A_182 : memref<!tpu.dma_semaphore, #tpu.memory_space<semaphore_mem>>)
      } else {
      }
      %sub3A_153 = arith.constant 5 : i32
      %sub3A_154 = arith.subi %while3A_94, %sub3A_153 : i32
      %add3A_155 = arith.constant 1 : i32
      %add3A_156 = arith.addi %sub3A_154, %add3A_155 : i32
      %add3A_157 = arith.constant 5 : i32
      %add3A_158 = arith.addi %add3A_156, %add3A_157 : i32
      %rem3A_159 = arith.constant 5 : i32
      %rem3A_160 = arith.remsi %add3A_158, %rem3A_159 : i32
      %mul3A_161 = arith.constant 64 : i32
      %mul3A_162 = arith.muli %rem3A_160, %mul3A_161 : i32
      %ge3A_163 = arith.constant 0 : i32
      %ge3A_164 = arith.cmpi sge, %add3A_156, %ge3A_163 : i32
      %lt3A_165 = arith.cmpi slt, %add3A_156, %select_n3A : i32
      %and3A_166 = arith.andi %ge3A_164, %lt3A_165 : i1
      %convert_element_type3A_167 = arith.extui %and3A_166 : i1 to i32
      %cond3A_168 = arith.constant 0 : i32
      %cond3A_169 = arith.cmpi ne, %convert_element_type3A_167, %cond3A_168 : i32
      scf.if %cond3A_169 {
        %jit3A_170 = arith.constant 16 : i32
        %div3A_171 = arith.divsi %add3A_156, %jit3A_170 : i32
        %sign3A_172 = arith.constant 0 : i32
        %sign3A_173 = arith.cmpi sgt, %add3A_156, %sign3A_172 : i32
        %sign3A_174 = arith.extui %sign3A_173 : i1 to i32
        %sign3A_175 = arith.constant 0 : i32
        %sign3A_176 = arith.cmpi slt, %add3A_156, %sign3A_175 : i32
        %sign3A_177 = arith.extui %sign3A_176 : i1 to i32
        %sign3A_178 = arith.subi %sign3A_174, %sign3A_177 : i32
        %sign3A_179 = arith.constant 0 : i32
        %sign3A_180 = arith.cmpi sgt, %jit3A_170, %sign3A_179 : i32
        %sign3A_181 = arith.extui %sign3A_180 : i1 to i32
        %sign3A_182 = arith.constant 0 : i32
        %sign3A_183 = arith.cmpi slt, %jit3A_170, %sign3A_182 : i32
        %sign3A_184 = arith.extui %sign3A_183 : i1 to i32
        %sign3A_185 = arith.subi %sign3A_181, %sign3A_184 : i32
        %ne3A_186 = arith.cmpi ne, %sign3A_178, %sign3A_185 : i32
        %rem3A_187 = arith.remsi %add3A_156, %jit3A_170 : i32
        %ne3A_188 = arith.constant 0 : i32
        %ne3A_189 = arith.cmpi ne, %rem3A_187, %ne3A_188 : i32
        %and3A_190 = arith.andi %ne3A_186, %ne3A_189 : i1
        %sub3A_191 = arith.constant 1 : i32
        %sub3A_192 = arith.subi %div3A_171, %sub3A_191 : i32
        %select_n3A_193 = arith.select %and3A_190, %sub3A_192, %div3A_171 : i32
        %rem3A_194 = arith.constant 2 : i32
        %rem3A_195 = arith.remsi %select_n3A_193, %rem3A_194 : i32
        %mul3A_196 = arith.constant 16 : i32
        %mul3A_197 = arith.muli %rem3A_195, %mul3A_196 : i32
        %rem3A_198 = arith.constant 16 : i32
        %rem3A_199 = arith.remsi %add3A_156, %rem3A_198 : i32
        %add3A_200 = arith.addi %mul3A_197, %rem3A_199 : i32
        %dma_wait3A_201 = arith.constant 0 : i32
        %dma_wait3A_202 = arith.constant 0 : i32
        %dma_wait3A_203 = tpu.memref_slice %arg9[%mul3A_162, %dma_wait3A_202] : memref<320x128xf32, #tpu.memory_space<vmem>> -> memref<64x128xf32, #tpu.memory_space<vmem>>
        %dma_wait3A_204 = arith.constant 0 : i32
        %dma_wait3A_205 = tpu.memref_slice %arg7[%dma_wait3A_201, %dma_wait3A_204] : memref<32x64xi32, #tpu.memory_space<vmem>> -> memref<1x64xi32, #tpu.memory_space<vmem>>
        %dma_wait3A_206 = tpu.memref_squeeze %dma_wait3A_205 : memref<1x64xi32, #tpu.memory_space<vmem>> -> memref<64xi32, #tpu.memory_space<vmem>>
        %dma_wait3A_207 = arith.constant 0 : i32
        %dma_wait3A_208 = arith.constant 0 : i32
        %dma_wait3A_209 = tpu.memref_slice %arg2[%dma_wait3A_207, %dma_wait3A_208] : memref<10000x128xf32, #tpu.memory_space<hbm>> -> memref<10000x128xf32, #tpu.memory_space<hbm>>
        %dma_wait3A_210 = tpu.memref_slice %arg11[%rem3A_160] : memref<5x!tpu.dma_semaphore, #tpu.memory_space<semaphore_mem>> -> memref<1x!tpu.dma_semaphore, #tpu.memory_space<semaphore_mem>>
        %dma_wait3A_211 = tpu.memref_squeeze %dma_wait3A_210 : memref<1x!tpu.dma_semaphore, #tpu.memory_space<semaphore_mem>> -> memref<!tpu.dma_semaphore, #tpu.memory_space<semaphore_mem>>
        tpu.wait_indirect_dma semaphore(%dma_wait3A_211 : memref<!tpu.dma_semaphore, #tpu.memory_space<semaphore_mem>>) src(%dma_wait3A_209 : memref<10000x128xf32, #tpu.memory_space<hbm>>) dst(%dma_wait3A_203 : memref<64x128xf32, #tpu.memory_space<vmem>>)
        %dma_start3A_212 = arith.constant 0 : i32
        %dma_start3A_213 = tpu.memref_slice %arg9[%mul3A_162, %dma_start3A_212] : memref<320x128xf32, #tpu.memory_space<vmem>> -> memref<64x128xf32, #tpu.memory_space<vmem>>
        %dma_start3A_214 = arith.constant 0 : i32
        %dma_start3A_215 = tpu.memref_slice %arg8[%add3A_200, %dma_start3A_214] : memref<32x64xi32, #tpu.memory_space<vmem>> -> memref<1x64xi32, #tpu.memory_space<vmem>>
        %dma_start3A_216 = tpu.memref_squeeze %dma_start3A_215 : memref<1x64xi32, #tpu.memory_space<vmem>> -> memref<64xi32, #tpu.memory_space<vmem>>
        %dma_start3A_217 = arith.constant 0 : i32
        %dma_start3A_218 = arith.constant 0 : i32
        %dma_start3A_219 = tpu.memref_slice %arg10[%dma_start3A_217, %dma_start3A_218] : memref<10112x128xf32, #tpu.memory_space<vmem_shared>> -> memref<10112x128xf32, #tpu.memory_space<vmem_shared>>
        %dma_start3A_220 = tpu.memref_slice %arg12[%rem3A_160] : memref<5x!tpu.dma_semaphore, #tpu.memory_space<semaphore_mem>> -> memref<1x!tpu.dma_semaphore, #tpu.memory_space<semaphore_mem>>
        %dma_start3A_221 = tpu.memref_squeeze %dma_start3A_220 : memref<1x!tpu.dma_semaphore, #tpu.memory_space<semaphore_mem>> -> memref<!tpu.dma_semaphore, #tpu.memory_space<semaphore_mem>>
        tpu.enqueue_indirect_dma source(%dma_start3A_213 : memref<64x128xf32, #tpu.memory_space<vmem>>) target(%dma_start3A_219 : memref<10112x128xf32, #tpu.memory_space<vmem_shared>>) offsets(%dma_start3A_216 : memref<64xi32, #tpu.memory_space<vmem>>) semaphore(%dma_start3A_221 : memref<!tpu.dma_semaphore, #tpu.memory_space<semaphore_mem>>) {add = true}
      } else {
      }
    }
    %sub3A_73 = arith.constant 1 : i32
    %sub3A_74 = arith.subi %select_n3A, %sub3A_73 : i32
    %rem3A_75 = arith.constant 5 : i32
    %rem3A_76 = arith.remsi %sub3A_74, %rem3A_75 : i32
    %mul3A_77 = arith.constant 64 : i32
    %mul3A_78 = arith.muli %rem3A_76, %mul3A_77 : i32
    %dma_wait3A = arith.constant 0 : i32
    %dma_wait3A_79 = arith.constant 0 : i32
    %dma_wait3A_80 = tpu.memref_slice %arg9[%mul3A_78, %dma_wait3A_79] : memref<320x128xf32, #tpu.memory_space<vmem>> -> memref<64x128xf32, #tpu.memory_space<vmem>>
    %dma_wait3A_81 = arith.constant 0 : i32
    %dma_wait3A_82 = tpu.memref_slice %arg8[%dma_wait3A, %dma_wait3A_81] : memref<32x64xi32, #tpu.memory_space<vmem>> -> memref<1x64xi32, #tpu.memory_space<vmem>>
    %dma_wait3A_83 = tpu.memref_squeeze %dma_wait3A_82 : memref<1x64xi32, #tpu.memory_space<vmem>> -> memref<64xi32, #tpu.memory_space<vmem>>
    %dma_wait3A_84 = arith.constant 0 : i32
    %dma_wait3A_85 = arith.constant 0 : i32
    %dma_wait3A_86 = tpu.memref_slice %arg10[%dma_wait3A_84, %dma_wait3A_85] : memref<10112x128xf32, #tpu.memory_space<vmem_shared>> -> memref<10112x128xf32, #tpu.memory_space<vmem_shared>>
    %dma_wait3A_87 = tpu.memref_slice %arg12[%rem3A_76] : memref<5x!tpu.dma_semaphore, #tpu.memory_space<semaphore_mem>> -> memref<1x!tpu.dma_semaphore, #tpu.memory_space<semaphore_mem>>
    %dma_wait3A_88 = tpu.memref_squeeze %dma_wait3A_87 : memref<1x!tpu.dma_semaphore, #tpu.memory_space<semaphore_mem>> -> memref<!tpu.dma_semaphore, #tpu.memory_space<semaphore_mem>>
    tpu.wait_indirect_dma semaphore(%dma_wait3A_88 : memref<!tpu.dma_semaphore, #tpu.memory_space<semaphore_mem>>) src(%dma_wait3A_80 : memref<64x128xf32, #tpu.memory_space<vmem>>) dst(%dma_wait3A_86 : memref<10112x128xf32, #tpu.memory_space<vmem_shared>>)
    %barrier3A_89 = arith.constant 0 : index
    tpu.barrier barrier_id(%barrier3A_89)
    %mul3A_90 = arith.constant 632 : i32
    %mul3A_91 = arith.muli %arg1, %mul3A_90 : i32
    %mul3A_92 = arith.constant 632 : i32
    %mul3A_93 = arith.muli %arg1, %mul3A_92 : i32
    "tpu.region"() ({
      %run_scoped3A = tpu.sem_alloc : memref<!tpu.dma_semaphore, #tpu.memory_space<semaphore_mem>>
      %dma_start3A_94 = arith.constant 0 : i32
      %dma_start3A_95 = arith.constant 0 : i32
      %dma_start3A_96 = tpu.memref_slice %arg6[%arg0, %dma_start3A_94, %dma_start3A_95] : memref<2x10112x128xf32, #tpu.memory_space<hbm>> -> memref<1x10112x128xf32, #tpu.memory_space<hbm>>
      %dma_start3A_97 = tpu.memref_squeeze %dma_start3A_96 : memref<1x10112x128xf32, #tpu.memory_space<hbm>> -> memref<10112x128xf32, #tpu.memory_space<hbm>>
      %dma_start3A_98 = arith.constant 0 : i32
      %dma_start3A_99 = tpu.memref_slice %dma_start3A_97[%mul3A_93, %dma_start3A_98] : memref<10112x128xf32, #tpu.memory_space<hbm>> -> memref<632x128xf32, #tpu.memory_space<hbm>>
      %dma_start3A_100 = arith.constant 0 : i32
      %dma_start3A_101 = tpu.memref_slice %arg10[%mul3A_91, %dma_start3A_100] : memref<10112x128xf32, #tpu.memory_space<vmem_shared>> -> memref<632x128xf32, #tpu.memory_space<vmem_shared>>
      tpu.enqueue_dma source(%dma_start3A_101 : memref<632x128xf32, #tpu.memory_space<vmem_shared>>) target(%dma_start3A_99 : memref<632x128xf32, #tpu.memory_space<hbm>>) target_semaphore(%run_scoped3A : memref<!tpu.dma_semaphore, #tpu.memory_space<semaphore_mem>>)
      %dma_wait3A_102 = arith.constant 0 : i32
      %dma_wait3A_103 = arith.constant 0 : i32
      %dma_wait3A_104 = tpu.memref_slice %arg6[%arg0, %dma_wait3A_102, %dma_wait3A_103] : memref<2x10112x128xf32, #tpu.memory_space<hbm>> -> memref<1x10112x128xf32, #tpu.memory_space<hbm>>
      %dma_wait3A_105 = tpu.memref_squeeze %dma_wait3A_104 : memref<1x10112x128xf32, #tpu.memory_space<hbm>> -> memref<10112x128xf32, #tpu.memory_space<hbm>>
      %dma_wait3A_106 = arith.constant 0 : i32
      %dma_wait3A_107 = tpu.memref_slice %dma_wait3A_105[%mul3A_93, %dma_wait3A_106] : memref<10112x128xf32, #tpu.memory_space<hbm>> -> memref<632x128xf32, #tpu.memory_space<hbm>>
      %dma_wait3A_108 = arith.constant 0 : i32
      %dma_wait3A_109 = tpu.memref_slice %arg10[%mul3A_91, %dma_wait3A_108] : memref<10112x128xf32, #tpu.memory_space<vmem_shared>> -> memref<632x128xf32, #tpu.memory_space<vmem_shared>>
      tpu.wait_dma2 semaphore(%run_scoped3A : memref<!tpu.dma_semaphore, #tpu.memory_space<semaphore_mem>>) src(%dma_wait3A_109 : memref<632x128xf32, #tpu.memory_space<vmem_shared>>) dst(%dma_wait3A_107 : memref<632x128xf32, #tpu.memory_space<hbm>>)
      tpu.yield
    }) : () -> ()
    return
  }
}

#map = affine_map<(d0, d1) -> (0, 0)>
#map1 = affine_map<(d0, d1) -> (0, 0, 0)>
module attributes {stable_mosaic.version = 14 : i64} {
  func.func @_segsum_body(%arg0: i32, %arg1: i32, %arg2: memref<10000x128xf32, #tpu.memory_space<hbm>>, %arg3: memref<5120x64xi32, #tpu.memory_space<hbm>>, %arg4: memref<5120x64xi32, #tpu.memory_space<hbm>>, %arg5: memref<10112x128xf32, #tpu.memory_space<hbm>>, %arg6: memref<2x10112x128xf32, #tpu.memory_space<hbm>>, %arg7: memref<32x64xi32, #tpu.memory_space<vmem>>, %arg8: memref<32x64xi32, #tpu.memory_space<vmem>>, %arg9: memref<320x128xf32, #tpu.memory_space<vmem>>, %arg10: memref<10112x128xf32, #tpu.memory_space<vmem_shared>>, %arg11: memref<5x!tpu.dma_semaphore, #tpu.memory_space<semaphore_mem>>, %arg12: memref<5x!tpu.dma_semaphore, #tpu.memory_space<semaphore_mem>>, %arg13: memref<2x!tpu.dma_semaphore, #tpu.memory_space<semaphore_mem>>) attributes {dimension_semantics = [#tpu.dimension_semantics<core_parallel>, #tpu.dimension_semantics<subcore_parallel>], iteration_bounds = array<i64: 2, 16>, scalar_prefetch = 0 : i64, scratch_operands = 7 : i64, tpu.core_type = #tpu.core_type<sc_vector_subcore>, window_params = [{transform_indices = #map}, {transform_indices = #map}, {transform_indices = #map}, {transform_indices = #map}, {transform_indices = #map1}]} {
    %eq3A = arith.constant 0 : i32
    %eq3A_0 = arith.cmpi eq, %arg0, %eq3A : i32
    %jit3A = arith.constant 288 : i32
    %jit3A_1 = arith.constant 32 : i32
    %select_n3A = arith.select %eq3A_0, %jit3A, %jit3A_1 : i32
    %eq3A_2 = arith.constant 0 : i32
    %eq3A_3 = arith.cmpi eq, %arg0, %eq3A_2 : i32
    %mul3A = arith.constant 288 : i32
    %mul3A_4 = arith.muli %arg1, %mul3A : i32
    %mul3A_5 = arith.constant 32 : i32
    %mul3A_6 = arith.muli %arg1, %mul3A_5 : i32
    %add3A = arith.constant 4608 : i32
    %add3A_7 = arith.addi %add3A, %mul3A_6 : i32
    %select_n3A_8 = arith.select %eq3A_3, %mul3A_4, %add3A_7 : i32
    %jit3A_9 = arith.constant 16 : i32
    %div3A = arith.divsi %select_n3A, %jit3A_9 : i32
    %sign3A = arith.constant 0 : i32
    %sign3A_10 = arith.cmpi sgt, %select_n3A, %sign3A : i32
    %sign3A_11 = arith.extui %sign3A_10 : i1 to i32
    %sign3A_12 = arith.constant 0 : i32
    %sign3A_13 = arith.cmpi slt, %select_n3A, %sign3A_12 : i32
    %sign3A_14 = arith.extui %sign3A_13 : i1 to i32
    %sign3A_15 = arith.subi %sign3A_11, %sign3A_14 : i32
    %sign3A_16 = arith.constant 0 : i32
    %sign3A_17 = arith.cmpi sgt, %jit3A_9, %sign3A_16 : i32
    %sign3A_18 = arith.extui %sign3A_17 : i1 to i32
    %sign3A_19 = arith.constant 0 : i32
    %sign3A_20 = arith.cmpi slt, %jit3A_9, %sign3A_19 : i32
    %sign3A_21 = arith.extui %sign3A_20 : i1 to i32
    %sign3A_22 = arith.subi %sign3A_18, %sign3A_21 : i32
    %ne3A = arith.cmpi ne, %sign3A_15, %sign3A_22 : i32
    %rem3A = arith.remsi %select_n3A, %jit3A_9 : i32
    %ne3A_23 = arith.constant 0 : i32
    %ne3A_24 = arith.cmpi ne, %rem3A, %ne3A_23 : i32
    %and3A = arith.andi %ne3A, %ne3A_24 : i1
    %sub3A = arith.constant 1 : i32
    %sub3A_25 = arith.subi %div3A, %sub3A : i32
    %select_n3A_26 = arith.select %and3A, %sub3A_25, %div3A : i32
    %mul3A_27 = arith.constant 632 : i32
    %mul3A_28 = arith.muli %arg1, %mul3A_27 : i32
    %mul3A_29 = arith.constant 632 : i32
    %mul3A_30 = arith.muli %arg1, %mul3A_29 : i32
    "tpu.region"() ({
      %run_scoped3A = tpu.sem_alloc : memref<!tpu.dma_semaphore, #tpu.memory_space<semaphore_mem>>
      %dma_start3A_94 = arith.constant 0 : i32
      %dma_start3A_95 = tpu.memref_slice %arg10[%mul3A_30, %dma_start3A_94] : memref<10112x128xf32, #tpu.memory_space<vmem_shared>> -> memref<632x128xf32, #tpu.memory_space<vmem_shared>>
      %dma_start3A_96 = arith.constant 0 : i32
      %dma_start3A_97 = tpu.memref_slice %arg5[%mul3A_28, %dma_start3A_96] : memref<10112x128xf32, #tpu.memory_space<hbm>> -> memref<632x128xf32, #tpu.memory_space<hbm>>
      tpu.enqueue_dma source(%dma_start3A_97 : memref<632x128xf32, #tpu.memory_space<hbm>>) target(%dma_start3A_95 : memref<632x128xf32, #tpu.memory_space<vmem_shared>>) target_semaphore(%run_scoped3A : memref<!tpu.dma_semaphore, #tpu.memory_space<semaphore_mem>>)
      %dma_wait3A_98 = arith.constant 0 : i32
      %dma_wait3A_99 = tpu.memref_slice %arg10[%mul3A_30, %dma_wait3A_98] : memref<10112x128xf32, #tpu.memory_space<vmem_shared>> -> memref<632x128xf32, #tpu.memory_space<vmem_shared>>
      %dma_wait3A_100 = arith.constant 0 : i32
      %dma_wait3A_101 = tpu.memref_slice %arg5[%mul3A_28, %dma_wait3A_100] : memref<10112x128xf32, #tpu.memory_space<hbm>> -> memref<632x128xf32, #tpu.memory_space<hbm>>
      tpu.wait_dma2 semaphore(%run_scoped3A : memref<!tpu.dma_semaphore, #tpu.memory_space<semaphore_mem>>) src(%dma_wait3A_101 : memref<632x128xf32, #tpu.memory_space<hbm>>) dst(%dma_wait3A_99 : memref<632x128xf32, #tpu.memory_space<vmem_shared>>)
      tpu.yield
    }) : () -> ()
    "tpu.region"() ({
      %run_scoped3A = tpu.sem_alloc : memref<!tpu.dma_semaphore, #tpu.memory_space<semaphore_mem>>
      %dma_start3A_94 = arith.constant 0 : i32
      %dma_start3A_95 = arith.constant 0 : i32
      %dma_start3A_96 = tpu.memref_slice %arg7[%dma_start3A_94, %dma_start3A_95] : memref<32x64xi32, #tpu.memory_space<vmem>> -> memref<16x64xi32, #tpu.memory_space<vmem>>
      %dma_start3A_97 = arith.constant 0 : i32
      %dma_start3A_98 = tpu.memref_slice %arg3[%select_n3A_8, %dma_start3A_97] : memref<5120x64xi32, #tpu.memory_space<hbm>> -> memref<16x64xi32, #tpu.memory_space<hbm>>
      %dma_start3A_99 = arith.constant 0 : i32
      %dma_start3A_100 = arith.constant 0 : i32
      %dma_start3A_101 = tpu.memref_slice %arg7[%dma_start3A_99, %dma_start3A_100] : memref<32x64xi32, #tpu.memory_space<vmem>> -> memref<16x64xi32, #tpu.memory_space<vmem>>
      %dma_start3A_102 = arith.constant 0 : i32
      %dma_start3A_103 = tpu.memref_slice %arg3[%select_n3A_8, %dma_start3A_102] : memref<5120x64xi32, #tpu.memory_space<hbm>> -> memref<16x64xi32, #tpu.memory_space<hbm>>
      tpu.enqueue_dma source(%dma_start3A_103 : memref<16x64xi32, #tpu.memory_space<hbm>>) target(%dma_start3A_101 : memref<16x64xi32, #tpu.memory_space<vmem>>) target_semaphore(%run_scoped3A : memref<!tpu.dma_semaphore, #tpu.memory_space<semaphore_mem>>)
      %dma_wait3A_104 = arith.constant 0 : i32
      %dma_wait3A_105 = arith.constant 0 : i32
      %dma_wait3A_106 = tpu.memref_slice %arg7[%dma_wait3A_104, %dma_wait3A_105] : memref<32x64xi32, #tpu.memory_space<vmem>> -> memref<16x64xi32, #tpu.memory_space<vmem>>
      %dma_wait3A_107 = arith.constant 0 : i32
      %dma_wait3A_108 = tpu.memref_slice %arg3[%select_n3A_8, %dma_wait3A_107] : memref<5120x64xi32, #tpu.memory_space<hbm>> -> memref<16x64xi32, #tpu.memory_space<hbm>>
      %dma_wait3A_109 = arith.constant 0 : i32
      %dma_wait3A_110 = arith.constant 0 : i32
      %dma_wait3A_111 = tpu.memref_slice %arg7[%dma_wait3A_109, %dma_wait3A_110] : memref<32x64xi32, #tpu.memory_space<vmem>> -> memref<16x64xi32, #tpu.memory_space<vmem>>
      %dma_wait3A_112 = arith.constant 0 : i32
      %dma_wait3A_113 = tpu.memref_slice %arg3[%select_n3A_8, %dma_wait3A_112] : memref<5120x64xi32, #tpu.memory_space<hbm>> -> memref<16x64xi32, #tpu.memory_space<hbm>>
      tpu.wait_dma2 semaphore(%run_scoped3A : memref<!tpu.dma_semaphore, #tpu.memory_space<semaphore_mem>>) src(%dma_wait3A_113 : memref<16x64xi32, #tpu.memory_space<hbm>>) dst(%dma_wait3A_111 : memref<16x64xi32, #tpu.memory_space<vmem>>)
      tpu.yield
    }) : () -> ()
    "tpu.region"() ({
      %run_scoped3A = tpu.sem_alloc : memref<!tpu.dma_semaphore, #tpu.memory_space<semaphore_mem>>
      %dma_start3A_94 = arith.constant 0 : i32
      %dma_start3A_95 = arith.constant 0 : i32
      %dma_start3A_96 = tpu.memref_slice %arg8[%dma_start3A_94, %dma_start3A_95] : memref<32x64xi32, #tpu.memory_space<vmem>> -> memref<16x64xi32, #tpu.memory_space<vmem>>
      %dma_start3A_97 = arith.constant 0 : i32
      %dma_start3A_98 = tpu.memref_slice %arg4[%select_n3A_8, %dma_start3A_97] : memref<5120x64xi32, #tpu.memory_space<hbm>> -> memref<16x64xi32, #tpu.memory_space<hbm>>
      %dma_start3A_99 = arith.constant 0 : i32
      %dma_start3A_100 = arith.constant 0 : i32
      %dma_start3A_101 = tpu.memref_slice %arg8[%dma_start3A_99, %dma_start3A_100] : memref<32x64xi32, #tpu.memory_space<vmem>> -> memref<16x64xi32, #tpu.memory_space<vmem>>
      %dma_start3A_102 = arith.constant 0 : i32
      %dma_start3A_103 = tpu.memref_slice %arg4[%select_n3A_8, %dma_start3A_102] : memref<5120x64xi32, #tpu.memory_space<hbm>> -> memref<16x64xi32, #tpu.memory_space<hbm>>
      tpu.enqueue_dma source(%dma_start3A_103 : memref<16x64xi32, #tpu.memory_space<hbm>>) target(%dma_start3A_101 : memref<16x64xi32, #tpu.memory_space<vmem>>) target_semaphore(%run_scoped3A : memref<!tpu.dma_semaphore, #tpu.memory_space<semaphore_mem>>)
      %dma_wait3A_104 = arith.constant 0 : i32
      %dma_wait3A_105 = arith.constant 0 : i32
      %dma_wait3A_106 = tpu.memref_slice %arg8[%dma_wait3A_104, %dma_wait3A_105] : memref<32x64xi32, #tpu.memory_space<vmem>> -> memref<16x64xi32, #tpu.memory_space<vmem>>
      %dma_wait3A_107 = arith.constant 0 : i32
      %dma_wait3A_108 = tpu.memref_slice %arg4[%select_n3A_8, %dma_wait3A_107] : memref<5120x64xi32, #tpu.memory_space<hbm>> -> memref<16x64xi32, #tpu.memory_space<hbm>>
      %dma_wait3A_109 = arith.constant 0 : i32
      %dma_wait3A_110 = arith.constant 0 : i32
      %dma_wait3A_111 = tpu.memref_slice %arg8[%dma_wait3A_109, %dma_wait3A_110] : memref<32x64xi32, #tpu.memory_space<vmem>> -> memref<16x64xi32, #tpu.memory_space<vmem>>
      %dma_wait3A_112 = arith.constant 0 : i32
      %dma_wait3A_113 = tpu.memref_slice %arg4[%select_n3A_8, %dma_wait3A_112] : memref<5120x64xi32, #tpu.memory_space<hbm>> -> memref<16x64xi32, #tpu.memory_space<hbm>>
      tpu.wait_dma2 semaphore(%run_scoped3A : memref<!tpu.dma_semaphore, #tpu.memory_space<semaphore_mem>>) src(%dma_wait3A_113 : memref<16x64xi32, #tpu.memory_space<hbm>>) dst(%dma_wait3A_111 : memref<16x64xi32, #tpu.memory_space<vmem>>)
      tpu.yield
    }) : () -> ()
    %add3A_31 = arith.constant 16 : i32
    %add3A_32 = arith.addi %select_n3A_8, %add3A_31 : i32
    %dma_start3A = arith.constant 1 : i32
    %dma_start3A_33 = arith.constant 16 : i32
    %dma_start3A_34 = arith.constant 0 : i32
    %dma_start3A_35 = tpu.memref_slice %arg7[%dma_start3A_33, %dma_start3A_34] : memref<32x64xi32, #tpu.memory_space<vmem>> -> memref<16x64xi32, #tpu.memory_space<vmem>>
    %dma_start3A_36 = arith.constant 0 : i32
    %dma_start3A_37 = tpu.memref_slice %arg3[%add3A_32, %dma_start3A_36] : memref<5120x64xi32, #tpu.memory_space<hbm>> -> memref<16x64xi32, #tpu.memory_space<hbm>>
    %dma_start3A_38 = tpu.memref_slice %arg13[%dma_start3A] : memref<2x!tpu.dma_semaphore, #tpu.memory_space<semaphore_mem>> -> memref<1x!tpu.dma_semaphore, #tpu.memory_space<semaphore_mem>>
    %dma_start3A_39 = tpu.memref_squeeze %dma_start3A_38 : memref<1x!tpu.dma_semaphore, #tpu.memory_space<semaphore_mem>> -> memref<!tpu.dma_semaphore, #tpu.memory_space<semaphore_mem>>
    %dma_start3A_40 = arith.constant 16 : i32
    %dma_start3A_41 = arith.constant 0 : i32
    %dma_start3A_42 = tpu.memref_slice %arg7[%dma_start3A_40, %dma_start3A_41] : memref<32x64xi32, #tpu.memory_space<vmem>> -> memref<16x64xi32, #tpu.memory_space<vmem>>
    %dma_start3A_43 = arith.constant 0 : i32
    %dma_start3A_44 = tpu.memref_slice %arg3[%add3A_32, %dma_start3A_43] : memref<5120x64xi32, #tpu.memory_space<hbm>> -> memref<16x64xi32, #tpu.memory_space<hbm>>
    tpu.enqueue_dma source(%dma_start3A_44 : memref<16x64xi32, #tpu.memory_space<hbm>>) target(%dma_start3A_42 : memref<16x64xi32, #tpu.memory_space<vmem>>) target_semaphore(%dma_start3A_39 : memref<!tpu.dma_semaphore, #tpu.memory_space<semaphore_mem>>)
    %add3A_45 = arith.constant 16 : i32
    %add3A_46 = arith.addi %select_n3A_8, %add3A_45 : i32
    %dma_start3A_47 = arith.constant 1 : i32
    %dma_start3A_48 = arith.constant 16 : i32
    %dma_start3A_49 = arith.constant 0 : i32
    %dma_start3A_50 = tpu.memref_slice %arg8[%dma_start3A_48, %dma_start3A_49] : memref<32x64xi32, #tpu.memory_space<vmem>> -> memref<16x64xi32, #tpu.memory_space<vmem>>
    %dma_start3A_51 = arith.constant 0 : i32
    %dma_start3A_52 = tpu.memref_slice %arg4[%add3A_46, %dma_start3A_51] : memref<5120x64xi32, #tpu.memory_space<hbm>> -> memref<16x64xi32, #tpu.memory_space<hbm>>
    %dma_start3A_53 = tpu.memref_slice %arg13[%dma_start3A_47] : memref<2x!tpu.dma_semaphore, #tpu.memory_space<semaphore_mem>> -> memref<1x!tpu.dma_semaphore, #tpu.memory_space<semaphore_mem>>
    %dma_start3A_54 = tpu.memref_squeeze %dma_start3A_53 : memref<1x!tpu.dma_semaphore, #tpu.memory_space<semaphore_mem>> -> memref<!tpu.dma_semaphore, #tpu.memory_space<semaphore_mem>>
    %dma_start3A_55 = arith.constant 16 : i32
    %dma_start3A_56 = arith.constant 0 : i32
    %dma_start3A_57 = tpu.memref_slice %arg8[%dma_start3A_55, %dma_start3A_56] : memref<32x64xi32, #tpu.memory_space<vmem>> -> memref<16x64xi32, #tpu.memory_space<vmem>>
    %dma_start3A_58 = arith.constant 0 : i32
    %dma_start3A_59 = tpu.memref_slice %arg4[%add3A_46, %dma_start3A_58] : memref<5120x64xi32, #tpu.memory_space<hbm>> -> memref<16x64xi32, #tpu.memory_space<hbm>>
    tpu.enqueue_dma source(%dma_start3A_59 : memref<16x64xi32, #tpu.memory_space<hbm>>) target(%dma_start3A_57 : memref<16x64xi32, #tpu.memory_space<vmem>>) target_semaphore(%dma_start3A_54 : memref<!tpu.dma_semaphore, #tpu.memory_space<semaphore_mem>>)
    %barrier3A = arith.constant 0 : index
    tpu.barrier barrier_id(%barrier3A)
    %add3A_60 = arith.constant 5 : i32
    %add3A_61 = arith.addi %select_n3A, %add3A_60 : i32
    %sub3A_62 = arith.constant 1 : i32
    %sub3A_63 = arith.subi %add3A_61, %sub3A_62 : i32
    %while3A = arith.constant 0 : i32
    %while3A_64 = arith.constant 0 : i32
    %while3A_65 = arith.subi %sub3A_63, %while3A_64 : i32
    %while3A_66 = arith.addi %while3A_64, %while3A_65 : i32
    %while3A_67 = arith.constant 1 : i32
    %while3A_68 = arith.divsi %while3A_65, %while3A_67 : i32
    %while3A_69 = arith.muli %while3A_68, %while3A_67 : i32
    %while3A_70 = arith.addi %while3A_64, %while3A_69 : i32
    %while3A_71 = arith.constant 1 : i32
    scf.for %while3A_94 = %while3A_64 to %while3A_70 step %while3A_71  : i32 {
      %jit3A_95 = arith.constant 16 : i32
      %div3A_96 = arith.divsi %while3A_94, %jit3A_95 : i32
      %sign3A_97 = arith.constant 0 : i32
      %sign3A_98 = arith.cmpi sgt, %while3A_94, %sign3A_97 : i32
      %sign3A_99 = arith.extui %sign3A_98 : i1 to i32
      %sign3A_100 = arith.constant 0 : i32
      %sign3A_101 = arith.cmpi slt, %while3A_94, %sign3A_100 : i32
      %sign3A_102 = arith.extui %sign3A_101 : i1 to i32
      %sign3A_103 = arith.subi %sign3A_99, %sign3A_102 : i32
      %sign3A_104 = arith.constant 0 : i32
      %sign3A_105 = arith.cmpi sgt, %jit3A_95, %sign3A_104 : i32
      %sign3A_106 = arith.extui %sign3A_105 : i1 to i32
      %sign3A_107 = arith.constant 0 : i32
      %sign3A_108 = arith.cmpi slt, %jit3A_95, %sign3A_107 : i32
      %sign3A_109 = arith.extui %sign3A_108 : i1 to i32
      %sign3A_110 = arith.subi %sign3A_106, %sign3A_109 : i32
      %ne3A_111 = arith.cmpi ne, %sign3A_103, %sign3A_110 : i32
      %rem3A_112 = arith.remsi %while3A_94, %jit3A_95 : i32
      %ne3A_113 = arith.constant 0 : i32
      %ne3A_114 = arith.cmpi ne, %rem3A_112, %ne3A_113 : i32
      %and3A_115 = arith.andi %ne3A_111, %ne3A_114 : i1
      %sub3A_116 = arith.constant 1 : i32
      %sub3A_117 = arith.subi %div3A_96, %sub3A_116 : i32
      %select_n3A_118 = arith.select %and3A_115, %sub3A_117, %div3A_96 : i32
      %rem3A_119 = arith.constant 16 : i32
      %rem3A_120 = arith.remsi %while3A_94, %rem3A_119 : i32
      %rem3A_121 = arith.constant 2 : i32
      %rem3A_122 = arith.remsi %select_n3A_118, %rem3A_121 : i32
      %eq3A_123 = arith.constant 0 : i32
      %eq3A_124 = arith.cmpi eq, %rem3A_120, %eq3A_123 : i32
      %gt3A = arith.constant 0 : i32
      %gt3A_125 = arith.cmpi sgt, %while3A_94, %gt3A : i32
      %lt3A = arith.cmpi slt, %while3A_94, %select_n3A : i32
      %and3A_126 = arith.andi %gt3A_125, %lt3A : i1
      %and3A_127 = arith.andi %eq3A_124, %and3A_126 : i1
      %convert_element_type3A = arith.extui %and3A_127 : i1 to i32
      %cond3A = arith.constant 0 : i32
      %cond3A_128 = arith.cmpi ne, %convert_element_type3A, %cond3A : i32
      scf.if %cond3A_128 {
        %dma_wait3A_170 = arith.constant 0 : i32
        %dma_wait3A_171 = arith.constant 0 : i32
        %dma_wait3A_172 = tpu.memref_slice %arg7[%dma_wait3A_170, %dma_wait3A_171] : memref<32x64xi32, #tpu.memory_space<vmem>> -> memref<16x64xi32, #tpu.memory_space<vmem>>
        %dma_wait3A_173 = arith.constant 0 : i32
        %dma_wait3A_174 = tpu.memref_slice %arg3[%select_n3A_8, %dma_wait3A_173] : memref<5120x64xi32, #tpu.memory_space<hbm>> -> memref<16x64xi32, #tpu.memory_space<hbm>>
        %dma_wait3A_175 = tpu.memref_slice %arg13[%rem3A_122] : memref<2x!tpu.dma_semaphore, #tpu.memory_space<semaphore_mem>> -> memref<1x!tpu.dma_semaphore, #tpu.memory_space<semaphore_mem>>
        %dma_wait3A_176 = tpu.memref_squeeze %dma_wait3A_175 : memref<1x!tpu.dma_semaphore, #tpu.memory_space<semaphore_mem>> -> memref<!tpu.dma_semaphore, #tpu.memory_space<semaphore_mem>>
        %dma_wait3A_177 = arith.constant 0 : i32
        %dma_wait3A_178 = arith.constant 0 : i32
        %dma_wait3A_179 = tpu.memref_slice %arg7[%dma_wait3A_177, %dma_wait3A_178] : memref<32x64xi32, #tpu.memory_space<vmem>> -> memref<16x64xi32, #tpu.memory_space<vmem>>
        %dma_wait3A_180 = arith.constant 0 : i32
        %dma_wait3A_181 = tpu.memref_slice %arg3[%select_n3A_8, %dma_wait3A_180] : memref<5120x64xi32, #tpu.memory_space<hbm>> -> memref<16x64xi32, #tpu.memory_space<hbm>>
        tpu.wait_dma2 semaphore(%dma_wait3A_176 : memref<!tpu.dma_semaphore, #tpu.memory_space<semaphore_mem>>) src(%dma_wait3A_181 : memref<16x64xi32, #tpu.memory_space<hbm>>) dst(%dma_wait3A_179 : memref<16x64xi32, #tpu.memory_space<vmem>>)
        %dma_wait3A_182 = arith.constant 0 : i32
        %dma_wait3A_183 = arith.constant 0 : i32
        %dma_wait3A_184 = tpu.memref_slice %arg7[%dma_wait3A_182, %dma_wait3A_183] : memref<32x64xi32, #tpu.memory_space<vmem>> -> memref<16x64xi32, #tpu.memory_space<vmem>>
        %dma_wait3A_185 = arith.constant 0 : i32
        %dma_wait3A_186 = tpu.memref_slice %arg3[%select_n3A_8, %dma_wait3A_185] : memref<5120x64xi32, #tpu.memory_space<hbm>> -> memref<16x64xi32, #tpu.memory_space<hbm>>
        %dma_wait3A_187 = tpu.memref_slice %arg13[%rem3A_122] : memref<2x!tpu.dma_semaphore, #tpu.memory_space<semaphore_mem>> -> memref<1x!tpu.dma_semaphore, #tpu.memory_space<semaphore_mem>>
        %dma_wait3A_188 = tpu.memref_squeeze %dma_wait3A_187 : memref<1x!tpu.dma_semaphore, #tpu.memory_space<semaphore_mem>> -> memref<!tpu.dma_semaphore, #tpu.memory_space<semaphore_mem>>
        %dma_wait3A_189 = arith.constant 0 : i32
        %dma_wait3A_190 = arith.constant 0 : i32
        %dma_wait3A_191 = tpu.memref_slice %arg7[%dma_wait3A_189, %dma_wait3A_190] : memref<32x64xi32, #tpu.memory_space<vmem>> -> memref<16x64xi32, #tpu.memory_space<vmem>>
        %dma_wait3A_192 = arith.constant 0 : i32
        %dma_wait3A_193 = tpu.memref_slice %arg3[%select_n3A_8, %dma_wait3A_192] : memref<5120x64xi32, #tpu.memory_space<hbm>> -> memref<16x64xi32, #tpu.memory_space<hbm>>
        tpu.wait_dma2 semaphore(%dma_wait3A_188 : memref<!tpu.dma_semaphore, #tpu.memory_space<semaphore_mem>>) src(%dma_wait3A_193 : memref<16x64xi32, #tpu.memory_space<hbm>>) dst(%dma_wait3A_191 : memref<16x64xi32, #tpu.memory_space<vmem>>)
      } else {
      }
      %eq3A_129 = arith.constant 5 : i32
      %eq3A_130 = arith.cmpi eq, %rem3A_120, %eq3A_129 : i32
      %ge3A = arith.constant 1 : i32
      %ge3A_131 = arith.cmpi sge, %select_n3A_118, %ge3A : i32
      %add3A_132 = arith.constant 1 : i32
      %add3A_133 = arith.addi %select_n3A_118, %add3A_132 : i32
      %lt3A_134 = arith.cmpi slt, %add3A_133, %select_n3A_26 : i32
      %and3A_135 = arith.andi %ge3A_131, %lt3A_134 : i1
      %and3A_136 = arith.andi %eq3A_130, %and3A_135 : i1
      %convert_element_type3A_137 = arith.extui %and3A_136 : i1 to i32
      %cond3A_138 = arith.constant 0 : i32
      %cond3A_139 = arith.cmpi ne, %convert_element_type3A_137, %cond3A_138 : i32
      scf.if %cond3A_139 {
        %add3A_170 = arith.constant 1 : i32
        %add3A_171 = arith.addi %select_n3A_118, %add3A_170 : i32
        %rem3A_172 = arith.constant 2 : i32
        %rem3A_173 = arith.remsi %add3A_171, %rem3A_172 : i32
        %mul3A_174 = arith.constant 16 : i32
        %mul3A_175 = arith.muli %add3A_171, %mul3A_174 : i32
        %add3A_176 = arith.addi %select_n3A_8, %mul3A_175 : i32
        %mul3A_177 = arith.constant 16 : i32
        %mul3A_178 = arith.muli %rem3A_173, %mul3A_177 : i32
        %dma_start3A_179 = arith.constant 0 : i32
        %dma_start3A_180 = tpu.memref_slice %arg7[%mul3A_178, %dma_start3A_179] : memref<32x64xi32, #tpu.memory_space<vmem>> -> memref<16x64xi32, #tpu.memory_space<vmem>>
        %dma_start3A_181 = arith.constant 0 : i32
        %dma_start3A_182 = tpu.memref_slice %arg3[%add3A_176, %dma_start3A_181] : memref<5120x64xi32, #tpu.memory_space<hbm>> -> memref<16x64xi32, #tpu.memory_space<hbm>>
        %dma_start3A_183 = tpu.memref_slice %arg13[%rem3A_173] : memref<2x!tpu.dma_semaphore, #tpu.memory_space<semaphore_mem>> -> memref<1x!tpu.dma_semaphore, #tpu.memory_space<semaphore_mem>>
        %dma_start3A_184 = tpu.memref_squeeze %dma_start3A_183 : memref<1x!tpu.dma_semaphore, #tpu.memory_space<semaphore_mem>> -> memref<!tpu.dma_semaphore, #tpu.memory_space<semaphore_mem>>
        %dma_start3A_185 = arith.constant 0 : i32
        %dma_start3A_186 = tpu.memref_slice %arg7[%mul3A_178, %dma_start3A_185] : memref<32x64xi32, #tpu.memory_space<vmem>> -> memref<16x64xi32, #tpu.memory_space<vmem>>
        %dma_start3A_187 = arith.constant 0 : i32
        %dma_start3A_188 = tpu.memref_slice %arg3[%add3A_176, %dma_start3A_187] : memref<5120x64xi32, #tpu.memory_space<hbm>> -> memref<16x64xi32, #tpu.memory_space<hbm>>
        tpu.enqueue_dma source(%dma_start3A_188 : memref<16x64xi32, #tpu.memory_space<hbm>>) target(%dma_start3A_186 : memref<16x64xi32, #tpu.memory_space<vmem>>) target_semaphore(%dma_start3A_184 : memref<!tpu.dma_semaphore, #tpu.memory_space<semaphore_mem>>)
        %mul3A_189 = arith.constant 16 : i32
        %mul3A_190 = arith.muli %add3A_171, %mul3A_189 : i32
        %add3A_191 = arith.addi %select_n3A_8, %mul3A_190 : i32
        %mul3A_192 = arith.constant 16 : i32
        %mul3A_193 = arith.muli %rem3A_173, %mul3A_192 : i32
        %dma_start3A_194 = arith.constant 0 : i32
        %dma_start3A_195 = tpu.memref_slice %arg8[%mul3A_193, %dma_start3A_194] : memref<32x64xi32, #tpu.memory_space<vmem>> -> memref<16x64xi32, #tpu.memory_space<vmem>>
        %dma_start3A_196 = arith.constant 0 : i32
        %dma_start3A_197 = tpu.memref_slice %arg4[%add3A_191, %dma_start3A_196] : memref<5120x64xi32, #tpu.memory_space<hbm>> -> memref<16x64xi32, #tpu.memory_space<hbm>>
        %dma_start3A_198 = tpu.memref_slice %arg13[%rem3A_173] : memref<2x!tpu.dma_semaphore, #tpu.memory_space<semaphore_mem>> -> memref<1x!tpu.dma_semaphore, #tpu.memory_space<semaphore_mem>>
        %dma_start3A_199 = tpu.memref_squeeze %dma_start3A_198 : memref<1x!tpu.dma_semaphore, #tpu.memory_space<semaphore_mem>> -> memref<!tpu.dma_semaphore, #tpu.memory_space<semaphore_mem>>
        %dma_start3A_200 = arith.constant 0 : i32
        %dma_start3A_201 = tpu.memref_slice %arg8[%mul3A_193, %dma_start3A_200] : memref<32x64xi32, #tpu.memory_space<vmem>> -> memref<16x64xi32, #tpu.memory_space<vmem>>
        %dma_start3A_202 = arith.constant 0 : i32
        %dma_start3A_203 = tpu.memref_slice %arg4[%add3A_191, %dma_start3A_202] : memref<5120x64xi32, #tpu.memory_space<hbm>> -> memref<16x64xi32, #tpu.memory_space<hbm>>
        tpu.enqueue_dma source(%dma_start3A_203 : memref<16x64xi32, #tpu.memory_space<hbm>>) target(%dma_start3A_201 : memref<16x64xi32, #tpu.memory_space<vmem>>) target_semaphore(%dma_start3A_199 : memref<!tpu.dma_semaphore, #tpu.memory_space<semaphore_mem>>)
      } else {
      }
      %rem3A_140 = arith.constant 5 : i32
      %rem3A_141 = arith.remsi %while3A_94, %rem3A_140 : i32
      %mul3A_142 = arith.constant 64 : i32
      %mul3A_143 = arith.muli %rem3A_141, %mul3A_142 : i32
      %ge3A_144 = arith.constant 5 : i32
      %ge3A_145 = arith.cmpi sge, %while3A_94, %ge3A_144 : i32
      %convert_element_type3A_146 = arith.extui %ge3A_145 : i1 to i32
      %cond3A_147 = arith.constant 0 : i32
      %cond3A_148 = arith.cmpi ne, %convert_element_type3A_146, %cond3A_147 : i32
      scf.if %cond3A_148 {
        %dma_wait3A_170 = arith.constant 0 : i32
        %dma_wait3A_171 = arith.constant 0 : i32
        %dma_wait3A_172 = tpu.memref_slice %arg9[%mul3A_143, %dma_wait3A_171] : memref<320x128xf32, #tpu.memory_space<vmem>> -> memref<64x128xf32, #tpu.memory_space<vmem>>
        %dma_wait3A_173 = arith.constant 0 : i32
        %dma_wait3A_174 = tpu.memref_slice %arg8[%dma_wait3A_170, %dma_wait3A_173] : memref<32x64xi32, #tpu.memory_space<vmem>> -> memref<1x64xi32, #tpu.memory_space<vmem>>
        %dma_wait3A_175 = tpu.memref_squeeze %dma_wait3A_174 : memref<1x64xi32, #tpu.memory_space<vmem>> -> memref<64xi32, #tpu.memory_space<vmem>>
        %dma_wait3A_176 = arith.constant 0 : i32
        %dma_wait3A_177 = arith.constant 0 : i32
        %dma_wait3A_178 = tpu.memref_slice %arg10[%dma_wait3A_176, %dma_wait3A_177] : memref<10112x128xf32, #tpu.memory_space<vmem_shared>> -> memref<10112x128xf32, #tpu.memory_space<vmem_shared>>
        %dma_wait3A_179 = tpu.memref_slice %arg12[%rem3A_141] : memref<5x!tpu.dma_semaphore, #tpu.memory_space<semaphore_mem>> -> memref<1x!tpu.dma_semaphore, #tpu.memory_space<semaphore_mem>>
        %dma_wait3A_180 = tpu.memref_squeeze %dma_wait3A_179 : memref<1x!tpu.dma_semaphore, #tpu.memory_space<semaphore_mem>> -> memref<!tpu.dma_semaphore, #tpu.memory_space<semaphore_mem>>
        tpu.wait_indirect_dma semaphore(%dma_wait3A_180 : memref<!tpu.dma_semaphore, #tpu.memory_space<semaphore_mem>>) src(%dma_wait3A_172 : memref<64x128xf32, #tpu.memory_space<vmem>>) dst(%dma_wait3A_178 : memref<10112x128xf32, #tpu.memory_space<vmem_shared>>)
      } else {
      }
      %lt3A_149 = arith.cmpi slt, %while3A_94, %select_n3A : i32
      %convert_element_type3A_150 = arith.extui %lt3A_149 : i1 to i32
      %cond3A_151 = arith.constant 0 : i32
      %cond3A_152 = arith.cmpi ne, %convert_element_type3A_150, %cond3A_151 : i32
      scf.if %cond3A_152 {
        %mul3A_170 = arith.constant 16 : i32
        %mul3A_171 = arith.muli %rem3A_122, %mul3A_170 : i32
        %add3A_172 = arith.addi %mul3A_171, %rem3A_120 : i32
        %dma_start3A_173 = arith.constant 0 : i32
        %dma_start3A_174 = tpu.memref_slice %arg9[%mul3A_143, %dma_start3A_173] : memref<320x128xf32, #tpu.memory_space<vmem>> -> memref<64x128xf32, #tpu.memory_space<vmem>>
        %dma_start3A_175 = arith.constant 0 : i32
        %dma_start3A_176 = tpu.memref_slice %arg7[%add3A_172, %dma_start3A_175] : memref<32x64xi32, #tpu.memory_space<vmem>> -> memref<1x64xi32, #tpu.memory_space<vmem>>
        %dma_start3A_177 = tpu.memref_squeeze %dma_start3A_176 : memref<1x64xi32, #tpu.memory_space<vmem>> -> memref<64xi32, #tpu.memory_space<vmem>>
        %dma_start3A_178 = arith.constant 0 : i32
        %dma_start3A_179 = arith.constant 0 : i32
        %dma_start3A_180 = tpu.memref_slice %arg2[%dma_start3A_178, %dma_start3A_179] : memref<10000x128xf32, #tpu.memory_space<hbm>> -> memref<10000x128xf32, #tpu.memory_space<hbm>>
        %dma_start3A_181 = tpu.memref_slice %arg11[%rem3A_141] : memref<5x!tpu.dma_semaphore, #tpu.memory_space<semaphore_mem>> -> memref<1x!tpu.dma_semaphore, #tpu.memory_space<semaphore_mem>>
        %dma_start3A_182 = tpu.memref_squeeze %dma_start3A_181 : memref<1x!tpu.dma_semaphore, #tpu.memory_space<semaphore_mem>> -> memref<!tpu.dma_semaphore, #tpu.memory_space<semaphore_mem>>
        tpu.enqueue_indirect_dma source(%dma_start3A_180 : memref<10000x128xf32, #tpu.memory_space<hbm>>) target(%dma_start3A_174 : memref<64x128xf32, #tpu.memory_space<vmem>>) offsets(%dma_start3A_177 : memref<64xi32, #tpu.memory_space<vmem>>) semaphore(%dma_start3A_182 : memref<!tpu.dma_semaphore, #tpu.memory_space<semaphore_mem>>)
      } else {
      }
      %sub3A_153 = arith.constant 5 : i32
      %sub3A_154 = arith.subi %while3A_94, %sub3A_153 : i32
      %add3A_155 = arith.constant 1 : i32
      %add3A_156 = arith.addi %sub3A_154, %add3A_155 : i32
      %add3A_157 = arith.constant 5 : i32
      %add3A_158 = arith.addi %add3A_156, %add3A_157 : i32
      %rem3A_159 = arith.constant 5 : i32
      %rem3A_160 = arith.remsi %add3A_158, %rem3A_159 : i32
      %mul3A_161 = arith.constant 64 : i32
      %mul3A_162 = arith.muli %rem3A_160, %mul3A_161 : i32
      %ge3A_163 = arith.constant 0 : i32
      %ge3A_164 = arith.cmpi sge, %add3A_156, %ge3A_163 : i32
      %lt3A_165 = arith.cmpi slt, %add3A_156, %select_n3A : i32
      %and3A_166 = arith.andi %ge3A_164, %lt3A_165 : i1
      %convert_element_type3A_167 = arith.extui %and3A_166 : i1 to i32
      %cond3A_168 = arith.constant 0 : i32
      %cond3A_169 = arith.cmpi ne, %convert_element_type3A_167, %cond3A_168 : i32
      scf.if %cond3A_169 {
        %jit3A_170 = arith.constant 16 : i32
        %div3A_171 = arith.divsi %add3A_156, %jit3A_170 : i32
        %sign3A_172 = arith.constant 0 : i32
        %sign3A_173 = arith.cmpi sgt, %add3A_156, %sign3A_172 : i32
        %sign3A_174 = arith.extui %sign3A_173 : i1 to i32
        %sign3A_175 = arith.constant 0 : i32
        %sign3A_176 = arith.cmpi slt, %add3A_156, %sign3A_175 : i32
        %sign3A_177 = arith.extui %sign3A_176 : i1 to i32
        %sign3A_178 = arith.subi %sign3A_174, %sign3A_177 : i32
        %sign3A_179 = arith.constant 0 : i32
        %sign3A_180 = arith.cmpi sgt, %jit3A_170, %sign3A_179 : i32
        %sign3A_181 = arith.extui %sign3A_180 : i1 to i32
        %sign3A_182 = arith.constant 0 : i32
        %sign3A_183 = arith.cmpi slt, %jit3A_170, %sign3A_182 : i32
        %sign3A_184 = arith.extui %sign3A_183 : i1 to i32
        %sign3A_185 = arith.subi %sign3A_181, %sign3A_184 : i32
        %ne3A_186 = arith.cmpi ne, %sign3A_178, %sign3A_185 : i32
        %rem3A_187 = arith.remsi %add3A_156, %jit3A_170 : i32
        %ne3A_188 = arith.constant 0 : i32
        %ne3A_189 = arith.cmpi ne, %rem3A_187, %ne3A_188 : i32
        %and3A_190 = arith.andi %ne3A_186, %ne3A_189 : i1
        %sub3A_191 = arith.constant 1 : i32
        %sub3A_192 = arith.subi %div3A_171, %sub3A_191 : i32
        %select_n3A_193 = arith.select %and3A_190, %sub3A_192, %div3A_171 : i32
        %rem3A_194 = arith.constant 2 : i32
        %rem3A_195 = arith.remsi %select_n3A_193, %rem3A_194 : i32
        %mul3A_196 = arith.constant 16 : i32
        %mul3A_197 = arith.muli %rem3A_195, %mul3A_196 : i32
        %rem3A_198 = arith.constant 16 : i32
        %rem3A_199 = arith.remsi %add3A_156, %rem3A_198 : i32
        %add3A_200 = arith.addi %mul3A_197, %rem3A_199 : i32
        %dma_wait3A_201 = arith.constant 0 : i32
        %dma_wait3A_202 = arith.constant 0 : i32
        %dma_wait3A_203 = tpu.memref_slice %arg9[%mul3A_162, %dma_wait3A_202] : memref<320x128xf32, #tpu.memory_space<vmem>> -> memref<64x128xf32, #tpu.memory_space<vmem>>
        %dma_wait3A_204 = arith.constant 0 : i32
        %dma_wait3A_205 = tpu.memref_slice %arg7[%dma_wait3A_201, %dma_wait3A_204] : memref<32x64xi32, #tpu.memory_space<vmem>> -> memref<1x64xi32, #tpu.memory_space<vmem>>
        %dma_wait3A_206 = tpu.memref_squeeze %dma_wait3A_205 : memref<1x64xi32, #tpu.memory_space<vmem>> -> memref<64xi32, #tpu.memory_space<vmem>>
        %dma_wait3A_207 = arith.constant 0 : i32
        %dma_wait3A_208 = arith.constant 0 : i32
        %dma_wait3A_209 = tpu.memref_slice %arg2[%dma_wait3A_207, %dma_wait3A_208] : memref<10000x128xf32, #tpu.memory_space<hbm>> -> memref<10000x128xf32, #tpu.memory_space<hbm>>
        %dma_wait3A_210 = tpu.memref_slice %arg11[%rem3A_160] : memref<5x!tpu.dma_semaphore, #tpu.memory_space<semaphore_mem>> -> memref<1x!tpu.dma_semaphore, #tpu.memory_space<semaphore_mem>>
        %dma_wait3A_211 = tpu.memref_squeeze %dma_wait3A_210 : memref<1x!tpu.dma_semaphore, #tpu.memory_space<semaphore_mem>> -> memref<!tpu.dma_semaphore, #tpu.memory_space<semaphore_mem>>
        tpu.wait_indirect_dma semaphore(%dma_wait3A_211 : memref<!tpu.dma_semaphore, #tpu.memory_space<semaphore_mem>>) src(%dma_wait3A_209 : memref<10000x128xf32, #tpu.memory_space<hbm>>) dst(%dma_wait3A_203 : memref<64x128xf32, #tpu.memory_space<vmem>>)
        %dma_start3A_212 = arith.constant 0 : i32
        %dma_start3A_213 = tpu.memref_slice %arg9[%mul3A_162, %dma_start3A_212] : memref<320x128xf32, #tpu.memory_space<vmem>> -> memref<64x128xf32, #tpu.memory_space<vmem>>
        %dma_start3A_214 = arith.constant 0 : i32
        %dma_start3A_215 = tpu.memref_slice %arg8[%add3A_200, %dma_start3A_214] : memref<32x64xi32, #tpu.memory_space<vmem>> -> memref<1x64xi32, #tpu.memory_space<vmem>>
        %dma_start3A_216 = tpu.memref_squeeze %dma_start3A_215 : memref<1x64xi32, #tpu.memory_space<vmem>> -> memref<64xi32, #tpu.memory_space<vmem>>
        %dma_start3A_217 = arith.constant 0 : i32
        %dma_start3A_218 = arith.constant 0 : i32
        %dma_start3A_219 = tpu.memref_slice %arg10[%dma_start3A_217, %dma_start3A_218] : memref<10112x128xf32, #tpu.memory_space<vmem_shared>> -> memref<10112x128xf32, #tpu.memory_space<vmem_shared>>
        %dma_start3A_220 = tpu.memref_slice %arg12[%rem3A_160] : memref<5x!tpu.dma_semaphore, #tpu.memory_space<semaphore_mem>> -> memref<1x!tpu.dma_semaphore, #tpu.memory_space<semaphore_mem>>
        %dma_start3A_221 = tpu.memref_squeeze %dma_start3A_220 : memref<1x!tpu.dma_semaphore, #tpu.memory_space<semaphore_mem>> -> memref<!tpu.dma_semaphore, #tpu.memory_space<semaphore_mem>>
        tpu.enqueue_indirect_dma source(%dma_start3A_213 : memref<64x128xf32, #tpu.memory_space<vmem>>) target(%dma_start3A_219 : memref<10112x128xf32, #tpu.memory_space<vmem_shared>>) offsets(%dma_start3A_216 : memref<64xi32, #tpu.memory_space<vmem>>) semaphore(%dma_start3A_221 : memref<!tpu.dma_semaphore, #tpu.memory_space<semaphore_mem>>) {add = true}
      } else {
      }
    }
    %while3A_72 = arith.constant 1 : i32
    scf.for %while3A_94 = %while3A_70 to %while3A_66 step %while3A_72  : i32 {
      %jit3A_95 = arith.constant 16 : i32
      %div3A_96 = arith.divsi %while3A_94, %jit3A_95 : i32
      %sign3A_97 = arith.constant 0 : i32
      %sign3A_98 = arith.cmpi sgt, %while3A_94, %sign3A_97 : i32
      %sign3A_99 = arith.extui %sign3A_98 : i1 to i32
      %sign3A_100 = arith.constant 0 : i32
      %sign3A_101 = arith.cmpi slt, %while3A_94, %sign3A_100 : i32
      %sign3A_102 = arith.extui %sign3A_101 : i1 to i32
      %sign3A_103 = arith.subi %sign3A_99, %sign3A_102 : i32
      %sign3A_104 = arith.constant 0 : i32
      %sign3A_105 = arith.cmpi sgt, %jit3A_95, %sign3A_104 : i32
      %sign3A_106 = arith.extui %sign3A_105 : i1 to i32
      %sign3A_107 = arith.constant 0 : i32
      %sign3A_108 = arith.cmpi slt, %jit3A_95, %sign3A_107 : i32
      %sign3A_109 = arith.extui %sign3A_108 : i1 to i32
      %sign3A_110 = arith.subi %sign3A_106, %sign3A_109 : i32
      %ne3A_111 = arith.cmpi ne, %sign3A_103, %sign3A_110 : i32
      %rem3A_112 = arith.remsi %while3A_94, %jit3A_95 : i32
      %ne3A_113 = arith.constant 0 : i32
      %ne3A_114 = arith.cmpi ne, %rem3A_112, %ne3A_113 : i32
      %and3A_115 = arith.andi %ne3A_111, %ne3A_114 : i1
      %sub3A_116 = arith.constant 1 : i32
      %sub3A_117 = arith.subi %div3A_96, %sub3A_116 : i32
      %select_n3A_118 = arith.select %and3A_115, %sub3A_117, %div3A_96 : i32
      %rem3A_119 = arith.constant 16 : i32
      %rem3A_120 = arith.remsi %while3A_94, %rem3A_119 : i32
      %rem3A_121 = arith.constant 2 : i32
      %rem3A_122 = arith.remsi %select_n3A_118, %rem3A_121 : i32
      %eq3A_123 = arith.constant 0 : i32
      %eq3A_124 = arith.cmpi eq, %rem3A_120, %eq3A_123 : i32
      %gt3A = arith.constant 0 : i32
      %gt3A_125 = arith.cmpi sgt, %while3A_94, %gt3A : i32
      %lt3A = arith.cmpi slt, %while3A_94, %select_n3A : i32
      %and3A_126 = arith.andi %gt3A_125, %lt3A : i1
      %and3A_127 = arith.andi %eq3A_124, %and3A_126 : i1
      %convert_element_type3A = arith.extui %and3A_127 : i1 to i32
      %cond3A = arith.constant 0 : i32
      %cond3A_128 = arith.cmpi ne, %convert_element_type3A, %cond3A : i32
      scf.if %cond3A_128 {
        %dma_wait3A_170 = arith.constant 0 : i32
        %dma_wait3A_171 = arith.constant 0 : i32
        %dma_wait3A_172 = tpu.memref_slice %arg7[%dma_wait3A_170, %dma_wait3A_171] : memref<32x64xi32, #tpu.memory_space<vmem>> -> memref<16x64xi32, #tpu.memory_space<vmem>>
        %dma_wait3A_173 = arith.constant 0 : i32
        %dma_wait3A_174 = tpu.memref_slice %arg3[%select_n3A_8, %dma_wait3A_173] : memref<5120x64xi32, #tpu.memory_space<hbm>> -> memref<16x64xi32, #tpu.memory_space<hbm>>
        %dma_wait3A_175 = tpu.memref_slice %arg13[%rem3A_122] : memref<2x!tpu.dma_semaphore, #tpu.memory_space<semaphore_mem>> -> memref<1x!tpu.dma_semaphore, #tpu.memory_space<semaphore_mem>>
        %dma_wait3A_176 = tpu.memref_squeeze %dma_wait3A_175 : memref<1x!tpu.dma_semaphore, #tpu.memory_space<semaphore_mem>> -> memref<!tpu.dma_semaphore, #tpu.memory_space<semaphore_mem>>
        %dma_wait3A_177 = arith.constant 0 : i32
        %dma_wait3A_178 = arith.constant 0 : i32
        %dma_wait3A_179 = tpu.memref_slice %arg7[%dma_wait3A_177, %dma_wait3A_178] : memref<32x64xi32, #tpu.memory_space<vmem>> -> memref<16x64xi32, #tpu.memory_space<vmem>>
        %dma_wait3A_180 = arith.constant 0 : i32
        %dma_wait3A_181 = tpu.memref_slice %arg3[%select_n3A_8, %dma_wait3A_180] : memref<5120x64xi32, #tpu.memory_space<hbm>> -> memref<16x64xi32, #tpu.memory_space<hbm>>
        tpu.wait_dma2 semaphore(%dma_wait3A_176 : memref<!tpu.dma_semaphore, #tpu.memory_space<semaphore_mem>>) src(%dma_wait3A_181 : memref<16x64xi32, #tpu.memory_space<hbm>>) dst(%dma_wait3A_179 : memref<16x64xi32, #tpu.memory_space<vmem>>)
        %dma_wait3A_182 = arith.constant 0 : i32
        %dma_wait3A_183 = arith.constant 0 : i32
        %dma_wait3A_184 = tpu.memref_slice %arg7[%dma_wait3A_182, %dma_wait3A_183] : memref<32x64xi32, #tpu.memory_space<vmem>> -> memref<16x64xi32, #tpu.memory_space<vmem>>
        %dma_wait3A_185 = arith.constant 0 : i32
        %dma_wait3A_186 = tpu.memref_slice %arg3[%select_n3A_8, %dma_wait3A_185] : memref<5120x64xi32, #tpu.memory_space<hbm>> -> memref<16x64xi32, #tpu.memory_space<hbm>>
        %dma_wait3A_187 = tpu.memref_slice %arg13[%rem3A_122] : memref<2x!tpu.dma_semaphore, #tpu.memory_space<semaphore_mem>> -> memref<1x!tpu.dma_semaphore, #tpu.memory_space<semaphore_mem>>
        %dma_wait3A_188 = tpu.memref_squeeze %dma_wait3A_187 : memref<1x!tpu.dma_semaphore, #tpu.memory_space<semaphore_mem>> -> memref<!tpu.dma_semaphore, #tpu.memory_space<semaphore_mem>>
        %dma_wait3A_189 = arith.constant 0 : i32
        %dma_wait3A_190 = arith.constant 0 : i32
        %dma_wait3A_191 = tpu.memref_slice %arg7[%dma_wait3A_189, %dma_wait3A_190] : memref<32x64xi32, #tpu.memory_space<vmem>> -> memref<16x64xi32, #tpu.memory_space<vmem>>
        %dma_wait3A_192 = arith.constant 0 : i32
        %dma_wait3A_193 = tpu.memref_slice %arg3[%select_n3A_8, %dma_wait3A_192] : memref<5120x64xi32, #tpu.memory_space<hbm>> -> memref<16x64xi32, #tpu.memory_space<hbm>>
        tpu.wait_dma2 semaphore(%dma_wait3A_188 : memref<!tpu.dma_semaphore, #tpu.memory_space<semaphore_mem>>) src(%dma_wait3A_193 : memref<16x64xi32, #tpu.memory_space<hbm>>) dst(%dma_wait3A_191 : memref<16x64xi32, #tpu.memory_space<vmem>>)
      } else {
      }
      %eq3A_129 = arith.constant 5 : i32
      %eq3A_130 = arith.cmpi eq, %rem3A_120, %eq3A_129 : i32
      %ge3A = arith.constant 1 : i32
      %ge3A_131 = arith.cmpi sge, %select_n3A_118, %ge3A : i32
      %add3A_132 = arith.constant 1 : i32
      %add3A_133 = arith.addi %select_n3A_118, %add3A_132 : i32
      %lt3A_134 = arith.cmpi slt, %add3A_133, %select_n3A_26 : i32
      %and3A_135 = arith.andi %ge3A_131, %lt3A_134 : i1
      %and3A_136 = arith.andi %eq3A_130, %and3A_135 : i1
      %convert_element_type3A_137 = arith.extui %and3A_136 : i1 to i32
      %cond3A_138 = arith.constant 0 : i32
      %cond3A_139 = arith.cmpi ne, %convert_element_type3A_137, %cond3A_138 : i32
      scf.if %cond3A_139 {
        %add3A_170 = arith.constant 1 : i32
        %add3A_171 = arith.addi %select_n3A_118, %add3A_170 : i32
        %rem3A_172 = arith.constant 2 : i32
        %rem3A_173 = arith.remsi %add3A_171, %rem3A_172 : i32
        %mul3A_174 = arith.constant 16 : i32
        %mul3A_175 = arith.muli %add3A_171, %mul3A_174 : i32
        %add3A_176 = arith.addi %select_n3A_8, %mul3A_175 : i32
        %mul3A_177 = arith.constant 16 : i32
        %mul3A_178 = arith.muli %rem3A_173, %mul3A_177 : i32
        %dma_start3A_179 = arith.constant 0 : i32
        %dma_start3A_180 = tpu.memref_slice %arg7[%mul3A_178, %dma_start3A_179] : memref<32x64xi32, #tpu.memory_space<vmem>> -> memref<16x64xi32, #tpu.memory_space<vmem>>
        %dma_start3A_181 = arith.constant 0 : i32
        %dma_start3A_182 = tpu.memref_slice %arg3[%add3A_176, %dma_start3A_181] : memref<5120x64xi32, #tpu.memory_space<hbm>> -> memref<16x64xi32, #tpu.memory_space<hbm>>
        %dma_start3A_183 = tpu.memref_slice %arg13[%rem3A_173] : memref<2x!tpu.dma_semaphore, #tpu.memory_space<semaphore_mem>> -> memref<1x!tpu.dma_semaphore, #tpu.memory_space<semaphore_mem>>
        %dma_start3A_184 = tpu.memref_squeeze %dma_start3A_183 : memref<1x!tpu.dma_semaphore, #tpu.memory_space<semaphore_mem>> -> memref<!tpu.dma_semaphore, #tpu.memory_space<semaphore_mem>>
        %dma_start3A_185 = arith.constant 0 : i32
        %dma_start3A_186 = tpu.memref_slice %arg7[%mul3A_178, %dma_start3A_185] : memref<32x64xi32, #tpu.memory_space<vmem>> -> memref<16x64xi32, #tpu.memory_space<vmem>>
        %dma_start3A_187 = arith.constant 0 : i32
        %dma_start3A_188 = tpu.memref_slice %arg3[%add3A_176, %dma_start3A_187] : memref<5120x64xi32, #tpu.memory_space<hbm>> -> memref<16x64xi32, #tpu.memory_space<hbm>>
        tpu.enqueue_dma source(%dma_start3A_188 : memref<16x64xi32, #tpu.memory_space<hbm>>) target(%dma_start3A_186 : memref<16x64xi32, #tpu.memory_space<vmem>>) target_semaphore(%dma_start3A_184 : memref<!tpu.dma_semaphore, #tpu.memory_space<semaphore_mem>>)
        %mul3A_189 = arith.constant 16 : i32
        %mul3A_190 = arith.muli %add3A_171, %mul3A_189 : i32
        %add3A_191 = arith.addi %select_n3A_8, %mul3A_190 : i32
        %mul3A_192 = arith.constant 16 : i32
        %mul3A_193 = arith.muli %rem3A_173, %mul3A_192 : i32
        %dma_start3A_194 = arith.constant 0 : i32
        %dma_start3A_195 = tpu.memref_slice %arg8[%mul3A_193, %dma_start3A_194] : memref<32x64xi32, #tpu.memory_space<vmem>> -> memref<16x64xi32, #tpu.memory_space<vmem>>
        %dma_start3A_196 = arith.constant 0 : i32
        %dma_start3A_197 = tpu.memref_slice %arg4[%add3A_191, %dma_start3A_196] : memref<5120x64xi32, #tpu.memory_space<hbm>> -> memref<16x64xi32, #tpu.memory_space<hbm>>
        %dma_start3A_198 = tpu.memref_slice %arg13[%rem3A_173] : memref<2x!tpu.dma_semaphore, #tpu.memory_space<semaphore_mem>> -> memref<1x!tpu.dma_semaphore, #tpu.memory_space<semaphore_mem>>
        %dma_start3A_199 = tpu.memref_squeeze %dma_start3A_198 : memref<1x!tpu.dma_semaphore, #tpu.memory_space<semaphore_mem>> -> memref<!tpu.dma_semaphore, #tpu.memory_space<semaphore_mem>>
        %dma_start3A_200 = arith.constant 0 : i32
        %dma_start3A_201 = tpu.memref_slice %arg8[%mul3A_193, %dma_start3A_200] : memref<32x64xi32, #tpu.memory_space<vmem>> -> memref<16x64xi32, #tpu.memory_space<vmem>>
        %dma_start3A_202 = arith.constant 0 : i32
        %dma_start3A_203 = tpu.memref_slice %arg4[%add3A_191, %dma_start3A_202] : memref<5120x64xi32, #tpu.memory_space<hbm>> -> memref<16x64xi32, #tpu.memory_space<hbm>>
        tpu.enqueue_dma source(%dma_start3A_203 : memref<16x64xi32, #tpu.memory_space<hbm>>) target(%dma_start3A_201 : memref<16x64xi32, #tpu.memory_space<vmem>>) target_semaphore(%dma_start3A_199 : memref<!tpu.dma_semaphore, #tpu.memory_space<semaphore_mem>>)
      } else {
      }
      %rem3A_140 = arith.constant 5 : i32
      %rem3A_141 = arith.remsi %while3A_94, %rem3A_140 : i32
      %mul3A_142 = arith.constant 64 : i32
      %mul3A_143 = arith.muli %rem3A_141, %mul3A_142 : i32
      %ge3A_144 = arith.constant 5 : i32
      %ge3A_145 = arith.cmpi sge, %while3A_94, %ge3A_144 : i32
      %convert_element_type3A_146 = arith.extui %ge3A_145 : i1 to i32
      %cond3A_147 = arith.constant 0 : i32
      %cond3A_148 = arith.cmpi ne, %convert_element_type3A_146, %cond3A_147 : i32
      scf.if %cond3A_148 {
        %dma_wait3A_170 = arith.constant 0 : i32
        %dma_wait3A_171 = arith.constant 0 : i32
        %dma_wait3A_172 = tpu.memref_slice %arg9[%mul3A_143, %dma_wait3A_171] : memref<320x128xf32, #tpu.memory_space<vmem>> -> memref<64x128xf32, #tpu.memory_space<vmem>>
        %dma_wait3A_173 = arith.constant 0 : i32
        %dma_wait3A_174 = tpu.memref_slice %arg8[%dma_wait3A_170, %dma_wait3A_173] : memref<32x64xi32, #tpu.memory_space<vmem>> -> memref<1x64xi32, #tpu.memory_space<vmem>>
        %dma_wait3A_175 = tpu.memref_squeeze %dma_wait3A_174 : memref<1x64xi32, #tpu.memory_space<vmem>> -> memref<64xi32, #tpu.memory_space<vmem>>
        %dma_wait3A_176 = arith.constant 0 : i32
        %dma_wait3A_177 = arith.constant 0 : i32
        %dma_wait3A_178 = tpu.memref_slice %arg10[%dma_wait3A_176, %dma_wait3A_177] : memref<10112x128xf32, #tpu.memory_space<vmem_shared>> -> memref<10112x128xf32, #tpu.memory_space<vmem_shared>>
        %dma_wait3A_179 = tpu.memref_slice %arg12[%rem3A_141] : memref<5x!tpu.dma_semaphore, #tpu.memory_space<semaphore_mem>> -> memref<1x!tpu.dma_semaphore, #tpu.memory_space<semaphore_mem>>
        %dma_wait3A_180 = tpu.memref_squeeze %dma_wait3A_179 : memref<1x!tpu.dma_semaphore, #tpu.memory_space<semaphore_mem>> -> memref<!tpu.dma_semaphore, #tpu.memory_space<semaphore_mem>>
        tpu.wait_indirect_dma semaphore(%dma_wait3A_180 : memref<!tpu.dma_semaphore, #tpu.memory_space<semaphore_mem>>) src(%dma_wait3A_172 : memref<64x128xf32, #tpu.memory_space<vmem>>) dst(%dma_wait3A_178 : memref<10112x128xf32, #tpu.memory_space<vmem_shared>>)
      } else {
      }
      %lt3A_149 = arith.cmpi slt, %while3A_94, %select_n3A : i32
      %convert_element_type3A_150 = arith.extui %lt3A_149 : i1 to i32
      %cond3A_151 = arith.constant 0 : i32
      %cond3A_152 = arith.cmpi ne, %convert_element_type3A_150, %cond3A_151 : i32
      scf.if %cond3A_152 {
        %mul3A_170 = arith.constant 16 : i32
        %mul3A_171 = arith.muli %rem3A_122, %mul3A_170 : i32
        %add3A_172 = arith.addi %mul3A_171, %rem3A_120 : i32
        %dma_start3A_173 = arith.constant 0 : i32
        %dma_start3A_174 = tpu.memref_slice %arg9[%mul3A_143, %dma_start3A_173] : memref<320x128xf32, #tpu.memory_space<vmem>> -> memref<64x128xf32, #tpu.memory_space<vmem>>
        %dma_start3A_175 = arith.constant 0 : i32
        %dma_start3A_176 = tpu.memref_slice %arg7[%add3A_172, %dma_start3A_175] : memref<32x64xi32, #tpu.memory_space<vmem>> -> memref<1x64xi32, #tpu.memory_space<vmem>>
        %dma_start3A_177 = tpu.memref_squeeze %dma_start3A_176 : memref<1x64xi32, #tpu.memory_space<vmem>> -> memref<64xi32, #tpu.memory_space<vmem>>
        %dma_start3A_178 = arith.constant 0 : i32
        %dma_start3A_179 = arith.constant 0 : i32
        %dma_start3A_180 = tpu.memref_slice %arg2[%dma_start3A_178, %dma_start3A_179] : memref<10000x128xf32, #tpu.memory_space<hbm>> -> memref<10000x128xf32, #tpu.memory_space<hbm>>
        %dma_start3A_181 = tpu.memref_slice %arg11[%rem3A_141] : memref<5x!tpu.dma_semaphore, #tpu.memory_space<semaphore_mem>> -> memref<1x!tpu.dma_semaphore, #tpu.memory_space<semaphore_mem>>
        %dma_start3A_182 = tpu.memref_squeeze %dma_start3A_181 : memref<1x!tpu.dma_semaphore, #tpu.memory_space<semaphore_mem>> -> memref<!tpu.dma_semaphore, #tpu.memory_space<semaphore_mem>>
        tpu.enqueue_indirect_dma source(%dma_start3A_180 : memref<10000x128xf32, #tpu.memory_space<hbm>>) target(%dma_start3A_174 : memref<64x128xf32, #tpu.memory_space<vmem>>) offsets(%dma_start3A_177 : memref<64xi32, #tpu.memory_space<vmem>>) semaphore(%dma_start3A_182 : memref<!tpu.dma_semaphore, #tpu.memory_space<semaphore_mem>>)
      } else {
      }
      %sub3A_153 = arith.constant 5 : i32
      %sub3A_154 = arith.subi %while3A_94, %sub3A_153 : i32
      %add3A_155 = arith.constant 1 : i32
      %add3A_156 = arith.addi %sub3A_154, %add3A_155 : i32
      %add3A_157 = arith.constant 5 : i32
      %add3A_158 = arith.addi %add3A_156, %add3A_157 : i32
      %rem3A_159 = arith.constant 5 : i32
      %rem3A_160 = arith.remsi %add3A_158, %rem3A_159 : i32
      %mul3A_161 = arith.constant 64 : i32
      %mul3A_162 = arith.muli %rem3A_160, %mul3A_161 : i32
      %ge3A_163 = arith.constant 0 : i32
      %ge3A_164 = arith.cmpi sge, %add3A_156, %ge3A_163 : i32
      %lt3A_165 = arith.cmpi slt, %add3A_156, %select_n3A : i32
      %and3A_166 = arith.andi %ge3A_164, %lt3A_165 : i1
      %convert_element_type3A_167 = arith.extui %and3A_166 : i1 to i32
      %cond3A_168 = arith.constant 0 : i32
      %cond3A_169 = arith.cmpi ne, %convert_element_type3A_167, %cond3A_168 : i32
      scf.if %cond3A_169 {
        %jit3A_170 = arith.constant 16 : i32
        %div3A_171 = arith.divsi %add3A_156, %jit3A_170 : i32
        %sign3A_172 = arith.constant 0 : i32
        %sign3A_173 = arith.cmpi sgt, %add3A_156, %sign3A_172 : i32
        %sign3A_174 = arith.extui %sign3A_173 : i1 to i32
        %sign3A_175 = arith.constant 0 : i32
        %sign3A_176 = arith.cmpi slt, %add3A_156, %sign3A_175 : i32
        %sign3A_177 = arith.extui %sign3A_176 : i1 to i32
        %sign3A_178 = arith.subi %sign3A_174, %sign3A_177 : i32
        %sign3A_179 = arith.constant 0 : i32
        %sign3A_180 = arith.cmpi sgt, %jit3A_170, %sign3A_179 : i32
        %sign3A_181 = arith.extui %sign3A_180 : i1 to i32
        %sign3A_182 = arith.constant 0 : i32
        %sign3A_183 = arith.cmpi slt, %jit3A_170, %sign3A_182 : i32
        %sign3A_184 = arith.extui %sign3A_183 : i1 to i32
        %sign3A_185 = arith.subi %sign3A_181, %sign3A_184 : i32
        %ne3A_186 = arith.cmpi ne, %sign3A_178, %sign3A_185 : i32
        %rem3A_187 = arith.remsi %add3A_156, %jit3A_170 : i32
        %ne3A_188 = arith.constant 0 : i32
        %ne3A_189 = arith.cmpi ne, %rem3A_187, %ne3A_188 : i32
        %and3A_190 = arith.andi %ne3A_186, %ne3A_189 : i1
        %sub3A_191 = arith.constant 1 : i32
        %sub3A_192 = arith.subi %div3A_171, %sub3A_191 : i32
        %select_n3A_193 = arith.select %and3A_190, %sub3A_192, %div3A_171 : i32
        %rem3A_194 = arith.constant 2 : i32
        %rem3A_195 = arith.remsi %select_n3A_193, %rem3A_194 : i32
        %mul3A_196 = arith.constant 16 : i32
        %mul3A_197 = arith.muli %rem3A_195, %mul3A_196 : i32
        %rem3A_198 = arith.constant 16 : i32
        %rem3A_199 = arith.remsi %add3A_156, %rem3A_198 : i32
        %add3A_200 = arith.addi %mul3A_197, %rem3A_199 : i32
        %dma_wait3A_201 = arith.constant 0 : i32
        %dma_wait3A_202 = arith.constant 0 : i32
        %dma_wait3A_203 = tpu.memref_slice %arg9[%mul3A_162, %dma_wait3A_202] : memref<320x128xf32, #tpu.memory_space<vmem>> -> memref<64x128xf32, #tpu.memory_space<vmem>>
        %dma_wait3A_204 = arith.constant 0 : i32
        %dma_wait3A_205 = tpu.memref_slice %arg7[%dma_wait3A_201, %dma_wait3A_204] : memref<32x64xi32, #tpu.memory_space<vmem>> -> memref<1x64xi32, #tpu.memory_space<vmem>>
        %dma_wait3A_206 = tpu.memref_squeeze %dma_wait3A_205 : memref<1x64xi32, #tpu.memory_space<vmem>> -> memref<64xi32, #tpu.memory_space<vmem>>
        %dma_wait3A_207 = arith.constant 0 : i32
        %dma_wait3A_208 = arith.constant 0 : i32
        %dma_wait3A_209 = tpu.memref_slice %arg2[%dma_wait3A_207, %dma_wait3A_208] : memref<10000x128xf32, #tpu.memory_space<hbm>> -> memref<10000x128xf32, #tpu.memory_space<hbm>>
        %dma_wait3A_210 = tpu.memref_slice %arg11[%rem3A_160] : memref<5x!tpu.dma_semaphore, #tpu.memory_space<semaphore_mem>> -> memref<1x!tpu.dma_semaphore, #tpu.memory_space<semaphore_mem>>
        %dma_wait3A_211 = tpu.memref_squeeze %dma_wait3A_210 : memref<1x!tpu.dma_semaphore, #tpu.memory_space<semaphore_mem>> -> memref<!tpu.dma_semaphore, #tpu.memory_space<semaphore_mem>>
        tpu.wait_indirect_dma semaphore(%dma_wait3A_211 : memref<!tpu.dma_semaphore, #tpu.memory_space<semaphore_mem>>) src(%dma_wait3A_209 : memref<10000x128xf32, #tpu.memory_space<hbm>>) dst(%dma_wait3A_203 : memref<64x128xf32, #tpu.memory_space<vmem>>)
        %dma_start3A_212 = arith.constant 0 : i32
        %dma_start3A_213 = tpu.memref_slice %arg9[%mul3A_162, %dma_start3A_212] : memref<320x128xf32, #tpu.memory_space<vmem>> -> memref<64x128xf32, #tpu.memory_space<vmem>>
        %dma_start3A_214 = arith.constant 0 : i32
        %dma_start3A_215 = tpu.memref_slice %arg8[%add3A_200, %dma_start3A_214] : memref<32x64xi32, #tpu.memory_space<vmem>> -> memref<1x64xi32, #tpu.memory_space<vmem>>
        %dma_start3A_216 = tpu.memref_squeeze %dma_start3A_215 : memref<1x64xi32, #tpu.memory_space<vmem>> -> memref<64xi32, #tpu.memory_space<vmem>>
        %dma_start3A_217 = arith.constant 0 : i32
        %dma_start3A_218 = arith.constant 0 : i32
        %dma_start3A_219 = tpu.memref_slice %arg10[%dma_start3A_217, %dma_start3A_218] : memref<10112x128xf32, #tpu.memory_space<vmem_shared>> -> memref<10112x128xf32, #tpu.memory_space<vmem_shared>>
        %dma_start3A_220 = tpu.memref_slice %arg12[%rem3A_160] : memref<5x!tpu.dma_semaphore, #tpu.memory_space<semaphore_mem>> -> memref<1x!tpu.dma_semaphore, #tpu.memory_space<semaphore_mem>>
        %dma_start3A_221 = tpu.memref_squeeze %dma_start3A_220 : memref<1x!tpu.dma_semaphore, #tpu.memory_space<semaphore_mem>> -> memref<!tpu.dma_semaphore, #tpu.memory_space<semaphore_mem>>
        tpu.enqueue_indirect_dma source(%dma_start3A_213 : memref<64x128xf32, #tpu.memory_space<vmem>>) target(%dma_start3A_219 : memref<10112x128xf32, #tpu.memory_space<vmem_shared>>) offsets(%dma_start3A_216 : memref<64xi32, #tpu.memory_space<vmem>>) semaphore(%dma_start3A_221 : memref<!tpu.dma_semaphore, #tpu.memory_space<semaphore_mem>>) {add = true}
      } else {
      }
    }
    %sub3A_73 = arith.constant 1 : i32
    %sub3A_74 = arith.subi %select_n3A, %sub3A_73 : i32
    %rem3A_75 = arith.constant 5 : i32
    %rem3A_76 = arith.remsi %sub3A_74, %rem3A_75 : i32
    %mul3A_77 = arith.constant 64 : i32
    %mul3A_78 = arith.muli %rem3A_76, %mul3A_77 : i32
    %dma_wait3A = arith.constant 0 : i32
    %dma_wait3A_79 = arith.constant 0 : i32
    %dma_wait3A_80 = tpu.memref_slice %arg9[%mul3A_78, %dma_wait3A_79] : memref<320x128xf32, #tpu.memory_space<vmem>> -> memref<64x128xf32, #tpu.memory_space<vmem>>
    %dma_wait3A_81 = arith.constant 0 : i32
    %dma_wait3A_82 = tpu.memref_slice %arg8[%dma_wait3A, %dma_wait3A_81] : memref<32x64xi32, #tpu.memory_space<vmem>> -> memref<1x64xi32, #tpu.memory_space<vmem>>
    %dma_wait3A_83 = tpu.memref_squeeze %dma_wait3A_82 : memref<1x64xi32, #tpu.memory_space<vmem>> -> memref<64xi32, #tpu.memory_space<vmem>>
    %dma_wait3A_84 = arith.constant 0 : i32
    %dma_wait3A_85 = arith.constant 0 : i32
    %dma_wait3A_86 = tpu.memref_slice %arg10[%dma_wait3A_84, %dma_wait3A_85] : memref<10112x128xf32, #tpu.memory_space<vmem_shared>> -> memref<10112x128xf32, #tpu.memory_space<vmem_shared>>
    %dma_wait3A_87 = tpu.memref_slice %arg12[%rem3A_76] : memref<5x!tpu.dma_semaphore, #tpu.memory_space<semaphore_mem>> -> memref<1x!tpu.dma_semaphore, #tpu.memory_space<semaphore_mem>>
    %dma_wait3A_88 = tpu.memref_squeeze %dma_wait3A_87 : memref<1x!tpu.dma_semaphore, #tpu.memory_space<semaphore_mem>> -> memref<!tpu.dma_semaphore, #tpu.memory_space<semaphore_mem>>
    tpu.wait_indirect_dma semaphore(%dma_wait3A_88 : memref<!tpu.dma_semaphore, #tpu.memory_space<semaphore_mem>>) src(%dma_wait3A_80 : memref<64x128xf32, #tpu.memory_space<vmem>>) dst(%dma_wait3A_86 : memref<10112x128xf32, #tpu.memory_space<vmem_shared>>)
    %barrier3A_89 = arith.constant 0 : index
    tpu.barrier barrier_id(%barrier3A_89)
    %mul3A_90 = arith.constant 632 : i32
    %mul3A_91 = arith.muli %arg1, %mul3A_90 : i32
    %mul3A_92 = arith.constant 632 : i32
    %mul3A_93 = arith.muli %arg1, %mul3A_92 : i32
    "tpu.region"() ({
      %run_scoped3A = tpu.sem_alloc : memref<!tpu.dma_semaphore, #tpu.memory_space<semaphore_mem>>
      %dma_start3A_94 = arith.constant 0 : i32
      %dma_start3A_95 = arith.constant 0 : i32
      %dma_start3A_96 = tpu.memref_slice %arg6[%arg0, %dma_start3A_94, %dma_start3A_95] : memref<2x10112x128xf32, #tpu.memory_space<hbm>> -> memref<1x10112x128xf32, #tpu.memory_space<hbm>>
      %dma_start3A_97 = tpu.memref_squeeze %dma_start3A_96 : memref<1x10112x128xf32, #tpu.memory_space<hbm>> -> memref<10112x128xf32, #tpu.memory_space<hbm>>
      %dma_start3A_98 = arith.constant 0 : i32
      %dma_start3A_99 = tpu.memref_slice %dma_start3A_97[%mul3A_93, %dma_start3A_98] : memref<10112x128xf32, #tpu.memory_space<hbm>> -> memref<632x128xf32, #tpu.memory_space<hbm>>
      %dma_start3A_100 = arith.constant 0 : i32
      %dma_start3A_101 = tpu.memref_slice %arg10[%mul3A_91, %dma_start3A_100] : memref<10112x128xf32, #tpu.memory_space<vmem_shared>> -> memref<632x128xf32, #tpu.memory_space<vmem_shared>>
      tpu.enqueue_dma source(%dma_start3A_101 : memref<632x128xf32, #tpu.memory_space<vmem_shared>>) target(%dma_start3A_99 : memref<632x128xf32, #tpu.memory_space<hbm>>) target_semaphore(%run_scoped3A : memref<!tpu.dma_semaphore, #tpu.memory_space<semaphore_mem>>)
      %dma_wait3A_102 = arith.constant 0 : i32
      %dma_wait3A_103 = arith.constant 0 : i32
      %dma_wait3A_104 = tpu.memref_slice %arg6[%arg0, %dma_wait3A_102, %dma_wait3A_103] : memref<2x10112x128xf32, #tpu.memory_space<hbm>> -> memref<1x10112x128xf32, #tpu.memory_space<hbm>>
      %dma_wait3A_105 = tpu.memref_squeeze %dma_wait3A_104 : memref<1x10112x128xf32, #tpu.memory_space<hbm>> -> memref<10112x128xf32, #tpu.memory_space<hbm>>
      %dma_wait3A_106 = arith.constant 0 : i32
      %dma_wait3A_107 = tpu.memref_slice %dma_wait3A_105[%mul3A_93, %dma_wait3A_106] : memref<10112x128xf32, #tpu.memory_space<hbm>> -> memref<632x128xf32, #tpu.memory_space<hbm>>
      %dma_wait3A_108 = arith.constant 0 : i32
      %dma_wait3A_109 = tpu.memref_slice %arg10[%mul3A_91, %dma_wait3A_108] : memref<10112x128xf32, #tpu.memory_space<vmem_shared>> -> memref<632x128xf32, #tpu.memory_space<vmem_shared>>
      tpu.wait_dma2 semaphore(%run_scoped3A : memref<!tpu.dma_semaphore, #tpu.memory_space<semaphore_mem>>) src(%dma_wait3A_109 : memref<632x128xf32, #tpu.memory_space<vmem_shared>>) dst(%dma_wait3A_107 : memref<632x128xf32, #tpu.memory_space<hbm>>)
      tpu.yield
    }) : () -> ()
    return
  }
}

#map = affine_map<(d0, d1) -> (0, 0)>
#map1 = affine_map<(d0, d1) -> (0, 0, 0)>
module attributes {stable_mosaic.version = 14 : i64} {
  func.func @_segsum_body(%arg0: i32, %arg1: i32, %arg2: memref<10000x128xf32, #tpu.memory_space<hbm>>, %arg3: memref<5120x64xi32, #tpu.memory_space<hbm>>, %arg4: memref<5120x64xi32, #tpu.memory_space<hbm>>, %arg5: memref<10112x128xf32, #tpu.memory_space<hbm>>, %arg6: memref<2x10112x128xf32, #tpu.memory_space<hbm>>, %arg7: memref<32x64xi32, #tpu.memory_space<vmem>>, %arg8: memref<32x64xi32, #tpu.memory_space<vmem>>, %arg9: memref<320x128xf32, #tpu.memory_space<vmem>>, %arg10: memref<10112x128xf32, #tpu.memory_space<vmem_shared>>, %arg11: memref<5x!tpu.dma_semaphore, #tpu.memory_space<semaphore_mem>>, %arg12: memref<5x!tpu.dma_semaphore, #tpu.memory_space<semaphore_mem>>, %arg13: memref<2x!tpu.dma_semaphore, #tpu.memory_space<semaphore_mem>>) attributes {dimension_semantics = [#tpu.dimension_semantics<core_parallel>, #tpu.dimension_semantics<subcore_parallel>], iteration_bounds = array<i64: 2, 16>, scalar_prefetch = 0 : i64, scratch_operands = 7 : i64, tpu.core_type = #tpu.core_type<sc_vector_subcore>, window_params = [{transform_indices = #map}, {transform_indices = #map}, {transform_indices = #map}, {transform_indices = #map}, {transform_indices = #map1}]} {
    %eq3A = arith.constant 0 : i32
    %eq3A_0 = arith.cmpi eq, %arg0, %eq3A : i32
    %jit3A = arith.constant 288 : i32
    %jit3A_1 = arith.constant 32 : i32
    %select_n3A = arith.select %eq3A_0, %jit3A, %jit3A_1 : i32
    %eq3A_2 = arith.constant 0 : i32
    %eq3A_3 = arith.cmpi eq, %arg0, %eq3A_2 : i32
    %mul3A = arith.constant 288 : i32
    %mul3A_4 = arith.muli %arg1, %mul3A : i32
    %mul3A_5 = arith.constant 32 : i32
    %mul3A_6 = arith.muli %arg1, %mul3A_5 : i32
    %add3A = arith.constant 4608 : i32
    %add3A_7 = arith.addi %add3A, %mul3A_6 : i32
    %select_n3A_8 = arith.select %eq3A_3, %mul3A_4, %add3A_7 : i32
    %jit3A_9 = arith.constant 16 : i32
    %div3A = arith.divsi %select_n3A, %jit3A_9 : i32
    %sign3A = arith.constant 0 : i32
    %sign3A_10 = arith.cmpi sgt, %select_n3A, %sign3A : i32
    %sign3A_11 = arith.extui %sign3A_10 : i1 to i32
    %sign3A_12 = arith.constant 0 : i32
    %sign3A_13 = arith.cmpi slt, %select_n3A, %sign3A_12 : i32
    %sign3A_14 = arith.extui %sign3A_13 : i1 to i32
    %sign3A_15 = arith.subi %sign3A_11, %sign3A_14 : i32
    %sign3A_16 = arith.constant 0 : i32
    %sign3A_17 = arith.cmpi sgt, %jit3A_9, %sign3A_16 : i32
    %sign3A_18 = arith.extui %sign3A_17 : i1 to i32
    %sign3A_19 = arith.constant 0 : i32
    %sign3A_20 = arith.cmpi slt, %jit3A_9, %sign3A_19 : i32
    %sign3A_21 = arith.extui %sign3A_20 : i1 to i32
    %sign3A_22 = arith.subi %sign3A_18, %sign3A_21 : i32
    %ne3A = arith.cmpi ne, %sign3A_15, %sign3A_22 : i32
    %rem3A = arith.remsi %select_n3A, %jit3A_9 : i32
    %ne3A_23 = arith.constant 0 : i32
    %ne3A_24 = arith.cmpi ne, %rem3A, %ne3A_23 : i32
    %and3A = arith.andi %ne3A, %ne3A_24 : i1
    %sub3A = arith.constant 1 : i32
    %sub3A_25 = arith.subi %div3A, %sub3A : i32
    %select_n3A_26 = arith.select %and3A, %sub3A_25, %div3A : i32
    %mul3A_27 = arith.constant 632 : i32
    %mul3A_28 = arith.muli %arg1, %mul3A_27 : i32
    %mul3A_29 = arith.constant 632 : i32
    %mul3A_30 = arith.muli %arg1, %mul3A_29 : i32
    "tpu.region"() ({
      %run_scoped3A = tpu.sem_alloc : memref<!tpu.dma_semaphore, #tpu.memory_space<semaphore_mem>>
      %dma_start3A_94 = arith.constant 0 : i32
      %dma_start3A_95 = tpu.memref_slice %arg10[%mul3A_30, %dma_start3A_94] : memref<10112x128xf32, #tpu.memory_space<vmem_shared>> -> memref<632x128xf32, #tpu.memory_space<vmem_shared>>
      %dma_start3A_96 = arith.constant 0 : i32
      %dma_start3A_97 = tpu.memref_slice %arg5[%mul3A_28, %dma_start3A_96] : memref<10112x128xf32, #tpu.memory_space<hbm>> -> memref<632x128xf32, #tpu.memory_space<hbm>>
      tpu.enqueue_dma source(%dma_start3A_97 : memref<632x128xf32, #tpu.memory_space<hbm>>) target(%dma_start3A_95 : memref<632x128xf32, #tpu.memory_space<vmem_shared>>) target_semaphore(%run_scoped3A : memref<!tpu.dma_semaphore, #tpu.memory_space<semaphore_mem>>)
      %dma_wait3A_98 = arith.constant 0 : i32
      %dma_wait3A_99 = tpu.memref_slice %arg10[%mul3A_30, %dma_wait3A_98] : memref<10112x128xf32, #tpu.memory_space<vmem_shared>> -> memref<632x128xf32, #tpu.memory_space<vmem_shared>>
      %dma_wait3A_100 = arith.constant 0 : i32
      %dma_wait3A_101 = tpu.memref_slice %arg5[%mul3A_28, %dma_wait3A_100] : memref<10112x128xf32, #tpu.memory_space<hbm>> -> memref<632x128xf32, #tpu.memory_space<hbm>>
      tpu.wait_dma2 semaphore(%run_scoped3A : memref<!tpu.dma_semaphore, #tpu.memory_space<semaphore_mem>>) src(%dma_wait3A_101 : memref<632x128xf32, #tpu.memory_space<hbm>>) dst(%dma_wait3A_99 : memref<632x128xf32, #tpu.memory_space<vmem_shared>>)
      tpu.yield
    }) : () -> ()
    "tpu.region"() ({
      %run_scoped3A = tpu.sem_alloc : memref<!tpu.dma_semaphore, #tpu.memory_space<semaphore_mem>>
      %dma_start3A_94 = arith.constant 0 : i32
      %dma_start3A_95 = arith.constant 0 : i32
      %dma_start3A_96 = tpu.memref_slice %arg7[%dma_start3A_94, %dma_start3A_95] : memref<32x64xi32, #tpu.memory_space<vmem>> -> memref<16x64xi32, #tpu.memory_space<vmem>>
      %dma_start3A_97 = arith.constant 0 : i32
      %dma_start3A_98 = tpu.memref_slice %arg3[%select_n3A_8, %dma_start3A_97] : memref<5120x64xi32, #tpu.memory_space<hbm>> -> memref<16x64xi32, #tpu.memory_space<hbm>>
      %dma_start3A_99 = arith.constant 0 : i32
      %dma_start3A_100 = arith.constant 0 : i32
      %dma_start3A_101 = tpu.memref_slice %arg7[%dma_start3A_99, %dma_start3A_100] : memref<32x64xi32, #tpu.memory_space<vmem>> -> memref<16x64xi32, #tpu.memory_space<vmem>>
      %dma_start3A_102 = arith.constant 0 : i32
      %dma_start3A_103 = tpu.memref_slice %arg3[%select_n3A_8, %dma_start3A_102] : memref<5120x64xi32, #tpu.memory_space<hbm>> -> memref<16x64xi32, #tpu.memory_space<hbm>>
      tpu.enqueue_dma source(%dma_start3A_103 : memref<16x64xi32, #tpu.memory_space<hbm>>) target(%dma_start3A_101 : memref<16x64xi32, #tpu.memory_space<vmem>>) target_semaphore(%run_scoped3A : memref<!tpu.dma_semaphore, #tpu.memory_space<semaphore_mem>>)
      %dma_wait3A_104 = arith.constant 0 : i32
      %dma_wait3A_105 = arith.constant 0 : i32
      %dma_wait3A_106 = tpu.memref_slice %arg7[%dma_wait3A_104, %dma_wait3A_105] : memref<32x64xi32, #tpu.memory_space<vmem>> -> memref<16x64xi32, #tpu.memory_space<vmem>>
      %dma_wait3A_107 = arith.constant 0 : i32
      %dma_wait3A_108 = tpu.memref_slice %arg3[%select_n3A_8, %dma_wait3A_107] : memref<5120x64xi32, #tpu.memory_space<hbm>> -> memref<16x64xi32, #tpu.memory_space<hbm>>
      %dma_wait3A_109 = arith.constant 0 : i32
      %dma_wait3A_110 = arith.constant 0 : i32
      %dma_wait3A_111 = tpu.memref_slice %arg7[%dma_wait3A_109, %dma_wait3A_110] : memref<32x64xi32, #tpu.memory_space<vmem>> -> memref<16x64xi32, #tpu.memory_space<vmem>>
      %dma_wait3A_112 = arith.constant 0 : i32
      %dma_wait3A_113 = tpu.memref_slice %arg3[%select_n3A_8, %dma_wait3A_112] : memref<5120x64xi32, #tpu.memory_space<hbm>> -> memref<16x64xi32, #tpu.memory_space<hbm>>
      tpu.wait_dma2 semaphore(%run_scoped3A : memref<!tpu.dma_semaphore, #tpu.memory_space<semaphore_mem>>) src(%dma_wait3A_113 : memref<16x64xi32, #tpu.memory_space<hbm>>) dst(%dma_wait3A_111 : memref<16x64xi32, #tpu.memory_space<vmem>>)
      tpu.yield
    }) : () -> ()
    "tpu.region"() ({
      %run_scoped3A = tpu.sem_alloc : memref<!tpu.dma_semaphore, #tpu.memory_space<semaphore_mem>>
      %dma_start3A_94 = arith.constant 0 : i32
      %dma_start3A_95 = arith.constant 0 : i32
      %dma_start3A_96 = tpu.memref_slice %arg8[%dma_start3A_94, %dma_start3A_95] : memref<32x64xi32, #tpu.memory_space<vmem>> -> memref<16x64xi32, #tpu.memory_space<vmem>>
      %dma_start3A_97 = arith.constant 0 : i32
      %dma_start3A_98 = tpu.memref_slice %arg4[%select_n3A_8, %dma_start3A_97] : memref<5120x64xi32, #tpu.memory_space<hbm>> -> memref<16x64xi32, #tpu.memory_space<hbm>>
      %dma_start3A_99 = arith.constant 0 : i32
      %dma_start3A_100 = arith.constant 0 : i32
      %dma_start3A_101 = tpu.memref_slice %arg8[%dma_start3A_99, %dma_start3A_100] : memref<32x64xi32, #tpu.memory_space<vmem>> -> memref<16x64xi32, #tpu.memory_space<vmem>>
      %dma_start3A_102 = arith.constant 0 : i32
      %dma_start3A_103 = tpu.memref_slice %arg4[%select_n3A_8, %dma_start3A_102] : memref<5120x64xi32, #tpu.memory_space<hbm>> -> memref<16x64xi32, #tpu.memory_space<hbm>>
      tpu.enqueue_dma source(%dma_start3A_103 : memref<16x64xi32, #tpu.memory_space<hbm>>) target(%dma_start3A_101 : memref<16x64xi32, #tpu.memory_space<vmem>>) target_semaphore(%run_scoped3A : memref<!tpu.dma_semaphore, #tpu.memory_space<semaphore_mem>>)
      %dma_wait3A_104 = arith.constant 0 : i32
      %dma_wait3A_105 = arith.constant 0 : i32
      %dma_wait3A_106 = tpu.memref_slice %arg8[%dma_wait3A_104, %dma_wait3A_105] : memref<32x64xi32, #tpu.memory_space<vmem>> -> memref<16x64xi32, #tpu.memory_space<vmem>>
      %dma_wait3A_107 = arith.constant 0 : i32
      %dma_wait3A_108 = tpu.memref_slice %arg4[%select_n3A_8, %dma_wait3A_107] : memref<5120x64xi32, #tpu.memory_space<hbm>> -> memref<16x64xi32, #tpu.memory_space<hbm>>
      %dma_wait3A_109 = arith.constant 0 : i32
      %dma_wait3A_110 = arith.constant 0 : i32
      %dma_wait3A_111 = tpu.memref_slice %arg8[%dma_wait3A_109, %dma_wait3A_110] : memref<32x64xi32, #tpu.memory_space<vmem>> -> memref<16x64xi32, #tpu.memory_space<vmem>>
      %dma_wait3A_112 = arith.constant 0 : i32
      %dma_wait3A_113 = tpu.memref_slice %arg4[%select_n3A_8, %dma_wait3A_112] : memref<5120x64xi32, #tpu.memory_space<hbm>> -> memref<16x64xi32, #tpu.memory_space<hbm>>
      tpu.wait_dma2 semaphore(%run_scoped3A : memref<!tpu.dma_semaphore, #tpu.memory_space<semaphore_mem>>) src(%dma_wait3A_113 : memref<16x64xi32, #tpu.memory_space<hbm>>) dst(%dma_wait3A_111 : memref<16x64xi32, #tpu.memory_space<vmem>>)
      tpu.yield
    }) : () -> ()
    %add3A_31 = arith.constant 16 : i32
    %add3A_32 = arith.addi %select_n3A_8, %add3A_31 : i32
    %dma_start3A = arith.constant 1 : i32
    %dma_start3A_33 = arith.constant 16 : i32
    %dma_start3A_34 = arith.constant 0 : i32
    %dma_start3A_35 = tpu.memref_slice %arg7[%dma_start3A_33, %dma_start3A_34] : memref<32x64xi32, #tpu.memory_space<vmem>> -> memref<16x64xi32, #tpu.memory_space<vmem>>
    %dma_start3A_36 = arith.constant 0 : i32
    %dma_start3A_37 = tpu.memref_slice %arg3[%add3A_32, %dma_start3A_36] : memref<5120x64xi32, #tpu.memory_space<hbm>> -> memref<16x64xi32, #tpu.memory_space<hbm>>
    %dma_start3A_38 = tpu.memref_slice %arg13[%dma_start3A] : memref<2x!tpu.dma_semaphore, #tpu.memory_space<semaphore_mem>> -> memref<1x!tpu.dma_semaphore, #tpu.memory_space<semaphore_mem>>
    %dma_start3A_39 = tpu.memref_squeeze %dma_start3A_38 : memref<1x!tpu.dma_semaphore, #tpu.memory_space<semaphore_mem>> -> memref<!tpu.dma_semaphore, #tpu.memory_space<semaphore_mem>>
    %dma_start3A_40 = arith.constant 16 : i32
    %dma_start3A_41 = arith.constant 0 : i32
    %dma_start3A_42 = tpu.memref_slice %arg7[%dma_start3A_40, %dma_start3A_41] : memref<32x64xi32, #tpu.memory_space<vmem>> -> memref<16x64xi32, #tpu.memory_space<vmem>>
    %dma_start3A_43 = arith.constant 0 : i32
    %dma_start3A_44 = tpu.memref_slice %arg3[%add3A_32, %dma_start3A_43] : memref<5120x64xi32, #tpu.memory_space<hbm>> -> memref<16x64xi32, #tpu.memory_space<hbm>>
    tpu.enqueue_dma source(%dma_start3A_44 : memref<16x64xi32, #tpu.memory_space<hbm>>) target(%dma_start3A_42 : memref<16x64xi32, #tpu.memory_space<vmem>>) target_semaphore(%dma_start3A_39 : memref<!tpu.dma_semaphore, #tpu.memory_space<semaphore_mem>>)
    %add3A_45 = arith.constant 16 : i32
    %add3A_46 = arith.addi %select_n3A_8, %add3A_45 : i32
    %dma_start3A_47 = arith.constant 1 : i32
    %dma_start3A_48 = arith.constant 16 : i32
    %dma_start3A_49 = arith.constant 0 : i32
    %dma_start3A_50 = tpu.memref_slice %arg8[%dma_start3A_48, %dma_start3A_49] : memref<32x64xi32, #tpu.memory_space<vmem>> -> memref<16x64xi32, #tpu.memory_space<vmem>>
    %dma_start3A_51 = arith.constant 0 : i32
    %dma_start3A_52 = tpu.memref_slice %arg4[%add3A_46, %dma_start3A_51] : memref<5120x64xi32, #tpu.memory_space<hbm>> -> memref<16x64xi32, #tpu.memory_space<hbm>>
    %dma_start3A_53 = tpu.memref_slice %arg13[%dma_start3A_47] : memref<2x!tpu.dma_semaphore, #tpu.memory_space<semaphore_mem>> -> memref<1x!tpu.dma_semaphore, #tpu.memory_space<semaphore_mem>>
    %dma_start3A_54 = tpu.memref_squeeze %dma_start3A_53 : memref<1x!tpu.dma_semaphore, #tpu.memory_space<semaphore_mem>> -> memref<!tpu.dma_semaphore, #tpu.memory_space<semaphore_mem>>
    %dma_start3A_55 = arith.constant 16 : i32
    %dma_start3A_56 = arith.constant 0 : i32
    %dma_start3A_57 = tpu.memref_slice %arg8[%dma_start3A_55, %dma_start3A_56] : memref<32x64xi32, #tpu.memory_space<vmem>> -> memref<16x64xi32, #tpu.memory_space<vmem>>
    %dma_start3A_58 = arith.constant 0 : i32
    %dma_start3A_59 = tpu.memref_slice %arg4[%add3A_46, %dma_start3A_58] : memref<5120x64xi32, #tpu.memory_space<hbm>> -> memref<16x64xi32, #tpu.memory_space<hbm>>
    tpu.enqueue_dma source(%dma_start3A_59 : memref<16x64xi32, #tpu.memory_space<hbm>>) target(%dma_start3A_57 : memref<16x64xi32, #tpu.memory_space<vmem>>) target_semaphore(%dma_start3A_54 : memref<!tpu.dma_semaphore, #tpu.memory_space<semaphore_mem>>)
    %barrier3A = arith.constant 0 : index
    tpu.barrier barrier_id(%barrier3A)
    %add3A_60 = arith.constant 5 : i32
    %add3A_61 = arith.addi %select_n3A, %add3A_60 : i32
    %sub3A_62 = arith.constant 1 : i32
    %sub3A_63 = arith.subi %add3A_61, %sub3A_62 : i32
    %while3A = arith.constant 0 : i32
    %while3A_64 = arith.constant 0 : i32
    %while3A_65 = arith.subi %sub3A_63, %while3A_64 : i32
    %while3A_66 = arith.addi %while3A_64, %while3A_65 : i32
    %while3A_67 = arith.constant 1 : i32
    %while3A_68 = arith.divsi %while3A_65, %while3A_67 : i32
    %while3A_69 = arith.muli %while3A_68, %while3A_67 : i32
    %while3A_70 = arith.addi %while3A_64, %while3A_69 : i32
    %while3A_71 = arith.constant 1 : i32
    scf.for %while3A_94 = %while3A_64 to %while3A_70 step %while3A_71  : i32 {
      %jit3A_95 = arith.constant 16 : i32
      %div3A_96 = arith.divsi %while3A_94, %jit3A_95 : i32
      %sign3A_97 = arith.constant 0 : i32
      %sign3A_98 = arith.cmpi sgt, %while3A_94, %sign3A_97 : i32
      %sign3A_99 = arith.extui %sign3A_98 : i1 to i32
      %sign3A_100 = arith.constant 0 : i32
      %sign3A_101 = arith.cmpi slt, %while3A_94, %sign3A_100 : i32
      %sign3A_102 = arith.extui %sign3A_101 : i1 to i32
      %sign3A_103 = arith.subi %sign3A_99, %sign3A_102 : i32
      %sign3A_104 = arith.constant 0 : i32
      %sign3A_105 = arith.cmpi sgt, %jit3A_95, %sign3A_104 : i32
      %sign3A_106 = arith.extui %sign3A_105 : i1 to i32
      %sign3A_107 = arith.constant 0 : i32
      %sign3A_108 = arith.cmpi slt, %jit3A_95, %sign3A_107 : i32
      %sign3A_109 = arith.extui %sign3A_108 : i1 to i32
      %sign3A_110 = arith.subi %sign3A_106, %sign3A_109 : i32
      %ne3A_111 = arith.cmpi ne, %sign3A_103, %sign3A_110 : i32
      %rem3A_112 = arith.remsi %while3A_94, %jit3A_95 : i32
      %ne3A_113 = arith.constant 0 : i32
      %ne3A_114 = arith.cmpi ne, %rem3A_112, %ne3A_113 : i32
      %and3A_115 = arith.andi %ne3A_111, %ne3A_114 : i1
      %sub3A_116 = arith.constant 1 : i32
      %sub3A_117 = arith.subi %div3A_96, %sub3A_116 : i32
      %select_n3A_118 = arith.select %and3A_115, %sub3A_117, %div3A_96 : i32
      %rem3A_119 = arith.constant 16 : i32
      %rem3A_120 = arith.remsi %while3A_94, %rem3A_119 : i32
      %rem3A_121 = arith.constant 2 : i32
      %rem3A_122 = arith.remsi %select_n3A_118, %rem3A_121 : i32
      %eq3A_123 = arith.constant 0 : i32
      %eq3A_124 = arith.cmpi eq, %rem3A_120, %eq3A_123 : i32
      %gt3A = arith.constant 0 : i32
      %gt3A_125 = arith.cmpi sgt, %while3A_94, %gt3A : i32
      %lt3A = arith.cmpi slt, %while3A_94, %select_n3A : i32
      %and3A_126 = arith.andi %gt3A_125, %lt3A : i1
      %and3A_127 = arith.andi %eq3A_124, %and3A_126 : i1
      %convert_element_type3A = arith.extui %and3A_127 : i1 to i32
      %cond3A = arith.constant 0 : i32
      %cond3A_128 = arith.cmpi ne, %convert_element_type3A, %cond3A : i32
      scf.if %cond3A_128 {
        %dma_wait3A_170 = arith.constant 0 : i32
        %dma_wait3A_171 = arith.constant 0 : i32
        %dma_wait3A_172 = tpu.memref_slice %arg7[%dma_wait3A_170, %dma_wait3A_171] : memref<32x64xi32, #tpu.memory_space<vmem>> -> memref<16x64xi32, #tpu.memory_space<vmem>>
        %dma_wait3A_173 = arith.constant 0 : i32
        %dma_wait3A_174 = tpu.memref_slice %arg3[%select_n3A_8, %dma_wait3A_173] : memref<5120x64xi32, #tpu.memory_space<hbm>> -> memref<16x64xi32, #tpu.memory_space<hbm>>
        %dma_wait3A_175 = tpu.memref_slice %arg13[%rem3A_122] : memref<2x!tpu.dma_semaphore, #tpu.memory_space<semaphore_mem>> -> memref<1x!tpu.dma_semaphore, #tpu.memory_space<semaphore_mem>>
        %dma_wait3A_176 = tpu.memref_squeeze %dma_wait3A_175 : memref<1x!tpu.dma_semaphore, #tpu.memory_space<semaphore_mem>> -> memref<!tpu.dma_semaphore, #tpu.memory_space<semaphore_mem>>
        %dma_wait3A_177 = arith.constant 0 : i32
        %dma_wait3A_178 = arith.constant 0 : i32
        %dma_wait3A_179 = tpu.memref_slice %arg7[%dma_wait3A_177, %dma_wait3A_178] : memref<32x64xi32, #tpu.memory_space<vmem>> -> memref<16x64xi32, #tpu.memory_space<vmem>>
        %dma_wait3A_180 = arith.constant 0 : i32
        %dma_wait3A_181 = tpu.memref_slice %arg3[%select_n3A_8, %dma_wait3A_180] : memref<5120x64xi32, #tpu.memory_space<hbm>> -> memref<16x64xi32, #tpu.memory_space<hbm>>
        tpu.wait_dma2 semaphore(%dma_wait3A_176 : memref<!tpu.dma_semaphore, #tpu.memory_space<semaphore_mem>>) src(%dma_wait3A_181 : memref<16x64xi32, #tpu.memory_space<hbm>>) dst(%dma_wait3A_179 : memref<16x64xi32, #tpu.memory_space<vmem>>)
        %dma_wait3A_182 = arith.constant 0 : i32
        %dma_wait3A_183 = arith.constant 0 : i32
        %dma_wait3A_184 = tpu.memref_slice %arg7[%dma_wait3A_182, %dma_wait3A_183] : memref<32x64xi32, #tpu.memory_space<vmem>> -> memref<16x64xi32, #tpu.memory_space<vmem>>
        %dma_wait3A_185 = arith.constant 0 : i32
        %dma_wait3A_186 = tpu.memref_slice %arg3[%select_n3A_8, %dma_wait3A_185] : memref<5120x64xi32, #tpu.memory_space<hbm>> -> memref<16x64xi32, #tpu.memory_space<hbm>>
        %dma_wait3A_187 = tpu.memref_slice %arg13[%rem3A_122] : memref<2x!tpu.dma_semaphore, #tpu.memory_space<semaphore_mem>> -> memref<1x!tpu.dma_semaphore, #tpu.memory_space<semaphore_mem>>
        %dma_wait3A_188 = tpu.memref_squeeze %dma_wait3A_187 : memref<1x!tpu.dma_semaphore, #tpu.memory_space<semaphore_mem>> -> memref<!tpu.dma_semaphore, #tpu.memory_space<semaphore_mem>>
        %dma_wait3A_189 = arith.constant 0 : i32
        %dma_wait3A_190 = arith.constant 0 : i32
        %dma_wait3A_191 = tpu.memref_slice %arg7[%dma_wait3A_189, %dma_wait3A_190] : memref<32x64xi32, #tpu.memory_space<vmem>> -> memref<16x64xi32, #tpu.memory_space<vmem>>
        %dma_wait3A_192 = arith.constant 0 : i32
        %dma_wait3A_193 = tpu.memref_slice %arg3[%select_n3A_8, %dma_wait3A_192] : memref<5120x64xi32, #tpu.memory_space<hbm>> -> memref<16x64xi32, #tpu.memory_space<hbm>>
        tpu.wait_dma2 semaphore(%dma_wait3A_188 : memref<!tpu.dma_semaphore, #tpu.memory_space<semaphore_mem>>) src(%dma_wait3A_193 : memref<16x64xi32, #tpu.memory_space<hbm>>) dst(%dma_wait3A_191 : memref<16x64xi32, #tpu.memory_space<vmem>>)
      } else {
      }
      %eq3A_129 = arith.constant 5 : i32
      %eq3A_130 = arith.cmpi eq, %rem3A_120, %eq3A_129 : i32
      %ge3A = arith.constant 1 : i32
      %ge3A_131 = arith.cmpi sge, %select_n3A_118, %ge3A : i32
      %add3A_132 = arith.constant 1 : i32
      %add3A_133 = arith.addi %select_n3A_118, %add3A_132 : i32
      %lt3A_134 = arith.cmpi slt, %add3A_133, %select_n3A_26 : i32
      %and3A_135 = arith.andi %ge3A_131, %lt3A_134 : i1
      %and3A_136 = arith.andi %eq3A_130, %and3A_135 : i1
      %convert_element_type3A_137 = arith.extui %and3A_136 : i1 to i32
      %cond3A_138 = arith.constant 0 : i32
      %cond3A_139 = arith.cmpi ne, %convert_element_type3A_137, %cond3A_138 : i32
      scf.if %cond3A_139 {
        %add3A_170 = arith.constant 1 : i32
        %add3A_171 = arith.addi %select_n3A_118, %add3A_170 : i32
        %rem3A_172 = arith.constant 2 : i32
        %rem3A_173 = arith.remsi %add3A_171, %rem3A_172 : i32
        %mul3A_174 = arith.constant 16 : i32
        %mul3A_175 = arith.muli %add3A_171, %mul3A_174 : i32
        %add3A_176 = arith.addi %select_n3A_8, %mul3A_175 : i32
        %mul3A_177 = arith.constant 16 : i32
        %mul3A_178 = arith.muli %rem3A_173, %mul3A_177 : i32
        %dma_start3A_179 = arith.constant 0 : i32
        %dma_start3A_180 = tpu.memref_slice %arg7[%mul3A_178, %dma_start3A_179] : memref<32x64xi32, #tpu.memory_space<vmem>> -> memref<16x64xi32, #tpu.memory_space<vmem>>
        %dma_start3A_181 = arith.constant 0 : i32
        %dma_start3A_182 = tpu.memref_slice %arg3[%add3A_176, %dma_start3A_181] : memref<5120x64xi32, #tpu.memory_space<hbm>> -> memref<16x64xi32, #tpu.memory_space<hbm>>
        %dma_start3A_183 = tpu.memref_slice %arg13[%rem3A_173] : memref<2x!tpu.dma_semaphore, #tpu.memory_space<semaphore_mem>> -> memref<1x!tpu.dma_semaphore, #tpu.memory_space<semaphore_mem>>
        %dma_start3A_184 = tpu.memref_squeeze %dma_start3A_183 : memref<1x!tpu.dma_semaphore, #tpu.memory_space<semaphore_mem>> -> memref<!tpu.dma_semaphore, #tpu.memory_space<semaphore_mem>>
        %dma_start3A_185 = arith.constant 0 : i32
        %dma_start3A_186 = tpu.memref_slice %arg7[%mul3A_178, %dma_start3A_185] : memref<32x64xi32, #tpu.memory_space<vmem>> -> memref<16x64xi32, #tpu.memory_space<vmem>>
        %dma_start3A_187 = arith.constant 0 : i32
        %dma_start3A_188 = tpu.memref_slice %arg3[%add3A_176, %dma_start3A_187] : memref<5120x64xi32, #tpu.memory_space<hbm>> -> memref<16x64xi32, #tpu.memory_space<hbm>>
        tpu.enqueue_dma source(%dma_start3A_188 : memref<16x64xi32, #tpu.memory_space<hbm>>) target(%dma_start3A_186 : memref<16x64xi32, #tpu.memory_space<vmem>>) target_semaphore(%dma_start3A_184 : memref<!tpu.dma_semaphore, #tpu.memory_space<semaphore_mem>>)
        %mul3A_189 = arith.constant 16 : i32
        %mul3A_190 = arith.muli %add3A_171, %mul3A_189 : i32
        %add3A_191 = arith.addi %select_n3A_8, %mul3A_190 : i32
        %mul3A_192 = arith.constant 16 : i32
        %mul3A_193 = arith.muli %rem3A_173, %mul3A_192 : i32
        %dma_start3A_194 = arith.constant 0 : i32
        %dma_start3A_195 = tpu.memref_slice %arg8[%mul3A_193, %dma_start3A_194] : memref<32x64xi32, #tpu.memory_space<vmem>> -> memref<16x64xi32, #tpu.memory_space<vmem>>
        %dma_start3A_196 = arith.constant 0 : i32
        %dma_start3A_197 = tpu.memref_slice %arg4[%add3A_191, %dma_start3A_196] : memref<5120x64xi32, #tpu.memory_space<hbm>> -> memref<16x64xi32, #tpu.memory_space<hbm>>
        %dma_start3A_198 = tpu.memref_slice %arg13[%rem3A_173] : memref<2x!tpu.dma_semaphore, #tpu.memory_space<semaphore_mem>> -> memref<1x!tpu.dma_semaphore, #tpu.memory_space<semaphore_mem>>
        %dma_start3A_199 = tpu.memref_squeeze %dma_start3A_198 : memref<1x!tpu.dma_semaphore, #tpu.memory_space<semaphore_mem>> -> memref<!tpu.dma_semaphore, #tpu.memory_space<semaphore_mem>>
        %dma_start3A_200 = arith.constant 0 : i32
        %dma_start3A_201 = tpu.memref_slice %arg8[%mul3A_193, %dma_start3A_200] : memref<32x64xi32, #tpu.memory_space<vmem>> -> memref<16x64xi32, #tpu.memory_space<vmem>>
        %dma_start3A_202 = arith.constant 0 : i32
        %dma_start3A_203 = tpu.memref_slice %arg4[%add3A_191, %dma_start3A_202] : memref<5120x64xi32, #tpu.memory_space<hbm>> -> memref<16x64xi32, #tpu.memory_space<hbm>>
        tpu.enqueue_dma source(%dma_start3A_203 : memref<16x64xi32, #tpu.memory_space<hbm>>) target(%dma_start3A_201 : memref<16x64xi32, #tpu.memory_space<vmem>>) target_semaphore(%dma_start3A_199 : memref<!tpu.dma_semaphore, #tpu.memory_space<semaphore_mem>>)
      } else {
      }
      %rem3A_140 = arith.constant 5 : i32
      %rem3A_141 = arith.remsi %while3A_94, %rem3A_140 : i32
      %mul3A_142 = arith.constant 64 : i32
      %mul3A_143 = arith.muli %rem3A_141, %mul3A_142 : i32
      %ge3A_144 = arith.constant 5 : i32
      %ge3A_145 = arith.cmpi sge, %while3A_94, %ge3A_144 : i32
      %convert_element_type3A_146 = arith.extui %ge3A_145 : i1 to i32
      %cond3A_147 = arith.constant 0 : i32
      %cond3A_148 = arith.cmpi ne, %convert_element_type3A_146, %cond3A_147 : i32
      scf.if %cond3A_148 {
        %dma_wait3A_170 = arith.constant 0 : i32
        %dma_wait3A_171 = arith.constant 0 : i32
        %dma_wait3A_172 = tpu.memref_slice %arg9[%mul3A_143, %dma_wait3A_171] : memref<320x128xf32, #tpu.memory_space<vmem>> -> memref<64x128xf32, #tpu.memory_space<vmem>>
        %dma_wait3A_173 = arith.constant 0 : i32
        %dma_wait3A_174 = tpu.memref_slice %arg8[%dma_wait3A_170, %dma_wait3A_173] : memref<32x64xi32, #tpu.memory_space<vmem>> -> memref<1x64xi32, #tpu.memory_space<vmem>>
        %dma_wait3A_175 = tpu.memref_squeeze %dma_wait3A_174 : memref<1x64xi32, #tpu.memory_space<vmem>> -> memref<64xi32, #tpu.memory_space<vmem>>
        %dma_wait3A_176 = arith.constant 0 : i32
        %dma_wait3A_177 = arith.constant 0 : i32
        %dma_wait3A_178 = tpu.memref_slice %arg10[%dma_wait3A_176, %dma_wait3A_177] : memref<10112x128xf32, #tpu.memory_space<vmem_shared>> -> memref<10112x128xf32, #tpu.memory_space<vmem_shared>>
        %dma_wait3A_179 = tpu.memref_slice %arg12[%rem3A_141] : memref<5x!tpu.dma_semaphore, #tpu.memory_space<semaphore_mem>> -> memref<1x!tpu.dma_semaphore, #tpu.memory_space<semaphore_mem>>
        %dma_wait3A_180 = tpu.memref_squeeze %dma_wait3A_179 : memref<1x!tpu.dma_semaphore, #tpu.memory_space<semaphore_mem>> -> memref<!tpu.dma_semaphore, #tpu.memory_space<semaphore_mem>>
        tpu.wait_indirect_dma semaphore(%dma_wait3A_180 : memref<!tpu.dma_semaphore, #tpu.memory_space<semaphore_mem>>) src(%dma_wait3A_172 : memref<64x128xf32, #tpu.memory_space<vmem>>) dst(%dma_wait3A_178 : memref<10112x128xf32, #tpu.memory_space<vmem_shared>>)
      } else {
      }
      %lt3A_149 = arith.cmpi slt, %while3A_94, %select_n3A : i32
      %convert_element_type3A_150 = arith.extui %lt3A_149 : i1 to i32
      %cond3A_151 = arith.constant 0 : i32
      %cond3A_152 = arith.cmpi ne, %convert_element_type3A_150, %cond3A_151 : i32
      scf.if %cond3A_152 {
        %mul3A_170 = arith.constant 16 : i32
        %mul3A_171 = arith.muli %rem3A_122, %mul3A_170 : i32
        %add3A_172 = arith.addi %mul3A_171, %rem3A_120 : i32
        %dma_start3A_173 = arith.constant 0 : i32
        %dma_start3A_174 = tpu.memref_slice %arg9[%mul3A_143, %dma_start3A_173] : memref<320x128xf32, #tpu.memory_space<vmem>> -> memref<64x128xf32, #tpu.memory_space<vmem>>
        %dma_start3A_175 = arith.constant 0 : i32
        %dma_start3A_176 = tpu.memref_slice %arg7[%add3A_172, %dma_start3A_175] : memref<32x64xi32, #tpu.memory_space<vmem>> -> memref<1x64xi32, #tpu.memory_space<vmem>>
        %dma_start3A_177 = tpu.memref_squeeze %dma_start3A_176 : memref<1x64xi32, #tpu.memory_space<vmem>> -> memref<64xi32, #tpu.memory_space<vmem>>
        %dma_start3A_178 = arith.constant 0 : i32
        %dma_start3A_179 = arith.constant 0 : i32
        %dma_start3A_180 = tpu.memref_slice %arg2[%dma_start3A_178, %dma_start3A_179] : memref<10000x128xf32, #tpu.memory_space<hbm>> -> memref<10000x128xf32, #tpu.memory_space<hbm>>
        %dma_start3A_181 = tpu.memref_slice %arg11[%rem3A_141] : memref<5x!tpu.dma_semaphore, #tpu.memory_space<semaphore_mem>> -> memref<1x!tpu.dma_semaphore, #tpu.memory_space<semaphore_mem>>
        %dma_start3A_182 = tpu.memref_squeeze %dma_start3A_181 : memref<1x!tpu.dma_semaphore, #tpu.memory_space<semaphore_mem>> -> memref<!tpu.dma_semaphore, #tpu.memory_space<semaphore_mem>>
        tpu.enqueue_indirect_dma source(%dma_start3A_180 : memref<10000x128xf32, #tpu.memory_space<hbm>>) target(%dma_start3A_174 : memref<64x128xf32, #tpu.memory_space<vmem>>) offsets(%dma_start3A_177 : memref<64xi32, #tpu.memory_space<vmem>>) semaphore(%dma_start3A_182 : memref<!tpu.dma_semaphore, #tpu.memory_space<semaphore_mem>>)
      } else {
      }
      %sub3A_153 = arith.constant 5 : i32
      %sub3A_154 = arith.subi %while3A_94, %sub3A_153 : i32
      %add3A_155 = arith.constant 1 : i32
      %add3A_156 = arith.addi %sub3A_154, %add3A_155 : i32
      %add3A_157 = arith.constant 5 : i32
      %add3A_158 = arith.addi %add3A_156, %add3A_157 : i32
      %rem3A_159 = arith.constant 5 : i32
      %rem3A_160 = arith.remsi %add3A_158, %rem3A_159 : i32
      %mul3A_161 = arith.constant 64 : i32
      %mul3A_162 = arith.muli %rem3A_160, %mul3A_161 : i32
      %ge3A_163 = arith.constant 0 : i32
      %ge3A_164 = arith.cmpi sge, %add3A_156, %ge3A_163 : i32
      %lt3A_165 = arith.cmpi slt, %add3A_156, %select_n3A : i32
      %and3A_166 = arith.andi %ge3A_164, %lt3A_165 : i1
      %convert_element_type3A_167 = arith.extui %and3A_166 : i1 to i32
      %cond3A_168 = arith.constant 0 : i32
      %cond3A_169 = arith.cmpi ne, %convert_element_type3A_167, %cond3A_168 : i32
      scf.if %cond3A_169 {
        %jit3A_170 = arith.constant 16 : i32
        %div3A_171 = arith.divsi %add3A_156, %jit3A_170 : i32
        %sign3A_172 = arith.constant 0 : i32
        %sign3A_173 = arith.cmpi sgt, %add3A_156, %sign3A_172 : i32
        %sign3A_174 = arith.extui %sign3A_173 : i1 to i32
        %sign3A_175 = arith.constant 0 : i32
        %sign3A_176 = arith.cmpi slt, %add3A_156, %sign3A_175 : i32
        %sign3A_177 = arith.extui %sign3A_176 : i1 to i32
        %sign3A_178 = arith.subi %sign3A_174, %sign3A_177 : i32
        %sign3A_179 = arith.constant 0 : i32
        %sign3A_180 = arith.cmpi sgt, %jit3A_170, %sign3A_179 : i32
        %sign3A_181 = arith.extui %sign3A_180 : i1 to i32
        %sign3A_182 = arith.constant 0 : i32
        %sign3A_183 = arith.cmpi slt, %jit3A_170, %sign3A_182 : i32
        %sign3A_184 = arith.extui %sign3A_183 : i1 to i32
        %sign3A_185 = arith.subi %sign3A_181, %sign3A_184 : i32
        %ne3A_186 = arith.cmpi ne, %sign3A_178, %sign3A_185 : i32
        %rem3A_187 = arith.remsi %add3A_156, %jit3A_170 : i32
        %ne3A_188 = arith.constant 0 : i32
        %ne3A_189 = arith.cmpi ne, %rem3A_187, %ne3A_188 : i32
        %and3A_190 = arith.andi %ne3A_186, %ne3A_189 : i1
        %sub3A_191 = arith.constant 1 : i32
        %sub3A_192 = arith.subi %div3A_171, %sub3A_191 : i32
        %select_n3A_193 = arith.select %and3A_190, %sub3A_192, %div3A_171 : i32
        %rem3A_194 = arith.constant 2 : i32
        %rem3A_195 = arith.remsi %select_n3A_193, %rem3A_194 : i32
        %mul3A_196 = arith.constant 16 : i32
        %mul3A_197 = arith.muli %rem3A_195, %mul3A_196 : i32
        %rem3A_198 = arith.constant 16 : i32
        %rem3A_199 = arith.remsi %add3A_156, %rem3A_198 : i32
        %add3A_200 = arith.addi %mul3A_197, %rem3A_199 : i32
        %dma_wait3A_201 = arith.constant 0 : i32
        %dma_wait3A_202 = arith.constant 0 : i32
        %dma_wait3A_203 = tpu.memref_slice %arg9[%mul3A_162, %dma_wait3A_202] : memref<320x128xf32, #tpu.memory_space<vmem>> -> memref<64x128xf32, #tpu.memory_space<vmem>>
        %dma_wait3A_204 = arith.constant 0 : i32
        %dma_wait3A_205 = tpu.memref_slice %arg7[%dma_wait3A_201, %dma_wait3A_204] : memref<32x64xi32, #tpu.memory_space<vmem>> -> memref<1x64xi32, #tpu.memory_space<vmem>>
        %dma_wait3A_206 = tpu.memref_squeeze %dma_wait3A_205 : memref<1x64xi32, #tpu.memory_space<vmem>> -> memref<64xi32, #tpu.memory_space<vmem>>
        %dma_wait3A_207 = arith.constant 0 : i32
        %dma_wait3A_208 = arith.constant 0 : i32
        %dma_wait3A_209 = tpu.memref_slice %arg2[%dma_wait3A_207, %dma_wait3A_208] : memref<10000x128xf32, #tpu.memory_space<hbm>> -> memref<10000x128xf32, #tpu.memory_space<hbm>>
        %dma_wait3A_210 = tpu.memref_slice %arg11[%rem3A_160] : memref<5x!tpu.dma_semaphore, #tpu.memory_space<semaphore_mem>> -> memref<1x!tpu.dma_semaphore, #tpu.memory_space<semaphore_mem>>
        %dma_wait3A_211 = tpu.memref_squeeze %dma_wait3A_210 : memref<1x!tpu.dma_semaphore, #tpu.memory_space<semaphore_mem>> -> memref<!tpu.dma_semaphore, #tpu.memory_space<semaphore_mem>>
        tpu.wait_indirect_dma semaphore(%dma_wait3A_211 : memref<!tpu.dma_semaphore, #tpu.memory_space<semaphore_mem>>) src(%dma_wait3A_209 : memref<10000x128xf32, #tpu.memory_space<hbm>>) dst(%dma_wait3A_203 : memref<64x128xf32, #tpu.memory_space<vmem>>)
        %dma_start3A_212 = arith.constant 0 : i32
        %dma_start3A_213 = tpu.memref_slice %arg9[%mul3A_162, %dma_start3A_212] : memref<320x128xf32, #tpu.memory_space<vmem>> -> memref<64x128xf32, #tpu.memory_space<vmem>>
        %dma_start3A_214 = arith.constant 0 : i32
        %dma_start3A_215 = tpu.memref_slice %arg8[%add3A_200, %dma_start3A_214] : memref<32x64xi32, #tpu.memory_space<vmem>> -> memref<1x64xi32, #tpu.memory_space<vmem>>
        %dma_start3A_216 = tpu.memref_squeeze %dma_start3A_215 : memref<1x64xi32, #tpu.memory_space<vmem>> -> memref<64xi32, #tpu.memory_space<vmem>>
        %dma_start3A_217 = arith.constant 0 : i32
        %dma_start3A_218 = arith.constant 0 : i32
        %dma_start3A_219 = tpu.memref_slice %arg10[%dma_start3A_217, %dma_start3A_218] : memref<10112x128xf32, #tpu.memory_space<vmem_shared>> -> memref<10112x128xf32, #tpu.memory_space<vmem_shared>>
        %dma_start3A_220 = tpu.memref_slice %arg12[%rem3A_160] : memref<5x!tpu.dma_semaphore, #tpu.memory_space<semaphore_mem>> -> memref<1x!tpu.dma_semaphore, #tpu.memory_space<semaphore_mem>>
        %dma_start3A_221 = tpu.memref_squeeze %dma_start3A_220 : memref<1x!tpu.dma_semaphore, #tpu.memory_space<semaphore_mem>> -> memref<!tpu.dma_semaphore, #tpu.memory_space<semaphore_mem>>
        tpu.enqueue_indirect_dma source(%dma_start3A_213 : memref<64x128xf32, #tpu.memory_space<vmem>>) target(%dma_start3A_219 : memref<10112x128xf32, #tpu.memory_space<vmem_shared>>) offsets(%dma_start3A_216 : memref<64xi32, #tpu.memory_space<vmem>>) semaphore(%dma_start3A_221 : memref<!tpu.dma_semaphore, #tpu.memory_space<semaphore_mem>>) {add = true}
      } else {
      }
    }
    %while3A_72 = arith.constant 1 : i32
    scf.for %while3A_94 = %while3A_70 to %while3A_66 step %while3A_72  : i32 {
      %jit3A_95 = arith.constant 16 : i32
      %div3A_96 = arith.divsi %while3A_94, %jit3A_95 : i32
      %sign3A_97 = arith.constant 0 : i32
      %sign3A_98 = arith.cmpi sgt, %while3A_94, %sign3A_97 : i32
      %sign3A_99 = arith.extui %sign3A_98 : i1 to i32
      %sign3A_100 = arith.constant 0 : i32
      %sign3A_101 = arith.cmpi slt, %while3A_94, %sign3A_100 : i32
      %sign3A_102 = arith.extui %sign3A_101 : i1 to i32
      %sign3A_103 = arith.subi %sign3A_99, %sign3A_102 : i32
      %sign3A_104 = arith.constant 0 : i32
      %sign3A_105 = arith.cmpi sgt, %jit3A_95, %sign3A_104 : i32
      %sign3A_106 = arith.extui %sign3A_105 : i1 to i32
      %sign3A_107 = arith.constant 0 : i32
      %sign3A_108 = arith.cmpi slt, %jit3A_95, %sign3A_107 : i32
      %sign3A_109 = arith.extui %sign3A_108 : i1 to i32
      %sign3A_110 = arith.subi %sign3A_106, %sign3A_109 : i32
      %ne3A_111 = arith.cmpi ne, %sign3A_103, %sign3A_110 : i32
      %rem3A_112 = arith.remsi %while3A_94, %jit3A_95 : i32
      %ne3A_113 = arith.constant 0 : i32
      %ne3A_114 = arith.cmpi ne, %rem3A_112, %ne3A_113 : i32
      %and3A_115 = arith.andi %ne3A_111, %ne3A_114 : i1
      %sub3A_116 = arith.constant 1 : i32
      %sub3A_117 = arith.subi %div3A_96, %sub3A_116 : i32
      %select_n3A_118 = arith.select %and3A_115, %sub3A_117, %div3A_96 : i32
      %rem3A_119 = arith.constant 16 : i32
      %rem3A_120 = arith.remsi %while3A_94, %rem3A_119 : i32
      %rem3A_121 = arith.constant 2 : i32
      %rem3A_122 = arith.remsi %select_n3A_118, %rem3A_121 : i32
      %eq3A_123 = arith.constant 0 : i32
      %eq3A_124 = arith.cmpi eq, %rem3A_120, %eq3A_123 : i32
      %gt3A = arith.constant 0 : i32
      %gt3A_125 = arith.cmpi sgt, %while3A_94, %gt3A : i32
      %lt3A = arith.cmpi slt, %while3A_94, %select_n3A : i32
      %and3A_126 = arith.andi %gt3A_125, %lt3A : i1
      %and3A_127 = arith.andi %eq3A_124, %and3A_126 : i1
      %convert_element_type3A = arith.extui %and3A_127 : i1 to i32
      %cond3A = arith.constant 0 : i32
      %cond3A_128 = arith.cmpi ne, %convert_element_type3A, %cond3A : i32
      scf.if %cond3A_128 {
        %dma_wait3A_170 = arith.constant 0 : i32
        %dma_wait3A_171 = arith.constant 0 : i32
        %dma_wait3A_172 = tpu.memref_slice %arg7[%dma_wait3A_170, %dma_wait3A_171] : memref<32x64xi32, #tpu.memory_space<vmem>> -> memref<16x64xi32, #tpu.memory_space<vmem>>
        %dma_wait3A_173 = arith.constant 0 : i32
        %dma_wait3A_174 = tpu.memref_slice %arg3[%select_n3A_8, %dma_wait3A_173] : memref<5120x64xi32, #tpu.memory_space<hbm>> -> memref<16x64xi32, #tpu.memory_space<hbm>>
        %dma_wait3A_175 = tpu.memref_slice %arg13[%rem3A_122] : memref<2x!tpu.dma_semaphore, #tpu.memory_space<semaphore_mem>> -> memref<1x!tpu.dma_semaphore, #tpu.memory_space<semaphore_mem>>
        %dma_wait3A_176 = tpu.memref_squeeze %dma_wait3A_175 : memref<1x!tpu.dma_semaphore, #tpu.memory_space<semaphore_mem>> -> memref<!tpu.dma_semaphore, #tpu.memory_space<semaphore_mem>>
        %dma_wait3A_177 = arith.constant 0 : i32
        %dma_wait3A_178 = arith.constant 0 : i32
        %dma_wait3A_179 = tpu.memref_slice %arg7[%dma_wait3A_177, %dma_wait3A_178] : memref<32x64xi32, #tpu.memory_space<vmem>> -> memref<16x64xi32, #tpu.memory_space<vmem>>
        %dma_wait3A_180 = arith.constant 0 : i32
        %dma_wait3A_181 = tpu.memref_slice %arg3[%select_n3A_8, %dma_wait3A_180] : memref<5120x64xi32, #tpu.memory_space<hbm>> -> memref<16x64xi32, #tpu.memory_space<hbm>>
        tpu.wait_dma2 semaphore(%dma_wait3A_176 : memref<!tpu.dma_semaphore, #tpu.memory_space<semaphore_mem>>) src(%dma_wait3A_181 : memref<16x64xi32, #tpu.memory_space<hbm>>) dst(%dma_wait3A_179 : memref<16x64xi32, #tpu.memory_space<vmem>>)
        %dma_wait3A_182 = arith.constant 0 : i32
        %dma_wait3A_183 = arith.constant 0 : i32
        %dma_wait3A_184 = tpu.memref_slice %arg7[%dma_wait3A_182, %dma_wait3A_183] : memref<32x64xi32, #tpu.memory_space<vmem>> -> memref<16x64xi32, #tpu.memory_space<vmem>>
        %dma_wait3A_185 = arith.constant 0 : i32
        %dma_wait3A_186 = tpu.memref_slice %arg3[%select_n3A_8, %dma_wait3A_185] : memref<5120x64xi32, #tpu.memory_space<hbm>> -> memref<16x64xi32, #tpu.memory_space<hbm>>
        %dma_wait3A_187 = tpu.memref_slice %arg13[%rem3A_122] : memref<2x!tpu.dma_semaphore, #tpu.memory_space<semaphore_mem>> -> memref<1x!tpu.dma_semaphore, #tpu.memory_space<semaphore_mem>>
        %dma_wait3A_188 = tpu.memref_squeeze %dma_wait3A_187 : memref<1x!tpu.dma_semaphore, #tpu.memory_space<semaphore_mem>> -> memref<!tpu.dma_semaphore, #tpu.memory_space<semaphore_mem>>
        %dma_wait3A_189 = arith.constant 0 : i32
        %dma_wait3A_190 = arith.constant 0 : i32
        %dma_wait3A_191 = tpu.memref_slice %arg7[%dma_wait3A_189, %dma_wait3A_190] : memref<32x64xi32, #tpu.memory_space<vmem>> -> memref<16x64xi32, #tpu.memory_space<vmem>>
        %dma_wait3A_192 = arith.constant 0 : i32
        %dma_wait3A_193 = tpu.memref_slice %arg3[%select_n3A_8, %dma_wait3A_192] : memref<5120x64xi32, #tpu.memory_space<hbm>> -> memref<16x64xi32, #tpu.memory_space<hbm>>
        tpu.wait_dma2 semaphore(%dma_wait3A_188 : memref<!tpu.dma_semaphore, #tpu.memory_space<semaphore_mem>>) src(%dma_wait3A_193 : memref<16x64xi32, #tpu.memory_space<hbm>>) dst(%dma_wait3A_191 : memref<16x64xi32, #tpu.memory_space<vmem>>)
      } else {
      }
      %eq3A_129 = arith.constant 5 : i32
      %eq3A_130 = arith.cmpi eq, %rem3A_120, %eq3A_129 : i32
      %ge3A = arith.constant 1 : i32
      %ge3A_131 = arith.cmpi sge, %select_n3A_118, %ge3A : i32
      %add3A_132 = arith.constant 1 : i32
      %add3A_133 = arith.addi %select_n3A_118, %add3A_132 : i32
      %lt3A_134 = arith.cmpi slt, %add3A_133, %select_n3A_26 : i32
      %and3A_135 = arith.andi %ge3A_131, %lt3A_134 : i1
      %and3A_136 = arith.andi %eq3A_130, %and3A_135 : i1
      %convert_element_type3A_137 = arith.extui %and3A_136 : i1 to i32
      %cond3A_138 = arith.constant 0 : i32
      %cond3A_139 = arith.cmpi ne, %convert_element_type3A_137, %cond3A_138 : i32
      scf.if %cond3A_139 {
        %add3A_170 = arith.constant 1 : i32
        %add3A_171 = arith.addi %select_n3A_118, %add3A_170 : i32
        %rem3A_172 = arith.constant 2 : i32
        %rem3A_173 = arith.remsi %add3A_171, %rem3A_172 : i32
        %mul3A_174 = arith.constant 16 : i32
        %mul3A_175 = arith.muli %add3A_171, %mul3A_174 : i32
        %add3A_176 = arith.addi %select_n3A_8, %mul3A_175 : i32
        %mul3A_177 = arith.constant 16 : i32
        %mul3A_178 = arith.muli %rem3A_173, %mul3A_177 : i32
        %dma_start3A_179 = arith.constant 0 : i32
        %dma_start3A_180 = tpu.memref_slice %arg7[%mul3A_178, %dma_start3A_179] : memref<32x64xi32, #tpu.memory_space<vmem>> -> memref<16x64xi32, #tpu.memory_space<vmem>>
        %dma_start3A_181 = arith.constant 0 : i32
        %dma_start3A_182 = tpu.memref_slice %arg3[%add3A_176, %dma_start3A_181] : memref<5120x64xi32, #tpu.memory_space<hbm>> -> memref<16x64xi32, #tpu.memory_space<hbm>>
        %dma_start3A_183 = tpu.memref_slice %arg13[%rem3A_173] : memref<2x!tpu.dma_semaphore, #tpu.memory_space<semaphore_mem>> -> memref<1x!tpu.dma_semaphore, #tpu.memory_space<semaphore_mem>>
        %dma_start3A_184 = tpu.memref_squeeze %dma_start3A_183 : memref<1x!tpu.dma_semaphore, #tpu.memory_space<semaphore_mem>> -> memref<!tpu.dma_semaphore, #tpu.memory_space<semaphore_mem>>
        %dma_start3A_185 = arith.constant 0 : i32
        %dma_start3A_186 = tpu.memref_slice %arg7[%mul3A_178, %dma_start3A_185] : memref<32x64xi32, #tpu.memory_space<vmem>> -> memref<16x64xi32, #tpu.memory_space<vmem>>
        %dma_start3A_187 = arith.constant 0 : i32
        %dma_start3A_188 = tpu.memref_slice %arg3[%add3A_176, %dma_start3A_187] : memref<5120x64xi32, #tpu.memory_space<hbm>> -> memref<16x64xi32, #tpu.memory_space<hbm>>
        tpu.enqueue_dma source(%dma_start3A_188 : memref<16x64xi32, #tpu.memory_space<hbm>>) target(%dma_start3A_186 : memref<16x64xi32, #tpu.memory_space<vmem>>) target_semaphore(%dma_start3A_184 : memref<!tpu.dma_semaphore, #tpu.memory_space<semaphore_mem>>)
        %mul3A_189 = arith.constant 16 : i32
        %mul3A_190 = arith.muli %add3A_171, %mul3A_189 : i32
        %add3A_191 = arith.addi %select_n3A_8, %mul3A_190 : i32
        %mul3A_192 = arith.constant 16 : i32
        %mul3A_193 = arith.muli %rem3A_173, %mul3A_192 : i32
        %dma_start3A_194 = arith.constant 0 : i32
        %dma_start3A_195 = tpu.memref_slice %arg8[%mul3A_193, %dma_start3A_194] : memref<32x64xi32, #tpu.memory_space<vmem>> -> memref<16x64xi32, #tpu.memory_space<vmem>>
        %dma_start3A_196 = arith.constant 0 : i32
        %dma_start3A_197 = tpu.memref_slice %arg4[%add3A_191, %dma_start3A_196] : memref<5120x64xi32, #tpu.memory_space<hbm>> -> memref<16x64xi32, #tpu.memory_space<hbm>>
        %dma_start3A_198 = tpu.memref_slice %arg13[%rem3A_173] : memref<2x!tpu.dma_semaphore, #tpu.memory_space<semaphore_mem>> -> memref<1x!tpu.dma_semaphore, #tpu.memory_space<semaphore_mem>>
        %dma_start3A_199 = tpu.memref_squeeze %dma_start3A_198 : memref<1x!tpu.dma_semaphore, #tpu.memory_space<semaphore_mem>> -> memref<!tpu.dma_semaphore, #tpu.memory_space<semaphore_mem>>
        %dma_start3A_200 = arith.constant 0 : i32
        %dma_start3A_201 = tpu.memref_slice %arg8[%mul3A_193, %dma_start3A_200] : memref<32x64xi32, #tpu.memory_space<vmem>> -> memref<16x64xi32, #tpu.memory_space<vmem>>
        %dma_start3A_202 = arith.constant 0 : i32
        %dma_start3A_203 = tpu.memref_slice %arg4[%add3A_191, %dma_start3A_202] : memref<5120x64xi32, #tpu.memory_space<hbm>> -> memref<16x64xi32, #tpu.memory_space<hbm>>
        tpu.enqueue_dma source(%dma_start3A_203 : memref<16x64xi32, #tpu.memory_space<hbm>>) target(%dma_start3A_201 : memref<16x64xi32, #tpu.memory_space<vmem>>) target_semaphore(%dma_start3A_199 : memref<!tpu.dma_semaphore, #tpu.memory_space<semaphore_mem>>)
      } else {
      }
      %rem3A_140 = arith.constant 5 : i32
      %rem3A_141 = arith.remsi %while3A_94, %rem3A_140 : i32
      %mul3A_142 = arith.constant 64 : i32
      %mul3A_143 = arith.muli %rem3A_141, %mul3A_142 : i32
      %ge3A_144 = arith.constant 5 : i32
      %ge3A_145 = arith.cmpi sge, %while3A_94, %ge3A_144 : i32
      %convert_element_type3A_146 = arith.extui %ge3A_145 : i1 to i32
      %cond3A_147 = arith.constant 0 : i32
      %cond3A_148 = arith.cmpi ne, %convert_element_type3A_146, %cond3A_147 : i32
      scf.if %cond3A_148 {
        %dma_wait3A_170 = arith.constant 0 : i32
        %dma_wait3A_171 = arith.constant 0 : i32
        %dma_wait3A_172 = tpu.memref_slice %arg9[%mul3A_143, %dma_wait3A_171] : memref<320x128xf32, #tpu.memory_space<vmem>> -> memref<64x128xf32, #tpu.memory_space<vmem>>
        %dma_wait3A_173 = arith.constant 0 : i32
        %dma_wait3A_174 = tpu.memref_slice %arg8[%dma_wait3A_170, %dma_wait3A_173] : memref<32x64xi32, #tpu.memory_space<vmem>> -> memref<1x64xi32, #tpu.memory_space<vmem>>
        %dma_wait3A_175 = tpu.memref_squeeze %dma_wait3A_174 : memref<1x64xi32, #tpu.memory_space<vmem>> -> memref<64xi32, #tpu.memory_space<vmem>>
        %dma_wait3A_176 = arith.constant 0 : i32
        %dma_wait3A_177 = arith.constant 0 : i32
        %dma_wait3A_178 = tpu.memref_slice %arg10[%dma_wait3A_176, %dma_wait3A_177] : memref<10112x128xf32, #tpu.memory_space<vmem_shared>> -> memref<10112x128xf32, #tpu.memory_space<vmem_shared>>
        %dma_wait3A_179 = tpu.memref_slice %arg12[%rem3A_141] : memref<5x!tpu.dma_semaphore, #tpu.memory_space<semaphore_mem>> -> memref<1x!tpu.dma_semaphore, #tpu.memory_space<semaphore_mem>>
        %dma_wait3A_180 = tpu.memref_squeeze %dma_wait3A_179 : memref<1x!tpu.dma_semaphore, #tpu.memory_space<semaphore_mem>> -> memref<!tpu.dma_semaphore, #tpu.memory_space<semaphore_mem>>
        tpu.wait_indirect_dma semaphore(%dma_wait3A_180 : memref<!tpu.dma_semaphore, #tpu.memory_space<semaphore_mem>>) src(%dma_wait3A_172 : memref<64x128xf32, #tpu.memory_space<vmem>>) dst(%dma_wait3A_178 : memref<10112x128xf32, #tpu.memory_space<vmem_shared>>)
      } else {
      }
      %lt3A_149 = arith.cmpi slt, %while3A_94, %select_n3A : i32
      %convert_element_type3A_150 = arith.extui %lt3A_149 : i1 to i32
      %cond3A_151 = arith.constant 0 : i32
      %cond3A_152 = arith.cmpi ne, %convert_element_type3A_150, %cond3A_151 : i32
      scf.if %cond3A_152 {
        %mul3A_170 = arith.constant 16 : i32
        %mul3A_171 = arith.muli %rem3A_122, %mul3A_170 : i32
        %add3A_172 = arith.addi %mul3A_171, %rem3A_120 : i32
        %dma_start3A_173 = arith.constant 0 : i32
        %dma_start3A_174 = tpu.memref_slice %arg9[%mul3A_143, %dma_start3A_173] : memref<320x128xf32, #tpu.memory_space<vmem>> -> memref<64x128xf32, #tpu.memory_space<vmem>>
        %dma_start3A_175 = arith.constant 0 : i32
        %dma_start3A_176 = tpu.memref_slice %arg7[%add3A_172, %dma_start3A_175] : memref<32x64xi32, #tpu.memory_space<vmem>> -> memref<1x64xi32, #tpu.memory_space<vmem>>
        %dma_start3A_177 = tpu.memref_squeeze %dma_start3A_176 : memref<1x64xi32, #tpu.memory_space<vmem>> -> memref<64xi32, #tpu.memory_space<vmem>>
        %dma_start3A_178 = arith.constant 0 : i32
        %dma_start3A_179 = arith.constant 0 : i32
        %dma_start3A_180 = tpu.memref_slice %arg2[%dma_start3A_178, %dma_start3A_179] : memref<10000x128xf32, #tpu.memory_space<hbm>> -> memref<10000x128xf32, #tpu.memory_space<hbm>>
        %dma_start3A_181 = tpu.memref_slice %arg11[%rem3A_141] : memref<5x!tpu.dma_semaphore, #tpu.memory_space<semaphore_mem>> -> memref<1x!tpu.dma_semaphore, #tpu.memory_space<semaphore_mem>>
        %dma_start3A_182 = tpu.memref_squeeze %dma_start3A_181 : memref<1x!tpu.dma_semaphore, #tpu.memory_space<semaphore_mem>> -> memref<!tpu.dma_semaphore, #tpu.memory_space<semaphore_mem>>
        tpu.enqueue_indirect_dma source(%dma_start3A_180 : memref<10000x128xf32, #tpu.memory_space<hbm>>) target(%dma_start3A_174 : memref<64x128xf32, #tpu.memory_space<vmem>>) offsets(%dma_start3A_177 : memref<64xi32, #tpu.memory_space<vmem>>) semaphore(%dma_start3A_182 : memref<!tpu.dma_semaphore, #tpu.memory_space<semaphore_mem>>)
      } else {
      }
      %sub3A_153 = arith.constant 5 : i32
      %sub3A_154 = arith.subi %while3A_94, %sub3A_153 : i32
      %add3A_155 = arith.constant 1 : i32
      %add3A_156 = arith.addi %sub3A_154, %add3A_155 : i32
      %add3A_157 = arith.constant 5 : i32
      %add3A_158 = arith.addi %add3A_156, %add3A_157 : i32
      %rem3A_159 = arith.constant 5 : i32
      %rem3A_160 = arith.remsi %add3A_158, %rem3A_159 : i32
      %mul3A_161 = arith.constant 64 : i32
      %mul3A_162 = arith.muli %rem3A_160, %mul3A_161 : i32
      %ge3A_163 = arith.constant 0 : i32
      %ge3A_164 = arith.cmpi sge, %add3A_156, %ge3A_163 : i32
      %lt3A_165 = arith.cmpi slt, %add3A_156, %select_n3A : i32
      %and3A_166 = arith.andi %ge3A_164, %lt3A_165 : i1
      %convert_element_type3A_167 = arith.extui %and3A_166 : i1 to i32
      %cond3A_168 = arith.constant 0 : i32
      %cond3A_169 = arith.cmpi ne, %convert_element_type3A_167, %cond3A_168 : i32
      scf.if %cond3A_169 {
        %jit3A_170 = arith.constant 16 : i32
        %div3A_171 = arith.divsi %add3A_156, %jit3A_170 : i32
        %sign3A_172 = arith.constant 0 : i32
        %sign3A_173 = arith.cmpi sgt, %add3A_156, %sign3A_172 : i32
        %sign3A_174 = arith.extui %sign3A_173 : i1 to i32
        %sign3A_175 = arith.constant 0 : i32
        %sign3A_176 = arith.cmpi slt, %add3A_156, %sign3A_175 : i32
        %sign3A_177 = arith.extui %sign3A_176 : i1 to i32
        %sign3A_178 = arith.subi %sign3A_174, %sign3A_177 : i32
        %sign3A_179 = arith.constant 0 : i32
        %sign3A_180 = arith.cmpi sgt, %jit3A_170, %sign3A_179 : i32
        %sign3A_181 = arith.extui %sign3A_180 : i1 to i32
        %sign3A_182 = arith.constant 0 : i32
        %sign3A_183 = arith.cmpi slt, %jit3A_170, %sign3A_182 : i32
        %sign3A_184 = arith.extui %sign3A_183 : i1 to i32
        %sign3A_185 = arith.subi %sign3A_181, %sign3A_184 : i32
        %ne3A_186 = arith.cmpi ne, %sign3A_178, %sign3A_185 : i32
        %rem3A_187 = arith.remsi %add3A_156, %jit3A_170 : i32
        %ne3A_188 = arith.constant 0 : i32
        %ne3A_189 = arith.cmpi ne, %rem3A_187, %ne3A_188 : i32
        %and3A_190 = arith.andi %ne3A_186, %ne3A_189 : i1
        %sub3A_191 = arith.constant 1 : i32
        %sub3A_192 = arith.subi %div3A_171, %sub3A_191 : i32
        %select_n3A_193 = arith.select %and3A_190, %sub3A_192, %div3A_171 : i32
        %rem3A_194 = arith.constant 2 : i32
        %rem3A_195 = arith.remsi %select_n3A_193, %rem3A_194 : i32
        %mul3A_196 = arith.constant 16 : i32
        %mul3A_197 = arith.muli %rem3A_195, %mul3A_196 : i32
        %rem3A_198 = arith.constant 16 : i32
        %rem3A_199 = arith.remsi %add3A_156, %rem3A_198 : i32
        %add3A_200 = arith.addi %mul3A_197, %rem3A_199 : i32
        %dma_wait3A_201 = arith.constant 0 : i32
        %dma_wait3A_202 = arith.constant 0 : i32
        %dma_wait3A_203 = tpu.memref_slice %arg9[%mul3A_162, %dma_wait3A_202] : memref<320x128xf32, #tpu.memory_space<vmem>> -> memref<64x128xf32, #tpu.memory_space<vmem>>
        %dma_wait3A_204 = arith.constant 0 : i32
        %dma_wait3A_205 = tpu.memref_slice %arg7[%dma_wait3A_201, %dma_wait3A_204] : memref<32x64xi32, #tpu.memory_space<vmem>> -> memref<1x64xi32, #tpu.memory_space<vmem>>
        %dma_wait3A_206 = tpu.memref_squeeze %dma_wait3A_205 : memref<1x64xi32, #tpu.memory_space<vmem>> -> memref<64xi32, #tpu.memory_space<vmem>>
        %dma_wait3A_207 = arith.constant 0 : i32
        %dma_wait3A_208 = arith.constant 0 : i32
        %dma_wait3A_209 = tpu.memref_slice %arg2[%dma_wait3A_207, %dma_wait3A_208] : memref<10000x128xf32, #tpu.memory_space<hbm>> -> memref<10000x128xf32, #tpu.memory_space<hbm>>
        %dma_wait3A_210 = tpu.memref_slice %arg11[%rem3A_160] : memref<5x!tpu.dma_semaphore, #tpu.memory_space<semaphore_mem>> -> memref<1x!tpu.dma_semaphore, #tpu.memory_space<semaphore_mem>>
        %dma_wait3A_211 = tpu.memref_squeeze %dma_wait3A_210 : memref<1x!tpu.dma_semaphore, #tpu.memory_space<semaphore_mem>> -> memref<!tpu.dma_semaphore, #tpu.memory_space<semaphore_mem>>
        tpu.wait_indirect_dma semaphore(%dma_wait3A_211 : memref<!tpu.dma_semaphore, #tpu.memory_space<semaphore_mem>>) src(%dma_wait3A_209 : memref<10000x128xf32, #tpu.memory_space<hbm>>) dst(%dma_wait3A_203 : memref<64x128xf32, #tpu.memory_space<vmem>>)
        %dma_start3A_212 = arith.constant 0 : i32
        %dma_start3A_213 = tpu.memref_slice %arg9[%mul3A_162, %dma_start3A_212] : memref<320x128xf32, #tpu.memory_space<vmem>> -> memref<64x128xf32, #tpu.memory_space<vmem>>
        %dma_start3A_214 = arith.constant 0 : i32
        %dma_start3A_215 = tpu.memref_slice %arg8[%add3A_200, %dma_start3A_214] : memref<32x64xi32, #tpu.memory_space<vmem>> -> memref<1x64xi32, #tpu.memory_space<vmem>>
        %dma_start3A_216 = tpu.memref_squeeze %dma_start3A_215 : memref<1x64xi32, #tpu.memory_space<vmem>> -> memref<64xi32, #tpu.memory_space<vmem>>
        %dma_start3A_217 = arith.constant 0 : i32
        %dma_start3A_218 = arith.constant 0 : i32
        %dma_start3A_219 = tpu.memref_slice %arg10[%dma_start3A_217, %dma_start3A_218] : memref<10112x128xf32, #tpu.memory_space<vmem_shared>> -> memref<10112x128xf32, #tpu.memory_space<vmem_shared>>
        %dma_start3A_220 = tpu.memref_slice %arg12[%rem3A_160] : memref<5x!tpu.dma_semaphore, #tpu.memory_space<semaphore_mem>> -> memref<1x!tpu.dma_semaphore, #tpu.memory_space<semaphore_mem>>
        %dma_start3A_221 = tpu.memref_squeeze %dma_start3A_220 : memref<1x!tpu.dma_semaphore, #tpu.memory_space<semaphore_mem>> -> memref<!tpu.dma_semaphore, #tpu.memory_space<semaphore_mem>>
        tpu.enqueue_indirect_dma source(%dma_start3A_213 : memref<64x128xf32, #tpu.memory_space<vmem>>) target(%dma_start3A_219 : memref<10112x128xf32, #tpu.memory_space<vmem_shared>>) offsets(%dma_start3A_216 : memref<64xi32, #tpu.memory_space<vmem>>) semaphore(%dma_start3A_221 : memref<!tpu.dma_semaphore, #tpu.memory_space<semaphore_mem>>) {add = true}
      } else {
      }
    }
    %sub3A_73 = arith.constant 1 : i32
    %sub3A_74 = arith.subi %select_n3A, %sub3A_73 : i32
    %rem3A_75 = arith.constant 5 : i32
    %rem3A_76 = arith.remsi %sub3A_74, %rem3A_75 : i32
    %mul3A_77 = arith.constant 64 : i32
    %mul3A_78 = arith.muli %rem3A_76, %mul3A_77 : i32
    %dma_wait3A = arith.constant 0 : i32
    %dma_wait3A_79 = arith.constant 0 : i32
    %dma_wait3A_80 = tpu.memref_slice %arg9[%mul3A_78, %dma_wait3A_79] : memref<320x128xf32, #tpu.memory_space<vmem>> -> memref<64x128xf32, #tpu.memory_space<vmem>>
    %dma_wait3A_81 = arith.constant 0 : i32
    %dma_wait3A_82 = tpu.memref_slice %arg8[%dma_wait3A, %dma_wait3A_81] : memref<32x64xi32, #tpu.memory_space<vmem>> -> memref<1x64xi32, #tpu.memory_space<vmem>>
    %dma_wait3A_83 = tpu.memref_squeeze %dma_wait3A_82 : memref<1x64xi32, #tpu.memory_space<vmem>> -> memref<64xi32, #tpu.memory_space<vmem>>
    %dma_wait3A_84 = arith.constant 0 : i32
    %dma_wait3A_85 = arith.constant 0 : i32
    %dma_wait3A_86 = tpu.memref_slice %arg10[%dma_wait3A_84, %dma_wait3A_85] : memref<10112x128xf32, #tpu.memory_space<vmem_shared>> -> memref<10112x128xf32, #tpu.memory_space<vmem_shared>>
    %dma_wait3A_87 = tpu.memref_slice %arg12[%rem3A_76] : memref<5x!tpu.dma_semaphore, #tpu.memory_space<semaphore_mem>> -> memref<1x!tpu.dma_semaphore, #tpu.memory_space<semaphore_mem>>
    %dma_wait3A_88 = tpu.memref_squeeze %dma_wait3A_87 : memref<1x!tpu.dma_semaphore, #tpu.memory_space<semaphore_mem>> -> memref<!tpu.dma_semaphore, #tpu.memory_space<semaphore_mem>>
    tpu.wait_indirect_dma semaphore(%dma_wait3A_88 : memref<!tpu.dma_semaphore, #tpu.memory_space<semaphore_mem>>) src(%dma_wait3A_80 : memref<64x128xf32, #tpu.memory_space<vmem>>) dst(%dma_wait3A_86 : memref<10112x128xf32, #tpu.memory_space<vmem_shared>>)
    %barrier3A_89 = arith.constant 0 : index
    tpu.barrier barrier_id(%barrier3A_89)
    %mul3A_90 = arith.constant 632 : i32
    %mul3A_91 = arith.muli %arg1, %mul3A_90 : i32
    %mul3A_92 = arith.constant 632 : i32
    %mul3A_93 = arith.muli %arg1, %mul3A_92 : i32
    "tpu.region"() ({
      %run_scoped3A = tpu.sem_alloc : memref<!tpu.dma_semaphore, #tpu.memory_space<semaphore_mem>>
      %dma_start3A_94 = arith.constant 0 : i32
      %dma_start3A_95 = arith.constant 0 : i32
      %dma_start3A_96 = tpu.memref_slice %arg6[%arg0, %dma_start3A_94, %dma_start3A_95] : memref<2x10112x128xf32, #tpu.memory_space<hbm>> -> memref<1x10112x128xf32, #tpu.memory_space<hbm>>
      %dma_start3A_97 = tpu.memref_squeeze %dma_start3A_96 : memref<1x10112x128xf32, #tpu.memory_space<hbm>> -> memref<10112x128xf32, #tpu.memory_space<hbm>>
      %dma_start3A_98 = arith.constant 0 : i32
      %dma_start3A_99 = tpu.memref_slice %dma_start3A_97[%mul3A_93, %dma_start3A_98] : memref<10112x128xf32, #tpu.memory_space<hbm>> -> memref<632x128xf32, #tpu.memory_space<hbm>>
      %dma_start3A_100 = arith.constant 0 : i32
      %dma_start3A_101 = tpu.memref_slice %arg10[%mul3A_91, %dma_start3A_100] : memref<10112x128xf32, #tpu.memory_space<vmem_shared>> -> memref<632x128xf32, #tpu.memory_space<vmem_shared>>
      tpu.enqueue_dma source(%dma_start3A_101 : memref<632x128xf32, #tpu.memory_space<vmem_shared>>) target(%dma_start3A_99 : memref<632x128xf32, #tpu.memory_space<hbm>>) target_semaphore(%run_scoped3A : memref<!tpu.dma_semaphore, #tpu.memory_space<semaphore_mem>>)
      %dma_wait3A_102 = arith.constant 0 : i32
      %dma_wait3A_103 = arith.constant 0 : i32
      %dma_wait3A_104 = tpu.memref_slice %arg6[%arg0, %dma_wait3A_102, %dma_wait3A_103] : memref<2x10112x128xf32, #tpu.memory_space<hbm>> -> memref<1x10112x128xf32, #tpu.memory_space<hbm>>
      %dma_wait3A_105 = tpu.memref_squeeze %dma_wait3A_104 : memref<1x10112x128xf32, #tpu.memory_space<hbm>> -> memref<10112x128xf32, #tpu.memory_space<hbm>>
      %dma_wait3A_106 = arith.constant 0 : i32
      %dma_wait3A_107 = tpu.memref_slice %dma_wait3A_105[%mul3A_93, %dma_wait3A_106] : memref<10112x128xf32, #tpu.memory_space<hbm>> -> memref<632x128xf32, #tpu.memory_space<hbm>>
      %dma_wait3A_108 = arith.constant 0 : i32
      %dma_wait3A_109 = tpu.memref_slice %arg10[%mul3A_91, %dma_wait3A_108] : memref<10112x128xf32, #tpu.memory_space<vmem_shared>> -> memref<632x128xf32, #tpu.memory_space<vmem_shared>>
      tpu.wait_dma2 semaphore(%run_scoped3A : memref<!tpu.dma_semaphore, #tpu.memory_space<semaphore_mem>>) src(%dma_wait3A_109 : memref<632x128xf32, #tpu.memory_space<vmem_shared>>) dst(%dma_wait3A_107 : memref<632x128xf32, #tpu.memory_space<hbm>>)
      tpu.yield
    }) : () -> ()
    return
  }
}

#map = affine_map<(d0, d1) -> (0, 0)>
#map1 = affine_map<(d0, d1) -> (0, 0, 0)>
module attributes {stable_mosaic.version = 14 : i64} {
  func.func @_segsum_body(%arg0: i32, %arg1: i32, %arg2: memref<10000x128xf32, #tpu.memory_space<hbm>>, %arg3: memref<5120x64xi32, #tpu.memory_space<hbm>>, %arg4: memref<5120x64xi32, #tpu.memory_space<hbm>>, %arg5: memref<10112x128xf32, #tpu.memory_space<hbm>>, %arg6: memref<2x10112x128xf32, #tpu.memory_space<hbm>>, %arg7: memref<32x64xi32, #tpu.memory_space<vmem>>, %arg8: memref<32x64xi32, #tpu.memory_space<vmem>>, %arg9: memref<320x128xf32, #tpu.memory_space<vmem>>, %arg10: memref<10112x128xf32, #tpu.memory_space<vmem_shared>>, %arg11: memref<5x!tpu.dma_semaphore, #tpu.memory_space<semaphore_mem>>, %arg12: memref<5x!tpu.dma_semaphore, #tpu.memory_space<semaphore_mem>>, %arg13: memref<2x!tpu.dma_semaphore, #tpu.memory_space<semaphore_mem>>) attributes {dimension_semantics = [#tpu.dimension_semantics<core_parallel>, #tpu.dimension_semantics<subcore_parallel>], iteration_bounds = array<i64: 2, 16>, scalar_prefetch = 0 : i64, scratch_operands = 7 : i64, tpu.core_type = #tpu.core_type<sc_vector_subcore>, window_params = [{transform_indices = #map}, {transform_indices = #map}, {transform_indices = #map}, {transform_indices = #map}, {transform_indices = #map1}]} {
    %eq3A = arith.constant 0 : i32
    %eq3A_0 = arith.cmpi eq, %arg0, %eq3A : i32
    %jit3A = arith.constant 288 : i32
    %jit3A_1 = arith.constant 32 : i32
    %select_n3A = arith.select %eq3A_0, %jit3A, %jit3A_1 : i32
    %eq3A_2 = arith.constant 0 : i32
    %eq3A_3 = arith.cmpi eq, %arg0, %eq3A_2 : i32
    %mul3A = arith.constant 288 : i32
    %mul3A_4 = arith.muli %arg1, %mul3A : i32
    %mul3A_5 = arith.constant 32 : i32
    %mul3A_6 = arith.muli %arg1, %mul3A_5 : i32
    %add3A = arith.constant 4608 : i32
    %add3A_7 = arith.addi %add3A, %mul3A_6 : i32
    %select_n3A_8 = arith.select %eq3A_3, %mul3A_4, %add3A_7 : i32
    %jit3A_9 = arith.constant 16 : i32
    %div3A = arith.divsi %select_n3A, %jit3A_9 : i32
    %sign3A = arith.constant 0 : i32
    %sign3A_10 = arith.cmpi sgt, %select_n3A, %sign3A : i32
    %sign3A_11 = arith.extui %sign3A_10 : i1 to i32
    %sign3A_12 = arith.constant 0 : i32
    %sign3A_13 = arith.cmpi slt, %select_n3A, %sign3A_12 : i32
    %sign3A_14 = arith.extui %sign3A_13 : i1 to i32
    %sign3A_15 = arith.subi %sign3A_11, %sign3A_14 : i32
    %sign3A_16 = arith.constant 0 : i32
    %sign3A_17 = arith.cmpi sgt, %jit3A_9, %sign3A_16 : i32
    %sign3A_18 = arith.extui %sign3A_17 : i1 to i32
    %sign3A_19 = arith.constant 0 : i32
    %sign3A_20 = arith.cmpi slt, %jit3A_9, %sign3A_19 : i32
    %sign3A_21 = arith.extui %sign3A_20 : i1 to i32
    %sign3A_22 = arith.subi %sign3A_18, %sign3A_21 : i32
    %ne3A = arith.cmpi ne, %sign3A_15, %sign3A_22 : i32
    %rem3A = arith.remsi %select_n3A, %jit3A_9 : i32
    %ne3A_23 = arith.constant 0 : i32
    %ne3A_24 = arith.cmpi ne, %rem3A, %ne3A_23 : i32
    %and3A = arith.andi %ne3A, %ne3A_24 : i1
    %sub3A = arith.constant 1 : i32
    %sub3A_25 = arith.subi %div3A, %sub3A : i32
    %select_n3A_26 = arith.select %and3A, %sub3A_25, %div3A : i32
    %mul3A_27 = arith.constant 632 : i32
    %mul3A_28 = arith.muli %arg1, %mul3A_27 : i32
    %mul3A_29 = arith.constant 632 : i32
    %mul3A_30 = arith.muli %arg1, %mul3A_29 : i32
    "tpu.region"() ({
      %run_scoped3A = tpu.sem_alloc : memref<!tpu.dma_semaphore, #tpu.memory_space<semaphore_mem>>
      %dma_start3A_94 = arith.constant 0 : i32
      %dma_start3A_95 = tpu.memref_slice %arg10[%mul3A_30, %dma_start3A_94] : memref<10112x128xf32, #tpu.memory_space<vmem_shared>> -> memref<632x128xf32, #tpu.memory_space<vmem_shared>>
      %dma_start3A_96 = arith.constant 0 : i32
      %dma_start3A_97 = tpu.memref_slice %arg5[%mul3A_28, %dma_start3A_96] : memref<10112x128xf32, #tpu.memory_space<hbm>> -> memref<632x128xf32, #tpu.memory_space<hbm>>
      tpu.enqueue_dma source(%dma_start3A_97 : memref<632x128xf32, #tpu.memory_space<hbm>>) target(%dma_start3A_95 : memref<632x128xf32, #tpu.memory_space<vmem_shared>>) target_semaphore(%run_scoped3A : memref<!tpu.dma_semaphore, #tpu.memory_space<semaphore_mem>>)
      %dma_wait3A_98 = arith.constant 0 : i32
      %dma_wait3A_99 = tpu.memref_slice %arg10[%mul3A_30, %dma_wait3A_98] : memref<10112x128xf32, #tpu.memory_space<vmem_shared>> -> memref<632x128xf32, #tpu.memory_space<vmem_shared>>
      %dma_wait3A_100 = arith.constant 0 : i32
      %dma_wait3A_101 = tpu.memref_slice %arg5[%mul3A_28, %dma_wait3A_100] : memref<10112x128xf32, #tpu.memory_space<hbm>> -> memref<632x128xf32, #tpu.memory_space<hbm>>
      tpu.wait_dma2 semaphore(%run_scoped3A : memref<!tpu.dma_semaphore, #tpu.memory_space<semaphore_mem>>) src(%dma_wait3A_101 : memref<632x128xf32, #tpu.memory_space<hbm>>) dst(%dma_wait3A_99 : memref<632x128xf32, #tpu.memory_space<vmem_shared>>)
      tpu.yield
    }) : () -> ()
    "tpu.region"() ({
      %run_scoped3A = tpu.sem_alloc : memref<!tpu.dma_semaphore, #tpu.memory_space<semaphore_mem>>
      %dma_start3A_94 = arith.constant 0 : i32
      %dma_start3A_95 = arith.constant 0 : i32
      %dma_start3A_96 = tpu.memref_slice %arg7[%dma_start3A_94, %dma_start3A_95] : memref<32x64xi32, #tpu.memory_space<vmem>> -> memref<16x64xi32, #tpu.memory_space<vmem>>
      %dma_start3A_97 = arith.constant 0 : i32
      %dma_start3A_98 = tpu.memref_slice %arg3[%select_n3A_8, %dma_start3A_97] : memref<5120x64xi32, #tpu.memory_space<hbm>> -> memref<16x64xi32, #tpu.memory_space<hbm>>
      %dma_start3A_99 = arith.constant 0 : i32
      %dma_start3A_100 = arith.constant 0 : i32
      %dma_start3A_101 = tpu.memref_slice %arg7[%dma_start3A_99, %dma_start3A_100] : memref<32x64xi32, #tpu.memory_space<vmem>> -> memref<16x64xi32, #tpu.memory_space<vmem>>
      %dma_start3A_102 = arith.constant 0 : i32
      %dma_start3A_103 = tpu.memref_slice %arg3[%select_n3A_8, %dma_start3A_102] : memref<5120x64xi32, #tpu.memory_space<hbm>> -> memref<16x64xi32, #tpu.memory_space<hbm>>
      tpu.enqueue_dma source(%dma_start3A_103 : memref<16x64xi32, #tpu.memory_space<hbm>>) target(%dma_start3A_101 : memref<16x64xi32, #tpu.memory_space<vmem>>) target_semaphore(%run_scoped3A : memref<!tpu.dma_semaphore, #tpu.memory_space<semaphore_mem>>)
      %dma_wait3A_104 = arith.constant 0 : i32
      %dma_wait3A_105 = arith.constant 0 : i32
      %dma_wait3A_106 = tpu.memref_slice %arg7[%dma_wait3A_104, %dma_wait3A_105] : memref<32x64xi32, #tpu.memory_space<vmem>> -> memref<16x64xi32, #tpu.memory_space<vmem>>
      %dma_wait3A_107 = arith.constant 0 : i32
      %dma_wait3A_108 = tpu.memref_slice %arg3[%select_n3A_8, %dma_wait3A_107] : memref<5120x64xi32, #tpu.memory_space<hbm>> -> memref<16x64xi32, #tpu.memory_space<hbm>>
      %dma_wait3A_109 = arith.constant 0 : i32
      %dma_wait3A_110 = arith.constant 0 : i32
      %dma_wait3A_111 = tpu.memref_slice %arg7[%dma_wait3A_109, %dma_wait3A_110] : memref<32x64xi32, #tpu.memory_space<vmem>> -> memref<16x64xi32, #tpu.memory_space<vmem>>
      %dma_wait3A_112 = arith.constant 0 : i32
      %dma_wait3A_113 = tpu.memref_slice %arg3[%select_n3A_8, %dma_wait3A_112] : memref<5120x64xi32, #tpu.memory_space<hbm>> -> memref<16x64xi32, #tpu.memory_space<hbm>>
      tpu.wait_dma2 semaphore(%run_scoped3A : memref<!tpu.dma_semaphore, #tpu.memory_space<semaphore_mem>>) src(%dma_wait3A_113 : memref<16x64xi32, #tpu.memory_space<hbm>>) dst(%dma_wait3A_111 : memref<16x64xi32, #tpu.memory_space<vmem>>)
      tpu.yield
    }) : () -> ()
    "tpu.region"() ({
      %run_scoped3A = tpu.sem_alloc : memref<!tpu.dma_semaphore, #tpu.memory_space<semaphore_mem>>
      %dma_start3A_94 = arith.constant 0 : i32
      %dma_start3A_95 = arith.constant 0 : i32
      %dma_start3A_96 = tpu.memref_slice %arg8[%dma_start3A_94, %dma_start3A_95] : memref<32x64xi32, #tpu.memory_space<vmem>> -> memref<16x64xi32, #tpu.memory_space<vmem>>
      %dma_start3A_97 = arith.constant 0 : i32
      %dma_start3A_98 = tpu.memref_slice %arg4[%select_n3A_8, %dma_start3A_97] : memref<5120x64xi32, #tpu.memory_space<hbm>> -> memref<16x64xi32, #tpu.memory_space<hbm>>
      %dma_start3A_99 = arith.constant 0 : i32
      %dma_start3A_100 = arith.constant 0 : i32
      %dma_start3A_101 = tpu.memref_slice %arg8[%dma_start3A_99, %dma_start3A_100] : memref<32x64xi32, #tpu.memory_space<vmem>> -> memref<16x64xi32, #tpu.memory_space<vmem>>
      %dma_start3A_102 = arith.constant 0 : i32
      %dma_start3A_103 = tpu.memref_slice %arg4[%select_n3A_8, %dma_start3A_102] : memref<5120x64xi32, #tpu.memory_space<hbm>> -> memref<16x64xi32, #tpu.memory_space<hbm>>
      tpu.enqueue_dma source(%dma_start3A_103 : memref<16x64xi32, #tpu.memory_space<hbm>>) target(%dma_start3A_101 : memref<16x64xi32, #tpu.memory_space<vmem>>) target_semaphore(%run_scoped3A : memref<!tpu.dma_semaphore, #tpu.memory_space<semaphore_mem>>)
      %dma_wait3A_104 = arith.constant 0 : i32
      %dma_wait3A_105 = arith.constant 0 : i32
      %dma_wait3A_106 = tpu.memref_slice %arg8[%dma_wait3A_104, %dma_wait3A_105] : memref<32x64xi32, #tpu.memory_space<vmem>> -> memref<16x64xi32, #tpu.memory_space<vmem>>
      %dma_wait3A_107 = arith.constant 0 : i32
      %dma_wait3A_108 = tpu.memref_slice %arg4[%select_n3A_8, %dma_wait3A_107] : memref<5120x64xi32, #tpu.memory_space<hbm>> -> memref<16x64xi32, #tpu.memory_space<hbm>>
      %dma_wait3A_109 = arith.constant 0 : i32
      %dma_wait3A_110 = arith.constant 0 : i32
      %dma_wait3A_111 = tpu.memref_slice %arg8[%dma_wait3A_109, %dma_wait3A_110] : memref<32x64xi32, #tpu.memory_space<vmem>> -> memref<16x64xi32, #tpu.memory_space<vmem>>
      %dma_wait3A_112 = arith.constant 0 : i32
      %dma_wait3A_113 = tpu.memref_slice %arg4[%select_n3A_8, %dma_wait3A_112] : memref<5120x64xi32, #tpu.memory_space<hbm>> -> memref<16x64xi32, #tpu.memory_space<hbm>>
      tpu.wait_dma2 semaphore(%run_scoped3A : memref<!tpu.dma_semaphore, #tpu.memory_space<semaphore_mem>>) src(%dma_wait3A_113 : memref<16x64xi32, #tpu.memory_space<hbm>>) dst(%dma_wait3A_111 : memref<16x64xi32, #tpu.memory_space<vmem>>)
      tpu.yield
    }) : () -> ()
    %add3A_31 = arith.constant 16 : i32
    %add3A_32 = arith.addi %select_n3A_8, %add3A_31 : i32
    %dma_start3A = arith.constant 1 : i32
    %dma_start3A_33 = arith.constant 16 : i32
    %dma_start3A_34 = arith.constant 0 : i32
    %dma_start3A_35 = tpu.memref_slice %arg7[%dma_start3A_33, %dma_start3A_34] : memref<32x64xi32, #tpu.memory_space<vmem>> -> memref<16x64xi32, #tpu.memory_space<vmem>>
    %dma_start3A_36 = arith.constant 0 : i32
    %dma_start3A_37 = tpu.memref_slice %arg3[%add3A_32, %dma_start3A_36] : memref<5120x64xi32, #tpu.memory_space<hbm>> -> memref<16x64xi32, #tpu.memory_space<hbm>>
    %dma_start3A_38 = tpu.memref_slice %arg13[%dma_start3A] : memref<2x!tpu.dma_semaphore, #tpu.memory_space<semaphore_mem>> -> memref<1x!tpu.dma_semaphore, #tpu.memory_space<semaphore_mem>>
    %dma_start3A_39 = tpu.memref_squeeze %dma_start3A_38 : memref<1x!tpu.dma_semaphore, #tpu.memory_space<semaphore_mem>> -> memref<!tpu.dma_semaphore, #tpu.memory_space<semaphore_mem>>
    %dma_start3A_40 = arith.constant 16 : i32
    %dma_start3A_41 = arith.constant 0 : i32
    %dma_start3A_42 = tpu.memref_slice %arg7[%dma_start3A_40, %dma_start3A_41] : memref<32x64xi32, #tpu.memory_space<vmem>> -> memref<16x64xi32, #tpu.memory_space<vmem>>
    %dma_start3A_43 = arith.constant 0 : i32
    %dma_start3A_44 = tpu.memref_slice %arg3[%add3A_32, %dma_start3A_43] : memref<5120x64xi32, #tpu.memory_space<hbm>> -> memref<16x64xi32, #tpu.memory_space<hbm>>
    tpu.enqueue_dma source(%dma_start3A_44 : memref<16x64xi32, #tpu.memory_space<hbm>>) target(%dma_start3A_42 : memref<16x64xi32, #tpu.memory_space<vmem>>) target_semaphore(%dma_start3A_39 : memref<!tpu.dma_semaphore, #tpu.memory_space<semaphore_mem>>)
    %add3A_45 = arith.constant 16 : i32
    %add3A_46 = arith.addi %select_n3A_8, %add3A_45 : i32
    %dma_start3A_47 = arith.constant 1 : i32
    %dma_start3A_48 = arith.constant 16 : i32
    %dma_start3A_49 = arith.constant 0 : i32
    %dma_start3A_50 = tpu.memref_slice %arg8[%dma_start3A_48, %dma_start3A_49] : memref<32x64xi32, #tpu.memory_space<vmem>> -> memref<16x64xi32, #tpu.memory_space<vmem>>
    %dma_start3A_51 = arith.constant 0 : i32
    %dma_start3A_52 = tpu.memref_slice %arg4[%add3A_46, %dma_start3A_51] : memref<5120x64xi32, #tpu.memory_space<hbm>> -> memref<16x64xi32, #tpu.memory_space<hbm>>
    %dma_start3A_53 = tpu.memref_slice %arg13[%dma_start3A_47] : memref<2x!tpu.dma_semaphore, #tpu.memory_space<semaphore_mem>> -> memref<1x!tpu.dma_semaphore, #tpu.memory_space<semaphore_mem>>
    %dma_start3A_54 = tpu.memref_squeeze %dma_start3A_53 : memref<1x!tpu.dma_semaphore, #tpu.memory_space<semaphore_mem>> -> memref<!tpu.dma_semaphore, #tpu.memory_space<semaphore_mem>>
    %dma_start3A_55 = arith.constant 16 : i32
    %dma_start3A_56 = arith.constant 0 : i32
    %dma_start3A_57 = tpu.memref_slice %arg8[%dma_start3A_55, %dma_start3A_56] : memref<32x64xi32, #tpu.memory_space<vmem>> -> memref<16x64xi32, #tpu.memory_space<vmem>>
    %dma_start3A_58 = arith.constant 0 : i32
    %dma_start3A_59 = tpu.memref_slice %arg4[%add3A_46, %dma_start3A_58] : memref<5120x64xi32, #tpu.memory_space<hbm>> -> memref<16x64xi32, #tpu.memory_space<hbm>>
    tpu.enqueue_dma source(%dma_start3A_59 : memref<16x64xi32, #tpu.memory_space<hbm>>) target(%dma_start3A_57 : memref<16x64xi32, #tpu.memory_space<vmem>>) target_semaphore(%dma_start3A_54 : memref<!tpu.dma_semaphore, #tpu.memory_space<semaphore_mem>>)
    %barrier3A = arith.constant 0 : index
    tpu.barrier barrier_id(%barrier3A)
    %add3A_60 = arith.constant 5 : i32
    %add3A_61 = arith.addi %select_n3A, %add3A_60 : i32
    %sub3A_62 = arith.constant 1 : i32
    %sub3A_63 = arith.subi %add3A_61, %sub3A_62 : i32
    %while3A = arith.constant 0 : i32
    %while3A_64 = arith.constant 0 : i32
    %while3A_65 = arith.subi %sub3A_63, %while3A_64 : i32
    %while3A_66 = arith.addi %while3A_64, %while3A_65 : i32
    %while3A_67 = arith.constant 1 : i32
    %while3A_68 = arith.divsi %while3A_65, %while3A_67 : i32
    %while3A_69 = arith.muli %while3A_68, %while3A_67 : i32
    %while3A_70 = arith.addi %while3A_64, %while3A_69 : i32
    %while3A_71 = arith.constant 1 : i32
    scf.for %while3A_94 = %while3A_64 to %while3A_70 step %while3A_71  : i32 {
      %jit3A_95 = arith.constant 16 : i32
      %div3A_96 = arith.divsi %while3A_94, %jit3A_95 : i32
      %sign3A_97 = arith.constant 0 : i32
      %sign3A_98 = arith.cmpi sgt, %while3A_94, %sign3A_97 : i32
      %sign3A_99 = arith.extui %sign3A_98 : i1 to i32
      %sign3A_100 = arith.constant 0 : i32
      %sign3A_101 = arith.cmpi slt, %while3A_94, %sign3A_100 : i32
      %sign3A_102 = arith.extui %sign3A_101 : i1 to i32
      %sign3A_103 = arith.subi %sign3A_99, %sign3A_102 : i32
      %sign3A_104 = arith.constant 0 : i32
      %sign3A_105 = arith.cmpi sgt, %jit3A_95, %sign3A_104 : i32
      %sign3A_106 = arith.extui %sign3A_105 : i1 to i32
      %sign3A_107 = arith.constant 0 : i32
      %sign3A_108 = arith.cmpi slt, %jit3A_95, %sign3A_107 : i32
      %sign3A_109 = arith.extui %sign3A_108 : i1 to i32
      %sign3A_110 = arith.subi %sign3A_106, %sign3A_109 : i32
      %ne3A_111 = arith.cmpi ne, %sign3A_103, %sign3A_110 : i32
      %rem3A_112 = arith.remsi %while3A_94, %jit3A_95 : i32
      %ne3A_113 = arith.constant 0 : i32
      %ne3A_114 = arith.cmpi ne, %rem3A_112, %ne3A_113 : i32
      %and3A_115 = arith.andi %ne3A_111, %ne3A_114 : i1
      %sub3A_116 = arith.constant 1 : i32
      %sub3A_117 = arith.subi %div3A_96, %sub3A_116 : i32
      %select_n3A_118 = arith.select %and3A_115, %sub3A_117, %div3A_96 : i32
      %rem3A_119 = arith.constant 16 : i32
      %rem3A_120 = arith.remsi %while3A_94, %rem3A_119 : i32
      %rem3A_121 = arith.constant 2 : i32
      %rem3A_122 = arith.remsi %select_n3A_118, %rem3A_121 : i32
      %eq3A_123 = arith.constant 0 : i32
      %eq3A_124 = arith.cmpi eq, %rem3A_120, %eq3A_123 : i32
      %gt3A = arith.constant 0 : i32
      %gt3A_125 = arith.cmpi sgt, %while3A_94, %gt3A : i32
      %lt3A = arith.cmpi slt, %while3A_94, %select_n3A : i32
      %and3A_126 = arith.andi %gt3A_125, %lt3A : i1
      %and3A_127 = arith.andi %eq3A_124, %and3A_126 : i1
      %convert_element_type3A = arith.extui %and3A_127 : i1 to i32
      %cond3A = arith.constant 0 : i32
      %cond3A_128 = arith.cmpi ne, %convert_element_type3A, %cond3A : i32
      scf.if %cond3A_128 {
        %dma_wait3A_170 = arith.constant 0 : i32
        %dma_wait3A_171 = arith.constant 0 : i32
        %dma_wait3A_172 = tpu.memref_slice %arg7[%dma_wait3A_170, %dma_wait3A_171] : memref<32x64xi32, #tpu.memory_space<vmem>> -> memref<16x64xi32, #tpu.memory_space<vmem>>
        %dma_wait3A_173 = arith.constant 0 : i32
        %dma_wait3A_174 = tpu.memref_slice %arg3[%select_n3A_8, %dma_wait3A_173] : memref<5120x64xi32, #tpu.memory_space<hbm>> -> memref<16x64xi32, #tpu.memory_space<hbm>>
        %dma_wait3A_175 = tpu.memref_slice %arg13[%rem3A_122] : memref<2x!tpu.dma_semaphore, #tpu.memory_space<semaphore_mem>> -> memref<1x!tpu.dma_semaphore, #tpu.memory_space<semaphore_mem>>
        %dma_wait3A_176 = tpu.memref_squeeze %dma_wait3A_175 : memref<1x!tpu.dma_semaphore, #tpu.memory_space<semaphore_mem>> -> memref<!tpu.dma_semaphore, #tpu.memory_space<semaphore_mem>>
        %dma_wait3A_177 = arith.constant 0 : i32
        %dma_wait3A_178 = arith.constant 0 : i32
        %dma_wait3A_179 = tpu.memref_slice %arg7[%dma_wait3A_177, %dma_wait3A_178] : memref<32x64xi32, #tpu.memory_space<vmem>> -> memref<16x64xi32, #tpu.memory_space<vmem>>
        %dma_wait3A_180 = arith.constant 0 : i32
        %dma_wait3A_181 = tpu.memref_slice %arg3[%select_n3A_8, %dma_wait3A_180] : memref<5120x64xi32, #tpu.memory_space<hbm>> -> memref<16x64xi32, #tpu.memory_space<hbm>>
        tpu.wait_dma2 semaphore(%dma_wait3A_176 : memref<!tpu.dma_semaphore, #tpu.memory_space<semaphore_mem>>) src(%dma_wait3A_181 : memref<16x64xi32, #tpu.memory_space<hbm>>) dst(%dma_wait3A_179 : memref<16x64xi32, #tpu.memory_space<vmem>>)
        %dma_wait3A_182 = arith.constant 0 : i32
        %dma_wait3A_183 = arith.constant 0 : i32
        %dma_wait3A_184 = tpu.memref_slice %arg7[%dma_wait3A_182, %dma_wait3A_183] : memref<32x64xi32, #tpu.memory_space<vmem>> -> memref<16x64xi32, #tpu.memory_space<vmem>>
        %dma_wait3A_185 = arith.constant 0 : i32
        %dma_wait3A_186 = tpu.memref_slice %arg3[%select_n3A_8, %dma_wait3A_185] : memref<5120x64xi32, #tpu.memory_space<hbm>> -> memref<16x64xi32, #tpu.memory_space<hbm>>
        %dma_wait3A_187 = tpu.memref_slice %arg13[%rem3A_122] : memref<2x!tpu.dma_semaphore, #tpu.memory_space<semaphore_mem>> -> memref<1x!tpu.dma_semaphore, #tpu.memory_space<semaphore_mem>>
        %dma_wait3A_188 = tpu.memref_squeeze %dma_wait3A_187 : memref<1x!tpu.dma_semaphore, #tpu.memory_space<semaphore_mem>> -> memref<!tpu.dma_semaphore, #tpu.memory_space<semaphore_mem>>
        %dma_wait3A_189 = arith.constant 0 : i32
        %dma_wait3A_190 = arith.constant 0 : i32
        %dma_wait3A_191 = tpu.memref_slice %arg7[%dma_wait3A_189, %dma_wait3A_190] : memref<32x64xi32, #tpu.memory_space<vmem>> -> memref<16x64xi32, #tpu.memory_space<vmem>>
        %dma_wait3A_192 = arith.constant 0 : i32
        %dma_wait3A_193 = tpu.memref_slice %arg3[%select_n3A_8, %dma_wait3A_192] : memref<5120x64xi32, #tpu.memory_space<hbm>> -> memref<16x64xi32, #tpu.memory_space<hbm>>
        tpu.wait_dma2 semaphore(%dma_wait3A_188 : memref<!tpu.dma_semaphore, #tpu.memory_space<semaphore_mem>>) src(%dma_wait3A_193 : memref<16x64xi32, #tpu.memory_space<hbm>>) dst(%dma_wait3A_191 : memref<16x64xi32, #tpu.memory_space<vmem>>)
      } else {
      }
      %eq3A_129 = arith.constant 5 : i32
      %eq3A_130 = arith.cmpi eq, %rem3A_120, %eq3A_129 : i32
      %ge3A = arith.constant 1 : i32
      %ge3A_131 = arith.cmpi sge, %select_n3A_118, %ge3A : i32
      %add3A_132 = arith.constant 1 : i32
      %add3A_133 = arith.addi %select_n3A_118, %add3A_132 : i32
      %lt3A_134 = arith.cmpi slt, %add3A_133, %select_n3A_26 : i32
      %and3A_135 = arith.andi %ge3A_131, %lt3A_134 : i1
      %and3A_136 = arith.andi %eq3A_130, %and3A_135 : i1
      %convert_element_type3A_137 = arith.extui %and3A_136 : i1 to i32
      %cond3A_138 = arith.constant 0 : i32
      %cond3A_139 = arith.cmpi ne, %convert_element_type3A_137, %cond3A_138 : i32
      scf.if %cond3A_139 {
        %add3A_170 = arith.constant 1 : i32
        %add3A_171 = arith.addi %select_n3A_118, %add3A_170 : i32
        %rem3A_172 = arith.constant 2 : i32
        %rem3A_173 = arith.remsi %add3A_171, %rem3A_172 : i32
        %mul3A_174 = arith.constant 16 : i32
        %mul3A_175 = arith.muli %add3A_171, %mul3A_174 : i32
        %add3A_176 = arith.addi %select_n3A_8, %mul3A_175 : i32
        %mul3A_177 = arith.constant 16 : i32
        %mul3A_178 = arith.muli %rem3A_173, %mul3A_177 : i32
        %dma_start3A_179 = arith.constant 0 : i32
        %dma_start3A_180 = tpu.memref_slice %arg7[%mul3A_178, %dma_start3A_179] : memref<32x64xi32, #tpu.memory_space<vmem>> -> memref<16x64xi32, #tpu.memory_space<vmem>>
        %dma_start3A_181 = arith.constant 0 : i32
        %dma_start3A_182 = tpu.memref_slice %arg3[%add3A_176, %dma_start3A_181] : memref<5120x64xi32, #tpu.memory_space<hbm>> -> memref<16x64xi32, #tpu.memory_space<hbm>>
        %dma_start3A_183 = tpu.memref_slice %arg13[%rem3A_173] : memref<2x!tpu.dma_semaphore, #tpu.memory_space<semaphore_mem>> -> memref<1x!tpu.dma_semaphore, #tpu.memory_space<semaphore_mem>>
        %dma_start3A_184 = tpu.memref_squeeze %dma_start3A_183 : memref<1x!tpu.dma_semaphore, #tpu.memory_space<semaphore_mem>> -> memref<!tpu.dma_semaphore, #tpu.memory_space<semaphore_mem>>
        %dma_start3A_185 = arith.constant 0 : i32
        %dma_start3A_186 = tpu.memref_slice %arg7[%mul3A_178, %dma_start3A_185] : memref<32x64xi32, #tpu.memory_space<vmem>> -> memref<16x64xi32, #tpu.memory_space<vmem>>
        %dma_start3A_187 = arith.constant 0 : i32
        %dma_start3A_188 = tpu.memref_slice %arg3[%add3A_176, %dma_start3A_187] : memref<5120x64xi32, #tpu.memory_space<hbm>> -> memref<16x64xi32, #tpu.memory_space<hbm>>
        tpu.enqueue_dma source(%dma_start3A_188 : memref<16x64xi32, #tpu.memory_space<hbm>>) target(%dma_start3A_186 : memref<16x64xi32, #tpu.memory_space<vmem>>) target_semaphore(%dma_start3A_184 : memref<!tpu.dma_semaphore, #tpu.memory_space<semaphore_mem>>)
        %mul3A_189 = arith.constant 16 : i32
        %mul3A_190 = arith.muli %add3A_171, %mul3A_189 : i32
        %add3A_191 = arith.addi %select_n3A_8, %mul3A_190 : i32
        %mul3A_192 = arith.constant 16 : i32
        %mul3A_193 = arith.muli %rem3A_173, %mul3A_192 : i32
        %dma_start3A_194 = arith.constant 0 : i32
        %dma_start3A_195 = tpu.memref_slice %arg8[%mul3A_193, %dma_start3A_194] : memref<32x64xi32, #tpu.memory_space<vmem>> -> memref<16x64xi32, #tpu.memory_space<vmem>>
        %dma_start3A_196 = arith.constant 0 : i32
        %dma_start3A_197 = tpu.memref_slice %arg4[%add3A_191, %dma_start3A_196] : memref<5120x64xi32, #tpu.memory_space<hbm>> -> memref<16x64xi32, #tpu.memory_space<hbm>>
        %dma_start3A_198 = tpu.memref_slice %arg13[%rem3A_173] : memref<2x!tpu.dma_semaphore, #tpu.memory_space<semaphore_mem>> -> memref<1x!tpu.dma_semaphore, #tpu.memory_space<semaphore_mem>>
        %dma_start3A_199 = tpu.memref_squeeze %dma_start3A_198 : memref<1x!tpu.dma_semaphore, #tpu.memory_space<semaphore_mem>> -> memref<!tpu.dma_semaphore, #tpu.memory_space<semaphore_mem>>
        %dma_start3A_200 = arith.constant 0 : i32
        %dma_start3A_201 = tpu.memref_slice %arg8[%mul3A_193, %dma_start3A_200] : memref<32x64xi32, #tpu.memory_space<vmem>> -> memref<16x64xi32, #tpu.memory_space<vmem>>
        %dma_start3A_202 = arith.constant 0 : i32
        %dma_start3A_203 = tpu.memref_slice %arg4[%add3A_191, %dma_start3A_202] : memref<5120x64xi32, #tpu.memory_space<hbm>> -> memref<16x64xi32, #tpu.memory_space<hbm>>
        tpu.enqueue_dma source(%dma_start3A_203 : memref<16x64xi32, #tpu.memory_space<hbm>>) target(%dma_start3A_201 : memref<16x64xi32, #tpu.memory_space<vmem>>) target_semaphore(%dma_start3A_199 : memref<!tpu.dma_semaphore, #tpu.memory_space<semaphore_mem>>)
      } else {
      }
      %rem3A_140 = arith.constant 5 : i32
      %rem3A_141 = arith.remsi %while3A_94, %rem3A_140 : i32
      %mul3A_142 = arith.constant 64 : i32
      %mul3A_143 = arith.muli %rem3A_141, %mul3A_142 : i32
      %ge3A_144 = arith.constant 5 : i32
      %ge3A_145 = arith.cmpi sge, %while3A_94, %ge3A_144 : i32
      %convert_element_type3A_146 = arith.extui %ge3A_145 : i1 to i32
      %cond3A_147 = arith.constant 0 : i32
      %cond3A_148 = arith.cmpi ne, %convert_element_type3A_146, %cond3A_147 : i32
      scf.if %cond3A_148 {
        %dma_wait3A_170 = arith.constant 0 : i32
        %dma_wait3A_171 = arith.constant 0 : i32
        %dma_wait3A_172 = tpu.memref_slice %arg9[%mul3A_143, %dma_wait3A_171] : memref<320x128xf32, #tpu.memory_space<vmem>> -> memref<64x128xf32, #tpu.memory_space<vmem>>
        %dma_wait3A_173 = arith.constant 0 : i32
        %dma_wait3A_174 = tpu.memref_slice %arg8[%dma_wait3A_170, %dma_wait3A_173] : memref<32x64xi32, #tpu.memory_space<vmem>> -> memref<1x64xi32, #tpu.memory_space<vmem>>
        %dma_wait3A_175 = tpu.memref_squeeze %dma_wait3A_174 : memref<1x64xi32, #tpu.memory_space<vmem>> -> memref<64xi32, #tpu.memory_space<vmem>>
        %dma_wait3A_176 = arith.constant 0 : i32
        %dma_wait3A_177 = arith.constant 0 : i32
        %dma_wait3A_178 = tpu.memref_slice %arg10[%dma_wait3A_176, %dma_wait3A_177] : memref<10112x128xf32, #tpu.memory_space<vmem_shared>> -> memref<10112x128xf32, #tpu.memory_space<vmem_shared>>
        %dma_wait3A_179 = tpu.memref_slice %arg12[%rem3A_141] : memref<5x!tpu.dma_semaphore, #tpu.memory_space<semaphore_mem>> -> memref<1x!tpu.dma_semaphore, #tpu.memory_space<semaphore_mem>>
        %dma_wait3A_180 = tpu.memref_squeeze %dma_wait3A_179 : memref<1x!tpu.dma_semaphore, #tpu.memory_space<semaphore_mem>> -> memref<!tpu.dma_semaphore, #tpu.memory_space<semaphore_mem>>
        tpu.wait_indirect_dma semaphore(%dma_wait3A_180 : memref<!tpu.dma_semaphore, #tpu.memory_space<semaphore_mem>>) src(%dma_wait3A_172 : memref<64x128xf32, #tpu.memory_space<vmem>>) dst(%dma_wait3A_178 : memref<10112x128xf32, #tpu.memory_space<vmem_shared>>)
      } else {
      }
      %lt3A_149 = arith.cmpi slt, %while3A_94, %select_n3A : i32
      %convert_element_type3A_150 = arith.extui %lt3A_149 : i1 to i32
      %cond3A_151 = arith.constant 0 : i32
      %cond3A_152 = arith.cmpi ne, %convert_element_type3A_150, %cond3A_151 : i32
      scf.if %cond3A_152 {
        %mul3A_170 = arith.constant 16 : i32
        %mul3A_171 = arith.muli %rem3A_122, %mul3A_170 : i32
        %add3A_172 = arith.addi %mul3A_171, %rem3A_120 : i32
        %dma_start3A_173 = arith.constant 0 : i32
        %dma_start3A_174 = tpu.memref_slice %arg9[%mul3A_143, %dma_start3A_173] : memref<320x128xf32, #tpu.memory_space<vmem>> -> memref<64x128xf32, #tpu.memory_space<vmem>>
        %dma_start3A_175 = arith.constant 0 : i32
        %dma_start3A_176 = tpu.memref_slice %arg7[%add3A_172, %dma_start3A_175] : memref<32x64xi32, #tpu.memory_space<vmem>> -> memref<1x64xi32, #tpu.memory_space<vmem>>
        %dma_start3A_177 = tpu.memref_squeeze %dma_start3A_176 : memref<1x64xi32, #tpu.memory_space<vmem>> -> memref<64xi32, #tpu.memory_space<vmem>>
        %dma_start3A_178 = arith.constant 0 : i32
        %dma_start3A_179 = arith.constant 0 : i32
        %dma_start3A_180 = tpu.memref_slice %arg2[%dma_start3A_178, %dma_start3A_179] : memref<10000x128xf32, #tpu.memory_space<hbm>> -> memref<10000x128xf32, #tpu.memory_space<hbm>>
        %dma_start3A_181 = tpu.memref_slice %arg11[%rem3A_141] : memref<5x!tpu.dma_semaphore, #tpu.memory_space<semaphore_mem>> -> memref<1x!tpu.dma_semaphore, #tpu.memory_space<semaphore_mem>>
        %dma_start3A_182 = tpu.memref_squeeze %dma_start3A_181 : memref<1x!tpu.dma_semaphore, #tpu.memory_space<semaphore_mem>> -> memref<!tpu.dma_semaphore, #tpu.memory_space<semaphore_mem>>
        tpu.enqueue_indirect_dma source(%dma_start3A_180 : memref<10000x128xf32, #tpu.memory_space<hbm>>) target(%dma_start3A_174 : memref<64x128xf32, #tpu.memory_space<vmem>>) offsets(%dma_start3A_177 : memref<64xi32, #tpu.memory_space<vmem>>) semaphore(%dma_start3A_182 : memref<!tpu.dma_semaphore, #tpu.memory_space<semaphore_mem>>)
      } else {
      }
      %sub3A_153 = arith.constant 5 : i32
      %sub3A_154 = arith.subi %while3A_94, %sub3A_153 : i32
      %add3A_155 = arith.constant 1 : i32
      %add3A_156 = arith.addi %sub3A_154, %add3A_155 : i32
      %add3A_157 = arith.constant 5 : i32
      %add3A_158 = arith.addi %add3A_156, %add3A_157 : i32
      %rem3A_159 = arith.constant 5 : i32
      %rem3A_160 = arith.remsi %add3A_158, %rem3A_159 : i32
      %mul3A_161 = arith.constant 64 : i32
      %mul3A_162 = arith.muli %rem3A_160, %mul3A_161 : i32
      %ge3A_163 = arith.constant 0 : i32
      %ge3A_164 = arith.cmpi sge, %add3A_156, %ge3A_163 : i32
      %lt3A_165 = arith.cmpi slt, %add3A_156, %select_n3A : i32
      %and3A_166 = arith.andi %ge3A_164, %lt3A_165 : i1
      %convert_element_type3A_167 = arith.extui %and3A_166 : i1 to i32
      %cond3A_168 = arith.constant 0 : i32
      %cond3A_169 = arith.cmpi ne, %convert_element_type3A_167, %cond3A_168 : i32
      scf.if %cond3A_169 {
        %jit3A_170 = arith.constant 16 : i32
        %div3A_171 = arith.divsi %add3A_156, %jit3A_170 : i32
        %sign3A_172 = arith.constant 0 : i32
        %sign3A_173 = arith.cmpi sgt, %add3A_156, %sign3A_172 : i32
        %sign3A_174 = arith.extui %sign3A_173 : i1 to i32
        %sign3A_175 = arith.constant 0 : i32
        %sign3A_176 = arith.cmpi slt, %add3A_156, %sign3A_175 : i32
        %sign3A_177 = arith.extui %sign3A_176 : i1 to i32
        %sign3A_178 = arith.subi %sign3A_174, %sign3A_177 : i32
        %sign3A_179 = arith.constant 0 : i32
        %sign3A_180 = arith.cmpi sgt, %jit3A_170, %sign3A_179 : i32
        %sign3A_181 = arith.extui %sign3A_180 : i1 to i32
        %sign3A_182 = arith.constant 0 : i32
        %sign3A_183 = arith.cmpi slt, %jit3A_170, %sign3A_182 : i32
        %sign3A_184 = arith.extui %sign3A_183 : i1 to i32
        %sign3A_185 = arith.subi %sign3A_181, %sign3A_184 : i32
        %ne3A_186 = arith.cmpi ne, %sign3A_178, %sign3A_185 : i32
        %rem3A_187 = arith.remsi %add3A_156, %jit3A_170 : i32
        %ne3A_188 = arith.constant 0 : i32
        %ne3A_189 = arith.cmpi ne, %rem3A_187, %ne3A_188 : i32
        %and3A_190 = arith.andi %ne3A_186, %ne3A_189 : i1
        %sub3A_191 = arith.constant 1 : i32
        %sub3A_192 = arith.subi %div3A_171, %sub3A_191 : i32
        %select_n3A_193 = arith.select %and3A_190, %sub3A_192, %div3A_171 : i32
        %rem3A_194 = arith.constant 2 : i32
        %rem3A_195 = arith.remsi %select_n3A_193, %rem3A_194 : i32
        %mul3A_196 = arith.constant 16 : i32
        %mul3A_197 = arith.muli %rem3A_195, %mul3A_196 : i32
        %rem3A_198 = arith.constant 16 : i32
        %rem3A_199 = arith.remsi %add3A_156, %rem3A_198 : i32
        %add3A_200 = arith.addi %mul3A_197, %rem3A_199 : i32
        %dma_wait3A_201 = arith.constant 0 : i32
        %dma_wait3A_202 = arith.constant 0 : i32
        %dma_wait3A_203 = tpu.memref_slice %arg9[%mul3A_162, %dma_wait3A_202] : memref<320x128xf32, #tpu.memory_space<vmem>> -> memref<64x128xf32, #tpu.memory_space<vmem>>
        %dma_wait3A_204 = arith.constant 0 : i32
        %dma_wait3A_205 = tpu.memref_slice %arg7[%dma_wait3A_201, %dma_wait3A_204] : memref<32x64xi32, #tpu.memory_space<vmem>> -> memref<1x64xi32, #tpu.memory_space<vmem>>
        %dma_wait3A_206 = tpu.memref_squeeze %dma_wait3A_205 : memref<1x64xi32, #tpu.memory_space<vmem>> -> memref<64xi32, #tpu.memory_space<vmem>>
        %dma_wait3A_207 = arith.constant 0 : i32
        %dma_wait3A_208 = arith.constant 0 : i32
        %dma_wait3A_209 = tpu.memref_slice %arg2[%dma_wait3A_207, %dma_wait3A_208] : memref<10000x128xf32, #tpu.memory_space<hbm>> -> memref<10000x128xf32, #tpu.memory_space<hbm>>
        %dma_wait3A_210 = tpu.memref_slice %arg11[%rem3A_160] : memref<5x!tpu.dma_semaphore, #tpu.memory_space<semaphore_mem>> -> memref<1x!tpu.dma_semaphore, #tpu.memory_space<semaphore_mem>>
        %dma_wait3A_211 = tpu.memref_squeeze %dma_wait3A_210 : memref<1x!tpu.dma_semaphore, #tpu.memory_space<semaphore_mem>> -> memref<!tpu.dma_semaphore, #tpu.memory_space<semaphore_mem>>
        tpu.wait_indirect_dma semaphore(%dma_wait3A_211 : memref<!tpu.dma_semaphore, #tpu.memory_space<semaphore_mem>>) src(%dma_wait3A_209 : memref<10000x128xf32, #tpu.memory_space<hbm>>) dst(%dma_wait3A_203 : memref<64x128xf32, #tpu.memory_space<vmem>>)
        %dma_start3A_212 = arith.constant 0 : i32
        %dma_start3A_213 = tpu.memref_slice %arg9[%mul3A_162, %dma_start3A_212] : memref<320x128xf32, #tpu.memory_space<vmem>> -> memref<64x128xf32, #tpu.memory_space<vmem>>
        %dma_start3A_214 = arith.constant 0 : i32
        %dma_start3A_215 = tpu.memref_slice %arg8[%add3A_200, %dma_start3A_214] : memref<32x64xi32, #tpu.memory_space<vmem>> -> memref<1x64xi32, #tpu.memory_space<vmem>>
        %dma_start3A_216 = tpu.memref_squeeze %dma_start3A_215 : memref<1x64xi32, #tpu.memory_space<vmem>> -> memref<64xi32, #tpu.memory_space<vmem>>
        %dma_start3A_217 = arith.constant 0 : i32
        %dma_start3A_218 = arith.constant 0 : i32
        %dma_start3A_219 = tpu.memref_slice %arg10[%dma_start3A_217, %dma_start3A_218] : memref<10112x128xf32, #tpu.memory_space<vmem_shared>> -> memref<10112x128xf32, #tpu.memory_space<vmem_shared>>
        %dma_start3A_220 = tpu.memref_slice %arg12[%rem3A_160] : memref<5x!tpu.dma_semaphore, #tpu.memory_space<semaphore_mem>> -> memref<1x!tpu.dma_semaphore, #tpu.memory_space<semaphore_mem>>
        %dma_start3A_221 = tpu.memref_squeeze %dma_start3A_220 : memref<1x!tpu.dma_semaphore, #tpu.memory_space<semaphore_mem>> -> memref<!tpu.dma_semaphore, #tpu.memory_space<semaphore_mem>>
        tpu.enqueue_indirect_dma source(%dma_start3A_213 : memref<64x128xf32, #tpu.memory_space<vmem>>) target(%dma_start3A_219 : memref<10112x128xf32, #tpu.memory_space<vmem_shared>>) offsets(%dma_start3A_216 : memref<64xi32, #tpu.memory_space<vmem>>) semaphore(%dma_start3A_221 : memref<!tpu.dma_semaphore, #tpu.memory_space<semaphore_mem>>) {add = true}
      } else {
      }
    }
    %while3A_72 = arith.constant 1 : i32
    scf.for %while3A_94 = %while3A_70 to %while3A_66 step %while3A_72  : i32 {
      %jit3A_95 = arith.constant 16 : i32
      %div3A_96 = arith.divsi %while3A_94, %jit3A_95 : i32
      %sign3A_97 = arith.constant 0 : i32
      %sign3A_98 = arith.cmpi sgt, %while3A_94, %sign3A_97 : i32
      %sign3A_99 = arith.extui %sign3A_98 : i1 to i32
      %sign3A_100 = arith.constant 0 : i32
      %sign3A_101 = arith.cmpi slt, %while3A_94, %sign3A_100 : i32
      %sign3A_102 = arith.extui %sign3A_101 : i1 to i32
      %sign3A_103 = arith.subi %sign3A_99, %sign3A_102 : i32
      %sign3A_104 = arith.constant 0 : i32
      %sign3A_105 = arith.cmpi sgt, %jit3A_95, %sign3A_104 : i32
      %sign3A_106 = arith.extui %sign3A_105 : i1 to i32
      %sign3A_107 = arith.constant 0 : i32
      %sign3A_108 = arith.cmpi slt, %jit3A_95, %sign3A_107 : i32
      %sign3A_109 = arith.extui %sign3A_108 : i1 to i32
      %sign3A_110 = arith.subi %sign3A_106, %sign3A_109 : i32
      %ne3A_111 = arith.cmpi ne, %sign3A_103, %sign3A_110 : i32
      %rem3A_112 = arith.remsi %while3A_94, %jit3A_95 : i32
      %ne3A_113 = arith.constant 0 : i32
      %ne3A_114 = arith.cmpi ne, %rem3A_112, %ne3A_113 : i32
      %and3A_115 = arith.andi %ne3A_111, %ne3A_114 : i1
      %sub3A_116 = arith.constant 1 : i32
      %sub3A_117 = arith.subi %div3A_96, %sub3A_116 : i32
      %select_n3A_118 = arith.select %and3A_115, %sub3A_117, %div3A_96 : i32
      %rem3A_119 = arith.constant 16 : i32
      %rem3A_120 = arith.remsi %while3A_94, %rem3A_119 : i32
      %rem3A_121 = arith.constant 2 : i32
      %rem3A_122 = arith.remsi %select_n3A_118, %rem3A_121 : i32
      %eq3A_123 = arith.constant 0 : i32
      %eq3A_124 = arith.cmpi eq, %rem3A_120, %eq3A_123 : i32
      %gt3A = arith.constant 0 : i32
      %gt3A_125 = arith.cmpi sgt, %while3A_94, %gt3A : i32
      %lt3A = arith.cmpi slt, %while3A_94, %select_n3A : i32
      %and3A_126 = arith.andi %gt3A_125, %lt3A : i1
      %and3A_127 = arith.andi %eq3A_124, %and3A_126 : i1
      %convert_element_type3A = arith.extui %and3A_127 : i1 to i32
      %cond3A = arith.constant 0 : i32
      %cond3A_128 = arith.cmpi ne, %convert_element_type3A, %cond3A : i32
      scf.if %cond3A_128 {
        %dma_wait3A_170 = arith.constant 0 : i32
        %dma_wait3A_171 = arith.constant 0 : i32
        %dma_wait3A_172 = tpu.memref_slice %arg7[%dma_wait3A_170, %dma_wait3A_171] : memref<32x64xi32, #tpu.memory_space<vmem>> -> memref<16x64xi32, #tpu.memory_space<vmem>>
        %dma_wait3A_173 = arith.constant 0 : i32
        %dma_wait3A_174 = tpu.memref_slice %arg3[%select_n3A_8, %dma_wait3A_173] : memref<5120x64xi32, #tpu.memory_space<hbm>> -> memref<16x64xi32, #tpu.memory_space<hbm>>
        %dma_wait3A_175 = tpu.memref_slice %arg13[%rem3A_122] : memref<2x!tpu.dma_semaphore, #tpu.memory_space<semaphore_mem>> -> memref<1x!tpu.dma_semaphore, #tpu.memory_space<semaphore_mem>>
        %dma_wait3A_176 = tpu.memref_squeeze %dma_wait3A_175 : memref<1x!tpu.dma_semaphore, #tpu.memory_space<semaphore_mem>> -> memref<!tpu.dma_semaphore, #tpu.memory_space<semaphore_mem>>
        %dma_wait3A_177 = arith.constant 0 : i32
        %dma_wait3A_178 = arith.constant 0 : i32
        %dma_wait3A_179 = tpu.memref_slice %arg7[%dma_wait3A_177, %dma_wait3A_178] : memref<32x64xi32, #tpu.memory_space<vmem>> -> memref<16x64xi32, #tpu.memory_space<vmem>>
        %dma_wait3A_180 = arith.constant 0 : i32
        %dma_wait3A_181 = tpu.memref_slice %arg3[%select_n3A_8, %dma_wait3A_180] : memref<5120x64xi32, #tpu.memory_space<hbm>> -> memref<16x64xi32, #tpu.memory_space<hbm>>
        tpu.wait_dma2 semaphore(%dma_wait3A_176 : memref<!tpu.dma_semaphore, #tpu.memory_space<semaphore_mem>>) src(%dma_wait3A_181 : memref<16x64xi32, #tpu.memory_space<hbm>>) dst(%dma_wait3A_179 : memref<16x64xi32, #tpu.memory_space<vmem>>)
        %dma_wait3A_182 = arith.constant 0 : i32
        %dma_wait3A_183 = arith.constant 0 : i32
        %dma_wait3A_184 = tpu.memref_slice %arg7[%dma_wait3A_182, %dma_wait3A_183] : memref<32x64xi32, #tpu.memory_space<vmem>> -> memref<16x64xi32, #tpu.memory_space<vmem>>
        %dma_wait3A_185 = arith.constant 0 : i32
        %dma_wait3A_186 = tpu.memref_slice %arg3[%select_n3A_8, %dma_wait3A_185] : memref<5120x64xi32, #tpu.memory_space<hbm>> -> memref<16x64xi32, #tpu.memory_space<hbm>>
        %dma_wait3A_187 = tpu.memref_slice %arg13[%rem3A_122] : memref<2x!tpu.dma_semaphore, #tpu.memory_space<semaphore_mem>> -> memref<1x!tpu.dma_semaphore, #tpu.memory_space<semaphore_mem>>
        %dma_wait3A_188 = tpu.memref_squeeze %dma_wait3A_187 : memref<1x!tpu.dma_semaphore, #tpu.memory_space<semaphore_mem>> -> memref<!tpu.dma_semaphore, #tpu.memory_space<semaphore_mem>>
        %dma_wait3A_189 = arith.constant 0 : i32
        %dma_wait3A_190 = arith.constant 0 : i32
        %dma_wait3A_191 = tpu.memref_slice %arg7[%dma_wait3A_189, %dma_wait3A_190] : memref<32x64xi32, #tpu.memory_space<vmem>> -> memref<16x64xi32, #tpu.memory_space<vmem>>
        %dma_wait3A_192 = arith.constant 0 : i32
        %dma_wait3A_193 = tpu.memref_slice %arg3[%select_n3A_8, %dma_wait3A_192] : memref<5120x64xi32, #tpu.memory_space<hbm>> -> memref<16x64xi32, #tpu.memory_space<hbm>>
        tpu.wait_dma2 semaphore(%dma_wait3A_188 : memref<!tpu.dma_semaphore, #tpu.memory_space<semaphore_mem>>) src(%dma_wait3A_193 : memref<16x64xi32, #tpu.memory_space<hbm>>) dst(%dma_wait3A_191 : memref<16x64xi32, #tpu.memory_space<vmem>>)
      } else {
      }
      %eq3A_129 = arith.constant 5 : i32
      %eq3A_130 = arith.cmpi eq, %rem3A_120, %eq3A_129 : i32
      %ge3A = arith.constant 1 : i32
      %ge3A_131 = arith.cmpi sge, %select_n3A_118, %ge3A : i32
      %add3A_132 = arith.constant 1 : i32
      %add3A_133 = arith.addi %select_n3A_118, %add3A_132 : i32
      %lt3A_134 = arith.cmpi slt, %add3A_133, %select_n3A_26 : i32
      %and3A_135 = arith.andi %ge3A_131, %lt3A_134 : i1
      %and3A_136 = arith.andi %eq3A_130, %and3A_135 : i1
      %convert_element_type3A_137 = arith.extui %and3A_136 : i1 to i32
      %cond3A_138 = arith.constant 0 : i32
      %cond3A_139 = arith.cmpi ne, %convert_element_type3A_137, %cond3A_138 : i32
      scf.if %cond3A_139 {
        %add3A_170 = arith.constant 1 : i32
        %add3A_171 = arith.addi %select_n3A_118, %add3A_170 : i32
        %rem3A_172 = arith.constant 2 : i32
        %rem3A_173 = arith.remsi %add3A_171, %rem3A_172 : i32
        %mul3A_174 = arith.constant 16 : i32
        %mul3A_175 = arith.muli %add3A_171, %mul3A_174 : i32
        %add3A_176 = arith.addi %select_n3A_8, %mul3A_175 : i32
        %mul3A_177 = arith.constant 16 : i32
        %mul3A_178 = arith.muli %rem3A_173, %mul3A_177 : i32
        %dma_start3A_179 = arith.constant 0 : i32
        %dma_start3A_180 = tpu.memref_slice %arg7[%mul3A_178, %dma_start3A_179] : memref<32x64xi32, #tpu.memory_space<vmem>> -> memref<16x64xi32, #tpu.memory_space<vmem>>
        %dma_start3A_181 = arith.constant 0 : i32
        %dma_start3A_182 = tpu.memref_slice %arg3[%add3A_176, %dma_start3A_181] : memref<5120x64xi32, #tpu.memory_space<hbm>> -> memref<16x64xi32, #tpu.memory_space<hbm>>
        %dma_start3A_183 = tpu.memref_slice %arg13[%rem3A_173] : memref<2x!tpu.dma_semaphore, #tpu.memory_space<semaphore_mem>> -> memref<1x!tpu.dma_semaphore, #tpu.memory_space<semaphore_mem>>
        %dma_start3A_184 = tpu.memref_squeeze %dma_start3A_183 : memref<1x!tpu.dma_semaphore, #tpu.memory_space<semaphore_mem>> -> memref<!tpu.dma_semaphore, #tpu.memory_space<semaphore_mem>>
        %dma_start3A_185 = arith.constant 0 : i32
        %dma_start3A_186 = tpu.memref_slice %arg7[%mul3A_178, %dma_start3A_185] : memref<32x64xi32, #tpu.memory_space<vmem>> -> memref<16x64xi32, #tpu.memory_space<vmem>>
        %dma_start3A_187 = arith.constant 0 : i32
        %dma_start3A_188 = tpu.memref_slice %arg3[%add3A_176, %dma_start3A_187] : memref<5120x64xi32, #tpu.memory_space<hbm>> -> memref<16x64xi32, #tpu.memory_space<hbm>>
        tpu.enqueue_dma source(%dma_start3A_188 : memref<16x64xi32, #tpu.memory_space<hbm>>) target(%dma_start3A_186 : memref<16x64xi32, #tpu.memory_space<vmem>>) target_semaphore(%dma_start3A_184 : memref<!tpu.dma_semaphore, #tpu.memory_space<semaphore_mem>>)
        %mul3A_189 = arith.constant 16 : i32
        %mul3A_190 = arith.muli %add3A_171, %mul3A_189 : i32
        %add3A_191 = arith.addi %select_n3A_8, %mul3A_190 : i32
        %mul3A_192 = arith.constant 16 : i32
        %mul3A_193 = arith.muli %rem3A_173, %mul3A_192 : i32
        %dma_start3A_194 = arith.constant 0 : i32
        %dma_start3A_195 = tpu.memref_slice %arg8[%mul3A_193, %dma_start3A_194] : memref<32x64xi32, #tpu.memory_space<vmem>> -> memref<16x64xi32, #tpu.memory_space<vmem>>
        %dma_start3A_196 = arith.constant 0 : i32
        %dma_start3A_197 = tpu.memref_slice %arg4[%add3A_191, %dma_start3A_196] : memref<5120x64xi32, #tpu.memory_space<hbm>> -> memref<16x64xi32, #tpu.memory_space<hbm>>
        %dma_start3A_198 = tpu.memref_slice %arg13[%rem3A_173] : memref<2x!tpu.dma_semaphore, #tpu.memory_space<semaphore_mem>> -> memref<1x!tpu.dma_semaphore, #tpu.memory_space<semaphore_mem>>
        %dma_start3A_199 = tpu.memref_squeeze %dma_start3A_198 : memref<1x!tpu.dma_semaphore, #tpu.memory_space<semaphore_mem>> -> memref<!tpu.dma_semaphore, #tpu.memory_space<semaphore_mem>>
        %dma_start3A_200 = arith.constant 0 : i32
        %dma_start3A_201 = tpu.memref_slice %arg8[%mul3A_193, %dma_start3A_200] : memref<32x64xi32, #tpu.memory_space<vmem>> -> memref<16x64xi32, #tpu.memory_space<vmem>>
        %dma_start3A_202 = arith.constant 0 : i32
        %dma_start3A_203 = tpu.memref_slice %arg4[%add3A_191, %dma_start3A_202] : memref<5120x64xi32, #tpu.memory_space<hbm>> -> memref<16x64xi32, #tpu.memory_space<hbm>>
        tpu.enqueue_dma source(%dma_start3A_203 : memref<16x64xi32, #tpu.memory_space<hbm>>) target(%dma_start3A_201 : memref<16x64xi32, #tpu.memory_space<vmem>>) target_semaphore(%dma_start3A_199 : memref<!tpu.dma_semaphore, #tpu.memory_space<semaphore_mem>>)
      } else {
      }
      %rem3A_140 = arith.constant 5 : i32
      %rem3A_141 = arith.remsi %while3A_94, %rem3A_140 : i32
      %mul3A_142 = arith.constant 64 : i32
      %mul3A_143 = arith.muli %rem3A_141, %mul3A_142 : i32
      %ge3A_144 = arith.constant 5 : i32
      %ge3A_145 = arith.cmpi sge, %while3A_94, %ge3A_144 : i32
      %convert_element_type3A_146 = arith.extui %ge3A_145 : i1 to i32
      %cond3A_147 = arith.constant 0 : i32
      %cond3A_148 = arith.cmpi ne, %convert_element_type3A_146, %cond3A_147 : i32
      scf.if %cond3A_148 {
        %dma_wait3A_170 = arith.constant 0 : i32
        %dma_wait3A_171 = arith.constant 0 : i32
        %dma_wait3A_172 = tpu.memref_slice %arg9[%mul3A_143, %dma_wait3A_171] : memref<320x128xf32, #tpu.memory_space<vmem>> -> memref<64x128xf32, #tpu.memory_space<vmem>>
        %dma_wait3A_173 = arith.constant 0 : i32
        %dma_wait3A_174 = tpu.memref_slice %arg8[%dma_wait3A_170, %dma_wait3A_173] : memref<32x64xi32, #tpu.memory_space<vmem>> -> memref<1x64xi32, #tpu.memory_space<vmem>>
        %dma_wait3A_175 = tpu.memref_squeeze %dma_wait3A_174 : memref<1x64xi32, #tpu.memory_space<vmem>> -> memref<64xi32, #tpu.memory_space<vmem>>
        %dma_wait3A_176 = arith.constant 0 : i32
        %dma_wait3A_177 = arith.constant 0 : i32
        %dma_wait3A_178 = tpu.memref_slice %arg10[%dma_wait3A_176, %dma_wait3A_177] : memref<10112x128xf32, #tpu.memory_space<vmem_shared>> -> memref<10112x128xf32, #tpu.memory_space<vmem_shared>>
        %dma_wait3A_179 = tpu.memref_slice %arg12[%rem3A_141] : memref<5x!tpu.dma_semaphore, #tpu.memory_space<semaphore_mem>> -> memref<1x!tpu.dma_semaphore, #tpu.memory_space<semaphore_mem>>
        %dma_wait3A_180 = tpu.memref_squeeze %dma_wait3A_179 : memref<1x!tpu.dma_semaphore, #tpu.memory_space<semaphore_mem>> -> memref<!tpu.dma_semaphore, #tpu.memory_space<semaphore_mem>>
        tpu.wait_indirect_dma semaphore(%dma_wait3A_180 : memref<!tpu.dma_semaphore, #tpu.memory_space<semaphore_mem>>) src(%dma_wait3A_172 : memref<64x128xf32, #tpu.memory_space<vmem>>) dst(%dma_wait3A_178 : memref<10112x128xf32, #tpu.memory_space<vmem_shared>>)
      } else {
      }
      %lt3A_149 = arith.cmpi slt, %while3A_94, %select_n3A : i32
      %convert_element_type3A_150 = arith.extui %lt3A_149 : i1 to i32
      %cond3A_151 = arith.constant 0 : i32
      %cond3A_152 = arith.cmpi ne, %convert_element_type3A_150, %cond3A_151 : i32
      scf.if %cond3A_152 {
        %mul3A_170 = arith.constant 16 : i32
        %mul3A_171 = arith.muli %rem3A_122, %mul3A_170 : i32
        %add3A_172 = arith.addi %mul3A_171, %rem3A_120 : i32
        %dma_start3A_173 = arith.constant 0 : i32
        %dma_start3A_174 = tpu.memref_slice %arg9[%mul3A_143, %dma_start3A_173] : memref<320x128xf32, #tpu.memory_space<vmem>> -> memref<64x128xf32, #tpu.memory_space<vmem>>
        %dma_start3A_175 = arith.constant 0 : i32
        %dma_start3A_176 = tpu.memref_slice %arg7[%add3A_172, %dma_start3A_175] : memref<32x64xi32, #tpu.memory_space<vmem>> -> memref<1x64xi32, #tpu.memory_space<vmem>>
        %dma_start3A_177 = tpu.memref_squeeze %dma_start3A_176 : memref<1x64xi32, #tpu.memory_space<vmem>> -> memref<64xi32, #tpu.memory_space<vmem>>
        %dma_start3A_178 = arith.constant 0 : i32
        %dma_start3A_179 = arith.constant 0 : i32
        %dma_start3A_180 = tpu.memref_slice %arg2[%dma_start3A_178, %dma_start3A_179] : memref<10000x128xf32, #tpu.memory_space<hbm>> -> memref<10000x128xf32, #tpu.memory_space<hbm>>
        %dma_start3A_181 = tpu.memref_slice %arg11[%rem3A_141] : memref<5x!tpu.dma_semaphore, #tpu.memory_space<semaphore_mem>> -> memref<1x!tpu.dma_semaphore, #tpu.memory_space<semaphore_mem>>
        %dma_start3A_182 = tpu.memref_squeeze %dma_start3A_181 : memref<1x!tpu.dma_semaphore, #tpu.memory_space<semaphore_mem>> -> memref<!tpu.dma_semaphore, #tpu.memory_space<semaphore_mem>>
        tpu.enqueue_indirect_dma source(%dma_start3A_180 : memref<10000x128xf32, #tpu.memory_space<hbm>>) target(%dma_start3A_174 : memref<64x128xf32, #tpu.memory_space<vmem>>) offsets(%dma_start3A_177 : memref<64xi32, #tpu.memory_space<vmem>>) semaphore(%dma_start3A_182 : memref<!tpu.dma_semaphore, #tpu.memory_space<semaphore_mem>>)
      } else {
      }
      %sub3A_153 = arith.constant 5 : i32
      %sub3A_154 = arith.subi %while3A_94, %sub3A_153 : i32
      %add3A_155 = arith.constant 1 : i32
      %add3A_156 = arith.addi %sub3A_154, %add3A_155 : i32
      %add3A_157 = arith.constant 5 : i32
      %add3A_158 = arith.addi %add3A_156, %add3A_157 : i32
      %rem3A_159 = arith.constant 5 : i32
      %rem3A_160 = arith.remsi %add3A_158, %rem3A_159 : i32
      %mul3A_161 = arith.constant 64 : i32
      %mul3A_162 = arith.muli %rem3A_160, %mul3A_161 : i32
      %ge3A_163 = arith.constant 0 : i32
      %ge3A_164 = arith.cmpi sge, %add3A_156, %ge3A_163 : i32
      %lt3A_165 = arith.cmpi slt, %add3A_156, %select_n3A : i32
      %and3A_166 = arith.andi %ge3A_164, %lt3A_165 : i1
      %convert_element_type3A_167 = arith.extui %and3A_166 : i1 to i32
      %cond3A_168 = arith.constant 0 : i32
      %cond3A_169 = arith.cmpi ne, %convert_element_type3A_167, %cond3A_168 : i32
      scf.if %cond3A_169 {
        %jit3A_170 = arith.constant 16 : i32
        %div3A_171 = arith.divsi %add3A_156, %jit3A_170 : i32
        %sign3A_172 = arith.constant 0 : i32
        %sign3A_173 = arith.cmpi sgt, %add3A_156, %sign3A_172 : i32
        %sign3A_174 = arith.extui %sign3A_173 : i1 to i32
        %sign3A_175 = arith.constant 0 : i32
        %sign3A_176 = arith.cmpi slt, %add3A_156, %sign3A_175 : i32
        %sign3A_177 = arith.extui %sign3A_176 : i1 to i32
        %sign3A_178 = arith.subi %sign3A_174, %sign3A_177 : i32
        %sign3A_179 = arith.constant 0 : i32
        %sign3A_180 = arith.cmpi sgt, %jit3A_170, %sign3A_179 : i32
        %sign3A_181 = arith.extui %sign3A_180 : i1 to i32
        %sign3A_182 = arith.constant 0 : i32
        %sign3A_183 = arith.cmpi slt, %jit3A_170, %sign3A_182 : i32
        %sign3A_184 = arith.extui %sign3A_183 : i1 to i32
        %sign3A_185 = arith.subi %sign3A_181, %sign3A_184 : i32
        %ne3A_186 = arith.cmpi ne, %sign3A_178, %sign3A_185 : i32
        %rem3A_187 = arith.remsi %add3A_156, %jit3A_170 : i32
        %ne3A_188 = arith.constant 0 : i32
        %ne3A_189 = arith.cmpi ne, %rem3A_187, %ne3A_188 : i32
        %and3A_190 = arith.andi %ne3A_186, %ne3A_189 : i1
        %sub3A_191 = arith.constant 1 : i32
        %sub3A_192 = arith.subi %div3A_171, %sub3A_191 : i32
        %select_n3A_193 = arith.select %and3A_190, %sub3A_192, %div3A_171 : i32
        %rem3A_194 = arith.constant 2 : i32
        %rem3A_195 = arith.remsi %select_n3A_193, %rem3A_194 : i32
        %mul3A_196 = arith.constant 16 : i32
        %mul3A_197 = arith.muli %rem3A_195, %mul3A_196 : i32
        %rem3A_198 = arith.constant 16 : i32
        %rem3A_199 = arith.remsi %add3A_156, %rem3A_198 : i32
        %add3A_200 = arith.addi %mul3A_197, %rem3A_199 : i32
        %dma_wait3A_201 = arith.constant 0 : i32
        %dma_wait3A_202 = arith.constant 0 : i32
        %dma_wait3A_203 = tpu.memref_slice %arg9[%mul3A_162, %dma_wait3A_202] : memref<320x128xf32, #tpu.memory_space<vmem>> -> memref<64x128xf32, #tpu.memory_space<vmem>>
        %dma_wait3A_204 = arith.constant 0 : i32
        %dma_wait3A_205 = tpu.memref_slice %arg7[%dma_wait3A_201, %dma_wait3A_204] : memref<32x64xi32, #tpu.memory_space<vmem>> -> memref<1x64xi32, #tpu.memory_space<vmem>>
        %dma_wait3A_206 = tpu.memref_squeeze %dma_wait3A_205 : memref<1x64xi32, #tpu.memory_space<vmem>> -> memref<64xi32, #tpu.memory_space<vmem>>
        %dma_wait3A_207 = arith.constant 0 : i32
        %dma_wait3A_208 = arith.constant 0 : i32
        %dma_wait3A_209 = tpu.memref_slice %arg2[%dma_wait3A_207, %dma_wait3A_208] : memref<10000x128xf32, #tpu.memory_space<hbm>> -> memref<10000x128xf32, #tpu.memory_space<hbm>>
        %dma_wait3A_210 = tpu.memref_slice %arg11[%rem3A_160] : memref<5x!tpu.dma_semaphore, #tpu.memory_space<semaphore_mem>> -> memref<1x!tpu.dma_semaphore, #tpu.memory_space<semaphore_mem>>
        %dma_wait3A_211 = tpu.memref_squeeze %dma_wait3A_210 : memref<1x!tpu.dma_semaphore, #tpu.memory_space<semaphore_mem>> -> memref<!tpu.dma_semaphore, #tpu.memory_space<semaphore_mem>>
        tpu.wait_indirect_dma semaphore(%dma_wait3A_211 : memref<!tpu.dma_semaphore, #tpu.memory_space<semaphore_mem>>) src(%dma_wait3A_209 : memref<10000x128xf32, #tpu.memory_space<hbm>>) dst(%dma_wait3A_203 : memref<64x128xf32, #tpu.memory_space<vmem>>)
        %dma_start3A_212 = arith.constant 0 : i32
        %dma_start3A_213 = tpu.memref_slice %arg9[%mul3A_162, %dma_start3A_212] : memref<320x128xf32, #tpu.memory_space<vmem>> -> memref<64x128xf32, #tpu.memory_space<vmem>>
        %dma_start3A_214 = arith.constant 0 : i32
        %dma_start3A_215 = tpu.memref_slice %arg8[%add3A_200, %dma_start3A_214] : memref<32x64xi32, #tpu.memory_space<vmem>> -> memref<1x64xi32, #tpu.memory_space<vmem>>
        %dma_start3A_216 = tpu.memref_squeeze %dma_start3A_215 : memref<1x64xi32, #tpu.memory_space<vmem>> -> memref<64xi32, #tpu.memory_space<vmem>>
        %dma_start3A_217 = arith.constant 0 : i32
        %dma_start3A_218 = arith.constant 0 : i32
        %dma_start3A_219 = tpu.memref_slice %arg10[%dma_start3A_217, %dma_start3A_218] : memref<10112x128xf32, #tpu.memory_space<vmem_shared>> -> memref<10112x128xf32, #tpu.memory_space<vmem_shared>>
        %dma_start3A_220 = tpu.memref_slice %arg12[%rem3A_160] : memref<5x!tpu.dma_semaphore, #tpu.memory_space<semaphore_mem>> -> memref<1x!tpu.dma_semaphore, #tpu.memory_space<semaphore_mem>>
        %dma_start3A_221 = tpu.memref_squeeze %dma_start3A_220 : memref<1x!tpu.dma_semaphore, #tpu.memory_space<semaphore_mem>> -> memref<!tpu.dma_semaphore, #tpu.memory_space<semaphore_mem>>
        tpu.enqueue_indirect_dma source(%dma_start3A_213 : memref<64x128xf32, #tpu.memory_space<vmem>>) target(%dma_start3A_219 : memref<10112x128xf32, #tpu.memory_space<vmem_shared>>) offsets(%dma_start3A_216 : memref<64xi32, #tpu.memory_space<vmem>>) semaphore(%dma_start3A_221 : memref<!tpu.dma_semaphore, #tpu.memory_space<semaphore_mem>>) {add = true}
      } else {
      }
    }
    %sub3A_73 = arith.constant 1 : i32
    %sub3A_74 = arith.subi %select_n3A, %sub3A_73 : i32
    %rem3A_75 = arith.constant 5 : i32
    %rem3A_76 = arith.remsi %sub3A_74, %rem3A_75 : i32
    %mul3A_77 = arith.constant 64 : i32
    %mul3A_78 = arith.muli %rem3A_76, %mul3A_77 : i32
    %dma_wait3A = arith.constant 0 : i32
    %dma_wait3A_79 = arith.constant 0 : i32
    %dma_wait3A_80 = tpu.memref_slice %arg9[%mul3A_78, %dma_wait3A_79] : memref<320x128xf32, #tpu.memory_space<vmem>> -> memref<64x128xf32, #tpu.memory_space<vmem>>
    %dma_wait3A_81 = arith.constant 0 : i32
    %dma_wait3A_82 = tpu.memref_slice %arg8[%dma_wait3A, %dma_wait3A_81] : memref<32x64xi32, #tpu.memory_space<vmem>> -> memref<1x64xi32, #tpu.memory_space<vmem>>
    %dma_wait3A_83 = tpu.memref_squeeze %dma_wait3A_82 : memref<1x64xi32, #tpu.memory_space<vmem>> -> memref<64xi32, #tpu.memory_space<vmem>>
    %dma_wait3A_84 = arith.constant 0 : i32
    %dma_wait3A_85 = arith.constant 0 : i32
    %dma_wait3A_86 = tpu.memref_slice %arg10[%dma_wait3A_84, %dma_wait3A_85] : memref<10112x128xf32, #tpu.memory_space<vmem_shared>> -> memref<10112x128xf32, #tpu.memory_space<vmem_shared>>
    %dma_wait3A_87 = tpu.memref_slice %arg12[%rem3A_76] : memref<5x!tpu.dma_semaphore, #tpu.memory_space<semaphore_mem>> -> memref<1x!tpu.dma_semaphore, #tpu.memory_space<semaphore_mem>>
    %dma_wait3A_88 = tpu.memref_squeeze %dma_wait3A_87 : memref<1x!tpu.dma_semaphore, #tpu.memory_space<semaphore_mem>> -> memref<!tpu.dma_semaphore, #tpu.memory_space<semaphore_mem>>
    tpu.wait_indirect_dma semaphore(%dma_wait3A_88 : memref<!tpu.dma_semaphore, #tpu.memory_space<semaphore_mem>>) src(%dma_wait3A_80 : memref<64x128xf32, #tpu.memory_space<vmem>>) dst(%dma_wait3A_86 : memref<10112x128xf32, #tpu.memory_space<vmem_shared>>)
    %barrier3A_89 = arith.constant 0 : index
    tpu.barrier barrier_id(%barrier3A_89)
    %mul3A_90 = arith.constant 632 : i32
    %mul3A_91 = arith.muli %arg1, %mul3A_90 : i32
    %mul3A_92 = arith.constant 632 : i32
    %mul3A_93 = arith.muli %arg1, %mul3A_92 : i32
    "tpu.region"() ({
      %run_scoped3A = tpu.sem_alloc : memref<!tpu.dma_semaphore, #tpu.memory_space<semaphore_mem>>
      %dma_start3A_94 = arith.constant 0 : i32
      %dma_start3A_95 = arith.constant 0 : i32
      %dma_start3A_96 = tpu.memref_slice %arg6[%arg0, %dma_start3A_94, %dma_start3A_95] : memref<2x10112x128xf32, #tpu.memory_space<hbm>> -> memref<1x10112x128xf32, #tpu.memory_space<hbm>>
      %dma_start3A_97 = tpu.memref_squeeze %dma_start3A_96 : memref<1x10112x128xf32, #tpu.memory_space<hbm>> -> memref<10112x128xf32, #tpu.memory_space<hbm>>
      %dma_start3A_98 = arith.constant 0 : i32
      %dma_start3A_99 = tpu.memref_slice %dma_start3A_97[%mul3A_93, %dma_start3A_98] : memref<10112x128xf32, #tpu.memory_space<hbm>> -> memref<632x128xf32, #tpu.memory_space<hbm>>
      %dma_start3A_100 = arith.constant 0 : i32
      %dma_start3A_101 = tpu.memref_slice %arg10[%mul3A_91, %dma_start3A_100] : memref<10112x128xf32, #tpu.memory_space<vmem_shared>> -> memref<632x128xf32, #tpu.memory_space<vmem_shared>>
      tpu.enqueue_dma source(%dma_start3A_101 : memref<632x128xf32, #tpu.memory_space<vmem_shared>>) target(%dma_start3A_99 : memref<632x128xf32, #tpu.memory_space<hbm>>) target_semaphore(%run_scoped3A : memref<!tpu.dma_semaphore, #tpu.memory_space<semaphore_mem>>)
      %dma_wait3A_102 = arith.constant 0 : i32
      %dma_wait3A_103 = arith.constant 0 : i32
      %dma_wait3A_104 = tpu.memref_slice %arg6[%arg0, %dma_wait3A_102, %dma_wait3A_103] : memref<2x10112x128xf32, #tpu.memory_space<hbm>> -> memref<1x10112x128xf32, #tpu.memory_space<hbm>>
      %dma_wait3A_105 = tpu.memref_squeeze %dma_wait3A_104 : memref<1x10112x128xf32, #tpu.memory_space<hbm>> -> memref<10112x128xf32, #tpu.memory_space<hbm>>
      %dma_wait3A_106 = arith.constant 0 : i32
      %dma_wait3A_107 = tpu.memref_slice %dma_wait3A_105[%mul3A_93, %dma_wait3A_106] : memref<10112x128xf32, #tpu.memory_space<hbm>> -> memref<632x128xf32, #tpu.memory_space<hbm>>
      %dma_wait3A_108 = arith.constant 0 : i32
      %dma_wait3A_109 = tpu.memref_slice %arg10[%mul3A_91, %dma_wait3A_108] : memref<10112x128xf32, #tpu.memory_space<vmem_shared>> -> memref<632x128xf32, #tpu.memory_space<vmem_shared>>
      tpu.wait_dma2 semaphore(%run_scoped3A : memref<!tpu.dma_semaphore, #tpu.memory_space<semaphore_mem>>) src(%dma_wait3A_109 : memref<632x128xf32, #tpu.memory_space<vmem_shared>>) dst(%dma_wait3A_107 : memref<632x128xf32, #tpu.memory_space<hbm>>)
      tpu.yield
    }) : () -> ()
    return
  }
}

module attributes {stable_mosaic.version = 14 : i64} {
  func.func @_enc_kernel(%arg0: memref<10000x128xf32, #tpu.memory_space<vmem>>, %arg1: memref<256x128xf32, #tpu.memory_space<vmem>>, %arg2: memref<1x256xf32, #tpu.memory_space<vmem>>, %arg3: memref<128x256xf32, #tpu.memory_space<vmem>>, %arg4: memref<1x128xf32, #tpu.memory_space<vmem>>, %arg5: memref<10000x128xf32, #tpu.memory_space<vmem>>) attributes {dimension_semantics = [], scalar_prefetch = 0 : i64, scratch_operands = 0 : i64, tpu.core_type = #tpu.core_type<tc>} {
    %get3A = arith.constant 0 : index
    %get3A_0 = arith.constant 0 : index
    %get3A_1 = vector.load %arg0[%get3A, %get3A_0] : memref<10000x128xf32, #tpu.memory_space<vmem>>, vector<10000x128xf32>
    %get3A_2 = arith.constant 0 : index
    %get3A_3 = arith.constant 0 : index
    %get3A_4 = vector.load %arg1[%get3A_2, %get3A_3] : memref<256x128xf32, #tpu.memory_space<vmem>>, vector<256x128xf32>
    %dot_general3A = arith.constant dense<0.000000e+00> : vector<10000x256xf32>
    %dot_general3A_5 = tpu.matmul %get3A_1, %get3A_4, %dot_general3A {dimension_numbers = #tpu.dot_dimension_numbers<[1], [1], [0], [0], [0, 0, 1, 0], [], []>, transpose_lhs_hint = false} : vector<10000x128xf32>, vector<256x128xf32>, vector<10000x256xf32> -> vector<10000x256xf32>
    %get3A_6 = arith.constant 0 : index
    %get3A_7 = arith.constant 0 : index
    %get3A_8 = vector.load %arg2[%get3A_6, %get3A_7] : memref<1x256xf32, #tpu.memory_space<vmem>>, vector<1x256xf32>
    %add3A = vector.broadcast %get3A_8 : vector<1x256xf32> to vector<10000x256xf32>
    %add3A_9 = arith.addf %dot_general3A_5, %add3A : vector<10000x256xf32>
    %max3A = arith.constant 0.000000e+00 : f32
    %max3A_10 = vector.broadcast %max3A : f32 to vector<10000x256xf32>
    %max3A_11 = arith.maximumf %add3A_9, %max3A_10 : vector<10000x256xf32>
    %get3A_12 = arith.constant 0 : index
    %get3A_13 = arith.constant 0 : index
    %get3A_14 = vector.load %arg3[%get3A_12, %get3A_13] : memref<128x256xf32, #tpu.memory_space<vmem>>, vector<128x256xf32>
    %dot_general3A_15 = arith.constant dense<0.000000e+00> : vector<10000x128xf32>
    %dot_general3A_16 = tpu.matmul %max3A_11, %get3A_14, %dot_general3A_15 {dimension_numbers = #tpu.dot_dimension_numbers<[1], [1], [0], [0], [0, 0, 1, 0], [], []>, transpose_lhs_hint = false} : vector<10000x256xf32>, vector<128x256xf32>, vector<10000x128xf32> -> vector<10000x128xf32>
    %get3A_17 = arith.constant 0 : index
    %get3A_18 = arith.constant 0 : index
    %get3A_19 = vector.load %arg4[%get3A_17, %get3A_18] : memref<1x128xf32, #tpu.memory_space<vmem>>, vector<1x128xf32>
    %add3A_20 = vector.broadcast %get3A_19 : vector<1x128xf32> to vector<10000x128xf32>
    %add3A_21 = arith.addf %dot_general3A_16, %add3A_20 : vector<10000x128xf32>
    %swap3A = arith.constant 0 : index
    %swap3A_22 = arith.constant 0 : index
    %swap3A_23 = vector.load %arg5[%swap3A, %swap3A_22] : memref<10000x128xf32, #tpu.memory_space<vmem>>, vector<10000x128xf32>
    tpu.vector_store %arg5[%swap3A, %swap3A_22], %add3A_21 {strides = array<i32>} : memref<10000x128xf32, #tpu.memory_space<vmem>>, vector<10000x128xf32>,
    return
  }
}

module attributes {stable_mosaic.version = 14 : i64} {
  func.func @_layer_kernel(%arg0: memref<2x10112x128xf32, #tpu.memory_space<vmem>>, %arg1: memref<2x10112x128xf32, #tpu.memory_space<vmem>>, %arg2: memref<10000x128xf32, #tpu.memory_space<vmem>>, %arg3: memref<128x128xf32, #tpu.memory_space<vmem>>, %arg4: memref<1x128xf32, #tpu.memory_space<vmem>>, %arg5: memref<128x128xf32, #tpu.memory_space<vmem>>, %arg6: memref<1x128xf32, #tpu.memory_space<vmem>>, %arg7: memref<1x128xf32, #tpu.memory_space<vmem>>, %arg8: memref<10000x128xf32, #tpu.memory_space<vmem>>) attributes {dimension_semantics = [], scalar_prefetch = 0 : i64, scratch_operands = 0 : i64, tpu.core_type = #tpu.core_type<tc>} {
    %get3A = arith.constant 0 : index
    %get3A_0 = arith.constant 0 : index
    %get3A_1 = arith.constant 0 : index
    %get3A_2 = vector.load %arg0[%get3A, %get3A_0, %get3A_1] : memref<2x10112x128xf32, #tpu.memory_space<vmem>>, vector<1x10000x128xf32>
    %get3A_3 = vector.shape_cast %get3A_2 : vector<1x10000x128xf32> to vector<10000x128xf32>
    %get3A_4 = arith.constant 1 : index
    %get3A_5 = arith.constant 0 : index
    %get3A_6 = arith.constant 0 : index
    %get3A_7 = vector.load %arg0[%get3A_4, %get3A_5, %get3A_6] : memref<2x10112x128xf32, #tpu.memory_space<vmem>>, vector<1x10000x128xf32>
    %get3A_8 = vector.shape_cast %get3A_7 : vector<1x10000x128xf32> to vector<10000x128xf32>
    %add3A = arith.addf %get3A_3, %get3A_8 : vector<10000x128xf32>
    %get3A_9 = arith.constant 0 : index
    %get3A_10 = arith.constant 0 : index
    %get3A_11 = arith.constant 0 : index
    %get3A_12 = vector.load %arg1[%get3A_9, %get3A_10, %get3A_11] : memref<2x10112x128xf32, #tpu.memory_space<vmem>>, vector<1x10000x1xf32>
    %get3A_13 = vector.shape_cast %get3A_12 : vector<1x10000x1xf32> to vector<10000x1xf32>
    %get3A_14 = arith.constant 1 : index
    %get3A_15 = arith.constant 0 : index
    %get3A_16 = arith.constant 0 : index
    %get3A_17 = vector.load %arg1[%get3A_14, %get3A_15, %get3A_16] : memref<2x10112x128xf32, #tpu.memory_space<vmem>>, vector<1x10000x1xf32>
    %get3A_18 = vector.shape_cast %get3A_17 : vector<1x10000x1xf32> to vector<10000x1xf32>
    %add3A_19 = arith.addf %get3A_13, %get3A_18 : vector<10000x1xf32>
    %max3A = arith.constant 1.000000e+00 : f32
    %max3A_20 = vector.broadcast %max3A : f32 to vector<10000x1xf32>
    %max3A_21 = arith.maximumf %add3A_19, %max3A_20 : vector<10000x1xf32>
    %div3A = vector.broadcast %max3A_21 : vector<10000x1xf32> to vector<10000x128xf32>
    %div3A_22 = arith.divf %add3A, %div3A : vector<10000x128xf32>
    %get3A_23 = arith.constant 0 : index
    %get3A_24 = arith.constant 0 : index
    %get3A_25 = vector.load %arg3[%get3A_23, %get3A_24] : memref<128x128xf32, #tpu.memory_space<vmem>>, vector<128x128xf32>
    %dot_general3A = arith.constant dense<0.000000e+00> : vector<10000x128xf32>
    %dot_general3A_26 = tpu.matmul %div3A_22, %get3A_25, %dot_general3A {dimension_numbers = #tpu.dot_dimension_numbers<[1], [1], [0], [0], [0, 0, 1, 0], [], []>, transpose_lhs_hint = false} : vector<10000x128xf32>, vector<128x128xf32>, vector<10000x128xf32> -> vector<10000x128xf32>
    %get3A_27 = arith.constant 0 : index
    %get3A_28 = arith.constant 0 : index
    %get3A_29 = vector.load %arg2[%get3A_27, %get3A_28] : memref<10000x128xf32, #tpu.memory_space<vmem>>, vector<10000x128xf32>
    %get3A_30 = arith.constant 0 : index
    %get3A_31 = arith.constant 0 : index
    %get3A_32 = vector.load %arg5[%get3A_30, %get3A_31] : memref<128x128xf32, #tpu.memory_space<vmem>>, vector<128x128xf32>
    %dot_general3A_33 = arith.constant dense<0.000000e+00> : vector<10000x128xf32>
    %dot_general3A_34 = tpu.matmul %get3A_29, %get3A_32, %dot_general3A_33 {dimension_numbers = #tpu.dot_dimension_numbers<[1], [1], [0], [0], [0, 0, 1, 0], [], []>, transpose_lhs_hint = false} : vector<10000x128xf32>, vector<128x128xf32>, vector<10000x128xf32> -> vector<10000x128xf32>
    %add3A_35 = arith.addf %dot_general3A_26, %dot_general3A_34 : vector<10000x128xf32>
    %get3A_36 = arith.constant 0 : index
    %get3A_37 = arith.constant 0 : index
    %get3A_38 = vector.load %arg4[%get3A_36, %get3A_37] : memref<1x128xf32, #tpu.memory_space<vmem>>, vector<1x128xf32>
    %add3A_39 = vector.broadcast %get3A_38 : vector<1x128xf32> to vector<10000x128xf32>
    %add3A_40 = arith.addf %add3A_35, %add3A_39 : vector<10000x128xf32>
    %reduce_sum3A = arith.constant dense<0.000000e+00> : vector<128xf32>
    %reduce_sum3A_41 = vector.multi_reduction <add>, %add3A_40, %reduce_sum3A [0] : vector<10000x128xf32> to vector<128xf32>
    %broadcast_in_dim3A = vector.shape_cast %reduce_sum3A_41 : vector<128xf32> to vector<1x128xf32>
    %div3A_42 = arith.constant 1.000000e+04 : f32
    %div3A_43 = vector.broadcast %div3A_42 : f32 to vector<1x128xf32>
    %div3A_44 = arith.divf %broadcast_in_dim3A, %div3A_43 : vector<1x128xf32>
    %sub3A = vector.broadcast %div3A_44 : vector<1x128xf32> to vector<10000x128xf32>
    %sub3A_45 = arith.subf %add3A_40, %sub3A : vector<10000x128xf32>
    %sub3A_46 = vector.broadcast %div3A_44 : vector<1x128xf32> to vector<10000x128xf32>
    %sub3A_47 = arith.subf %add3A_40, %sub3A_46 : vector<10000x128xf32>
    %mul3A = arith.mulf %sub3A_45, %sub3A_47 : vector<10000x128xf32>
    %reduce_sum3A_48 = arith.constant dense<0.000000e+00> : vector<128xf32>
    %reduce_sum3A_49 = vector.multi_reduction <add>, %mul3A, %reduce_sum3A_48 [0] : vector<10000x128xf32> to vector<128xf32>
    %broadcast_in_dim3A_50 = vector.shape_cast %reduce_sum3A_49 : vector<128xf32> to vector<1x128xf32>
    %div3A_51 = arith.constant 1.000000e+04 : f32
    %div3A_52 = vector.broadcast %div3A_51 : f32 to vector<1x128xf32>
    %div3A_53 = arith.divf %broadcast_in_dim3A_50, %div3A_52 : vector<1x128xf32>
    %sub3A_54 = vector.broadcast %div3A_44 : vector<1x128xf32> to vector<10000x128xf32>
    %sub3A_55 = arith.subf %add3A_40, %sub3A_54 : vector<10000x128xf32>
    %add3A_56 = arith.constant 9.99999974E-6 : f32
    %add3A_57 = vector.broadcast %add3A_56 : f32 to vector<1x128xf32>
    %add3A_58 = arith.addf %div3A_53, %add3A_57 : vector<1x128xf32>
    %rsqrt3A = math.rsqrt %add3A_58 : vector<1x128xf32>
    %mul3A_59 = vector.broadcast %rsqrt3A : vector<1x128xf32> to vector<10000x128xf32>
    %mul3A_60 = arith.mulf %sub3A_55, %mul3A_59 : vector<10000x128xf32>
    %get3A_61 = arith.constant 0 : index
    %get3A_62 = arith.constant 0 : index
    %get3A_63 = vector.load %arg6[%get3A_61, %get3A_62] : memref<1x128xf32, #tpu.memory_space<vmem>>, vector<1x128xf32>
    %mul3A_64 = vector.broadcast %get3A_63 : vector<1x128xf32> to vector<10000x128xf32>
    %mul3A_65 = arith.mulf %mul3A_60, %mul3A_64 : vector<10000x128xf32>
    %get3A_66 = arith.constant 0 : index
    %get3A_67 = arith.constant 0 : index
    %get3A_68 = vector.load %arg7[%get3A_66, %get3A_67] : memref<1x128xf32, #tpu.memory_space<vmem>>, vector<1x128xf32>
    %add3A_69 = vector.broadcast %get3A_68 : vector<1x128xf32> to vector<10000x128xf32>
    %add3A_70 = arith.addf %mul3A_65, %add3A_69 : vector<10000x128xf32>
    %max3A_71 = arith.constant 0.000000e+00 : f32
    %max3A_72 = vector.broadcast %max3A_71 : f32 to vector<10000x128xf32>
    %max3A_73 = arith.maximumf %add3A_70, %max3A_72 : vector<10000x128xf32>
    %swap3A = arith.constant 0 : index
    %swap3A_74 = arith.constant 0 : index
    %swap3A_75 = vector.load %arg8[%swap3A, %swap3A_74] : memref<10000x128xf32, #tpu.memory_space<vmem>>, vector<10000x128xf32>
    tpu.vector_store %arg8[%swap3A, %swap3A_74], %max3A_73 {strides = array<i32>} : memref<10000x128xf32, #tpu.memory_space<vmem>>, vector<10000x128xf32>,
    return
  }
}

module attributes {stable_mosaic.version = 14 : i64} {
  func.func @_final_kernel(%arg0: memref<2x10112x128xf32, #tpu.memory_space<vmem>>, %arg1: memref<2x10112x128xf32, #tpu.memory_space<vmem>>, %arg2: memref<10000x128xf32, #tpu.memory_space<vmem>>, %arg3: memref<128x128xf32, #tpu.memory_space<vmem>>, %arg4: memref<1x128xf32, #tpu.memory_space<vmem>>, %arg5: memref<128x128xf32, #tpu.memory_space<vmem>>, %arg6: memref<256x128xf32, #tpu.memory_space<vmem>>, %arg7: memref<1x256xf32, #tpu.memory_space<vmem>>, %arg8: memref<4x256xf32, #tpu.memory_space<vmem>>, %arg9: memref<1x4xf32, #tpu.memory_space<vmem>>, %arg10: memref<10000x4xf32, #tpu.memory_space<vmem>>) attributes {dimension_semantics = [], scalar_prefetch = 0 : i64, scratch_operands = 0 : i64, tpu.core_type = #tpu.core_type<tc>} {
    %get3A = arith.constant 0 : index
    %get3A_0 = arith.constant 0 : index
    %get3A_1 = arith.constant 0 : index
    %get3A_2 = vector.load %arg0[%get3A, %get3A_0, %get3A_1] : memref<2x10112x128xf32, #tpu.memory_space<vmem>>, vector<1x10000x128xf32>
    %get3A_3 = vector.shape_cast %get3A_2 : vector<1x10000x128xf32> to vector<10000x128xf32>
    %get3A_4 = arith.constant 1 : index
    %get3A_5 = arith.constant 0 : index
    %get3A_6 = arith.constant 0 : index
    %get3A_7 = vector.load %arg0[%get3A_4, %get3A_5, %get3A_6] : memref<2x10112x128xf32, #tpu.memory_space<vmem>>, vector<1x10000x128xf32>
    %get3A_8 = vector.shape_cast %get3A_7 : vector<1x10000x128xf32> to vector<10000x128xf32>
    %add3A = arith.addf %get3A_3, %get3A_8 : vector<10000x128xf32>
    %get3A_9 = arith.constant 0 : index
    %get3A_10 = arith.constant 0 : index
    %get3A_11 = arith.constant 0 : index
    %get3A_12 = vector.load %arg1[%get3A_9, %get3A_10, %get3A_11] : memref<2x10112x128xf32, #tpu.memory_space<vmem>>, vector<1x10000x1xf32>
    %get3A_13 = vector.shape_cast %get3A_12 : vector<1x10000x1xf32> to vector<10000x1xf32>
    %get3A_14 = arith.constant 1 : index
    %get3A_15 = arith.constant 0 : index
    %get3A_16 = arith.constant 0 : index
    %get3A_17 = vector.load %arg1[%get3A_14, %get3A_15, %get3A_16] : memref<2x10112x128xf32, #tpu.memory_space<vmem>>, vector<1x10000x1xf32>
    %get3A_18 = vector.shape_cast %get3A_17 : vector<1x10000x1xf32> to vector<10000x1xf32>
    %add3A_19 = arith.addf %get3A_13, %get3A_18 : vector<10000x1xf32>
    %max3A = arith.constant 1.000000e+00 : f32
    %max3A_20 = vector.broadcast %max3A : f32 to vector<10000x1xf32>
    %max3A_21 = arith.maximumf %add3A_19, %max3A_20 : vector<10000x1xf32>
    %div3A = vector.broadcast %max3A_21 : vector<10000x1xf32> to vector<10000x128xf32>
    %div3A_22 = arith.divf %add3A, %div3A : vector<10000x128xf32>
    %get3A_23 = arith.constant 0 : index
    %get3A_24 = arith.constant 0 : index
    %get3A_25 = vector.load %arg3[%get3A_23, %get3A_24] : memref<128x128xf32, #tpu.memory_space<vmem>>, vector<128x128xf32>
    %dot_general3A = arith.constant dense<0.000000e+00> : vector<10000x128xf32>
    %dot_general3A_26 = tpu.matmul %div3A_22, %get3A_25, %dot_general3A {dimension_numbers = #tpu.dot_dimension_numbers<[1], [1], [0], [0], [0, 0, 1, 0], [], []>, transpose_lhs_hint = false} : vector<10000x128xf32>, vector<128x128xf32>, vector<10000x128xf32> -> vector<10000x128xf32>
    %get3A_27 = arith.constant 0 : index
    %get3A_28 = arith.constant 0 : index
    %get3A_29 = vector.load %arg2[%get3A_27, %get3A_28] : memref<10000x128xf32, #tpu.memory_space<vmem>>, vector<10000x128xf32>
    %get3A_30 = arith.constant 0 : index
    %get3A_31 = arith.constant 0 : index
    %get3A_32 = vector.load %arg5[%get3A_30, %get3A_31] : memref<128x128xf32, #tpu.memory_space<vmem>>, vector<128x128xf32>
    %dot_general3A_33 = arith.constant dense<0.000000e+00> : vector<10000x128xf32>
    %dot_general3A_34 = tpu.matmul %get3A_29, %get3A_32, %dot_general3A_33 {dimension_numbers = #tpu.dot_dimension_numbers<[1], [1], [0], [0], [0, 0, 1, 0], [], []>, transpose_lhs_hint = false} : vector<10000x128xf32>, vector<128x128xf32>, vector<10000x128xf32> -> vector<10000x128xf32>
    %add3A_35 = arith.addf %dot_general3A_26, %dot_general3A_34 : vector<10000x128xf32>
    %get3A_36 = arith.constant 0 : index
    %get3A_37 = arith.constant 0 : index
    %get3A_38 = vector.load %arg4[%get3A_36, %get3A_37] : memref<1x128xf32, #tpu.memory_space<vmem>>, vector<1x128xf32>
    %add3A_39 = vector.broadcast %get3A_38 : vector<1x128xf32> to vector<10000x128xf32>
    %add3A_40 = arith.addf %add3A_35, %add3A_39 : vector<10000x128xf32>
    %get3A_41 = arith.constant 0 : index
    %get3A_42 = arith.constant 0 : index
    %get3A_43 = vector.load %arg6[%get3A_41, %get3A_42] : memref<256x128xf32, #tpu.memory_space<vmem>>, vector<256x128xf32>
    %dot_general3A_44 = arith.constant dense<0.000000e+00> : vector<10000x256xf32>
    %dot_general3A_45 = tpu.matmul %add3A_40, %get3A_43, %dot_general3A_44 {dimension_numbers = #tpu.dot_dimension_numbers<[1], [1], [0], [0], [0, 0, 1, 0], [], []>, transpose_lhs_hint = false} : vector<10000x128xf32>, vector<256x128xf32>, vector<10000x256xf32> -> vector<10000x256xf32>
    %get3A_46 = arith.constant 0 : index
    %get3A_47 = arith.constant 0 : index
    %get3A_48 = vector.load %arg7[%get3A_46, %get3A_47] : memref<1x256xf32, #tpu.memory_space<vmem>>, vector<1x256xf32>
    %add3A_49 = vector.broadcast %get3A_48 : vector<1x256xf32> to vector<10000x256xf32>
    %add3A_50 = arith.addf %dot_general3A_45, %add3A_49 : vector<10000x256xf32>
    %max3A_51 = arith.constant 0.000000e+00 : f32
    %max3A_52 = vector.broadcast %max3A_51 : f32 to vector<10000x256xf32>
    %max3A_53 = arith.maximumf %add3A_50, %max3A_52 : vector<10000x256xf32>
    %get3A_54 = arith.constant 0 : index
    %get3A_55 = arith.constant 0 : index
    %get3A_56 = vector.load %arg8[%get3A_54, %get3A_55] : memref<4x256xf32, #tpu.memory_space<vmem>>, vector<4x256xf32>
    %dot_general3A_57 = arith.constant dense<0.000000e+00> : vector<10000x4xf32>
    %dot_general3A_58 = tpu.matmul %max3A_53, %get3A_56, %dot_general3A_57 {dimension_numbers = #tpu.dot_dimension_numbers<[1], [1], [0], [0], [0, 0, 1, 0], [], []>, transpose_lhs_hint = false} : vector<10000x256xf32>, vector<4x256xf32>, vector<10000x4xf32> -> vector<10000x4xf32>
    %get3A_59 = arith.constant 0 : index
    %get3A_60 = arith.constant 0 : index
    %get3A_61 = vector.load %arg9[%get3A_59, %get3A_60] : memref<1x4xf32, #tpu.memory_space<vmem>>, vector<1x4xf32>
    %add3A_62 = vector.broadcast %get3A_61 : vector<1x4xf32> to vector<10000x4xf32>
    %add3A_63 = arith.addf %dot_general3A_58, %add3A_62 : vector<10000x4xf32>
    %swap3A = arith.constant 0 : index
    %swap3A_64 = arith.constant 0 : index
    %swap3A_65 = vector.load %arg10[%swap3A, %swap3A_64] : memref<10000x4xf32, #tpu.memory_space<vmem>>, vector<10000x4xf32>
    tpu.vector_store %arg10[%swap3A, %swap3A_64], %add3A_63 {strides = array<i32>} : memref<10000x4xf32, #tpu.memory_space<vmem>>, vector<10000x4xf32>,
    return
  }
}

</mosaic_0001>

<sc_bundles>
// kernel: kernel.12.cloned.1.call-start
scs
__scs_entry_jumppad:
0x0: {  	(pc) =	sbr.rel $0x88, $3  }
0x1: {  	(tag) =	ssettag $0x0;
	lr =	simm.s32 $0x1  }
0x2: {  	[smem:$0x3F85] =	sst lr;
	_ =	strace $0xD0000000  }
0x3: {  	_ = 	snop  }
0x4: {  	_ = 	snop  }
0x5: {  	_ = 	snop  }
0x6: {  	_ = 	snop  }
0x7: {  	_ = 	snop  }
__scs_overlays_trampoline_lowered:
0x8: {  	[smem:$0x3F94] =	sst s0  }
0x9: {  	[smem:$0x3F95] =	sst s1  }
0xa: {  	[smem:$0x3F96] =	sst s2  }
0xb: {  	[smem:$0x3F97] =	sst s3  }
0xc: {  	[smem:$0x3F98] =	sst s4  }
0xd: {  	[smem:$0x3F99] =	sst s5  }
0xe: {  	[smem:$0x3F9A] =	sst s6  }
0xf: {  	[smem:$0x3F9B] =	sst s7  }
0x10: {  	[smem:$0x3F9C] =	sst s8  }
0x11: {  	[smem:$0x3F9D] =	sst s9;
	s0 =	simm.s32 @!p0 $0x0  }
0x12: {  	s1 =	sld [smem:$0x3F83];
	s0 =	simm.s32 @p0 $0x1  }
0x13: {  	[smem:$0x3F9E] =	sst s0;
	s0 =	simm.s32 @!p1 $0x0  }
0x14: {  	s2 =	sld [smem:$0x3F82];
	s0 =	simm.s32 @p1 $0x1  }
0x15: {  	[smem:$0x3F9F] =	sst s0;
	s0 =	simm.s32 @!p2 $0x0  }
0x16: {  	s3 =	sld [smem:$0x3FDB];
	s0 =	simm.s32 @p2 $0x1  }
0x17: {  	s4 =	simm.s32 $0x1BF5;
	[smem:$0x3FA1] =	sst s0  }
0x18: {  	s0 =	sld [smem:$0x3F84];
	_ =	swait.ge [sflag:s4], $0x0  }
0x19: {  	s7 =	sld [smem:$0x3F85]  }
0x1a: {  	s8 =	sadd.s32 $0xFFFFE003, lr  }
0x1b: {  	s9 =	sadd.s32 $0xFFFFFEF7, lr;
	s5 =	simm.s32 $0xFFFFFFFF;
	p2 =	slt.u32 s8, $0xFFFFF086  }
0x1c: {  	p1 =	slt.u32 s9, $0xF7A;
	s5 =	simm.s32 @!p2 $0x0  }
0x1d: {  	s5 =	simm.s32 @p1 $0x1;
	p0 =	seq.s32 s7, s2  }
0x1e: {  	s7 =	smul.u32 @!p0 $0xF7A, s2;
	p2 =	seq.s32 @!p0 s5, $0x0  }
0x1f: {  	s9 =	smul.u32 $0xF7A, s1;
	s8 =	simm.s32 @!p0 $0x1BF5;
	p2 =	por !p2, p0  }
0x20: {  	[sflag:s8] =	ssyncset.s32 @!p0 $0xFFFFF086;
	s6 =	sadd.s32 @!p0 s3, s7;
	s7 =	simm.s32 @!p0 $0x108  }
0x21: {  	s3 =	sadd.s32 s3, s9;
	s6 =	sadd.s32 @!p0 $0x88, s6;
	s7 =	simm.s32 @p2 $0x1082  }
0x22: {  	[simem:s7], [sflag:s8] =	dma.local @!p0 [hbm:s6], $0xF7A  }
0x23: {  	s9 =	sor.u32 $0xD0000000, s2;
	s6 =	simm.s32 $0x108;
	_ =	swait.ge @!p0 [sflag:s8], $0x0  }
0x24: {  	s3 =	sadd.s32 $0x88, s3;
	s6 =	simm.s32 @!p1 $0x1082;
	[sflag:s4] =	ssyncset.s32 $0xFFFFF086  }
0x25: {  	[simem:s6], [sflag:s4] =	dma.local [hbm:s3], $0xF7A  }
0x26: {  	[smem:$0x3F85] =	sst s1;
	(tag) =	ssettag s2;
	_ =	strace s9  }
0x27: {  	s1 =	sld [smem:$0x3F95]  }
0x28: {  	s2 =	sld [smem:$0x3F96]  }
0x29: {  	s4 =	sld [smem:$0x3F98]  }
0x2a: {  	p0 =	seq.s32 s5, $0x0;
	s5 =	sld [smem:$0x3F99]  }
0x2b: {  	s6 =	sld [smem:$0x3F9A]  }
0x2c: {  	s7 =	sld [smem:$0x3F9B]  }
0x2d: {  	s3 =	simm.s32 $0x108;
	s8 =	sld [smem:$0x3F9C]  }
0x2e: {  	s3 =	simm.s32 @!p0 $0x1082;
	s9 =	sld [smem:$0x3F9D]  }
0x2f: {  	lr =	sadd.s32 s0, s3;
	s0 =	sld [smem:$0x3F94]  }
0x30: {  	s3 =	sld [smem:$0x3F97]  }
0x31: {  	[smem:$0x3FA0] =	sst s10  }
0x32: {  	s10 =	sld [smem:$0x3F9E];
	_ =	sdelay $0x3  }
0x33: {  	p0 =	seq.s32 s10, $0x1;
	s10 =	sld [smem:$0x3FA0];
	_ =	sdelay $0x3  }
0x34: {  	[smem:$0x3FA0] =	sst s10  }
0x35: {  	s10 =	sld [smem:$0x3F9F];
	_ =	sdelay $0x3  }
0x36: {  	p1 =	seq.s32 s10, $0x1;
	s10 =	sld [smem:$0x3FA0];
	_ =	sdelay $0x3  }
0x37: {  	[smem:$0x3FA0] =	sst s10  }
0x38: {  	s10 =	sld [smem:$0x3FA1]  }
0x39: {  	_ = 	snop;
	(pc) =	sbr.ind lr, $3  }
0x3a: {  	_ = 	snop  }
0x3b: {  	_ = 	snop  }
0x3c: {  	p2 =	seq.s32 s10, $0x1;
	s10 =	sld [smem:$0x3FA0]  }
0x3d: {  	_ =	shalt  }
0x3e: {  	_ =	shalt  }
0x3f: {  	_ =	shalt  }
0x40: {  	_ =	shalt  }
0x41: {  	_ =	shalt  }
0x42: {  	_ =	shalt  }
0x43: {  	_ =	shalt  }
0x44: {  	_ =	shalt  }
0x45: {  	_ =	shalt  }
0x46: {  	_ =	shalt  }
0x47: {  	_ =	shalt  }
0x48: {  	_ =	shalt  }
0x49: {  	_ =	shalt  }
0x4a: {  	_ =	shalt  }
0x4b: {  	_ =	shalt  }
0x4c: {  	_ =	shalt  }
0x4d: {  	_ =	shalt  }
0x4e: {  	_ =	shalt  }
0x4f: {  	_ =	shalt  }
0x50: {  	_ =	shalt  }
0x51: {  	_ =	shalt  }
0x52: {  	_ =	shalt  }
0x53: {  	_ =	shalt  }
0x54: {  	_ =	shalt  }
0x55: {  	_ =	shalt  }
0x56: {  	_ =	shalt  }
0x57: {  	_ =	shalt  }
0x58: {  	_ =	shalt  }
0x59: {  	_ =	shalt  }
0x5a: {  	_ =	shalt  }
0x5b: {  	_ =	shalt  }
0x5c: {  	_ =	shalt  }
0x5d: {  	_ =	shalt  }
0x5e: {  	_ =	shalt  }
0x5f: {  	_ =	shalt  }
0x60: {  	_ =	shalt  }
0x61: {  	_ =	shalt  }
0x62: {  	_ =	shalt  }
0x63: {  	_ =	shalt  }
0x64: {  	_ =	shalt  }
0x65: {  	_ =	shalt  }
0x66: {  	_ =	shalt  }
0x67: {  	_ =	shalt  }
0x68: {  	_ =	shalt  }
0x69: {  	_ =	shalt  }
0x6a: {  	_ =	shalt  }
0x6b: {  	_ =	shalt  }
0x6c: {  	_ =	shalt  }
0x6d: {  	_ =	shalt  }
0x6e: {  	_ =	shalt  }
0x6f: {  	_ =	shalt  }
0x70: {  	_ =	shalt  }
0x71: {  	_ =	shalt  }
0x72: {  	_ =	shalt  }
0x73: {  	_ =	shalt  }
0x74: {  	_ =	shalt  }
0x75: {  	_ =	shalt  }
0x76: {  	_ =	shalt  }
0x77: {  	_ =	shalt  }
0x78: {  	_ =	shalt  }
0x79: {  	_ =	shalt  }
0x7a: {  	_ =	shalt  }
0x7b: {  	_ =	shalt  }
0x7c: {  	_ =	shalt  }
0x7d: {  	_ =	shalt  }
0x7e: {  	_ =	shalt  }
0x7f: {  	_ =	shalt  }
0x80: {  	_ =	shalt  }
0x81: {  	_ =	shalt  }
0x82: {  	_ =	shalt  }
0x83: {  	_ =	shalt  }
0x84: {  	_ =	shalt  }
0x85: {  	_ =	shalt  }
0x86: {  	_ =	shalt  }
0x87: {  	_ =	shalt  }
.Lfunc_end0:
.L_simem_size_0:
called_computation_lowered:
.L_overlay_start_0:
0x88: {  	s2 =	sld [smem:$0x3FD9]  }
0x89: {  	s3 =	sld [smem:$0x3FFE];
	_ =	sdelay $0x1  }
0x8a: {  	s1 =	srdreg.scid  }
0x8b: {  	s0 =	sand.u32 $0x1, s1  }
0x8c: {  	s17 =	sshll.u32 s0, $0xA;
	s2 =	sadd.s32 s3, s2  }
0x8d: {  	s2 =	sadd.s32 s2, s17  }
0x8e: {  	[smem:$0x3FAC] =	sst s2  }
0x8f: {  	_ = 	snop  }
0x90: {  	s2 =	sld [smem:$0x3FD0];
	(tm) =	ssettm $0x1  }
0x91: {  	s18 =	sld [smem:$0x3FFB];
	_ =	sdelay $0x3  }
0x92: {  	_ =	strace s18  }
0x93: {  	s3 =	sld [smem:$0x3FFC];
	_ =	sdelay $0x3  }
0x94: {  	_ =	strace s3  }
0x95: {  	s3 =	sld [smem:$0x3FFD];
	_ =	sdelay $0x3  }
0x96: {  	_ =	strace s3  }
0x97: {  	_ =	strace $0x8FFFFFFF  }
0x98: {  	s19 =	sld [smem:$0x3FDB];
	_ =	sdelay $0x1  }
0x99: {  	s4 =	simm.s32 $_scs_section_size  }
0x9a: {  	s5 =	simm.s32 $_size__tile_overlayer_lowered;
	s6 =	simm.s32 $_tile_overlayer_lowered  }
0x9b: {  	s22 =	simm.s32 $0x1BFF;
	s21 =	sshll.u32 s6, $0x1;
	s3 =	sadd.s32 s4, s19  }
0x9c: {  	s7 =	simm.s32 $0x0;
	s20 =	sshll.u32 s5, $0x1;
	s5 =	sadd.s32 s21, s3  }
0x9d: {  	[timem:s7], [sflag:s22] =	dma.local [hbm:s5], s20  }
0x9e: {  	_ =	swait.ge [sflag:s22], s20  }
0x9f: {  	s4 =	ssub.s32 $0x0, s20;
	[sflag:s22] =	ssyncset.done $0x0  }
0xa0: {  	[sflag:s22] =	ssyncadd.s32 s4;
	_ =	sdelay $0x1  }
0xa1: {  	s23 =	simm.s32 $0x1B8B  }
0xa2: {  	_ =	swait.ge [sflag:s23], $0x1  }
0xa3: {  	[sflag:s23] =	ssyncset.done $0x0  }
0xa4: {  	s25 =	simm.s32 $0x1B8E;
	s24 =	sld [smem:$0x3FFE];
	[sflag:s23] =	ssyncadd.s32 $0xFFFFFFFF  }
0xa5: {  	s26 =	simm.s32 $execute0_lowered;
	[smem:$0x3FD2] =	sst s25  }
0xa6: {  	s5 =	sshll.u32 s26, $0x1;
	_ =	strace $0x80000046;
	[dreg:$0x1] =	wrdreg $0xFFFFFFFF  }
0xa7: {  	s28 =	simm.s32 $_size_execute0_lowered;
	s3 =	sadd.s32 s3, s5;
	[dreg:$0x0] =	wrdreg $0x0  }
0xa8: {  	s5 =	sshll.u32 s28, $0x1;
	[dreg:$0x2] =	wrdreg s3  }
0xa9: {  	[dreg:$0x3] =	wrdreg s5  }
0xaa: {  	[dreg:$0x4] =	wrdreg $0xC0  }
0xab: {  	_ =	task [dreg:s7], $0x5FFFF  }
0xac: {  	[dreg:$0x1] =	wrdreg $0xFFFFFFFF  }
0xad: {  	[dreg:$0x0] =	wrdreg $0x60  }
0xae: {  	[dreg:$0x2] =	wrdreg s24  }
0xaf: {  	[dreg:$0x3] =	wrdreg s2  }
0xb0: {  	[dreg:$0x4] =	wrdreg $0x68000  }
0xb1: {  	[dreg:$0x5] =	wrdreg $0x9  }
0xb2: {  	_ =	task.clear_ibuf [dreg:s7], $0x6FFFF;
	_ =	strace $0x90000046  }
0xb3: {  	s29 =	simm.s32 $0x9;
	_ =	strace $0x80000048  }
0xb4: {  	_ =	swait.ge [sflag:s29], $0x1  }
0xb5: {  	[sflag:s29] =	ssyncadd.s32 $0xFFFFFFFF  }
0xb6: {  	_ =	strace $0x90000048  }
0xb7: {  	_ =	sfence  }
0xb8: {  	s30 =	sld [smem:$0x0];
	_ =	sdelay $0x2  }
0xb9: {  	s31 =	sshll.u32 s1, $0xD;
	s1 =	sshrl.u32 s1, $0x2  }
0xba: {  	s3 =	sand.u32 $0x4000, s31;
	s1 =	sadd.s32 s1, s30  }
0xbb: {  	s0 =	sor.u32 s3, s0;
	s1 =	sshll.u32 s1, $0x11  }
0xbc: {  	s0 =	sor.u32 s1, s0  }
0xbd: {  	s0 =	sadd.s32 $0x8F2B, s0  }
0xbe: {  	[sflag:s0] =	ssyncadd.remote.s32 $0x1  }
0xbf: {  	_ =	sfence.sel $0xFFFF  }
0xc0: {  	[dreg:$0x0] =	wrdreg $0xFFFFFFFF;
	(pc) =	sbr.abs _section_cstart, $3  }
0xc1: {  	[dreg:$0x1] =	wrdreg $0xFFFFFFFF  }
0xc2: {  	_ =	task.clear_ibuf [dreg:s7], $0x2FFFF;
	_ =	strace $0x9FFFFFFF  }
0xc3: {  	(tm) =	ssettm $0x7FFFFFFF  }
tec
execute0_lowered:
.L_overlay_start_1:
0x0: {  	(tag) =	ssettag $0x1  }
0x1: {  	s5 =	rddreg [dreg:$0x0]  }
0x2: {  	s0 =	srdreg.scid;
	s2 =	rddreg [dreg:$0x1]  }
0x3: {  	s3 =	rddreg [dreg:$0x2];
	s6 =	sand.u32 $0x1, s0;
	s0 =	stileid.u32  }
0x4: {  	s4 =	simm.s32 $0x0;
	s12 =	simm.s32 $0x80;
	s13 =	smul.u32 $0x2780, s0  }
0x5: {  	[smem:$0x7FF] =	sst s4;
	s1 =	sshll.u32 s6, $0x4;
	s8 =	smul.u32 $0x27800, s6  }
0x6: {  	s6 =	ssub.s32 $0x2, s6;
	s9 =	smul.u32 $0x4F000, s0;
	s31 =	sshll.u32 s0, $0x6  }
0x7: {  	s7 =	sor.u32 s0, s1;
	s1 =	rddreg [dreg:$0x3];
	_ =	strace $0x80000047  }
0x8: {  	s29 =	sshrl.u32 s6, $0x1;
	s7 =	smul.u32 $0x500, s7;
	s10 =	sadd.s32 s13, s5  }
0x9: {  	s8 =	sadd.s32 s8, s5;
	s11 =	ssub.s32 s6, s29;
	s30 =	sshrl.u32 s9, $0x2  }
0xa: {  	s6 =	sor.u32 $0x1C01, s31;
	s9 =	sadd.s32 s30, s3;
	s14 =	sadd.s32 $0x37800, s8  }
0xb: {  	s8 =	smax.u32 s11, $0x1;
	s11 =	simm.s32 $0x2800;
	s7 =	sadd.s32 s7, s5  }
0xc: {  	s5 =	sadd.s32 $0x10000, s10;
	s9 =	sshrl.u32 s9, $0x3;
	s10 =	simm.s32 $0x1  }
0xd: {  	s13 =	sadd.s32 s13, s14;
	s14 =	simm.s32 $0x0;
	s7 =	sadd.s32 $0x6000, s7  }
.LBB2_1:
0xe: {  	[spmem:s9], [sflag:s6] =	dma.local [hbm:s5], $0x2780  }
0xf: {  	_ =	swait.ge [sflag:s10], $0x2780  }
0x10: {  	[sflag:s10] =	ssyncset.done $0x0  }
0x11: {  	[sflag:s10] =	ssyncadd.s32 $0xFFFFD880  }
0x12: {  	[tilespmem:s4], [sflag:$0x1] =	stream.linear.gather [hbm4b:s7+s4], $0x2800, $0x38;
	[tilespmem:$0x1A400] =	vst v63  }
0x13: {  	_ =	swait.ge [sflag:s10], $0x2800  }
0x14: {  	[sflag:s10] =	ssyncset.done $0x0  }
0x15: {  	[sflag:s10] =	ssyncadd.s32 $0xFFFFD800  }
0x16: {  	[tilespmem:s11], [sflag:$0x1] =	stream.linear.gather [hbm4b:s2+s4], $0x4000, $0x38;
	[tilespmem:$0x1A400] =	vst v63  }
0x17: {  	_ =	swait.ge [sflag:s10], $0x4000  }
0x18: {  	[sflag:s10] =	ssyncset.done $0x0  }
0x19: {  	[sflag:s10] =	ssyncadd.s32 $0xFFFFC000  }
0x1a: {  	s15 =	simm.s32 $0x0;
	[bflag:$0x0] =	sbarrier.arrive $0xFFFF  }
0x1b: {  	[spmem:s3] =	stream.indirect.scatter.add.f32 [tilespmem:s11], [sflag:$0x1], $0x80, s15, s12, $0xb8;
	[tilespmem:$0x1A400] =	vst v63  }
0x1c: {  	_ =	swait.ge [sflag:s10], $0x4000  }
0x1d: {  	s15 =	simm.s32 $0x200;
	[sflag:s10] =	ssyncset.done $0x0  }
.LBB2_2:
0x1e: {  	s16 =	sshra.s32 s15, $0x2;
	[sflag:s10] =	ssyncadd.s32 $0xFFFFC000;
	p0 =	sne.s32 s15, $0x9E00  }
0x1f: {  	[spmem:s3] =	stream.indirect.scatter.add.f32 [tilespmem:s11], [sflag:$0x1], $0x80, s16, s12, $0xb8;
	[tilespmem:$0x1A400] =	vst v63  }
.Ltmp0:
0x20: {  	_ = 	snop;
	(pc) =	sbr.rel @p0 .LBB2_2-.Ltmp0, $4  }
0x21: {  	_ = 	snop  }
0x22: {  	s15 =	sadd.s32 $0x200, s15  }
0x23: {  	_ =	swait.ge [sflag:s10], $0x4000  }
0x24: {  	[sflag:s10] =	ssyncset.done $0x0  }
0x25: {  	s14 =	sadd.s32 $0x1, s14  }
0x26: {  	[sflag:s10] =	ssyncadd.s32 $0xFFFFC000;
	p0 =	sne.s32 s14, s8  }
.Ltmp1:
0x27: {  	[bflag:$0x0] =	sbarrier.arrive $0xFFFF;
	(pc) =	sbr.rel @p0 .LBB2_1-.Ltmp1, $4  }
0x28: {  	[hbm:s13], [sflag:s6] =	dma.local [spmem:s9], $0x2780  }
0x29: {  	_ =	swait.ge [sflag:s10], $0x2780  }
0x2a: {  	[sflag:s10] =	ssyncset.done $0x0  }
0x2b: {  	[sflag:s10] =	ssyncadd.s32 $0xFFFFD880  }
0x2c: {  	_ =	sfence.sel $0x180000  }
0x2d: {  	[bflag:$0x0] =	sbarrier.arrive $0xFFFF  }
0x2e: {  	p0 =	sne.s32 s0, $0x0;
	_ =	strace $0x90000047  }
0x2f: {  	s0 =	sadd.s32 @!p0 $0x100000, s1;
	[bflag:$0x2] =	sbarrier.arrive $0xFFFF  }
0x30: {  	[sflag:s0] =	ssyncadd.tile.s32 @!p0 $0x1;
	_ =	shalt  }
.Lfunc_end2:
_tile_overlayer_lowered:
.L_overlay_start_2:
0x31: {  	(tag) =	ssettag $0x2  }
0x32: {  	s0 =	rddreg [dreg:$0x0];
	s2 =	stileid.u32  }
0x33: {  	s1 =	rddreg [dreg:$0x1];
	p0 =	sne.s32 s2, $0x0  }
0x34: {  	s3 =	rddreg [dreg:$0x2];
	[bflag:$0x3] =	sbarrier.arrive $0xFFFF;
	s2 =	simm.s32 @!p0 $0x1C01  }
0x35: {  	[timem:s3], [sflag:s2] =	dma.local @!p0 [hbm:s0], s1  }
0x36: {  	s0 =	simm.s32 @!p0 $0x1  }
0x37: {  	_ =	swait.ge @!p0 [sflag:s0], s1  }
0x38: {  	s1 =	ssub.s32 @!p0 $0x0, s1;
	[sflag:s0] =	ssyncset.done @!p0 $0x0  }
0x39: {  	[sflag:s0] =	ssyncadd.s32 @!p0 s1  }
0x3a: {  	[bflag:$0x3] =	sbarrier.arrive $0xFFFF  }
0x3b: {  	_ =	shalt  }

// kernel: kernel.15.cloned.1.call-start
scs
__scs_entry_jumppad:
0x0: {  	(pc) =	sbr.rel $0x88, $3  }
0x1: {  	(tag) =	ssettag $0x0;
	lr =	simm.s32 $0x1  }
0x2: {  	[smem:$0x3F85] =	sst lr;
	_ =	strace $0xD0000000  }
0x3: {  	_ = 	snop  }
0x4: {  	_ = 	snop  }
0x5: {  	_ = 	snop  }
0x6: {  	_ = 	snop  }
0x7: {  	_ = 	snop  }
__scs_overlays_trampoline_lowered:
0x8: {  	[smem:$0x3F94] =	sst s0  }
0x9: {  	[smem:$0x3F95] =	sst s1  }
0xa: {  	[smem:$0x3F96] =	sst s2  }
0xb: {  	[smem:$0x3F97] =	sst s3  }
0xc: {  	[smem:$0x3F98] =	sst s4  }
0xd: {  	[smem:$0x3F99] =	sst s5  }
0xe: {  	[smem:$0x3F9A] =	sst s6  }
0xf: {  	[smem:$0x3F9B] =	sst s7  }
0x10: {  	[smem:$0x3F9C] =	sst s8  }
0x11: {  	[smem:$0x3F9D] =	sst s9;
	s0 =	simm.s32 @!p0 $0x0  }
0x12: {  	s1 =	sld [smem:$0x3F83];
	s0 =	simm.s32 @p0 $0x1  }
0x13: {  	[smem:$0x3F9E] =	sst s0;
	s0 =	simm.s32 @!p1 $0x0  }
0x14: {  	s2 =	sld [smem:$0x3F82];
	s0 =	simm.s32 @p1 $0x1  }
0x15: {  	[smem:$0x3F9F] =	sst s0;
	s0 =	simm.s32 @!p2 $0x0  }
0x16: {  	s3 =	sld [smem:$0x3FDB];
	s0 =	simm.s32 @p2 $0x1  }
0x17: {  	s4 =	simm.s32 $0x1BF5;
	[smem:$0x3FA1] =	sst s0  }
0x18: {  	s0 =	sld [smem:$0x3F84];
	_ =	swait.ge [sflag:s4], $0x0  }
0x19: {  	s7 =	sld [smem:$0x3F85]  }
0x1a: {  	s8 =	sadd.s32 $0xFFFFE003, lr  }
0x1b: {  	s9 =	sadd.s32 $0xFFFFFEF7, lr;
	s5 =	simm.s32 $0xFFFFFFFF;
	p2 =	slt.u32 s8, $0xFFFFF086  }
0x1c: {  	p1 =	slt.u32 s9, $0xF7A;
	s5 =	simm.s32 @!p2 $0x0  }
0x1d: {  	s5 =	simm.s32 @p1 $0x1;
	p0 =	seq.s32 s7, s2  }
0x1e: {  	s7 =	smul.u32 @!p0 $0xF7A, s2;
	p2 =	seq.s32 @!p0 s5, $0x0  }
0x1f: {  	s9 =	smul.u32 $0xF7A, s1;
	s8 =	simm.s32 @!p0 $0x1BF5;
	p2 =	por !p2, p0  }
0x20: {  	[sflag:s8] =	ssyncset.s32 @!p0 $0xFFFFF086;
	s6 =	sadd.s32 @!p0 s3, s7;
	s7 =	simm.s32 @!p0 $0x108  }
0x21: {  	s3 =	sadd.s32 s3, s9;
	s6 =	sadd.s32 @!p0 $0x88, s6;
	s7 =	simm.s32 @p2 $0x1082  }
0x22: {  	[simem:s7], [sflag:s8] =	dma.local @!p0 [hbm:s6], $0xF7A  }
0x23: {  	s9 =	sor.u32 $0xD0000000, s2;
	s6 =	simm.s32 $0x108;
	_ =	swait.ge @!p0 [sflag:s8], $0x0  }
0x24: {  	s3 =	sadd.s32 $0x88, s3;
	s6 =	simm.s32 @!p1 $0x1082;
	[sflag:s4] =	ssyncset.s32 $0xFFFFF086  }
0x25: {  	[simem:s6], [sflag:s4] =	dma.local [hbm:s3], $0xF7A  }
0x26: {  	[smem:$0x3F85] =	sst s1;
	(tag) =	ssettag s2;
	_ =	strace s9  }
0x27: {  	s1 =	sld [smem:$0x3F95]  }
0x28: {  	s2 =	sld [smem:$0x3F96]  }
0x29: {  	s4 =	sld [smem:$0x3F98]  }
0x2a: {  	p0 =	seq.s32 s5, $0x0;
	s5 =	sld [smem:$0x3F99]  }
0x2b: {  	s6 =	sld [smem:$0x3F9A]  }
0x2c: {  	s7 =	sld [smem:$0x3F9B]  }
0x2d: {  	s3 =	simm.s32 $0x108;
	s8 =	sld [smem:$0x3F9C]  }
0x2e: {  	s3 =	simm.s32 @!p0 $0x1082;
	s9 =	sld [smem:$0x3F9D]  }
0x2f: {  	lr =	sadd.s32 s0, s3;
	s0 =	sld [smem:$0x3F94]  }
0x30: {  	s3 =	sld [smem:$0x3F97]  }
0x31: {  	[smem:$0x3FA0] =	sst s10  }
0x32: {  	s10 =	sld [smem:$0x3F9E];
	_ =	sdelay $0x3  }
0x33: {  	p0 =	seq.s32 s10, $0x1;
	s10 =	sld [smem:$0x3FA0];
	_ =	sdelay $0x3  }
0x34: {  	[smem:$0x3FA0] =	sst s10  }
0x35: {  	s10 =	sld [smem:$0x3F9F];
	_ =	sdelay $0x3  }
0x36: {  	p1 =	seq.s32 s10, $0x1;
	s10 =	sld [smem:$0x3FA0];
	_ =	sdelay $0x3  }
0x37: {  	[smem:$0x3FA0] =	sst s10  }
0x38: {  	s10 =	sld [smem:$0x3FA1]  }
0x39: {  	_ = 	snop;
	(pc) =	sbr.ind lr, $3  }
0x3a: {  	_ = 	snop  }
0x3b: {  	_ = 	snop  }
0x3c: {  	p2 =	seq.s32 s10, $0x1;
	s10 =	sld [smem:$0x3FA0]  }
0x3d: {  	_ =	shalt  }
0x3e: {  	_ =	shalt  }
0x3f: {  	_ =	shalt  }
0x40: {  	_ =	shalt  }
0x41: {  	_ =	shalt  }
0x42: {  	_ =	shalt  }
0x43: {  	_ =	shalt  }
0x44: {  	_ =	shalt  }
0x45: {  	_ =	shalt  }
0x46: {  	_ =	shalt  }
0x47: {  	_ =	shalt  }
0x48: {  	_ =	shalt  }
0x49: {  	_ =	shalt  }
0x4a: {  	_ =	shalt  }
0x4b: {  	_ =	shalt  }
0x4c: {  	_ =	shalt  }
0x4d: {  	_ =	shalt  }
0x4e: {  	_ =	shalt  }
0x4f: {  	_ =	shalt  }
0x50: {  	_ =	shalt  }
0x51: {  	_ =	shalt  }
0x52: {  	_ =	shalt  }
0x53: {  	_ =	shalt  }
0x54: {  	_ =	shalt  }
0x55: {  	_ =	shalt  }
0x56: {  	_ =	shalt  }
0x57: {  	_ =	shalt  }
0x58: {  	_ =	shalt  }
0x59: {  	_ =	shalt  }
0x5a: {  	_ =	shalt  }
0x5b: {  	_ =	shalt  }
0x5c: {  	_ =	shalt  }
0x5d: {  	_ =	shalt  }
0x5e: {  	_ =	shalt  }
0x5f: {  	_ =	shalt  }
0x60: {  	_ =	shalt  }
0x61: {  	_ =	shalt  }
0x62: {  	_ =	shalt  }
0x63: {  	_ =	shalt  }
0x64: {  	_ =	shalt  }
0x65: {  	_ =	shalt  }
0x66: {  	_ =	shalt  }
0x67: {  	_ =	shalt  }
0x68: {  	_ =	shalt  }
0x69: {  	_ =	shalt  }
0x6a: {  	_ =	shalt  }
0x6b: {  	_ =	shalt  }
0x6c: {  	_ =	shalt  }
0x6d: {  	_ =	shalt  }
0x6e: {  	_ =	shalt  }
0x6f: {  	_ =	shalt  }
0x70: {  	_ =	shalt  }
0x71: {  	_ =	shalt  }
0x72: {  	_ =	shalt  }
0x73: {  	_ =	shalt  }
0x74: {  	_ =	shalt  }
0x75: {  	_ =	shalt  }
0x76: {  	_ =	shalt  }
0x77: {  	_ =	shalt  }
0x78: {  	_ =	shalt  }
0x79: {  	_ =	shalt  }
0x7a: {  	_ =	shalt  }
0x7b: {  	_ =	shalt  }
0x7c: {  	_ =	shalt  }
0x7d: {  	_ =	shalt  }
0x7e: {  	_ =	shalt  }
0x7f: {  	_ =	shalt  }
0x80: {  	_ =	shalt  }
0x81: {  	_ =	shalt  }
0x82: {  	_ =	shalt  }
0x83: {  	_ =	shalt  }
0x84: {  	_ =	shalt  }
0x85: {  	_ =	shalt  }
0x86: {  	_ =	shalt  }
0x87: {  	_ =	shalt  }
.Lfunc_end0:
.L_simem_size_0:
called_computation.1_lowered:
.L_overlay_start_0:
0x88: {  	s2 =	sld [smem:$0x3FD9]  }
0x89: {  	s3 =	sld [smem:$0x3FFE];
	_ =	sdelay $0x1  }
0x8a: {  	s1 =	srdreg.scid  }
0x8b: {  	s0 =	sand.u32 $0x1, s1  }
0x8c: {  	s17 =	sshll.u32 s0, $0xA;
	s2 =	sadd.s32 s3, s2  }
0x8d: {  	s2 =	sadd.s32 s2, s17  }
0x8e: {  	[smem:$0x3FAC] =	sst s2  }
0x8f: {  	_ = 	snop  }
0x90: {  	(tm) =	ssettm $0x1  }
0x91: {  	s18 =	sld [smem:$0x3FFB];
	_ =	sdelay $0x3  }
0x92: {  	_ =	strace s18  }
0x93: {  	s2 =	sld [smem:$0x3FFC];
	_ =	sdelay $0x3  }
0x94: {  	_ =	strace s2  }
0x95: {  	s2 =	sld [smem:$0x3FFD];
	_ =	sdelay $0x3  }
0x96: {  	_ =	strace s2  }
0x97: {  	_ =	strace $0x8FFFFFFF  }
0x98: {  	s19 =	sld [smem:$0x3FDB];
	_ =	sdelay $0x1  }
0x99: {  	s20 =	simm.s32 $_scs_section_size  }
0x9a: {  	s4 =	simm.s32 $_size__tile_overlayer_lowered;
	s5 =	simm.s32 $_tile_overlayer_lowered  }
0x9b: {  	s6 =	simm.s32 $0x1BFF;
	s21 =	sshll.u32 s5, $0x1;
	s3 =	sadd.s32 s20, s19  }
0x9c: {  	s22 =	simm.s32 $0x0;
	s4 =	sshll.u32 s4, $0x1;
	s5 =	sadd.s32 s21, s3  }
0x9d: {  	[timem:s22], [sflag:s6] =	dma.local [hbm:s5], s4  }
0x9e: {  	_ =	swait.ge [sflag:s6], s4  }
0x9f: {  	s4 =	ssub.s32 $0x0, s4;
	[sflag:s6] =	ssyncset.done $0x0  }
0xa0: {  	[sflag:s6] =	ssyncadd.s32 s4;
	_ =	sdelay $0x1  }
0xa1: {  	s23 =	simm.s32 $0x1B8B  }
0xa2: {  	_ =	swait.ge [sflag:s23], $0x1  }
0xa3: {  	[sflag:s23] =	ssyncset.done $0x0  }
0xa4: {  	[sflag:s23] =	ssyncadd.s32 $0xFFFFFFFF  }
0xa5: {  	s4 =	sld [smem:$0x0]  }
0xa6: {  	s5 =	sand.u32 $0xFFFFFFFE, s1  }
0xa7: {  	p0 =	sne.s32 s1, s5  }
0xa8: {  	s5 =	sshll.u32 @p0 s5, $0xE  }
0xa9: {  	s5 =	sadd.s32 @p0 $0x11B8D, s5;
	s6 =	sshll.u32 @p0 s4, $0x11  }
0xaa: {  	s5 =	sor.u32 @p0 s6, s5  }
0xab: {  	[sflag:s5] =	ssyncadd.remote.s32 @p0 $0x1;
	_ =	sdelay $0x1  }
0xac: {  	s5 =	simm.s32 @p0 $0x1B8D  }
0xad: {  	_ =	swait.eq @p0 [sflag:s5], $0x1  }
0xae: {  	[sflag:s5] =	ssyncadd.s32 @p0 $0xFFFFFFFF  }
0xaf: {  	s6 =	sshll.u32 @!p0 s1, $0xE  }
0xb0: {  	s6 =	sor.u32 @!p0 $0x4000, s6;
	s5 =	simm.s32 @!p0 $0x1B8D  }
0xb1: {  	s4 =	sshll.u32 @!p0 s4, $0x11;
	s6 =	sadd.s32 @!p0 $0x11B8D, s6;
	_ =	swait.eq @!p0 [sflag:s5], $0x1  }
0xb2: {  	s4 =	sor.u32 @!p0 s4, s6;
	[sflag:s5] =	ssyncadd.s32 @!p0 $0xFFFFFFFF  }
0xb3: {  	s25 =	simm.s32 $0x1B8E;
	s24 =	sld [smem:$0x3FFE];
	[sflag:s4] =	ssyncadd.remote.s32 @!p0 $0x1  }
0xb4: {  	s26 =	simm.s32 $execute0_lowered;
	[smem:$0x3FD2] =	sst s25  }
0xb5: {  	s5 =	sshll.u32 s26, $0x1;
	_ =	strace $0x80000049;
	[dreg:$0x1] =	wrdreg $0xFFFFFFFF  }
0xb6: {  	s28 =	simm.s32 $_size_execute0_lowered;
	s3 =	sadd.s32 s3, s5;
	[dreg:$0x0] =	wrdreg $0x0  }
0xb7: {  	s5 =	sshll.u32 s28, $0x1;
	[dreg:$0x2] =	wrdreg s3  }
0xb8: {  	[dreg:$0x3] =	wrdreg s5  }
0xb9: {  	[dreg:$0x4] =	wrdreg $0xC0  }
0xba: {  	_ =	task [dreg:s22], $0x5FFFF  }
0xbb: {  	[dreg:$0x1] =	wrdreg $0xFFFFFFFF  }
0xbc: {  	[dreg:$0x0] =	wrdreg $0x60  }
0xbd: {  	[dreg:$0x2] =	wrdreg s24  }
0xbe: {  	[dreg:$0x3] =	wrdreg $0xC0000  }
0xbf: {  	[dreg:$0x4] =	wrdreg $0xA  }
0xc0: {  	_ =	task.clear_ibuf [dreg:s22], $0x5FFFF;
	_ =	strace $0x90000049  }
0xc1: {  	s29 =	simm.s32 $0xA;
	_ =	strace $0x8000004B  }
0xc2: {  	_ =	swait.ge [sflag:s29], $0x1  }
0xc3: {  	[sflag:s29] =	ssyncadd.s32 $0xFFFFFFFF  }
0xc4: {  	_ =	strace $0x9000004B  }
0xc5: {  	_ =	sfence  }
0xc6: {  	s30 =	sld [smem:$0x0];
	_ =	sdelay $0x2  }
0xc7: {  	s31 =	sshll.u32 s1, $0xD;
	s1 =	sshrl.u32 s1, $0x2  }
0xc8: {  	s4 =	sand.u32 $0x4000, s31;
	s1 =	sadd.s32 s1, s30  }
0xc9: {  	s0 =	sor.u32 s4, s0;
	s1 =	sshll.u32 s1, $0x11  }
0xca: {  	s0 =	sor.u32 s1, s0  }
0xcb: {  	s0 =	sadd.s32 $0x8F2B, s0  }
0xcc: {  	[sflag:s0] =	ssyncadd.remote.s32 $0x1  }
0xcd: {  	_ =	sfence.sel $0xFFFF  }
0xce: {  	[dreg:$0x0] =	wrdreg $0xFFFFFFFF;
	(pc) =	sbr.abs _section_cstart, $3  }
0xcf: {  	[dreg:$0x1] =	wrdreg $0xFFFFFFFF  }
0xd0: {  	_ =	task.clear_ibuf [dreg:s22], $0x2FFFF;
	_ =	strace $0x9FFFFFFF  }
0xd1: {  	(tm) =	ssettm $0x7FFFFFFF  }
tec
execute0_lowered:
.L_overlay_start_1:
0x0: {  	(tag) =	ssettag $0x1  }
0x1: {  	s0 =	rddreg [dreg:$0x0]  }
0x2: {  	s2 =	rddreg [dreg:$0x1];
	s3 =	simm.s32 $0x0  }
0x3: {  	s14 =	stileid.u32;
	s1 =	srdreg.scid;
	s20 =	simm.s32 $0xD  }
0x4: {  	s25 =	simm.s32 $0x0;
	[smem:$0x7FF] =	sst s3;
	s21 =	smul.u32 $0x2780, s14  }
0x5: {  	s1 =	sand.u32 $0x1, s1;
	s4 =	sadd.s32 $0xAE800, s0;
	s8 =	smul.u32 $0x120, s14  }
0x6: {  	s5 =	sadd.s32 $0x86800, s0;
	s6 =	sadd.s32 $0x9A800, s0;
	s11 =	smul.u32 $0x4F000, s14  }
0x7: {  	s10 =	sshll.u32 s14, $0x5;
	s28 =	sshll.u32 s14, $0x6;
	s7 =	smul.u32 $0x27800, s1  }
0x8: {  	_ =	strace $0x8000004A;
	p0 =	seq.s32 s1, $0x0;
	s1 =	ssub.s32 $0x2, s1  }
0x9: {  	s9 =	sadd.s32 s21, s0;
	s0 =	sadd.s32 s7, s0;
	s7 =	simm.s32 $0x120  }
0xa: {  	s15 =	sor.u32 $0x1200, s10;
	s12 =	sshrl.u32 s1, $0x1;
	s7 =	simm.s32 @!p0 $0x20  }
0xb: {  	s15 =	smov.u32 @p0 s8;
	s11 =	sshrl.u32 s11, $0x2;
	s13 =	sadd.s32 $0xFFFFFFFF, s7  }
0xc: {  	s1 =	ssub.s32 s1, s12;
	s19 =	sadd.s32 s11, s2;
	s26 =	smul.u32 $0x3334, s13  }
0xd: {  	s29 =	sshll.u32 s15, $0x4;
	s9 =	sadd.s32 $0x10000, s9;
	s15 =	sshll.u32 s15, $0x7  }
0xe: {  	[dreg:$0x3] =	wrdreg s9;
	s30 =	sadd.s32 s5, s29;
	s10 =	sshrl.u32 s26, $0x10  }
0xf: {  	s31 =	sadd.s32 s6, s29;
	s14 =	sor.u32 $0x100, s29;
	s16 =	smul.u32 $0x5, s10  }
.Ltmp0:
0x10: {  	s0 =	sadd.s32 $0xD5A00, s0;
	s17 =	smax.u32 s1, $0x1;
	(pc) =	sbr.rel .LBB2_1-.Ltmp0, $4  }
0x11: {  	s19 =	sshrl.u32 s19, $0x3;
	s8 =	sshrl.u32 s7, $0x4;
	[dreg:$0x4] =	wrdreg s30  }
0x12: {  	[dreg:$0x5] =	wrdreg s31;
	s18 =	sor.u32 $0x4, s7;
	s16 =	ssub.s32 s13, s16  }
0x13: {  	s24 =	sadd.s32 s21, s0;
	s10 =	sor.u32 $0x1C0D, s28;
	s16 =	sand.u32 $0xFFFF, s16  }
0x14: {  	s13 =	sadd.s32 s5, s14;
	s14 =	sadd.s32 s6, s14;
	s16 =	sadd.s32 $0x6, s16  }
.LBB2_10:
0x15: {  	_ =	swait.ge [sflag:s16], $0x2000  }
0x16: {  	s25 =	sadd.s32 $0x1, s25;
	[sflag:s16] =	ssyncset.done $0x0  }
0x17: {  	p0 =	sne.s32 s25, s17;
	[sflag:s16] =	ssyncadd.s32 $0xFFFFE000  }
.Ltmp1:
0x18: {  	[bflag:$0x0] =	sbarrier.arrive $0xFFFF;
	(pc) =	sbr.rel @!p0 .LBB2_11-.Ltmp1, $4  }
0x19: {  	[hbm:s24], [sflag:s10] =	dma.local [spmem:s19], $0x2780  }
0x1a: {  	_ =	swait.ge [sflag:s20], $0x2780  }
0x1b: {  	[sflag:s20] =	ssyncset.done $0x0  }
0x1c: {  	[sflag:s20] =	ssyncadd.s32 $0xFFFFD880  }
.LBB2_1:
0x1d: {  	s0 =	rddreg [dreg:$0x3]  }
0x1e: {  	[spmem:s19], [sflag:s10] =	dma.local [hbm:s0], $0x2780  }
0x1f: {  	_ =	swait.ge [sflag:s20], $0x2780  }
0x20: {  	[sflag:s20] =	ssyncset.done $0x0  }
0x21: {  	s21 =	rddreg [dreg:$0x4];
	[sflag:s20] =	ssyncadd.s32 $0xFFFFD880  }
0x22: {  	[tilespmem:s3], [sflag:$0xD] =	stream.linear.gather [hbm4b:s21+s3], $0x800, $0x38;
	[tilespmem:$0x1FC00] =	vst v63  }
0x23: {  	_ =	swait.ge [sflag:s20], $0x800  }
0x24: {  	[sflag:s20] =	ssyncset.done $0x0  }
0x25: {  	s1 =	simm.s32 $0x1000;
	s22 =	rddreg [dreg:$0x5];
	[sflag:s20] =	ssyncadd.s32 $0xFFFFF800  }
0x26: {  	[tilespmem:s1], [sflag:$0xD] =	stream.linear.gather [hbm4b:s22+s3], $0x800, $0x38;
	[tilespmem:$0x1FC00] =	vst v63  }
0x27: {  	_ =	swait.ge [sflag:s20], $0x800  }
0x28: {  	[sflag:s20] =	ssyncset.done $0x0  }
0x29: {  	s23 =	simm.s32 $0x800;
	[sflag:s20] =	ssyncadd.s32 $0xFFFFF800  }
0x2a: {  	[tilespmem:s23], [sflag:$0xC] =	stream.linear.gather [hbm4b:s13+s3], $0x800, $0x38;
	[tilespmem:$0x1FC00] =	vst v63  }
.Ltmp2:
0x2b: {  	_ = 	snop;
	(pc) =	sbr.rel .LBB2_2-.Ltmp2, $4  }
0x2c: {  	s26 =	simm.s32 $0x1800;
	s28 =	simm.s32 $0x1  }
0x2d: {  	[tilespmem:s26], [sflag:$0xC] =	stream.linear.gather [hbm4b:s14+s3], $0x800, $0x38;
	[tilespmem:$0x1FC00] =	vst v63  }
0x2e: {  	s29 =	simm.s32 $0x7;
	s30 =	simm.s32 $0x4000;
	[bflag:$0x0] =	sbarrier.arrive $0xFFFF  }
0x2f: {  	s31 =	simm.s32 $0x6;
	s0 =	simm.s32 $0x0;
	s26 =	simm.s32 $0x2  }
.LBB2_12:
0x30: {  	s9 =	smul.u32 $0xFFFFFFFB, s22;
	_ =	sdelay $0x1  }
0x31: {  	s23 =	sadd.s32 s9, s0  }
.LBB2_9:
0x32: {  	s9 =	sshll.u32 @!p0 s23, $0xD;
	s11 =	sshll.u32 @!p0 s21, $0xB  }
0x33: {  	s1 =	sshll.u32 @!p0 s1, $0x7;
	s12 =	simm.s32 @!p0 $0x40;
	s9 =	sand.u32 @!p0 $0x3FFFE000, s9  }
0x34: {  	s1 =	sor.u32 @!p0 s1, s11;
	s11 =	sadd.s32 @!p0 $0x1, s23;
	s9 =	sadd.s32 @!p0 $0x2000, s9  }
0x35: {  	[tilespmem:s9], [sflag:s11] =	stream.indirect.gather @!p0 [hbm4b:s4+s12], $0x80, s1, s12, $0xb8;
	[tilespmem:$0x1FC00] =	vst v63  }
0x36: {  	s1 =	sadd.s32 $0xFFFFFFFC, s0  }
0x37: {  	p0 =	sge.u32 s1, s7  }
0x38: {  	s9 =	sand.u32 @!p0 $0xF, s1  }
0x39: {  	p1 =	slt.u32 @!p0 s0, $0x5;
	p2 =	sne.s32 @!p0 s9, $0x0  }
0x3a: {  	p1 =	por @!p0 !p1, !p2  }
0x3b: {  	p1 =	por @!p0 !p1, !p1  }
0x3c: {  	s22 =	smulhi.u32 $0xCCCCCCCD, s28;
	s12 =	simm.s32 @!p0 $0x1;
	p1 =	por !p1, p0  }
0x3d: {  	s1 =	sshrl.u32 @!p0 s1, $0x4;
	s12 =	simm.s32 @p1 $0x0  }
0x3e: {  	s11 =	sshrl.u32 s22, $0x2;
	s1 =	ssub.s32 @!p0 s1, s12  }
0x3f: {  	s23 =	smul.u32 $0xFFFFFFEC, s11;
	s21 =	sshrl.u32 @!p0 s1, $0x1F  }
0x40: {  	s11 =	smul.u32 $0xFFFD8000, s11;
	s21 =	sadd.s32 @!p0 s21, s1  }
0x41: {  	s0 =	sadd.s32 $0x1, s0;
	s21 =	sand.u32 @!p0 $0xFFFFFFFE, s21  }
0x42: {  	s11 =	sshra.s32 s11, $0x2;
	s12 =	sshra.s32 s23, $0x2;
	s1 =	ssub.s32 @!p0 s1, s21  }
0x43: {  	s9 =	sshll.u32 @!p0 s9, $0x7;
	s22 =	sadd.s32 s12, s26;
	s1 =	sshll.u32 @!p0 s1, $0xD  }
0x44: {  	s11 =	sadd.s32 s11, s30;
	_ =	swait.ge @!p0 [sflag:s22], $0x2000;
	s1 =	sshra.s32 @!p0 s1, $0x2  }
0x45: {  	s12 =	sadd.s32 s12, s29;
	[sflag:s22] =	ssyncset.done @!p0 $0x0;
	s1 =	sor.u32 @!p0 s9, s1  }
0x46: {  	[sflag:s22] =	ssyncadd.s32 @!p0 $0xFFFFE000;
	s9 =	simm.s32 @!p0 $0x40;
	s1 =	sadd.s32 @!p0 $0x1000, s1  }
0x47: {  	[spmem:s2] =	stream.indirect.scatter.add.f32 @!p0 [tilespmem:s11], [sflag:s12], $0x80, s1, s9, $0xb8;
	[tilespmem:$0x1FC00] =	vst v63  }
0x48: {  	p0 =	sne.s32 s18, s0  }
.Ltmp3:
0x49: {  	_ = 	snop;
	(pc) =	sbr.rel @!p0 .LBB2_10-.Ltmp3, $3  }
0x4a: {  	_ =	sdelay $0x1  }
0x4b: {  	s28 =	sadd.s32 $0x1, s28;
	s31 =	sadd.s32 $0x1, s31  }
0x4c: {  	s30 =	sadd.s32 $0x2000, s30;
	s26 =	sadd.s32 $0x1, s26;
	s29 =	sadd.s32 $0x1, s29  }
.LBB2_2:
0x4d: {  	p0 =	sge.u32 s0, s7  }
0x4e: {  	p1 =	seq.s32 @!p0 s0, $0x0  }
0x4f: {  	s1 =	sand.u32 $0xF, s0;
	p1 =	por p0, p1  }
0x50: {  	p2 =	sne.s32 @!p1 s1, $0x0  }
0x51: {  	p1 =	por p1, p2  }
.Ltmp4:
0x52: {  	_ = 	snop;
	(pc) =	sbr.rel @p1 .LBB2_6-.Ltmp4, $4  }
0x53: {  	_ = 	snop  }
0x54: {  	s21 =	smulhi.u32 $0xCCCCCCCD, s0  }
0x55: {  	s23 =	sshrl.u32 s0, $0x4  }
0x56: {  	s22 =	sshrl.u32 s21, $0x2;
	s21 =	sand.u32 $0x1, s23  }
0x57: {  	s23 =	sadd.s32 $0xB, s21  }
0x58: {  	_ =	swait.ge [sflag:s23], $0x800  }
0x59: {  	[sflag:s23] =	ssyncset.done $0x0  }
0x5a: {  	[sflag:s23] =	ssyncadd.s32 $0xFFFFF800  }
0x5b: {  	_ =	swait.ge [sflag:s23], $0x800  }
0x5c: {  	[sflag:s23] =	ssyncset.done $0x0  }
0x5d: {  	[sflag:s23] =	ssyncadd.s32 $0xFFFFF800  }
.LBB2_4:
0x5e: {  	p1 =	slt.u32 s0, $0x5  }
.Ltmp5:
0x5f: {  	_ = 	snop;
	(pc) =	sbr.rel @p1 .LBB2_12-.Ltmp5, $1  }
0x60: {  	_ =	sdelay $0x3  }
.Ltmp6:
0x61: {  	(pc) =	sbr.rel .LBB2_8-.Ltmp6, $3  }
0x62: {  	_ = 	snop  }
0x63: {  	s9 =	smul.u32 $0x5, s22;
	_ =	sdelay $0x1  }
0x64: {  	s23 =	ssub.s32 s0, s9  }
.LBB2_6:
0x65: {  	p1 =	sne.s32 s1, $0x5  }
0x66: {  	p2 =	seq.s32 @!p1 s23, $0x0  }
0x67: {  	s23 =	sadd.s32 $0x1, s23;
	p1 =	por p1, p2  }
0x68: {  	p2 =	sge.u32 @!p1 s23, s8  }
0x69: {  	p1 =	por p1, p2  }
.Ltmp7:
0x6a: {  	_ = 	snop;
	(pc) =	sbr.rel @p1 .LBB2_4-.Ltmp7, $1  }
0x6b: {  	_ =	sdelay $0x3  }
0x6c: {  	s9 =	sshll.u32 s23, $0xB  }
0x6d: {  	s9 =	sadd.s32 s15, s9  }
0x6e: {  	s12 =	sand.u32 $0x1, s23;
	s9 =	sshrl.u32 s9, $0x3  }
0x6f: {  	s11 =	sadd.s32 $0xB, s12;
	s23 =	sshll.u32 s12, $0xB;
	s12 =	sadd.s32 s5, s9  }
0x70: {  	[tilespmem:s23], [sflag:s11] =	stream.linear.gather [hbm4b:s12+s3], $0x800, $0x38;
	[tilespmem:$0x1FC00] =	vst v63  }
0x71: {  	s9 =	sadd.s32 s6, s9;
	s23 =	sor.u32 $0x1000, s23  }
0x72: {  	[tilespmem:s23], [sflag:s11] =	stream.linear.gather [hbm4b:s9+s3], $0x800, $0x38;
	[tilespmem:$0x1FC00] =	vst v63  }
0x73: {  	s23 =	smul.u32 $0x5, s22;
	_ =	sdelay $0x1  }
0x74: {  	s23 =	ssub.s32 s0, s23  }
.LBB2_8:
0x75: {  	s9 =	smul.u32 $0xFFFFFFEC, s22;
	_ =	sdelay $0x1  }
.Ltmp8:
0x76: {  	s9 =	sshra.s32 s9, $0x2;
	(pc) =	sbr.rel .LBB2_9-.Ltmp8, $4  }
0x77: {  	s9 =	sadd.s32 s9, s31  }
0x78: {  	_ =	swait.ge [sflag:s9], $0x2000  }
0x79: {  	[sflag:s9] =	ssyncset.done $0x0  }
0x7a: {  	[sflag:s9] =	ssyncadd.s32 $0xFFFFE000  }
.LBB2_11:
0x7b: {  	_ =	sfence.sel $0x180000  }
0x7c: {  	[bflag:$0x0] =	sbarrier.arrive $0xFFFF  }
0x7d: {  	_ =	strace $0x9000004A  }
0x7e: {  	s0 =	stileid.u32;
	[bflag:$0x2] =	sbarrier.arrive $0xFFFF  }
0x7f: {  	p0 =	sne.s32 s0, $0x0;
	s0 =	rddreg [dreg:$0x2]  }
0x80: {  	s0 =	sadd.s32 @!p0 $0x100000, s0  }
0x81: {  	[sflag:s0] =	ssyncadd.tile.s32 @!p0 $0x1;
	_ =	shalt  }
.Lfunc_end2:
_tile_overlayer_lowered:
.L_overlay_start_2:
0x82: {  	(tag) =	ssettag $0x2  }
0x83: {  	s0 =	rddreg [dreg:$0x0];
	s2 =	stileid.u32  }
0x84: {  	s1 =	rddreg [dreg:$0x1];
	p0 =	sne.s32 s2, $0x0  }
0x85: {  	s3 =	rddreg [dreg:$0x2];
	[bflag:$0x3] =	sbarrier.arrive $0xFFFF;
	s2 =	simm.s32 @!p0 $0x1C0D  }
0x86: {  	[timem:s3], [sflag:s2] =	dma.local @!p0 [hbm:s0], s1  }
0x87: {  	s0 =	simm.s32 @!p0 $0xD  }
0x88: {  	_ =	swait.ge @!p0 [sflag:s0], s1  }
0x89: {  	s1 =	ssub.s32 @!p0 $0x0, s1;
	[sflag:s0] =	ssyncset.done @!p0 $0x0  }
0x8a: {  	[sflag:s0] =	ssyncadd.s32 @!p0 s1  }
0x8b: {  	[bflag:$0x3] =	sbarrier.arrive $0xFFFF  }
0x8c: {  	_ =	shalt  }

// kernel: kernel.18.cloned.1.call-start
scs
__scs_entry_jumppad:
0x0: {  	(pc) =	sbr.rel $0x88, $3  }
0x1: {  	(tag) =	ssettag $0x0;
	lr =	simm.s32 $0x1  }
0x2: {  	[smem:$0x3F85] =	sst lr;
	_ =	strace $0xD0000000  }
0x3: {  	_ = 	snop  }
0x4: {  	_ = 	snop  }
0x5: {  	_ = 	snop  }
0x6: {  	_ = 	snop  }
0x7: {  	_ = 	snop  }
__scs_overlays_trampoline_lowered:
0x8: {  	[smem:$0x3F94] =	sst s0  }
0x9: {  	[smem:$0x3F95] =	sst s1  }
0xa: {  	[smem:$0x3F96] =	sst s2  }
0xb: {  	[smem:$0x3F97] =	sst s3  }
0xc: {  	[smem:$0x3F98] =	sst s4  }
0xd: {  	[smem:$0x3F99] =	sst s5  }
0xe: {  	[smem:$0x3F9A] =	sst s6  }
0xf: {  	[smem:$0x3F9B] =	sst s7  }
0x10: {  	[smem:$0x3F9C] =	sst s8  }
0x11: {  	[smem:$0x3F9D] =	sst s9;
	s0 =	simm.s32 @!p0 $0x0  }
0x12: {  	s1 =	sld [smem:$0x3F83];
	s0 =	simm.s32 @p0 $0x1  }
0x13: {  	[smem:$0x3F9E] =	sst s0;
	s0 =	simm.s32 @!p1 $0x0  }
0x14: {  	s2 =	sld [smem:$0x3F82];
	s0 =	simm.s32 @p1 $0x1  }
0x15: {  	[smem:$0x3F9F] =	sst s0;
	s0 =	simm.s32 @!p2 $0x0  }
0x16: {  	s3 =	sld [smem:$0x3FDB];
	s0 =	simm.s32 @p2 $0x1  }
0x17: {  	s4 =	simm.s32 $0x1BF5;
	[smem:$0x3FA1] =	sst s0  }
0x18: {  	s0 =	sld [smem:$0x3F84];
	_ =	swait.ge [sflag:s4], $0x0  }
0x19: {  	s7 =	sld [smem:$0x3F85]  }
0x1a: {  	s8 =	sadd.s32 $0xFFFFE003, lr  }
0x1b: {  	s9 =	sadd.s32 $0xFFFFFEF7, lr;
	s5 =	simm.s32 $0xFFFFFFFF;
	p2 =	slt.u32 s8, $0xFFFFF086  }
0x1c: {  	p1 =	slt.u32 s9, $0xF7A;
	s5 =	simm.s32 @!p2 $0x0  }
0x1d: {  	s5 =	simm.s32 @p1 $0x1;
	p0 =	seq.s32 s7, s2  }
0x1e: {  	s7 =	smul.u32 @!p0 $0xF7A, s2;
	p2 =	seq.s32 @!p0 s5, $0x0  }
0x1f: {  	s9 =	smul.u32 $0xF7A, s1;
	s8 =	simm.s32 @!p0 $0x1BF5;
	p2 =	por !p2, p0  }
0x20: {  	[sflag:s8] =	ssyncset.s32 @!p0 $0xFFFFF086;
	s6 =	sadd.s32 @!p0 s3, s7;
	s7 =	simm.s32 @!p0 $0x108  }
0x21: {  	s3 =	sadd.s32 s3, s9;
	s6 =	sadd.s32 @!p0 $0x88, s6;
	s7 =	simm.s32 @p2 $0x1082  }
0x22: {  	[simem:s7], [sflag:s8] =	dma.local @!p0 [hbm:s6], $0xF7A  }
0x23: {  	s9 =	sor.u32 $0xD0000000, s2;
	s6 =	simm.s32 $0x108;
	_ =	swait.ge @!p0 [sflag:s8], $0x0  }
0x24: {  	s3 =	sadd.s32 $0x88, s3;
	s6 =	simm.s32 @!p1 $0x1082;
	[sflag:s4] =	ssyncset.s32 $0xFFFFF086  }
0x25: {  	[simem:s6], [sflag:s4] =	dma.local [hbm:s3], $0xF7A  }
0x26: {  	[smem:$0x3F85] =	sst s1;
	(tag) =	ssettag s2;
	_ =	strace s9  }
0x27: {  	s1 =	sld [smem:$0x3F95]  }
0x28: {  	s2 =	sld [smem:$0x3F96]  }
0x29: {  	s4 =	sld [smem:$0x3F98]  }
0x2a: {  	p0 =	seq.s32 s5, $0x0;
	s5 =	sld [smem:$0x3F99]  }
0x2b: {  	s6 =	sld [smem:$0x3F9A]  }
0x2c: {  	s7 =	sld [smem:$0x3F9B]  }
0x2d: {  	s3 =	simm.s32 $0x108;
	s8 =	sld [smem:$0x3F9C]  }
0x2e: {  	s3 =	simm.s32 @!p0 $0x1082;
	s9 =	sld [smem:$0x3F9D]  }
0x2f: {  	lr =	sadd.s32 s0, s3;
	s0 =	sld [smem:$0x3F94]  }
0x30: {  	s3 =	sld [smem:$0x3F97]  }
0x31: {  	[smem:$0x3FA0] =	sst s10  }
0x32: {  	s10 =	sld [smem:$0x3F9E];
	_ =	sdelay $0x3  }
0x33: {  	p0 =	seq.s32 s10, $0x1;
	s10 =	sld [smem:$0x3FA0];
	_ =	sdelay $0x3  }
0x34: {  	[smem:$0x3FA0] =	sst s10  }
0x35: {  	s10 =	sld [smem:$0x3F9F];
	_ =	sdelay $0x3  }
0x36: {  	p1 =	seq.s32 s10, $0x1;
	s10 =	sld [smem:$0x3FA0];
	_ =	sdelay $0x3  }
0x37: {  	[smem:$0x3FA0] =	sst s10  }
0x38: {  	s10 =	sld [smem:$0x3FA1]  }
0x39: {  	_ = 	snop;
	(pc) =	sbr.ind lr, $3  }
0x3a: {  	_ = 	snop  }
0x3b: {  	_ = 	snop  }
0x3c: {  	p2 =	seq.s32 s10, $0x1;
	s10 =	sld [smem:$0x3FA0]  }
0x3d: {  	_ =	shalt  }
0x3e: {  	_ =	shalt  }
0x3f: {  	_ =	shalt  }
0x40: {  	_ =	shalt  }
0x41: {  	_ =	shalt  }
0x42: {  	_ =	shalt  }
0x43: {  	_ =	shalt  }
0x44: {  	_ =	shalt  }
0x45: {  	_ =	shalt  }
0x46: {  	_ =	shalt  }
0x47: {  	_ =	shalt  }
0x48: {  	_ =	shalt  }
0x49: {  	_ =	shalt  }
0x4a: {  	_ =	shalt  }
0x4b: {  	_ =	shalt  }
0x4c: {  	_ =	shalt  }
0x4d: {  	_ =	shalt  }
0x4e: {  	_ =	shalt  }
0x4f: {  	_ =	shalt  }
0x50: {  	_ =	shalt  }
0x51: {  	_ =	shalt  }
0x52: {  	_ =	shalt  }
0x53: {  	_ =	shalt  }
0x54: {  	_ =	shalt  }
0x55: {  	_ =	shalt  }
0x56: {  	_ =	shalt  }
0x57: {  	_ =	shalt  }
0x58: {  	_ =	shalt  }
0x59: {  	_ =	shalt  }
0x5a: {  	_ =	shalt  }
0x5b: {  	_ =	shalt  }
0x5c: {  	_ =	shalt  }
0x5d: {  	_ =	shalt  }
0x5e: {  	_ =	shalt  }
0x5f: {  	_ =	shalt  }
0x60: {  	_ =	shalt  }
0x61: {  	_ =	shalt  }
0x62: {  	_ =	shalt  }
0x63: {  	_ =	shalt  }
0x64: {  	_ =	shalt  }
0x65: {  	_ =	shalt  }
0x66: {  	_ =	shalt  }
0x67: {  	_ =	shalt  }
0x68: {  	_ =	shalt  }
0x69: {  	_ =	shalt  }
0x6a: {  	_ =	shalt  }
0x6b: {  	_ =	shalt  }
0x6c: {  	_ =	shalt  }
0x6d: {  	_ =	shalt  }
0x6e: {  	_ =	shalt  }
0x6f: {  	_ =	shalt  }
0x70: {  	_ =	shalt  }
0x71: {  	_ =	shalt  }
0x72: {  	_ =	shalt  }
0x73: {  	_ =	shalt  }
0x74: {  	_ =	shalt  }
0x75: {  	_ =	shalt  }
0x76: {  	_ =	shalt  }
0x77: {  	_ =	shalt  }
0x78: {  	_ =	shalt  }
0x79: {  	_ =	shalt  }
0x7a: {  	_ =	shalt  }
0x7b: {  	_ =	shalt  }
0x7c: {  	_ =	shalt  }
0x7d: {  	_ =	shalt  }
0x7e: {  	_ =	shalt  }
0x7f: {  	_ =	shalt  }
0x80: {  	_ =	shalt  }
0x81: {  	_ =	shalt  }
0x82: {  	_ =	shalt  }
0x83: {  	_ =	shalt  }
0x84: {  	_ =	shalt  }
0x85: {  	_ =	shalt  }
0x86: {  	_ =	shalt  }
0x87: {  	_ =	shalt  }
.Lfunc_end0:
.L_simem_size_0:
called_computation.2_lowered:
.L_overlay_start_0:
0x88: {  	s2 =	sld [smem:$0x3FD9]  }
0x89: {  	s3 =	sld [smem:$0x3FFE];
	_ =	sdelay $0x1  }
0x8a: {  	s1 =	srdreg.scid  }
0x8b: {  	s0 =	sand.u32 $0x1, s1  }
0x8c: {  	s16 =	sshll.u32 s0, $0xA;
	s2 =	sadd.s32 s3, s2  }
0x8d: {  	s2 =	sadd.s32 s2, s16  }
0x8e: {  	[smem:$0x3FAC] =	sst s2  }
0x8f: {  	_ = 	snop  }
0x90: {  	(tm) =	ssettm $0x1  }
0x91: {  	s17 =	sld [smem:$0x3FFB];
	_ =	sdelay $0x3  }
0x92: {  	_ =	strace s17  }
0x93: {  	s2 =	sld [smem:$0x3FFC];
	_ =	sdelay $0x3  }
0x94: {  	_ =	strace s2  }
0x95: {  	s2 =	sld [smem:$0x3FFD];
	_ =	sdelay $0x3  }
0x96: {  	_ =	strace s2  }
0x97: {  	_ =	strace $0x8FFFFFFF  }
0x98: {  	s18 =	sld [smem:$0x3FDB];
	_ =	sdelay $0x1  }
0x99: {  	s19 =	simm.s32 $_scs_section_size  }
0x9a: {  	s4 =	simm.s32 $_size__tile_overlayer_lowered;
	s5 =	simm.s32 $_tile_overlayer_lowered  }
0x9b: {  	s22 =	simm.s32 $0x1BFF;
	s21 =	sshll.u32 s5, $0x1;
	s2 =	sadd.s32 s19, s18  }
0x9c: {  	s6 =	simm.s32 $0x0;
	s20 =	sshll.u32 s4, $0x1;
	s4 =	sadd.s32 s21, s2  }
0x9d: {  	[timem:s6], [sflag:s22] =	dma.local [hbm:s4], s20  }
0x9e: {  	_ =	swait.ge [sflag:s22], s20  }
0x9f: {  	s3 =	ssub.s32 $0x0, s20;
	[sflag:s22] =	ssyncset.done $0x0  }
0xa0: {  	[sflag:s22] =	ssyncadd.s32 s3;
	_ =	sdelay $0x1  }
0xa1: {  	s23 =	simm.s32 $0x1B8B  }
0xa2: {  	_ =	swait.ge [sflag:s23], $0x1  }
0xa3: {  	[sflag:s23] =	ssyncset.done $0x0  }
0xa4: {  	s25 =	simm.s32 $0x1B8E;
	s24 =	sld [smem:$0x3FFE];
	[sflag:s23] =	ssyncadd.s32 $0xFFFFFFFF  }
0xa5: {  	s26 =	simm.s32 $execute0_lowered;
	[smem:$0x3FD2] =	sst s25  }
0xa6: {  	s4 =	sshll.u32 s26, $0x1;
	_ =	strace $0x8000004C;
	[dreg:$0x1] =	wrdreg $0xFFFFFFFF  }
0xa7: {  	s28 =	simm.s32 $_size_execute0_lowered;
	s2 =	sadd.s32 s2, s4;
	[dreg:$0x0] =	wrdreg $0x0  }
0xa8: {  	s4 =	sshll.u32 s28, $0x1;
	[dreg:$0x2] =	wrdreg s2  }
0xa9: {  	[dreg:$0x3] =	wrdreg s4  }
0xaa: {  	[dreg:$0x4] =	wrdreg $0xC0  }
0xab: {  	_ =	task [dreg:s6], $0x5FFFF  }
0xac: {  	[dreg:$0x1] =	wrdreg $0xFFFFFFFF  }
0xad: {  	[dreg:$0x0] =	wrdreg $0x60  }
0xae: {  	[dreg:$0x2] =	wrdreg s24  }
0xaf: {  	[dreg:$0x3] =	wrdreg $0xC0000  }
0xb0: {  	[dreg:$0x4] =	wrdreg $0x9  }
0xb1: {  	_ =	task.clear_ibuf [dreg:s6], $0x5FFFF;
	_ =	strace $0x9000004C  }
0xb2: {  	s29 =	simm.s32 $0x9;
	_ =	strace $0x8000004E  }
0xb3: {  	_ =	swait.ge [sflag:s29], $0x1  }
0xb4: {  	[sflag:s29] =	ssyncadd.s32 $0xFFFFFFFF  }
0xb5: {  	_ =	strace $0x9000004E  }
0xb6: {  	_ =	sfence  }
0xb7: {  	s30 =	sld [smem:$0x0];
	_ =	sdelay $0x2  }
0xb8: {  	s31 =	sshll.u32 s1, $0xD;
	s1 =	sshrl.u32 s1, $0x2  }
0xb9: {  	s3 =	sand.u32 $0x4000, s31;
	s1 =	sadd.s32 s1, s30  }
0xba: {  	s0 =	sor.u32 s3, s0;
	s1 =	sshll.u32 s1, $0x11  }
0xbb: {  	s0 =	sor.u32 s1, s0  }
0xbc: {  	s0 =	sadd.s32 $0x8F2B, s0  }
0xbd: {  	[sflag:s0] =	ssyncadd.remote.s32 $0x1  }
0xbe: {  	_ =	sfence.sel $0xFFFF  }
0xbf: {  	[dreg:$0x0] =	wrdreg $0xFFFFFFFF;
	(pc) =	sbr.abs _section_cstart, $3  }
0xc0: {  	[dreg:$0x1] =	wrdreg $0xFFFFFFFF  }
0xc1: {  	_ =	task.clear_ibuf [dreg:s6], $0x2FFFF;
	_ =	strace $0x9FFFFFFF  }
0xc2: {  	(tm) =	ssettm $0x7FFFFFFF  }
0xc3: {  	_ =	shalt  }
tec
execute0_lowered:
.L_overlay_start_1:
0x0: {  	(tag) =	ssettag $0x1  }
0x1: {  	s0 =	rddreg [dreg:$0x0]  }
0x2: {  	s2 =	rddreg [dreg:$0x1];
	s3 =	simm.s32 $0x0  }
0x3: {  	s14 =	stileid.u32;
	s1 =	srdreg.scid;
	s20 =	simm.s32 $0xD  }
0x4: {  	s25 =	simm.s32 $0x0;
	[smem:$0x7FF] =	sst s3;
	s21 =	smul.u32 $0x2780, s14  }
0x5: {  	s1 =	sand.u32 $0x1, s1;
	s4 =	sadd.s32 $0xAE800, s0;
	s8 =	smul.u32 $0x120, s14  }
0x6: {  	s5 =	sadd.s32 $0x86800, s0;
	s6 =	sadd.s32 $0x9A800, s0;
	s11 =	smul.u32 $0x4F000, s14  }
0x7: {  	s10 =	sshll.u32 s14, $0x5;
	s28 =	sshll.u32 s14, $0x6;
	s7 =	smul.u32 $0x27800, s1  }
0x8: {  	_ =	strace $0x8000004D;
	p0 =	seq.s32 s1, $0x0;
	s1 =	ssub.s32 $0x2, s1  }
0x9: {  	s9 =	sadd.s32 s21, s0;
	s0 =	sadd.s32 s7, s0;
	s7 =	simm.s32 $0x120  }
0xa: {  	s15 =	sor.u32 $0x1200, s10;
	s12 =	sshrl.u32 s1, $0x1;
	s7 =	simm.s32 @!p0 $0x20  }
0xb: {  	s15 =	smov.u32 @p0 s8;
	s11 =	sshrl.u32 s11, $0x2;
	s13 =	sadd.s32 $0xFFFFFFFF, s7  }
0xc: {  	s1 =	ssub.s32 s1, s12;
	s19 =	sadd.s32 s11, s2;
	s26 =	smul.u32 $0x3334, s13  }
0xd: {  	s29 =	sshll.u32 s15, $0x4;
	s9 =	sadd.s32 $0x10000, s9;
	s15 =	sshll.u32 s15, $0x7  }
0xe: {  	[dreg:$0x3] =	wrdreg s9;
	s30 =	sadd.s32 s5, s29;
	s10 =	sshrl.u32 s26, $0x10  }
0xf: {  	s31 =	sadd.s32 s6, s29;
	s14 =	sor.u32 $0x100, s29;
	s16 =	smul.u32 $0x5, s10  }
.Ltmp0:
0x10: {  	s0 =	sadd.s32 $0xD5A00, s0;
	s17 =	smax.u32 s1, $0x1;
	(pc) =	sbr.rel .LBB2_1-.Ltmp0, $4  }
0x11: {  	s19 =	sshrl.u32 s19, $0x3;
	s8 =	sshrl.u32 s7, $0x4;
	[dreg:$0x4] =	wrdreg s30  }
0x12: {  	[dreg:$0x5] =	wrdreg s31;
	s18 =	sor.u32 $0x4, s7;
	s16 =	ssub.s32 s13, s16  }
0x13: {  	s24 =	sadd.s32 s21, s0;
	s10 =	sor.u32 $0x1C0D, s28;
	s16 =	sand.u32 $0xFFFF, s16  }
0x14: {  	s13 =	sadd.s32 s5, s14;
	s14 =	sadd.s32 s6, s14;
	s16 =	sadd.s32 $0x6, s16  }
.LBB2_10:
0x15: {  	_ =	swait.ge [sflag:s16], $0x2000  }
0x16: {  	s25 =	sadd.s32 $0x1, s25;
	[sflag:s16] =	ssyncset.done $0x0  }
0x17: {  	p0 =	sne.s32 s25, s17;
	[sflag:s16] =	ssyncadd.s32 $0xFFFFE000  }
.Ltmp1:
0x18: {  	[bflag:$0x0] =	sbarrier.arrive $0xFFFF;
	(pc) =	sbr.rel @!p0 .LBB2_11-.Ltmp1, $4  }
0x19: {  	[hbm:s24], [sflag:s10] =	dma.local [spmem:s19], $0x2780  }
0x1a: {  	_ =	swait.ge [sflag:s20], $0x2780  }
0x1b: {  	[sflag:s20] =	ssyncset.done $0x0  }
0x1c: {  	[sflag:s20] =	ssyncadd.s32 $0xFFFFD880  }
.LBB2_1:
0x1d: {  	s0 =	rddreg [dreg:$0x3]  }
0x1e: {  	[spmem:s19], [sflag:s10] =	dma.local [hbm:s0], $0x2780  }
0x1f: {  	_ =	swait.ge [sflag:s20], $0x2780  }
0x20: {  	[sflag:s20] =	ssyncset.done $0x0  }
0x21: {  	s21 =	rddreg [dreg:$0x4];
	[sflag:s20] =	ssyncadd.s32 $0xFFFFD880  }
0x22: {  	[tilespmem:s3], [sflag:$0xD] =	stream.linear.gather [hbm4b:s21+s3], $0x800, $0x38;
	[tilespmem:$0x1FC00] =	vst v63  }
0x23: {  	_ =	swait.ge [sflag:s20], $0x800  }
0x24: {  	[sflag:s20] =	ssyncset.done $0x0  }
0x25: {  	s1 =	simm.s32 $0x1000;
	s22 =	rddreg [dreg:$0x5];
	[sflag:s20] =	ssyncadd.s32 $0xFFFFF800  }
0x26: {  	[tilespmem:s1], [sflag:$0xD] =	stream.linear.gather [hbm4b:s22+s3], $0x800, $0x38;
	[tilespmem:$0x1FC00] =	vst v63  }
0x27: {  	_ =	swait.ge [sflag:s20], $0x800  }
0x28: {  	[sflag:s20] =	ssyncset.done $0x0  }
0x29: {  	s23 =	simm.s32 $0x800;
	[sflag:s20] =	ssyncadd.s32 $0xFFFFF800  }
0x2a: {  	[tilespmem:s23], [sflag:$0xC] =	stream.linear.gather [hbm4b:s13+s3], $0x800, $0x38;
	[tilespmem:$0x1FC00] =	vst v63  }
.Ltmp2:
0x2b: {  	_ = 	snop;
	(pc) =	sbr.rel .LBB2_2-.Ltmp2, $4  }
0x2c: {  	s26 =	simm.s32 $0x1800;
	s28 =	simm.s32 $0x1  }
0x2d: {  	[tilespmem:s26], [sflag:$0xC] =	stream.linear.gather [hbm4b:s14+s3], $0x800, $0x38;
	[tilespmem:$0x1FC00] =	vst v63  }
0x2e: {  	s29 =	simm.s32 $0x7;
	s30 =	simm.s32 $0x4000;
	[bflag:$0x0] =	sbarrier.arrive $0xFFFF  }
0x2f: {  	s31 =	simm.s32 $0x6;
	s0 =	simm.s32 $0x0;
	s26 =	simm.s32 $0x2  }
.LBB2_12:
0x30: {  	s9 =	smul.u32 $0xFFFFFFFB, s22;
	_ =	sdelay $0x1  }
0x31: {  	s23 =	sadd.s32 s9, s0  }
.LBB2_9:
0x32: {  	s9 =	sshll.u32 @!p0 s23, $0xD;
	s11 =	sshll.u32 @!p0 s21, $0xB  }
0x33: {  	s1 =	sshll.u32 @!p0 s1, $0x7;
	s12 =	simm.s32 @!p0 $0x40;
	s9 =	sand.u32 @!p0 $0x3FFFE000, s9  }
0x34: {  	s1 =	sor.u32 @!p0 s1, s11;
	s11 =	sadd.s32 @!p0 $0x1, s23;
	s9 =	sadd.s32 @!p0 $0x2000, s9  }
0x35: {  	[tilespmem:s9], [sflag:s11] =	stream.indirect.gather @!p0 [hbm4b:s4+s12], $0x80, s1, s12, $0xb8;
	[tilespmem:$0x1FC00] =	vst v63  }
0x36: {  	s1 =	sadd.s32 $0xFFFFFFFC, s0  }
0x37: {  	p0 =	sge.u32 s1, s7  }
0x38: {  	s9 =	sand.u32 @!p0 $0xF, s1  }
0x39: {  	p1 =	slt.u32 @!p0 s0, $0x5;
	p2 =	sne.s32 @!p0 s9, $0x0  }
0x3a: {  	p1 =	por @!p0 !p1, !p2  }
0x3b: {  	p1 =	por @!p0 !p1, !p1  }
0x3c: {  	s22 =	smulhi.u32 $0xCCCCCCCD, s28;
	s12 =	simm.s32 @!p0 $0x1;
	p1 =	por !p1, p0  }
0x3d: {  	s1 =	sshrl.u32 @!p0 s1, $0x4;
	s12 =	simm.s32 @p1 $0x0  }
0x3e: {  	s11 =	sshrl.u32 s22, $0x2;
	s1 =	ssub.s32 @!p0 s1, s12  }
0x3f: {  	s23 =	smul.u32 $0xFFFFFFEC, s11;
	s21 =	sshrl.u32 @!p0 s1, $0x1F  }
0x40: {  	s11 =	smul.u32 $0xFFFD8000, s11;
	s21 =	sadd.s32 @!p0 s21, s1  }
0x41: {  	s0 =	sadd.s32 $0x1, s0;
	s21 =	sand.u32 @!p0 $0xFFFFFFFE, s21  }
0x42: {  	s11 =	sshra.s32 s11, $0x2;
	s12 =	sshra.s32 s23, $0x2;
	s1 =	ssub.s32 @!p0 s1, s21  }
0x43: {  	s9 =	sshll.u32 @!p0 s9, $0x7;
	s22 =	sadd.s32 s12, s26;
	s1 =	sshll.u32 @!p0 s1, $0xD  }
0x44: {  	s11 =	sadd.s32 s11, s30;
	_ =	swait.ge @!p0 [sflag:s22], $0x2000;
	s1 =	sshra.s32 @!p0 s1, $0x2  }
0x45: {  	s12 =	sadd.s32 s12, s29;
	[sflag:s22] =	ssyncset.done @!p0 $0x0;
	s1 =	sor.u32 @!p0 s9, s1  }
0x46: {  	[sflag:s22] =	ssyncadd.s32 @!p0 $0xFFFFE000;
	s9 =	simm.s32 @!p0 $0x40;
	s1 =	sadd.s32 @!p0 $0x1000, s1  }
0x47: {  	[spmem:s2] =	stream.indirect.scatter.add.f32 @!p0 [tilespmem:s11], [sflag:s12], $0x80, s1, s9, $0xb8;
	[tilespmem:$0x1FC00] =	vst v63  }
0x48: {  	p0 =	sne.s32 s18, s0  }
.Ltmp3:
0x49: {  	_ = 	snop;
	(pc) =	sbr.rel @!p0 .LBB2_10-.Ltmp3, $3  }
0x4a: {  	_ =	sdelay $0x1  }
0x4b: {  	s28 =	sadd.s32 $0x1, s28;
	s31 =	sadd.s32 $0x1, s31  }
0x4c: {  	s30 =	sadd.s32 $0x2000, s30;
	s26 =	sadd.s32 $0x1, s26;
	s29 =	sadd.s32 $0x1, s29  }
.LBB2_2:
0x4d: {  	p0 =	sge.u32 s0, s7  }
0x4e: {  	p1 =	seq.s32 @!p0 s0, $0x0  }
0x4f: {  	s1 =	sand.u32 $0xF, s0;
	p1 =	por p0, p1  }
0x50: {  	p2 =	sne.s32 @!p1 s1, $0x0  }
0x51: {  	p1 =	por p1, p2  }
.Ltmp4:
0x52: {  	_ = 	snop;
	(pc) =	sbr.rel @p1 .LBB2_6-.Ltmp4, $4  }
0x53: {  	_ = 	snop  }
0x54: {  	s21 =	smulhi.u32 $0xCCCCCCCD, s0  }
0x55: {  	s23 =	sshrl.u32 s0, $0x4  }
0x56: {  	s22 =	sshrl.u32 s21, $0x2;
	s21 =	sand.u32 $0x1, s23  }
0x57: {  	s23 =	sadd.s32 $0xB, s21  }
0x58: {  	_ =	swait.ge [sflag:s23], $0x800  }
0x59: {  	[sflag:s23] =	ssyncset.done $0x0  }
0x5a: {  	[sflag:s23] =	ssyncadd.s32 $0xFFFFF800  }
0x5b: {  	_ =	swait.ge [sflag:s23], $0x800  }
0x5c: {  	[sflag:s23] =	ssyncset.done $0x0  }
0x5d: {  	[sflag:s23] =	ssyncadd.s32 $0xFFFFF800  }
.LBB2_4:
0x5e: {  	p1 =	slt.u32 s0, $0x5  }
.Ltmp5:
0x5f: {  	_ = 	snop;
	(pc) =	sbr.rel @p1 .LBB2_12-.Ltmp5, $1  }
0x60: {  	_ =	sdelay $0x3  }
.Ltmp6:
0x61: {  	(pc) =	sbr.rel .LBB2_8-.Ltmp6, $3  }
0x62: {  	_ = 	snop  }
0x63: {  	s9 =	smul.u32 $0x5, s22;
	_ =	sdelay $0x1  }
0x64: {  	s23 =	ssub.s32 s0, s9  }
.LBB2_6:
0x65: {  	p1 =	sne.s32 s1, $0x5  }
0x66: {  	p2 =	seq.s32 @!p1 s23, $0x0  }
0x67: {  	s23 =	sadd.s32 $0x1, s23;
	p1 =	por p1, p2  }
0x68: {  	p2 =	sge.u32 @!p1 s23, s8  }
0x69: {  	p1 =	por p1, p2  }
.Ltmp7:
0x6a: {  	_ = 	snop;
	(pc) =	sbr.rel @p1 .LBB2_4-.Ltmp7, $1  }
0x6b: {  	_ =	sdelay $0x3  }
0x6c: {  	s9 =	sshll.u32 s23, $0xB  }
0x6d: {  	s9 =	sadd.s32 s15, s9  }
0x6e: {  	s12 =	sand.u32 $0x1, s23;
	s9 =	sshrl.u32 s9, $0x3  }
0x6f: {  	s11 =	sadd.s32 $0xB, s12;
	s23 =	sshll.u32 s12, $0xB;
	s12 =	sadd.s32 s5, s9  }
0x70: {  	[tilespmem:s23], [sflag:s11] =	stream.linear.gather [hbm4b:s12+s3], $0x800, $0x38;
	[tilespmem:$0x1FC00] =	vst v63  }
0x71: {  	s9 =	sadd.s32 s6, s9;
	s23 =	sor.u32 $0x1000, s23  }
0x72: {  	[tilespmem:s23], [sflag:s11] =	stream.linear.gather [hbm4b:s9+s3], $0x800, $0x38;
	[tilespmem:$0x1FC00] =	vst v63  }
0x73: {  	s23 =	smul.u32 $0x5, s22;
	_ =	sdelay $0x1  }
0x74: {  	s23 =	ssub.s32 s0, s23  }
.LBB2_8:
0x75: {  	s9 =	smul.u32 $0xFFFFFFEC, s22;
	_ =	sdelay $0x1  }
.Ltmp8:
0x76: {  	s9 =	sshra.s32 s9, $0x2;
	(pc) =	sbr.rel .LBB2_9-.Ltmp8, $4  }
0x77: {  	s9 =	sadd.s32 s9, s31  }
0x78: {  	_ =	swait.ge [sflag:s9], $0x2000  }
0x79: {  	[sflag:s9] =	ssyncset.done $0x0  }
0x7a: {  	[sflag:s9] =	ssyncadd.s32 $0xFFFFE000  }
.LBB2_11:
0x7b: {  	_ =	sfence.sel $0x180000  }
0x7c: {  	[bflag:$0x0] =	sbarrier.arrive $0xFFFF  }
0x7d: {  	_ =	strace $0x9000004D  }
0x7e: {  	s0 =	stileid.u32;
	[bflag:$0x2] =	sbarrier.arrive $0xFFFF  }
0x7f: {  	p0 =	sne.s32 s0, $0x0;
	s0 =	rddreg [dreg:$0x2]  }
0x80: {  	s0 =	sadd.s32 @!p0 $0x100000, s0  }
0x81: {  	[sflag:s0] =	ssyncadd.tile.s32 @!p0 $0x1;
	_ =	shalt  }
.Lfunc_end2:
_tile_overlayer_lowered:
.L_overlay_start_2:
0x82: {  	(tag) =	ssettag $0x2  }
0x83: {  	s0 =	rddreg [dreg:$0x0];
	s2 =	stileid.u32  }
0x84: {  	s1 =	rddreg [dreg:$0x1];
	p0 =	sne.s32 s2, $0x0  }
0x85: {  	s3 =	rddreg [dreg:$0x2];
	[bflag:$0x3] =	sbarrier.arrive $0xFFFF;
	s2 =	simm.s32 @!p0 $0x1C0D  }
0x86: {  	[timem:s3], [sflag:s2] =	dma.local @!p0 [hbm:s0], s1  }
0x87: {  	s0 =	simm.s32 @!p0 $0xD  }
0x88: {  	_ =	swait.ge @!p0 [sflag:s0], s1  }
0x89: {  	s1 =	ssub.s32 @!p0 $0x0, s1;
	[sflag:s0] =	ssyncset.done @!p0 $0x0  }
0x8a: {  	[sflag:s0] =	ssyncadd.s32 @!p0 s1  }
0x8b: {  	[bflag:$0x3] =	sbarrier.arrive $0xFFFF  }
0x8c: {  	_ =	shalt  }

// kernel: kernel.21.cloned.1.call-start
scs
__scs_entry_jumppad:
0x0: {  	(pc) =	sbr.rel $0x88, $3  }
0x1: {  	(tag) =	ssettag $0x0;
	lr =	simm.s32 $0x1  }
0x2: {  	[smem:$0x3F85] =	sst lr;
	_ =	strace $0xD0000000  }
0x3: {  	_ = 	snop  }
0x4: {  	_ = 	snop  }
0x5: {  	_ = 	snop  }
0x6: {  	_ = 	snop  }
0x7: {  	_ = 	snop  }
__scs_overlays_trampoline_lowered:
0x8: {  	[smem:$0x3F94] =	sst s0  }
0x9: {  	[smem:$0x3F95] =	sst s1  }
0xa: {  	[smem:$0x3F96] =	sst s2  }
0xb: {  	[smem:$0x3F97] =	sst s3  }
0xc: {  	[smem:$0x3F98] =	sst s4  }
0xd: {  	[smem:$0x3F99] =	sst s5  }
0xe: {  	[smem:$0x3F9A] =	sst s6  }
0xf: {  	[smem:$0x3F9B] =	sst s7  }
0x10: {  	[smem:$0x3F9C] =	sst s8  }
0x11: {  	[smem:$0x3F9D] =	sst s9;
	s0 =	simm.s32 @!p0 $0x0  }
0x12: {  	s1 =	sld [smem:$0x3F83];
	s0 =	simm.s32 @p0 $0x1  }
0x13: {  	[smem:$0x3F9E] =	sst s0;
	s0 =	simm.s32 @!p1 $0x0  }
0x14: {  	s2 =	sld [smem:$0x3F82];
	s0 =	simm.s32 @p1 $0x1  }
0x15: {  	[smem:$0x3F9F] =	sst s0;
	s0 =	simm.s32 @!p2 $0x0  }
0x16: {  	s3 =	sld [smem:$0x3FDB];
	s0 =	simm.s32 @p2 $0x1  }
0x17: {  	s4 =	simm.s32 $0x1BF5;
	[smem:$0x3FA1] =	sst s0  }
0x18: {  	s0 =	sld [smem:$0x3F84];
	_ =	swait.ge [sflag:s4], $0x0  }
0x19: {  	s7 =	sld [smem:$0x3F85]  }
0x1a: {  	s8 =	sadd.s32 $0xFFFFE003, lr  }
0x1b: {  	s9 =	sadd.s32 $0xFFFFFEF7, lr;
	s5 =	simm.s32 $0xFFFFFFFF;
	p2 =	slt.u32 s8, $0xFFFFF086  }
0x1c: {  	p1 =	slt.u32 s9, $0xF7A;
	s5 =	simm.s32 @!p2 $0x0  }
0x1d: {  	s5 =	simm.s32 @p1 $0x1;
	p0 =	seq.s32 s7, s2  }
0x1e: {  	s7 =	smul.u32 @!p0 $0xF7A, s2;
	p2 =	seq.s32 @!p0 s5, $0x0  }
0x1f: {  	s9 =	smul.u32 $0xF7A, s1;
	s8 =	simm.s32 @!p0 $0x1BF5;
	p2 =	por !p2, p0  }
0x20: {  	[sflag:s8] =	ssyncset.s32 @!p0 $0xFFFFF086;
	s6 =	sadd.s32 @!p0 s3, s7;
	s7 =	simm.s32 @!p0 $0x108  }
0x21: {  	s3 =	sadd.s32 s3, s9;
	s6 =	sadd.s32 @!p0 $0x88, s6;
	s7 =	simm.s32 @p2 $0x1082  }
0x22: {  	[simem:s7], [sflag:s8] =	dma.local @!p0 [hbm:s6], $0xF7A  }
0x23: {  	s9 =	sor.u32 $0xD0000000, s2;
	s6 =	simm.s32 $0x108;
	_ =	swait.ge @!p0 [sflag:s8], $0x0  }
0x24: {  	s3 =	sadd.s32 $0x88, s3;
	s6 =	simm.s32 @!p1 $0x1082;
	[sflag:s4] =	ssyncset.s32 $0xFFFFF086  }
0x25: {  	[simem:s6], [sflag:s4] =	dma.local [hbm:s3], $0xF7A  }
0x26: {  	[smem:$0x3F85] =	sst s1;
	(tag) =	ssettag s2;
	_ =	strace s9  }
0x27: {  	s1 =	sld [smem:$0x3F95]  }
0x28: {  	s2 =	sld [smem:$0x3F96]  }
0x29: {  	s4 =	sld [smem:$0x3F98]  }
0x2a: {  	p0 =	seq.s32 s5, $0x0;
	s5 =	sld [smem:$0x3F99]  }
0x2b: {  	s6 =	sld [smem:$0x3F9A]  }
0x2c: {  	s7 =	sld [smem:$0x3F9B]  }
0x2d: {  	s3 =	simm.s32 $0x108;
	s8 =	sld [smem:$0x3F9C]  }
0x2e: {  	s3 =	simm.s32 @!p0 $0x1082;
	s9 =	sld [smem:$0x3F9D]  }
0x2f: {  	lr =	sadd.s32 s0, s3;
	s0 =	sld [smem:$0x3F94]  }
0x30: {  	s3 =	sld [smem:$0x3F97]  }
0x31: {  	[smem:$0x3FA0] =	sst s10  }
0x32: {  	s10 =	sld [smem:$0x3F9E];
	_ =	sdelay $0x3  }
0x33: {  	p0 =	seq.s32 s10, $0x1;
	s10 =	sld [smem:$0x3FA0];
	_ =	sdelay $0x3  }
0x34: {  	[smem:$0x3FA0] =	sst s10  }
0x35: {  	s10 =	sld [smem:$0x3F9F];
	_ =	sdelay $0x3  }
0x36: {  	p1 =	seq.s32 s10, $0x1;
	s10 =	sld [smem:$0x3FA0];
	_ =	sdelay $0x3  }
0x37: {  	[smem:$0x3FA0] =	sst s10  }
0x38: {  	s10 =	sld [smem:$0x3FA1]  }
0x39: {  	_ = 	snop;
	(pc) =	sbr.ind lr, $3  }
0x3a: {  	_ = 	snop  }
0x3b: {  	_ = 	snop  }
0x3c: {  	p2 =	seq.s32 s10, $0x1;
	s10 =	sld [smem:$0x3FA0]  }
0x3d: {  	_ =	shalt  }
0x3e: {  	_ =	shalt  }
0x3f: {  	_ =	shalt  }
0x40: {  	_ =	shalt  }
0x41: {  	_ =	shalt  }
0x42: {  	_ =	shalt  }
0x43: {  	_ =	shalt  }
0x44: {  	_ =	shalt  }
0x45: {  	_ =	shalt  }
0x46: {  	_ =	shalt  }
0x47: {  	_ =	shalt  }
0x48: {  	_ =	shalt  }
0x49: {  	_ =	shalt  }
0x4a: {  	_ =	shalt  }
0x4b: {  	_ =	shalt  }
0x4c: {  	_ =	shalt  }
0x4d: {  	_ =	shalt  }
0x4e: {  	_ =	shalt  }
0x4f: {  	_ =	shalt  }
0x50: {  	_ =	shalt  }
0x51: {  	_ =	shalt  }
0x52: {  	_ =	shalt  }
0x53: {  	_ =	shalt  }
0x54: {  	_ =	shalt  }
0x55: {  	_ =	shalt  }
0x56: {  	_ =	shalt  }
0x57: {  	_ =	shalt  }
0x58: {  	_ =	shalt  }
0x59: {  	_ =	shalt  }
0x5a: {  	_ =	shalt  }
0x5b: {  	_ =	shalt  }
0x5c: {  	_ =	shalt  }
0x5d: {  	_ =	shalt  }
0x5e: {  	_ =	shalt  }
0x5f: {  	_ =	shalt  }
0x60: {  	_ =	shalt  }
0x61: {  	_ =	shalt  }
0x62: {  	_ =	shalt  }
0x63: {  	_ =	shalt  }
0x64: {  	_ =	shalt  }
0x65: {  	_ =	shalt  }
0x66: {  	_ =	shalt  }
0x67: {  	_ =	shalt  }
0x68: {  	_ =	shalt  }
0x69: {  	_ =	shalt  }
0x6a: {  	_ =	shalt  }
0x6b: {  	_ =	shalt  }
0x6c: {  	_ =	shalt  }
0x6d: {  	_ =	shalt  }
0x6e: {  	_ =	shalt  }
0x6f: {  	_ =	shalt  }
0x70: {  	_ =	shalt  }
0x71: {  	_ =	shalt  }
0x72: {  	_ =	shalt  }
0x73: {  	_ =	shalt  }
0x74: {  	_ =	shalt  }
0x75: {  	_ =	shalt  }
0x76: {  	_ =	shalt  }
0x77: {  	_ =	shalt  }
0x78: {  	_ =	shalt  }
0x79: {  	_ =	shalt  }
0x7a: {  	_ =	shalt  }
0x7b: {  	_ =	shalt  }
0x7c: {  	_ =	shalt  }
0x7d: {  	_ =	shalt  }
0x7e: {  	_ =	shalt  }
0x7f: {  	_ =	shalt  }
0x80: {  	_ =	shalt  }
0x81: {  	_ =	shalt  }
0x82: {  	_ =	shalt  }
0x83: {  	_ =	shalt  }
0x84: {  	_ =	shalt  }
0x85: {  	_ =	shalt  }
0x86: {  	_ =	shalt  }
0x87: {  	_ =	shalt  }
.Lfunc_end0:
.L_simem_size_0:
called_computation.3_lowered:
.L_overlay_start_0:
0x88: {  	s2 =	sld [smem:$0x3FD9]  }
0x89: {  	s3 =	sld [smem:$0x3FFE];
	_ =	sdelay $0x1  }
0x8a: {  	s1 =	srdreg.scid  }
0x8b: {  	s0 =	sand.u32 $0x1, s1  }
0x8c: {  	s16 =	sshll.u32 s0, $0xA;
	s2 =	sadd.s32 s3, s2  }
0x8d: {  	s2 =	sadd.s32 s2, s16  }
0x8e: {  	[smem:$0x3FAC] =	sst s2  }
0x8f: {  	_ = 	snop  }
0x90: {  	(tm) =	ssettm $0x1  }
0x91: {  	s17 =	sld [smem:$0x3FFB];
	_ =	sdelay $0x3  }
0x92: {  	_ =	strace s17  }
0x93: {  	s2 =	sld [smem:$0x3FFC];
	_ =	sdelay $0x3  }
0x94: {  	_ =	strace s2  }
0x95: {  	s2 =	sld [smem:$0x3FFD];
	_ =	sdelay $0x3  }
0x96: {  	_ =	strace s2  }
0x97: {  	_ =	strace $0x8FFFFFFF  }
0x98: {  	s18 =	sld [smem:$0x3FDB];
	_ =	sdelay $0x1  }
0x99: {  	s19 =	simm.s32 $_scs_section_size  }
0x9a: {  	s4 =	simm.s32 $_size__tile_overlayer_lowered;
	s5 =	simm.s32 $_tile_overlayer_lowered  }
0x9b: {  	s22 =	simm.s32 $0x1BFF;
	s21 =	sshll.u32 s5, $0x1;
	s2 =	sadd.s32 s19, s18  }
0x9c: {  	s6 =	simm.s32 $0x0;
	s20 =	sshll.u32 s4, $0x1;
	s4 =	sadd.s32 s21, s2  }
0x9d: {  	[timem:s6], [sflag:s22] =	dma.local [hbm:s4], s20  }
0x9e: {  	_ =	swait.ge [sflag:s22], s20  }
0x9f: {  	s3 =	ssub.s32 $0x0, s20;
	[sflag:s22] =	ssyncset.done $0x0  }
0xa0: {  	[sflag:s22] =	ssyncadd.s32 s3;
	_ =	sdelay $0x1  }
0xa1: {  	s23 =	simm.s32 $0x1B8B  }
0xa2: {  	_ =	swait.ge [sflag:s23], $0x1  }
0xa3: {  	[sflag:s23] =	ssyncset.done $0x0  }
0xa4: {  	s25 =	simm.s32 $0x1B8E;
	s24 =	sld [smem:$0x3FFE];
	[sflag:s23] =	ssyncadd.s32 $0xFFFFFFFF  }
0xa5: {  	s26 =	simm.s32 $execute0_lowered;
	[smem:$0x3FD2] =	sst s25  }
0xa6: {  	s4 =	sshll.u32 s26, $0x1;
	_ =	strace $0x8000004F;
	[dreg:$0x1] =	wrdreg $0xFFFFFFFF  }
0xa7: {  	s28 =	simm.s32 $_size_execute0_lowered;
	s2 =	sadd.s32 s2, s4;
	[dreg:$0x0] =	wrdreg $0x0  }
0xa8: {  	s4 =	sshll.u32 s28, $0x1;
	[dreg:$0x2] =	wrdreg s2  }
0xa9: {  	[dreg:$0x3] =	wrdreg s4  }
0xaa: {  	[dreg:$0x4] =	wrdreg $0xC0  }
0xab: {  	_ =	task [dreg:s6], $0x5FFFF  }
0xac: {  	[dreg:$0x1] =	wrdreg $0xFFFFFFFF  }
0xad: {  	[dreg:$0x0] =	wrdreg $0x60  }
0xae: {  	[dreg:$0x2] =	wrdreg s24  }
0xaf: {  	[dreg:$0x3] =	wrdreg $0xC0000  }
0xb0: {  	[dreg:$0x4] =	wrdreg $0x9  }
0xb1: {  	_ =	task.clear_ibuf [dreg:s6], $0x5FFFF;
	_ =	strace $0x9000004F  }
0xb2: {  	s29 =	simm.s32 $0x9;
	_ =	strace $0x80000051  }
0xb3: {  	_ =	swait.ge [sflag:s29], $0x1  }
0xb4: {  	[sflag:s29] =	ssyncadd.s32 $0xFFFFFFFF  }
0xb5: {  	_ =	strace $0x90000051  }
0xb6: {  	_ =	sfence  }
0xb7: {  	s30 =	sld [smem:$0x0];
	_ =	sdelay $0x2  }
0xb8: {  	s31 =	sshll.u32 s1, $0xD;
	s1 =	sshrl.u32 s1, $0x2  }
0xb9: {  	s3 =	sand.u32 $0x4000, s31;
	s1 =	sadd.s32 s1, s30  }
0xba: {  	s0 =	sor.u32 s3, s0;
	s1 =	sshll.u32 s1, $0x11  }
0xbb: {  	s0 =	sor.u32 s1, s0  }
0xbc: {  	s0 =	sadd.s32 $0x8F2B, s0  }
0xbd: {  	[sflag:s0] =	ssyncadd.remote.s32 $0x1  }
0xbe: {  	_ =	sfence.sel $0xFFFF  }
0xbf: {  	[dreg:$0x0] =	wrdreg $0xFFFFFFFF;
	(pc) =	sbr.abs _section_cstart, $3  }
0xc0: {  	[dreg:$0x1] =	wrdreg $0xFFFFFFFF  }
0xc1: {  	_ =	task.clear_ibuf [dreg:s6], $0x2FFFF;
	_ =	strace $0x9FFFFFFF  }
0xc2: {  	(tm) =	ssettm $0x7FFFFFFF  }
0xc3: {  	_ =	shalt  }
tec
execute0_lowered:
.L_overlay_start_1:
0x0: {  	(tag) =	ssettag $0x1  }
0x1: {  	s0 =	rddreg [dreg:$0x0]  }
0x2: {  	s2 =	rddreg [dreg:$0x1];
	s3 =	simm.s32 $0x0  }
0x3: {  	s14 =	stileid.u32;
	s1 =	srdreg.scid;
	s20 =	simm.s32 $0xD  }
0x4: {  	s25 =	simm.s32 $0x0;
	[smem:$0x7FF] =	sst s3;
	s21 =	smul.u32 $0x2780, s14  }
0x5: {  	s1 =	sand.u32 $0x1, s1;
	s4 =	sadd.s32 $0xAE800, s0;
	s8 =	smul.u32 $0x120, s14  }
0x6: {  	s5 =	sadd.s32 $0x86800, s0;
	s6 =	sadd.s32 $0x9A800, s0;
	s11 =	smul.u32 $0x4F000, s14  }
0x7: {  	s10 =	sshll.u32 s14, $0x5;
	s28 =	sshll.u32 s14, $0x6;
	s7 =	smul.u32 $0x27800, s1  }
0x8: {  	_ =	strace $0x80000050;
	p0 =	seq.s32 s1, $0x0;
	s1 =	ssub.s32 $0x2, s1  }
0x9: {  	s9 =	sadd.s32 s21, s0;
	s0 =	sadd.s32 s7, s0;
	s7 =	simm.s32 $0x120  }
0xa: {  	s15 =	sor.u32 $0x1200, s10;
	s12 =	sshrl.u32 s1, $0x1;
	s7 =	simm.s32 @!p0 $0x20  }
0xb: {  	s15 =	smov.u32 @p0 s8;
	s11 =	sshrl.u32 s11, $0x2;
	s13 =	sadd.s32 $0xFFFFFFFF, s7  }
0xc: {  	s1 =	ssub.s32 s1, s12;
	s19 =	sadd.s32 s11, s2;
	s26 =	smul.u32 $0x3334, s13  }
0xd: {  	s29 =	sshll.u32 s15, $0x4;
	s9 =	sadd.s32 $0x10000, s9;
	s15 =	sshll.u32 s15, $0x7  }
0xe: {  	[dreg:$0x3] =	wrdreg s9;
	s30 =	sadd.s32 s5, s29;
	s10 =	sshrl.u32 s26, $0x10  }
0xf: {  	s31 =	sadd.s32 s6, s29;
	s14 =	sor.u32 $0x100, s29;
	s16 =	smul.u32 $0x5, s10  }
.Ltmp0:
0x10: {  	s0 =	sadd.s32 $0xD5A00, s0;
	s17 =	smax.u32 s1, $0x1;
	(pc) =	sbr.rel .LBB2_1-.Ltmp0, $4  }
0x11: {  	s19 =	sshrl.u32 s19, $0x3;
	s8 =	sshrl.u32 s7, $0x4;
	[dreg:$0x4] =	wrdreg s30  }
0x12: {  	[dreg:$0x5] =	wrdreg s31;
	s18 =	sor.u32 $0x4, s7;
	s16 =	ssub.s32 s13, s16  }
0x13: {  	s24 =	sadd.s32 s21, s0;
	s10 =	sor.u32 $0x1C0D, s28;
	s16 =	sand.u32 $0xFFFF, s16  }
0x14: {  	s13 =	sadd.s32 s5, s14;
	s14 =	sadd.s32 s6, s14;
	s16 =	sadd.s32 $0x6, s16  }
.LBB2_10:
0x15: {  	_ =	swait.ge [sflag:s16], $0x2000  }
0x16: {  	s25 =	sadd.s32 $0x1, s25;
	[sflag:s16] =	ssyncset.done $0x0  }
0x17: {  	p0 =	sne.s32 s25, s17;
	[sflag:s16] =	ssyncadd.s32 $0xFFFFE000  }
.Ltmp1:
0x18: {  	[bflag:$0x0] =	sbarrier.arrive $0xFFFF;
	(pc) =	sbr.rel @!p0 .LBB2_11-.Ltmp1, $4  }
0x19: {  	[hbm:s24], [sflag:s10] =	dma.local [spmem:s19], $0x2780  }
0x1a: {  	_ =	swait.ge [sflag:s20], $0x2780  }
0x1b: {  	[sflag:s20] =	ssyncset.done $0x0  }
0x1c: {  	[sflag:s20] =	ssyncadd.s32 $0xFFFFD880  }
.LBB2_1:
0x1d: {  	s0 =	rddreg [dreg:$0x3]  }
0x1e: {  	[spmem:s19], [sflag:s10] =	dma.local [hbm:s0], $0x2780  }
0x1f: {  	_ =	swait.ge [sflag:s20], $0x2780  }
0x20: {  	[sflag:s20] =	ssyncset.done $0x0  }
0x21: {  	s21 =	rddreg [dreg:$0x4];
	[sflag:s20] =	ssyncadd.s32 $0xFFFFD880  }
0x22: {  	[tilespmem:s3], [sflag:$0xD] =	stream.linear.gather [hbm4b:s21+s3], $0x800, $0x38;
	[tilespmem:$0x1FC00] =	vst v63  }
0x23: {  	_ =	swait.ge [sflag:s20], $0x800  }
0x24: {  	[sflag:s20] =	ssyncset.done $0x0  }
0x25: {  	s1 =	simm.s32 $0x1000;
	s22 =	rddreg [dreg:$0x5];
	[sflag:s20] =	ssyncadd.s32 $0xFFFFF800  }
0x26: {  	[tilespmem:s1], [sflag:$0xD] =	stream.linear.gather [hbm4b:s22+s3], $0x800, $0x38;
	[tilespmem:$0x1FC00] =	vst v63  }
0x27: {  	_ =	swait.ge [sflag:s20], $0x800  }
0x28: {  	[sflag:s20] =	ssyncset.done $0x0  }
0x29: {  	s23 =	simm.s32 $0x800;
	[sflag:s20] =	ssyncadd.s32 $0xFFFFF800  }
0x2a: {  	[tilespmem:s23], [sflag:$0xC] =	stream.linear.gather [hbm4b:s13+s3], $0x800, $0x38;
	[tilespmem:$0x1FC00] =	vst v63  }
.Ltmp2:
0x2b: {  	_ = 	snop;
	(pc) =	sbr.rel .LBB2_2-.Ltmp2, $4  }
0x2c: {  	s26 =	simm.s32 $0x1800;
	s28 =	simm.s32 $0x1  }
0x2d: {  	[tilespmem:s26], [sflag:$0xC] =	stream.linear.gather [hbm4b:s14+s3], $0x800, $0x38;
	[tilespmem:$0x1FC00] =	vst v63  }
0x2e: {  	s29 =	simm.s32 $0x7;
	s30 =	simm.s32 $0x4000;
	[bflag:$0x0] =	sbarrier.arrive $0xFFFF  }
0x2f: {  	s31 =	simm.s32 $0x6;
	s0 =	simm.s32 $0x0;
	s26 =	simm.s32 $0x2  }
.LBB2_12:
0x30: {  	s9 =	smul.u32 $0xFFFFFFFB, s22;
	_ =	sdelay $0x1  }
0x31: {  	s23 =	sadd.s32 s9, s0  }
.LBB2_9:
0x32: {  	s9 =	sshll.u32 @!p0 s23, $0xD;
	s11 =	sshll.u32 @!p0 s21, $0xB  }
0x33: {  	s1 =	sshll.u32 @!p0 s1, $0x7;
	s12 =	simm.s32 @!p0 $0x40;
	s9 =	sand.u32 @!p0 $0x3FFFE000, s9  }
0x34: {  	s1 =	sor.u32 @!p0 s1, s11;
	s11 =	sadd.s32 @!p0 $0x1, s23;
	s9 =	sadd.s32 @!p0 $0x2000, s9  }
0x35: {  	[tilespmem:s9], [sflag:s11] =	stream.indirect.gather @!p0 [hbm4b:s4+s12], $0x80, s1, s12, $0xb8;
	[tilespmem:$0x1FC00] =	vst v63  }
0x36: {  	s1 =	sadd.s32 $0xFFFFFFFC, s0  }
0x37: {  	p0 =	sge.u32 s1, s7  }
0x38: {  	s9 =	sand.u32 @!p0 $0xF, s1  }
0x39: {  	p1 =	slt.u32 @!p0 s0, $0x5;
	p2 =	sne.s32 @!p0 s9, $0x0  }
0x3a: {  	p1 =	por @!p0 !p1, !p2  }
0x3b: {  	p1 =	por @!p0 !p1, !p1  }
0x3c: {  	s22 =	smulhi.u32 $0xCCCCCCCD, s28;
	s12 =	simm.s32 @!p0 $0x1;
	p1 =	por !p1, p0  }
0x3d: {  	s1 =	sshrl.u32 @!p0 s1, $0x4;
	s12 =	simm.s32 @p1 $0x0  }
0x3e: {  	s11 =	sshrl.u32 s22, $0x2;
	s1 =	ssub.s32 @!p0 s1, s12  }
0x3f: {  	s23 =	smul.u32 $0xFFFFFFEC, s11;
	s21 =	sshrl.u32 @!p0 s1, $0x1F  }
0x40: {  	s11 =	smul.u32 $0xFFFD8000, s11;
	s21 =	sadd.s32 @!p0 s21, s1  }
0x41: {  	s0 =	sadd.s32 $0x1, s0;
	s21 =	sand.u32 @!p0 $0xFFFFFFFE, s21  }
0x42: {  	s11 =	sshra.s32 s11, $0x2;
	s12 =	sshra.s32 s23, $0x2;
	s1 =	ssub.s32 @!p0 s1, s21  }
0x43: {  	s9 =	sshll.u32 @!p0 s9, $0x7;
	s22 =	sadd.s32 s12, s26;
	s1 =	sshll.u32 @!p0 s1, $0xD  }
0x44: {  	s11 =	sadd.s32 s11, s30;
	_ =	swait.ge @!p0 [sflag:s22], $0x2000;
	s1 =	sshra.s32 @!p0 s1, $0x2  }
0x45: {  	s12 =	sadd.s32 s12, s29;
	[sflag:s22] =	ssyncset.done @!p0 $0x0;
	s1 =	sor.u32 @!p0 s9, s1  }
0x46: {  	[sflag:s22] =	ssyncadd.s32 @!p0 $0xFFFFE000;
	s9 =	simm.s32 @!p0 $0x40;
	s1 =	sadd.s32 @!p0 $0x1000, s1  }
0x47: {  	[spmem:s2] =	stream.indirect.scatter.add.f32 @!p0 [tilespmem:s11], [sflag:s12], $0x80, s1, s9, $0xb8;
	[tilespmem:$0x1FC00] =	vst v63  }
0x48: {  	p0 =	sne.s32 s18, s0  }
.Ltmp3:
0x49: {  	_ = 	snop;
	(pc) =	sbr.rel @!p0 .LBB2_10-.Ltmp3, $3  }
0x4a: {  	_ =	sdelay $0x1  }
0x4b: {  	s28 =	sadd.s32 $0x1, s28;
	s31 =	sadd.s32 $0x1, s31  }
0x4c: {  	s30 =	sadd.s32 $0x2000, s30;
	s26 =	sadd.s32 $0x1, s26;
	s29 =	sadd.s32 $0x1, s29  }
.LBB2_2:
0x4d: {  	p0 =	sge.u32 s0, s7  }
0x4e: {  	p1 =	seq.s32 @!p0 s0, $0x0  }
0x4f: {  	s1 =	sand.u32 $0xF, s0;
	p1 =	por p0, p1  }
0x50: {  	p2 =	sne.s32 @!p1 s1, $0x0  }
0x51: {  	p1 =	por p1, p2  }
.Ltmp4:
0x52: {  	_ = 	snop;
	(pc) =	sbr.rel @p1 .LBB2_6-.Ltmp4, $4  }
0x53: {  	_ = 	snop  }
0x54: {  	s21 =	smulhi.u32 $0xCCCCCCCD, s0  }
0x55: {  	s23 =	sshrl.u32 s0, $0x4  }
0x56: {  	s22 =	sshrl.u32 s21, $0x2;
	s21 =	sand.u32 $0x1, s23  }
0x57: {  	s23 =	sadd.s32 $0xB, s21  }
0x58: {  	_ =	swait.ge [sflag:s23], $0x800  }
0x59: {  	[sflag:s23] =	ssyncset.done $0x0  }
0x5a: {  	[sflag:s23] =	ssyncadd.s32 $0xFFFFF800  }
0x5b: {  	_ =	swait.ge [sflag:s23], $0x800  }
0x5c: {  	[sflag:s23] =	ssyncset.done $0x0  }
0x5d: {  	[sflag:s23] =	ssyncadd.s32 $0xFFFFF800  }
.LBB2_4:
0x5e: {  	p1 =	slt.u32 s0, $0x5  }
.Ltmp5:
0x5f: {  	_ = 	snop;
	(pc) =	sbr.rel @p1 .LBB2_12-.Ltmp5, $1  }
0x60: {  	_ =	sdelay $0x3  }
.Ltmp6:
0x61: {  	(pc) =	sbr.rel .LBB2_8-.Ltmp6, $3  }
0x62: {  	_ = 	snop  }
0x63: {  	s9 =	smul.u32 $0x5, s22;
	_ =	sdelay $0x1  }
0x64: {  	s23 =	ssub.s32 s0, s9  }
.LBB2_6:
0x65: {  	p1 =	sne.s32 s1, $0x5  }
0x66: {  	p2 =	seq.s32 @!p1 s23, $0x0  }
0x67: {  	s23 =	sadd.s32 $0x1, s23;
	p1 =	por p1, p2  }
0x68: {  	p2 =	sge.u32 @!p1 s23, s8  }
0x69: {  	p1 =	por p1, p2  }
.Ltmp7:
0x6a: {  	_ = 	snop;
	(pc) =	sbr.rel @p1 .LBB2_4-.Ltmp7, $1  }
0x6b: {  	_ =	sdelay $0x3  }
0x6c: {  	s9 =	sshll.u32 s23, $0xB  }
0x6d: {  	s9 =	sadd.s32 s15, s9  }
0x6e: {  	s12 =	sand.u32 $0x1, s23;
	s9 =	sshrl.u32 s9, $0x3  }
0x6f: {  	s11 =	sadd.s32 $0xB, s12;
	s23 =	sshll.u32 s12, $0xB;
	s12 =	sadd.s32 s5, s9  }
0x70: {  	[tilespmem:s23], [sflag:s11] =	stream.linear.gather [hbm4b:s12+s3], $0x800, $0x38;
	[tilespmem:$0x1FC00] =	vst v63  }
0x71: {  	s9 =	sadd.s32 s6, s9;
	s23 =	sor.u32 $0x1000, s23  }
0x72: {  	[tilespmem:s23], [sflag:s11] =	stream.linear.gather [hbm4b:s9+s3], $0x800, $0x38;
	[tilespmem:$0x1FC00] =	vst v63  }
0x73: {  	s23 =	smul.u32 $0x5, s22;
	_ =	sdelay $0x1  }
0x74: {  	s23 =	ssub.s32 s0, s23  }
.LBB2_8:
0x75: {  	s9 =	smul.u32 $0xFFFFFFEC, s22;
	_ =	sdelay $0x1  }
.Ltmp8:
0x76: {  	s9 =	sshra.s32 s9, $0x2;
	(pc) =	sbr.rel .LBB2_9-.Ltmp8, $4  }
0x77: {  	s9 =	sadd.s32 s9, s31  }
0x78: {  	_ =	swait.ge [sflag:s9], $0x2000  }
0x79: {  	[sflag:s9] =	ssyncset.done $0x0  }
0x7a: {  	[sflag:s9] =	ssyncadd.s32 $0xFFFFE000  }
.LBB2_11:
0x7b: {  	_ =	sfence.sel $0x180000  }
0x7c: {  	[bflag:$0x0] =	sbarrier.arrive $0xFFFF  }
0x7d: {  	_ =	strace $0x90000050  }
0x7e: {  	s0 =	stileid.u32;
	[bflag:$0x2] =	sbarrier.arrive $0xFFFF  }
0x7f: {  	p0 =	sne.s32 s0, $0x0;
	s0 =	rddreg [dreg:$0x2]  }
0x80: {  	s0 =	sadd.s32 @!p0 $0x100000, s0  }
0x81: {  	[sflag:s0] =	ssyncadd.tile.s32 @!p0 $0x1;
	_ =	shalt  }
.Lfunc_end2:
_tile_overlayer_lowered:
.L_overlay_start_2:
0x82: {  	(tag) =	ssettag $0x2  }
0x83: {  	s0 =	rddreg [dreg:$0x0];
	s2 =	stileid.u32  }
0x84: {  	s1 =	rddreg [dreg:$0x1];
	p0 =	sne.s32 s2, $0x0  }
0x85: {  	s3 =	rddreg [dreg:$0x2];
	[bflag:$0x3] =	sbarrier.arrive $0xFFFF;
	s2 =	simm.s32 @!p0 $0x1C0D  }
0x86: {  	[timem:s3], [sflag:s2] =	dma.local @!p0 [hbm:s0], s1  }
0x87: {  	s0 =	simm.s32 @!p0 $0xD  }
0x88: {  	_ =	swait.ge @!p0 [sflag:s0], s1  }
0x89: {  	s1 =	ssub.s32 @!p0 $0x0, s1;
	[sflag:s0] =	ssyncset.done @!p0 $0x0  }
0x8a: {  	[sflag:s0] =	ssyncadd.s32 @!p0 s1  }
0x8b: {  	[bflag:$0x3] =	sbarrier.arrive $0xFFFF  }
0x8c: {  	_ =	shalt  }

// kernel: kernel.24.cloned.1.call-start
scs
__scs_entry_jumppad:
0x0: {  	(pc) =	sbr.rel $0x88, $3  }
0x1: {  	(tag) =	ssettag $0x0;
	lr =	simm.s32 $0x1  }
0x2: {  	[smem:$0x3F85] =	sst lr;
	_ =	strace $0xD0000000  }
0x3: {  	_ = 	snop  }
0x4: {  	_ = 	snop  }
0x5: {  	_ = 	snop  }
0x6: {  	_ = 	snop  }
0x7: {  	_ = 	snop  }
__scs_overlays_trampoline_lowered:
0x8: {  	[smem:$0x3F94] =	sst s0  }
0x9: {  	[smem:$0x3F95] =	sst s1  }
0xa: {  	[smem:$0x3F96] =	sst s2  }
0xb: {  	[smem:$0x3F97] =	sst s3  }
0xc: {  	[smem:$0x3F98] =	sst s4  }
0xd: {  	[smem:$0x3F99] =	sst s5  }
0xe: {  	[smem:$0x3F9A] =	sst s6  }
0xf: {  	[smem:$0x3F9B] =	sst s7  }
0x10: {  	[smem:$0x3F9C] =	sst s8  }
0x11: {  	[smem:$0x3F9D] =	sst s9;
	s0 =	simm.s32 @!p0 $0x0  }
0x12: {  	s1 =	sld [smem:$0x3F83];
	s0 =	simm.s32 @p0 $0x1  }
0x13: {  	[smem:$0x3F9E] =	sst s0;
	s0 =	simm.s32 @!p1 $0x0  }
0x14: {  	s2 =	sld [smem:$0x3F82];
	s0 =	simm.s32 @p1 $0x1  }
0x15: {  	[smem:$0x3F9F] =	sst s0;
	s0 =	simm.s32 @!p2 $0x0  }
0x16: {  	s3 =	sld [smem:$0x3FDB];
	s0 =	simm.s32 @p2 $0x1  }
0x17: {  	s4 =	simm.s32 $0x1BF5;
	[smem:$0x3FA1] =	sst s0  }
0x18: {  	s0 =	sld [smem:$0x3F84];
	_ =	swait.ge [sflag:s4], $0x0  }
0x19: {  	s7 =	sld [smem:$0x3F85]  }
0x1a: {  	s8 =	sadd.s32 $0xFFFFE003, lr  }
0x1b: {  	s9 =	sadd.s32 $0xFFFFFEF7, lr;
	s5 =	simm.s32 $0xFFFFFFFF;
	p2 =	slt.u32 s8, $0xFFFFF086  }
0x1c: {  	p1 =	slt.u32 s9, $0xF7A;
	s5 =	simm.s32 @!p2 $0x0  }
0x1d: {  	s5 =	simm.s32 @p1 $0x1;
	p0 =	seq.s32 s7, s2  }
0x1e: {  	s7 =	smul.u32 @!p0 $0xF7A, s2;
	p2 =	seq.s32 @!p0 s5, $0x0  }
0x1f: {  	s9 =	smul.u32 $0xF7A, s1;
	s8 =	simm.s32 @!p0 $0x1BF5;
	p2 =	por !p2, p0  }
0x20: {  	[sflag:s8] =	ssyncset.s32 @!p0 $0xFFFFF086;
	s6 =	sadd.s32 @!p0 s3, s7;
	s7 =	simm.s32 @!p0 $0x108  }
0x21: {  	s3 =	sadd.s32 s3, s9;
	s6 =	sadd.s32 @!p0 $0x88, s6;
	s7 =	simm.s32 @p2 $0x1082  }
0x22: {  	[simem:s7], [sflag:s8] =	dma.local @!p0 [hbm:s6], $0xF7A  }
0x23: {  	s9 =	sor.u32 $0xD0000000, s2;
	s6 =	simm.s32 $0x108;
	_ =	swait.ge @!p0 [sflag:s8], $0x0  }
0x24: {  	s3 =	sadd.s32 $0x88, s3;
	s6 =	simm.s32 @!p1 $0x1082;
	[sflag:s4] =	ssyncset.s32 $0xFFFFF086  }
0x25: {  	[simem:s6], [sflag:s4] =	dma.local [hbm:s3], $0xF7A  }
0x26: {  	[smem:$0x3F85] =	sst s1;
	(tag) =	ssettag s2;
	_ =	strace s9  }
0x27: {  	s1 =	sld [smem:$0x3F95]  }
0x28: {  	s2 =	sld [smem:$0x3F96]  }
0x29: {  	s4 =	sld [smem:$0x3F98]  }
0x2a: {  	p0 =	seq.s32 s5, $0x0;
	s5 =	sld [smem:$0x3F99]  }
0x2b: {  	s6 =	sld [smem:$0x3F9A]  }
0x2c: {  	s7 =	sld [smem:$0x3F9B]  }
0x2d: {  	s3 =	simm.s32 $0x108;
	s8 =	sld [smem:$0x3F9C]  }
0x2e: {  	s3 =	simm.s32 @!p0 $0x1082;
	s9 =	sld [smem:$0x3F9D]  }
0x2f: {  	lr =	sadd.s32 s0, s3;
	s0 =	sld [smem:$0x3F94]  }
0x30: {  	s3 =	sld [smem:$0x3F97]  }
0x31: {  	[smem:$0x3FA0] =	sst s10  }
0x32: {  	s10 =	sld [smem:$0x3F9E];
	_ =	sdelay $0x3  }
0x33: {  	p0 =	seq.s32 s10, $0x1;
	s10 =	sld [smem:$0x3FA0];
	_ =	sdelay $0x3  }
0x34: {  	[smem:$0x3FA0] =	sst s10  }
0x35: {  	s10 =	sld [smem:$0x3F9F];
	_ =	sdelay $0x3  }
0x36: {  	p1 =	seq.s32 s10, $0x1;
	s10 =	sld [smem:$0x3FA0];
	_ =	sdelay $0x3  }
0x37: {  	[smem:$0x3FA0] =	sst s10  }
0x38: {  	s10 =	sld [smem:$0x3FA1]  }
0x39: {  	_ = 	snop;
	(pc) =	sbr.ind lr, $3  }
0x3a: {  	_ = 	snop  }
0x3b: {  	_ = 	snop  }
0x3c: {  	p2 =	seq.s32 s10, $0x1;
	s10 =	sld [smem:$0x3FA0]  }
0x3d: {  	_ =	shalt  }
0x3e: {  	_ =	shalt  }
0x3f: {  	_ =	shalt  }
0x40: {  	_ =	shalt  }
0x41: {  	_ =	shalt  }
0x42: {  	_ =	shalt  }
0x43: {  	_ =	shalt  }
0x44: {  	_ =	shalt  }
0x45: {  	_ =	shalt  }
0x46: {  	_ =	shalt  }
0x47: {  	_ =	shalt  }
0x48: {  	_ =	shalt  }
0x49: {  	_ =	shalt  }
0x4a: {  	_ =	shalt  }
0x4b: {  	_ =	shalt  }
0x4c: {  	_ =	shalt  }
0x4d: {  	_ =	shalt  }
0x4e: {  	_ =	shalt  }
0x4f: {  	_ =	shalt  }
0x50: {  	_ =	shalt  }
0x51: {  	_ =	shalt  }
0x52: {  	_ =	shalt  }
0x53: {  	_ =	shalt  }
0x54: {  	_ =	shalt  }
0x55: {  	_ =	shalt  }
0x56: {  	_ =	shalt  }
0x57: {  	_ =	shalt  }
0x58: {  	_ =	shalt  }
0x59: {  	_ =	shalt  }
0x5a: {  	_ =	shalt  }
0x5b: {  	_ =	shalt  }
0x5c: {  	_ =	shalt  }
0x5d: {  	_ =	shalt  }
0x5e: {  	_ =	shalt  }
0x5f: {  	_ =	shalt  }
0x60: {  	_ =	shalt  }
0x61: {  	_ =	shalt  }
0x62: {  	_ =	shalt  }
0x63: {  	_ =	shalt  }
0x64: {  	_ =	shalt  }
0x65: {  	_ =	shalt  }
0x66: {  	_ =	shalt  }
0x67: {  	_ =	shalt  }
0x68: {  	_ =	shalt  }
0x69: {  	_ =	shalt  }
0x6a: {  	_ =	shalt  }
0x6b: {  	_ =	shalt  }
0x6c: {  	_ =	shalt  }
0x6d: {  	_ =	shalt  }
0x6e: {  	_ =	shalt  }
0x6f: {  	_ =	shalt  }
0x70: {  	_ =	shalt  }
0x71: {  	_ =	shalt  }
0x72: {  	_ =	shalt  }
0x73: {  	_ =	shalt  }
0x74: {  	_ =	shalt  }
0x75: {  	_ =	shalt  }
0x76: {  	_ =	shalt  }
0x77: {  	_ =	shalt  }
0x78: {  	_ =	shalt  }
0x79: {  	_ =	shalt  }
0x7a: {  	_ =	shalt  }
0x7b: {  	_ =	shalt  }
0x7c: {  	_ =	shalt  }
0x7d: {  	_ =	shalt  }
0x7e: {  	_ =	shalt  }
0x7f: {  	_ =	shalt  }
0x80: {  	_ =	shalt  }
0x81: {  	_ =	shalt  }
0x82: {  	_ =	shalt  }
0x83: {  	_ =	shalt  }
0x84: {  	_ =	shalt  }
0x85: {  	_ =	shalt  }
0x86: {  	_ =	shalt  }
0x87: {  	_ =	shalt  }
.Lfunc_end0:
.L_simem_size_0:
called_computation.4_lowered:
.L_overlay_start_0:
0x88: {  	s2 =	sld [smem:$0x3FD9]  }
0x89: {  	s3 =	sld [smem:$0x3FFE];
	_ =	sdelay $0x1  }
0x8a: {  	s1 =	srdreg.scid  }
0x8b: {  	s0 =	sand.u32 $0x1, s1  }
0x8c: {  	s16 =	sshll.u32 s0, $0xA;
	s2 =	sadd.s32 s3, s2  }
0x8d: {  	s2 =	sadd.s32 s2, s16  }
0x8e: {  	[smem:$0x3FAC] =	sst s2  }
0x8f: {  	_ = 	snop  }
0x90: {  	(tm) =	ssettm $0x1  }
0x91: {  	s17 =	sld [smem:$0x3FFB];
	_ =	sdelay $0x3  }
0x92: {  	_ =	strace s17  }
0x93: {  	s2 =	sld [smem:$0x3FFC];
	_ =	sdelay $0x3  }
0x94: {  	_ =	strace s2  }
0x95: {  	s2 =	sld [smem:$0x3FFD];
	_ =	sdelay $0x3  }
0x96: {  	_ =	strace s2  }
0x97: {  	_ =	strace $0x8FFFFFFF  }
0x98: {  	s18 =	sld [smem:$0x3FDB];
	_ =	sdelay $0x1  }
0x99: {  	s19 =	simm.s32 $_scs_section_size  }
0x9a: {  	s4 =	simm.s32 $_size__tile_overlayer_lowered;
	s5 =	simm.s32 $_tile_overlayer_lowered  }
0x9b: {  	s22 =	simm.s32 $0x1BFF;
	s21 =	sshll.u32 s5, $0x1;
	s2 =	sadd.s32 s19, s18  }
0x9c: {  	s6 =	simm.s32 $0x0;
	s20 =	sshll.u32 s4, $0x1;
	s4 =	sadd.s32 s21, s2  }
0x9d: {  	[timem:s6], [sflag:s22] =	dma.local [hbm:s4], s20  }
0x9e: {  	_ =	swait.ge [sflag:s22], s20  }
0x9f: {  	s3 =	ssub.s32 $0x0, s20;
	[sflag:s22] =	ssyncset.done $0x0  }
0xa0: {  	[sflag:s22] =	ssyncadd.s32 s3;
	_ =	sdelay $0x1  }
0xa1: {  	s23 =	simm.s32 $0x1B8B  }
0xa2: {  	_ =	swait.ge [sflag:s23], $0x1  }
0xa3: {  	[sflag:s23] =	ssyncset.done $0x0  }
0xa4: {  	s25 =	simm.s32 $0x1B8E;
	s24 =	sld [smem:$0x3FFE];
	[sflag:s23] =	ssyncadd.s32 $0xFFFFFFFF  }
0xa5: {  	s26 =	simm.s32 $execute0_lowered;
	[smem:$0x3FD2] =	sst s25  }
0xa6: {  	s4 =	sshll.u32 s26, $0x1;
	_ =	strace $0x80000052;
	[dreg:$0x1] =	wrdreg $0xFFFFFFFF  }
0xa7: {  	s28 =	simm.s32 $_size_execute0_lowered;
	s2 =	sadd.s32 s2, s4;
	[dreg:$0x0] =	wrdreg $0x0  }
0xa8: {  	s4 =	sshll.u32 s28, $0x1;
	[dreg:$0x2] =	wrdreg s2  }
0xa9: {  	[dreg:$0x3] =	wrdreg s4  }
0xaa: {  	[dreg:$0x4] =	wrdreg $0xC0  }
0xab: {  	_ =	task [dreg:s6], $0x5FFFF  }
0xac: {  	[dreg:$0x1] =	wrdreg $0xFFFFFFFF  }
0xad: {  	[dreg:$0x0] =	wrdreg $0x60  }
0xae: {  	[dreg:$0x2] =	wrdreg s24  }
0xaf: {  	[dreg:$0x3] =	wrdreg $0xC0000  }
0xb0: {  	[dreg:$0x4] =	wrdreg $0x9  }
0xb1: {  	_ =	task.clear_ibuf [dreg:s6], $0x5FFFF;
	_ =	strace $0x90000052  }
0xb2: {  	s29 =	simm.s32 $0x9;
	_ =	strace $0x80000054  }
0xb3: {  	_ =	swait.ge [sflag:s29], $0x1  }
0xb4: {  	[sflag:s29] =	ssyncadd.s32 $0xFFFFFFFF  }
0xb5: {  	_ =	strace $0x90000054  }
0xb6: {  	_ =	sfence  }
0xb7: {  	s30 =	sld [smem:$0x0];
	_ =	sdelay $0x2  }
0xb8: {  	s31 =	sshll.u32 s1, $0xD;
	s1 =	sshrl.u32 s1, $0x2  }
0xb9: {  	s3 =	sand.u32 $0x4000, s31;
	s1 =	sadd.s32 s1, s30  }
0xba: {  	s0 =	sor.u32 s3, s0;
	s1 =	sshll.u32 s1, $0x11  }
0xbb: {  	s0 =	sor.u32 s1, s0  }
0xbc: {  	s0 =	sadd.s32 $0x8F2B, s0  }
0xbd: {  	[sflag:s0] =	ssyncadd.remote.s32 $0x1  }
0xbe: {  	_ =	sfence.sel $0xFFFF  }
0xbf: {  	[dreg:$0x0] =	wrdreg $0xFFFFFFFF;
	(pc) =	sbr.abs _section_cstart, $3  }
0xc0: {  	[dreg:$0x1] =	wrdreg $0xFFFFFFFF  }
0xc1: {  	_ =	task.clear_ibuf [dreg:s6], $0x2FFFF;
	_ =	strace $0x9FFFFFFF  }
0xc2: {  	(tm) =	ssettm $0x7FFFFFFF  }
0xc3: {  	_ =	shalt  }
tec
execute0_lowered:
.L_overlay_start_1:
0x0: {  	(tag) =	ssettag $0x1  }
0x1: {  	s0 =	rddreg [dreg:$0x0]  }
0x2: {  	s2 =	rddreg [dreg:$0x1];
	s3 =	simm.s32 $0x0  }
0x3: {  	s14 =	stileid.u32;
	s1 =	srdreg.scid;
	s20 =	simm.s32 $0xD  }
0x4: {  	s25 =	simm.s32 $0x0;
	[smem:$0x7FF] =	sst s3;
	s21 =	smul.u32 $0x2780, s14  }
0x5: {  	s1 =	sand.u32 $0x1, s1;
	s4 =	sadd.s32 $0xAE800, s0;
	s8 =	smul.u32 $0x120, s14  }
0x6: {  	s5 =	sadd.s32 $0x86800, s0;
	s6 =	sadd.s32 $0x9A800, s0;
	s11 =	smul.u32 $0x4F000, s14  }
0x7: {  	s10 =	sshll.u32 s14, $0x5;
	s28 =	sshll.u32 s14, $0x6;
	s7 =	smul.u32 $0x27800, s1  }
0x8: {  	_ =	strace $0x80000053;
	p0 =	seq.s32 s1, $0x0;
	s1 =	ssub.s32 $0x2, s1  }
0x9: {  	s9 =	sadd.s32 s21, s0;
	s0 =	sadd.s32 s7, s0;
	s7 =	simm.s32 $0x120  }
0xa: {  	s15 =	sor.u32 $0x1200, s10;
	s12 =	sshrl.u32 s1, $0x1;
	s7 =	simm.s32 @!p0 $0x20  }
0xb: {  	s15 =	smov.u32 @p0 s8;
	s11 =	sshrl.u32 s11, $0x2;
	s13 =	sadd.s32 $0xFFFFFFFF, s7  }
0xc: {  	s1 =	ssub.s32 s1, s12;
	s19 =	sadd.s32 s11, s2;
	s26 =	smul.u32 $0x3334, s13  }
0xd: {  	s29 =	sshll.u32 s15, $0x4;
	s9 =	sadd.s32 $0x10000, s9;
	s15 =	sshll.u32 s15, $0x7  }
0xe: {  	[dreg:$0x3] =	wrdreg s9;
	s30 =	sadd.s32 s5, s29;
	s10 =	sshrl.u32 s26, $0x10  }
0xf: {  	s31 =	sadd.s32 s6, s29;
	s14 =	sor.u32 $0x100, s29;
	s16 =	smul.u32 $0x5, s10  }
.Ltmp0:
0x10: {  	s0 =	sadd.s32 $0xD5A00, s0;
	s17 =	smax.u32 s1, $0x1;
	(pc) =	sbr.rel .LBB2_1-.Ltmp0, $4  }
0x11: {  	s19 =	sshrl.u32 s19, $0x3;
	s8 =	sshrl.u32 s7, $0x4;
	[dreg:$0x4] =	wrdreg s30  }
0x12: {  	[dreg:$0x5] =	wrdreg s31;
	s18 =	sor.u32 $0x4, s7;
	s16 =	ssub.s32 s13, s16  }
0x13: {  	s24 =	sadd.s32 s21, s0;
	s10 =	sor.u32 $0x1C0D, s28;
	s16 =	sand.u32 $0xFFFF, s16  }
0x14: {  	s13 =	sadd.s32 s5, s14;
	s14 =	sadd.s32 s6, s14;
	s16 =	sadd.s32 $0x6, s16  }
.LBB2_10:
0x15: {  	_ =	swait.ge [sflag:s16], $0x2000  }
0x16: {  	s25 =	sadd.s32 $0x1, s25;
	[sflag:s16] =	ssyncset.done $0x0  }
0x17: {  	p0 =	sne.s32 s25, s17;
	[sflag:s16] =	ssyncadd.s32 $0xFFFFE000  }
.Ltmp1:
0x18: {  	[bflag:$0x0] =	sbarrier.arrive $0xFFFF;
	(pc) =	sbr.rel @!p0 .LBB2_11-.Ltmp1, $4  }
0x19: {  	[hbm:s24], [sflag:s10] =	dma.local [spmem:s19], $0x2780  }
0x1a: {  	_ =	swait.ge [sflag:s20], $0x2780  }
0x1b: {  	[sflag:s20] =	ssyncset.done $0x0  }
0x1c: {  	[sflag:s20] =	ssyncadd.s32 $0xFFFFD880  }
.LBB2_1:
0x1d: {  	s0 =	rddreg [dreg:$0x3]  }
0x1e: {  	[spmem:s19], [sflag:s10] =	dma.local [hbm:s0], $0x2780  }
0x1f: {  	_ =	swait.ge [sflag:s20], $0x2780  }
0x20: {  	[sflag:s20] =	ssyncset.done $0x0  }
0x21: {  	s21 =	rddreg [dreg:$0x4];
	[sflag:s20] =	ssyncadd.s32 $0xFFFFD880  }
0x22: {  	[tilespmem:s3], [sflag:$0xD] =	stream.linear.gather [hbm4b:s21+s3], $0x800, $0x38;
	[tilespmem:$0x1FC00] =	vst v63  }
0x23: {  	_ =	swait.ge [sflag:s20], $0x800  }
0x24: {  	[sflag:s20] =	ssyncset.done $0x0  }
0x25: {  	s1 =	simm.s32 $0x1000;
	s22 =	rddreg [dreg:$0x5];
	[sflag:s20] =	ssyncadd.s32 $0xFFFFF800  }
0x26: {  	[tilespmem:s1], [sflag:$0xD] =	stream.linear.gather [hbm4b:s22+s3], $0x800, $0x38;
	[tilespmem:$0x1FC00] =	vst v63  }
0x27: {  	_ =	swait.ge [sflag:s20], $0x800  }
0x28: {  	[sflag:s20] =	ssyncset.done $0x0  }
0x29: {  	s23 =	simm.s32 $0x800;
	[sflag:s20] =	ssyncadd.s32 $0xFFFFF800  }
0x2a: {  	[tilespmem:s23], [sflag:$0xC] =	stream.linear.gather [hbm4b:s13+s3], $0x800, $0x38;
	[tilespmem:$0x1FC00] =	vst v63  }
.Ltmp2:
0x2b: {  	_ = 	snop;
	(pc) =	sbr.rel .LBB2_2-.Ltmp2, $4  }
0x2c: {  	s26 =	simm.s32 $0x1800;
	s28 =	simm.s32 $0x1  }
0x2d: {  	[tilespmem:s26], [sflag:$0xC] =	stream.linear.gather [hbm4b:s14+s3], $0x800, $0x38;
	[tilespmem:$0x1FC00] =	vst v63  }
0x2e: {  	s29 =	simm.s32 $0x7;
	s30 =	simm.s32 $0x4000;
	[bflag:$0x0] =	sbarrier.arrive $0xFFFF  }
0x2f: {  	s31 =	simm.s32 $0x6;
	s0 =	simm.s32 $0x0;
	s26 =	simm.s32 $0x2  }
.LBB2_12:
0x30: {  	s9 =	smul.u32 $0xFFFFFFFB, s22;
	_ =	sdelay $0x1  }
0x31: {  	s23 =	sadd.s32 s9, s0  }
.LBB2_9:
0x32: {  	s9 =	sshll.u32 @!p0 s23, $0xD;
	s11 =	sshll.u32 @!p0 s21, $0xB  }
0x33: {  	s1 =	sshll.u32 @!p0 s1, $0x7;
	s12 =	simm.s32 @!p0 $0x40;
	s9 =	sand.u32 @!p0 $0x3FFFE000, s9  }
0x34: {  	s1 =	sor.u32 @!p0 s1, s11;
	s11 =	sadd.s32 @!p0 $0x1, s23;
	s9 =	sadd.s32 @!p0 $0x2000, s9  }
0x35: {  	[tilespmem:s9], [sflag:s11] =	stream.indirect.gather @!p0 [hbm4b:s4+s12], $0x80, s1, s12, $0xb8;
	[tilespmem:$0x1FC00] =	vst v63  }
0x36: {  	s1 =	sadd.s32 $0xFFFFFFFC, s0  }
0x37: {  	p0 =	sge.u32 s1, s7  }
0x38: {  	s9 =	sand.u32 @!p0 $0xF, s1  }
0x39: {  	p1 =	slt.u32 @!p0 s0, $0x5;
	p2 =	sne.s32 @!p0 s9, $0x0  }
0x3a: {  	p1 =	por @!p0 !p1, !p2  }
0x3b: {  	p1 =	por @!p0 !p1, !p1  }
0x3c: {  	s22 =	smulhi.u32 $0xCCCCCCCD, s28;
	s12 =	simm.s32 @!p0 $0x1;
	p1 =	por !p1, p0  }
0x3d: {  	s1 =	sshrl.u32 @!p0 s1, $0x4;
	s12 =	simm.s32 @p1 $0x0  }
0x3e: {  	s11 =	sshrl.u32 s22, $0x2;
	s1 =	ssub.s32 @!p0 s1, s12  }
0x3f: {  	s23 =	smul.u32 $0xFFFFFFEC, s11;
	s21 =	sshrl.u32 @!p0 s1, $0x1F  }
0x40: {  	s11 =	smul.u32 $0xFFFD8000, s11;
	s21 =	sadd.s32 @!p0 s21, s1  }
0x41: {  	s0 =	sadd.s32 $0x1, s0;
	s21 =	sand.u32 @!p0 $0xFFFFFFFE, s21  }
0x42: {  	s11 =	sshra.s32 s11, $0x2;
	s12 =	sshra.s32 s23, $0x2;
	s1 =	ssub.s32 @!p0 s1, s21  }
0x43: {  	s9 =	sshll.u32 @!p0 s9, $0x7;
	s22 =	sadd.s32 s12, s26;
	s1 =	sshll.u32 @!p0 s1, $0xD  }
0x44: {  	s11 =	sadd.s32 s11, s30;
	_ =	swait.ge @!p0 [sflag:s22], $0x2000;
	s1 =	sshra.s32 @!p0 s1, $0x2  }
0x45: {  	s12 =	sadd.s32 s12, s29;
	[sflag:s22] =	ssyncset.done @!p0 $0x0;
	s1 =	sor.u32 @!p0 s9, s1  }
0x46: {  	[sflag:s22] =	ssyncadd.s32 @!p0 $0xFFFFE000;
	s9 =	simm.s32 @!p0 $0x40;
	s1 =	sadd.s32 @!p0 $0x1000, s1  }
0x47: {  	[spmem:s2] =	stream.indirect.scatter.add.f32 @!p0 [tilespmem:s11], [sflag:s12], $0x80, s1, s9, $0xb8;
	[tilespmem:$0x1FC00] =	vst v63  }
0x48: {  	p0 =	sne.s32 s18, s0  }
.Ltmp3:
0x49: {  	_ = 	snop;
	(pc) =	sbr.rel @!p0 .LBB2_10-.Ltmp3, $3  }
0x4a: {  	_ =	sdelay $0x1  }
0x4b: {  	s28 =	sadd.s32 $0x1, s28;
	s31 =	sadd.s32 $0x1, s31  }
0x4c: {  	s30 =	sadd.s32 $0x2000, s30;
	s26 =	sadd.s32 $0x1, s26;
	s29 =	sadd.s32 $0x1, s29  }
.LBB2_2:
0x4d: {  	p0 =	sge.u32 s0, s7  }
0x4e: {  	p1 =	seq.s32 @!p0 s0, $0x0  }
0x4f: {  	s1 =	sand.u32 $0xF, s0;
	p1 =	por p0, p1  }
0x50: {  	p2 =	sne.s32 @!p1 s1, $0x0  }
0x51: {  	p1 =	por p1, p2  }
.Ltmp4:
0x52: {  	_ = 	snop;
	(pc) =	sbr.rel @p1 .LBB2_6-.Ltmp4, $4  }
0x53: {  	_ = 	snop  }
0x54: {  	s21 =	smulhi.u32 $0xCCCCCCCD, s0  }
0x55: {  	s23 =	sshrl.u32 s0, $0x4  }
0x56: {  	s22 =	sshrl.u32 s21, $0x2;
	s21 =	sand.u32 $0x1, s23  }
0x57: {  	s23 =	sadd.s32 $0xB, s21  }
0x58: {  	_ =	swait.ge [sflag:s23], $0x800  }
0x59: {  	[sflag:s23] =	ssyncset.done $0x0  }
0x5a: {  	[sflag:s23] =	ssyncadd.s32 $0xFFFFF800  }
0x5b: {  	_ =	swait.ge [sflag:s23], $0x800  }
0x5c: {  	[sflag:s23] =	ssyncset.done $0x0  }
0x5d: {  	[sflag:s23] =	ssyncadd.s32 $0xFFFFF800  }
.LBB2_4:
0x5e: {  	p1 =	slt.u32 s0, $0x5  }
.Ltmp5:
0x5f: {  	_ = 	snop;
	(pc) =	sbr.rel @p1 .LBB2_12-.Ltmp5, $1  }
0x60: {  	_ =	sdelay $0x3  }
.Ltmp6:
0x61: {  	(pc) =	sbr.rel .LBB2_8-.Ltmp6, $3  }
0x62: {  	_ = 	snop  }
0x63: {  	s9 =	smul.u32 $0x5, s22;
	_ =	sdelay $0x1  }
0x64: {  	s23 =	ssub.s32 s0, s9  }
.LBB2_6:
0x65: {  	p1 =	sne.s32 s1, $0x5  }
0x66: {  	p2 =	seq.s32 @!p1 s23, $0x0  }
0x67: {  	s23 =	sadd.s32 $0x1, s23;
	p1 =	por p1, p2  }
0x68: {  	p2 =	sge.u32 @!p1 s23, s8  }
0x69: {  	p1 =	por p1, p2  }
.Ltmp7:
0x6a: {  	_ = 	snop;
	(pc) =	sbr.rel @p1 .LBB2_4-.Ltmp7, $1  }
0x6b: {  	_ =	sdelay $0x3  }
0x6c: {  	s9 =	sshll.u32 s23, $0xB  }
0x6d: {  	s9 =	sadd.s32 s15, s9  }
0x6e: {  	s12 =	sand.u32 $0x1, s23;
	s9 =	sshrl.u32 s9, $0x3  }
0x6f: {  	s11 =	sadd.s32 $0xB, s12;
	s23 =	sshll.u32 s12, $0xB;
	s12 =	sadd.s32 s5, s9  }
0x70: {  	[tilespmem:s23], [sflag:s11] =	stream.linear.gather [hbm4b:s12+s3], $0x800, $0x38;
	[tilespmem:$0x1FC00] =	vst v63  }
0x71: {  	s9 =	sadd.s32 s6, s9;
	s23 =	sor.u32 $0x1000, s23  }
0x72: {  	[tilespmem:s23], [sflag:s11] =	stream.linear.gather [hbm4b:s9+s3], $0x800, $0x38;
	[tilespmem:$0x1FC00] =	vst v63  }
0x73: {  	s23 =	smul.u32 $0x5, s22;
	_ =	sdelay $0x1  }
0x74: {  	s23 =	ssub.s32 s0, s23  }
.LBB2_8:
0x75: {  	s9 =	smul.u32 $0xFFFFFFEC, s22;
	_ =	sdelay $0x1  }
.Ltmp8:
0x76: {  	s9 =	sshra.s32 s9, $0x2;
	(pc) =	sbr.rel .LBB2_9-.Ltmp8, $4  }
0x77: {  	s9 =	sadd.s32 s9, s31  }
0x78: {  	_ =	swait.ge [sflag:s9], $0x2000  }
0x79: {  	[sflag:s9] =	ssyncset.done $0x0  }
0x7a: {  	[sflag:s9] =	ssyncadd.s32 $0xFFFFE000  }
.LBB2_11:
0x7b: {  	_ =	sfence.sel $0x180000  }
0x7c: {  	[bflag:$0x0] =	sbarrier.arrive $0xFFFF  }
0x7d: {  	_ =	strace $0x90000053  }
0x7e: {  	s0 =	stileid.u32;
	[bflag:$0x2] =	sbarrier.arrive $0xFFFF  }
0x7f: {  	p0 =	sne.s32 s0, $0x0;
	s0 =	rddreg [dreg:$0x2]  }
0x80: {  	s0 =	sadd.s32 @!p0 $0x100000, s0  }
0x81: {  	[sflag:s0] =	ssyncadd.tile.s32 @!p0 $0x1;
	_ =	shalt  }
.Lfunc_end2:
_tile_overlayer_lowered:
.L_overlay_start_2:
0x82: {  	(tag) =	ssettag $0x2  }
0x83: {  	s0 =	rddreg [dreg:$0x0];
	s2 =	stileid.u32  }
0x84: {  	s1 =	rddreg [dreg:$0x1];
	p0 =	sne.s32 s2, $0x0  }
0x85: {  	s3 =	rddreg [dreg:$0x2];
	[bflag:$0x3] =	sbarrier.arrive $0xFFFF;
	s2 =	simm.s32 @!p0 $0x1C0D  }
0x86: {  	[timem:s3], [sflag:s2] =	dma.local @!p0 [hbm:s0], s1  }
0x87: {  	s0 =	simm.s32 @!p0 $0xD  }
0x88: {  	_ =	swait.ge @!p0 [sflag:s0], s1  }
0x89: {  	s1 =	ssub.s32 @!p0 $0x0, s1;
	[sflag:s0] =	ssyncset.done @!p0 $0x0  }
0x8a: {  	[sflag:s0] =	ssyncadd.s32 @!p0 s1  }
0x8b: {  	[bflag:$0x3] =	sbarrier.arrive $0xFFFF  }
0x8c: {  	_ =	shalt  }

</sc_bundles>
